<compile_context>
chip_gen: v7x
topology: tpu7x:2x2x1
jax: 0.10.2.dev20260603
libtpu: 0.0.44.dev20260713+nightly
codegen_flags: <defaults>
</compile_context>

<pallas_src>
import functools

import jax
import jax.numpy as jnp
from jax import lax
from jax.experimental import pallas as pl
from jax.experimental.pallas import tpu as pltpu
from jax.experimental.pallas import tpu_sc as plsc

MID = 128
B = 16384
L = 20
NW = 32
BPW = B // NW
GRP = BPW // 16

V1 = 8
V2 = 3000
V3 = 1000


def _tc_tables(emb1_ref, emb2_ref, emb3_ref, w1_ref, w2_ref, t_ref):
    u = w2_ref[...] @ w1_ref[...]

    def proj(x, lo):
        return lax.dot_general(u[:, lo:lo + 128], x,
                               (((1,), (1,)), ((), ())))[0]

    t_ref[pl.ds(0, 5)] = proj(emb1_ref[...], 128)
    t_ref[pl.ds(8, V2)] = proj(emb2_ref[...], 256)
    t_ref[pl.ds(8 + V2, V3)] = proj(emb3_ref[...], 384)
    t_ref[pl.ds(8 + V2 + V3, V3)] = proj(emb3_ref[...], 512)
    t_ref[pl.ds(8 + V2 + 2 * V3, V3)] = proj(emb3_ref[...], 640)


def _tc_states(states_ref, w1_ref, b1_ref, w2_ref, b2_ref, s_ref):
    u = w2_ref[...] @ w1_ref[...]
    c = jnp.sum(w2_ref[...] * b1_ref[...][None, :]) + b2_ref[0]
    s_ref[...] = jnp.sum(states_ref[...] * u[:, 0:128], axis=1) + c


def _sc_gather(ac_hbm, pc_hbm, at_hbm, df_hbm, ev_hbm, t_hbm,
               out_hbm,
               ac_v, pc_v, at_v, df_v, ev_v,
               t1_v, t2_v, t3a_v, t3b_v, t3c_v, o_v,
               sem0, sem1, sem2, sem3, sem4):
    wid = lax.axis_index("s") * 2 + lax.axis_index("c")
    base = wid * BPW
    plan = ((ac_hbm, ac_v, t1_v, sem0), (pc_hbm, pc_v, t2_v, sem1),
            (at_hbm, at_v, t3a_v, sem2), (df_hbm, df_v, t3b_v, sem3),
            (ev_hbm, ev_v, t3c_v, sem4))
    copies = []
    for hbm, v, _, sem in plan:
        cps = [pltpu.async_copy(hbm.at[pl.ds(j * B + base, BPW)],
                                v.at[pl.ds(j * BPW, BPW)], sem)
               for j in range(L)]
        copies.append(cps)
    tcopies = [
        pltpu.async_copy(t_hbm.at[pl.ds(0, V1)], t1_v, sem0),
        pltpu.async_copy(t_hbm.at[pl.ds(8, V2)], t2_v, sem1),
        pltpu.async_copy(t_hbm.at[pl.ds(8 + V2, V3)], t3a_v, sem2),
        pltpu.async_copy(t_hbm.at[pl.ds(8 + V2 + V3, V3)], t3b_v, sem3),
        pltpu.async_copy(t_hbm.at[pl.ds(8 + V2 + 2 * V3, V3)], t3c_v, sem4),
    ]
    for cps in copies:
        for cp in cps:
            cp.wait()
    for cp in tcopies:
        cp.wait()

    def body(g, carry):
        acc = jnp.zeros((16,), jnp.float32)
        for j in range(L):
            off = j * BPW + g * 16
            for _, iv, tv, _ in plan:
                ids = iv[pl.ds(off, 16)]
                acc = acc + plsc.load_gather(tv, [ids])
        o_v[pl.ds(g * 16, 16)] = acc
        return carry

    lax.fori_loop(0, GRP, body, 0)
    pltpu.sync_copy(o_v, out_hbm.at[pl.ds(base, BPW)])


_sc_call = functools.partial(
    pl.kernel,
    out_type=jax.ShapeDtypeStruct((B,), jnp.float32),
    mesh=plsc.VectorSubcoreMesh(core_axis_name="c", subcore_axis_name="s"),
    scratch_types=[
        pltpu.VMEM((BPW * L,), jnp.int32),
        pltpu.VMEM((BPW * L,), jnp.int32),
        pltpu.VMEM((BPW * L,), jnp.int32),
        pltpu.VMEM((BPW * L,), jnp.int32),
        pltpu.VMEM((BPW * L,), jnp.int32),
        pltpu.VMEM((V1,), jnp.float32),
        pltpu.VMEM((V2,), jnp.float32),
        pltpu.VMEM((V3,), jnp.float32),
        pltpu.VMEM((V3,), jnp.float32),
        pltpu.VMEM((V3,), jnp.float32),
        pltpu.VMEM((BPW,), jnp.float32),
        pltpu.SemaphoreType.DMA,
        pltpu.SemaphoreType.DMA,
        pltpu.SemaphoreType.DMA,
        pltpu.SemaphoreType.DMA,
        pltpu.SemaphoreType.DMA,
    ],
    compiler_params=pltpu.CompilerParams(needs_layout_passes=False),
)(_sc_gather)


def kernel(states, action_categories, play_card_ids, attacking_card_ids,
           attacked_card_ids, evolving_card_ids, emb1, emb2, emb3, W1, b1,
           W2, b2):
    ac = jnp.asarray(action_categories, jnp.int32).T.reshape(B * L)
    pc = jnp.asarray(play_card_ids, jnp.int32).T.reshape(B * L)
    at = jnp.asarray(attacking_card_ids, jnp.int32).T.reshape(B * L)
    df = jnp.asarray(attacked_card_ids, jnp.int32).T.reshape(B * L)
    ev = jnp.asarray(evolving_card_ids, jnp.int32).T.reshape(B * L)

    t_all = pl.pallas_call(
        _tc_tables,
        out_shape=jax.ShapeDtypeStruct((6016,), jnp.float32),
    )(emb1, emb2, emb3, W1, W2)

    s = pl.pallas_call(
        _tc_states,
        out_shape=jax.ShapeDtypeStruct((B,), jnp.float32),
    )(states, W1, b1, W2, b2)

    partial = _sc_call(ac, pc, at, df, ev, t_all)
    return (partial + s).reshape(B, 1)

# --- scband reference (transcript-rebuilt; emitter-appended) ---
"""Pipeline reference for scband-action-value-net-8761733284472 (READ-ONLY COPY).

The authoritative reference and input builder live on the scoring server;
editing this copy changes nothing except your own understanding.
"""

import jax, jax.numpy as jnp
import numpy as np

MID = 128
B = 16384
L = 20

def setup_inputs(seed: int = 0) -> dict:
    key = jax.random.key(seed)
    ks = jax.random.split(key, 16)
    states = jax.random.normal(ks[0], (B, MID), dtype=jnp.float32)
    action_categories = jax.random.randint(ks[1], (B, L), 0, 5, dtype=jnp.int64)
    play_card_ids = jax.random.randint(ks[2], (B, L), 0, 3000, dtype=jnp.int64)
    attacking_card_ids = jax.random.randint(ks[3], (B, L), 0, 1000, dtype=jnp.int64)
    attacked_card_ids = jax.random.randint(ks[4], (B, L), 0, 1000, dtype=jnp.int64)
    evolving_card_ids = jax.random.randint(ks[5], (B, L), 0, 1000, dtype=jnp.int64)
    emb1 = jax.random.normal(ks[6], (5, MID), dtype=jnp.float32)
    emb2 = jax.random.normal(ks[7], (3000, MID), dtype=jnp.float32)
    emb2 = emb2.at[0].set(0.0)  # padding_idx=0
    emb3 = jax.random.normal(ks[8], (1000, MID), dtype=jnp.float32)
    emb3 = emb3.at[0].set(0.0)  # padding_idx=0
    lim1 = 1.0 / np.sqrt(6 * MID)
    W1 = jax.random.uniform(ks[9], (MID, 6 * MID), minval=-lim1, maxval=lim1, dtype=jnp.float32)
    b1 = jax.random.uniform(ks[10], (MID,), minval=-lim1, maxval=lim1, dtype=jnp.float32)
    lim2 = 1.0 / np.sqrt(MID)
    W2 = jax.random.uniform(ks[11], (1, MID), minval=-lim2, maxval=lim2, dtype=jnp.float32)
    b2 = jax.random.uniform(ks[12], (1,), minval=-lim2, maxval=lim2, dtype=jnp.float32)
    return {
        'states': states,
        'action_categories': action_categories,
        'play_card_ids': play_card_ids,
        'attacking_card_ids': attacking_card_ids,
        'attacked_card_ids': attacked_card_ids,
        'evolving_card_ids': evolving_card_ids,
        'emb1': emb1, 'emb2': emb2, 'emb3': emb3,
        'W1': W1, 'b1': b1, 'W2': W2, 'b2': b2,
    }

def reference(states, action_categories, play_card_ids, attacking_card_ids,
              attacked_card_ids, evolving_card_ids, emb1, emb2, emb3, W1, b1, W2, b2):
    e_act = jnp.sum(jnp.take(emb1, action_categories, axis=0), axis=1)
    e_play = jnp.sum(jnp.take(emb2, play_card_ids, axis=0), axis=1)
    e_atk = jnp.sum(jnp.take(emb3, attacking_card_ids, axis=0), axis=1)
    e_def = jnp.sum(jnp.take(emb3, attacked_card_ids, axis=0), axis=1)
    e_evo = jnp.sum(jnp.take(emb3, evolving_card_ids, axis=0), axis=1)
    tmp = jnp.concatenate([states, e_act, e_play, e_atk, e_def, e_evo], axis=1)
    out = tmp @ W1.T + b1
    out = out @ W2.T + b2
    return out

if __name__ == "__main__":
    import jax
    _d = setup_inputs()
    print(jax.jit(kernel)(*tuple(_d.values())))

</pallas_src>

<mosaic_0001>
#map = affine_map<(d0, d1) -> (0)>
module attributes {stable_mosaic.version = 14 : i64} {
  func.func @_sc_gather(%arg0: i32, %arg1: i32, %arg2: memref<327680xi32, #tpu.memory_space<hbm>>, %arg3: memref<327680xi32, #tpu.memory_space<hbm>>, %arg4: memref<327680xi32, #tpu.memory_space<hbm>>, %arg5: memref<327680xi32, #tpu.memory_space<hbm>>, %arg6: memref<327680xi32, #tpu.memory_space<hbm>>, %arg7: memref<6016xf32, #tpu.memory_space<hbm>>, %arg8: memref<16384xf32, #tpu.memory_space<hbm>>, %arg9: memref<10240xi32, #tpu.memory_space<vmem>>, %arg10: memref<10240xi32, #tpu.memory_space<vmem>>, %arg11: memref<10240xi32, #tpu.memory_space<vmem>>, %arg12: memref<10240xi32, #tpu.memory_space<vmem>>, %arg13: memref<10240xi32, #tpu.memory_space<vmem>>, %arg14: memref<8xf32, #tpu.memory_space<vmem>>, %arg15: memref<3000xf32, #tpu.memory_space<vmem>>, %arg16: memref<1000xf32, #tpu.memory_space<vmem>>, %arg17: memref<1000xf32, #tpu.memory_space<vmem>>, %arg18: memref<1000xf32, #tpu.memory_space<vmem>>, %arg19: memref<512xf32, #tpu.memory_space<vmem>>, %arg20: memref<!tpu.dma_semaphore, #tpu.memory_space<semaphore_mem>>, %arg21: memref<!tpu.dma_semaphore, #tpu.memory_space<semaphore_mem>>, %arg22: memref<!tpu.dma_semaphore, #tpu.memory_space<semaphore_mem>>, %arg23: memref<!tpu.dma_semaphore, #tpu.memory_space<semaphore_mem>>, %arg24: memref<!tpu.dma_semaphore, #tpu.memory_space<semaphore_mem>>) attributes {dimension_semantics = [#tpu.dimension_semantics<core_parallel>, #tpu.dimension_semantics<subcore_parallel>], iteration_bounds = array<i64: 2, 16>, scalar_prefetch = 0 : i64, scratch_operands = 16 : i64, tpu.core_type = #tpu.core_type<sc_vector_subcore>, window_params = [{transform_indices = #map}, {transform_indices = #map}, {transform_indices = #map}, {transform_indices = #map}, {transform_indices = #map}, {transform_indices = #map}, {transform_indices = #map}]} {
    %mul3A = arith.constant 2 : i32
    %mul3A_0 = arith.muli %arg1, %mul3A : i32
    %add3A = arith.addi %mul3A_0, %arg0 : i32
    %mul3A_1 = arith.constant 512 : i32
    %mul3A_2 = arith.muli %add3A, %mul3A_1 : i32
    %add3A_3 = arith.constant 0 : i32
    %add3A_4 = arith.addi %add3A_3, %mul3A_2 : i32
    %dma_start3A = arith.constant 0 : i32
    %dma_start3A_5 = tpu.memref_slice %arg9[%dma_start3A] : memref<10240xi32, #tpu.memory_space<vmem>> -> memref<512xi32, #tpu.memory_space<vmem>>
    %dma_start3A_6 = tpu.memref_slice %arg2[%add3A_4] : memref<327680xi32, #tpu.memory_space<hbm>> -> memref<512xi32, #tpu.memory_space<hbm>>
    %dma_start3A_7 = arith.constant 0 : i32
    %dma_start3A_8 = tpu.memref_slice %arg9[%dma_start3A_7] : memref<10240xi32, #tpu.memory_space<vmem>> -> memref<512xi32, #tpu.memory_space<vmem>>
    %dma_start3A_9 = tpu.memref_slice %arg2[%add3A_4] : memref<327680xi32, #tpu.memory_space<hbm>> -> memref<512xi32, #tpu.memory_space<hbm>>
    tpu.enqueue_dma source(%dma_start3A_9 : memref<512xi32, #tpu.memory_space<hbm>>) target(%dma_start3A_8 : memref<512xi32, #tpu.memory_space<vmem>>) target_semaphore(%arg20 : memref<!tpu.dma_semaphore, #tpu.memory_space<semaphore_mem>>)
    %add3A_10 = arith.constant 16384 : i32
    %add3A_11 = arith.addi %add3A_10, %mul3A_2 : i32
    %dma_start3A_12 = arith.constant 512 : i32
    %dma_start3A_13 = tpu.memref_slice %arg9[%dma_start3A_12] : memref<10240xi32, #tpu.memory_space<vmem>> -> memref<512xi32, #tpu.memory_space<vmem>>
    %dma_start3A_14 = tpu.memref_slice %arg2[%add3A_11] : memref<327680xi32, #tpu.memory_space<hbm>> -> memref<512xi32, #tpu.memory_space<hbm>>
    %dma_start3A_15 = arith.constant 512 : i32
    %dma_start3A_16 = tpu.memref_slice %arg9[%dma_start3A_15] : memref<10240xi32, #tpu.memory_space<vmem>> -> memref<512xi32, #tpu.memory_space<vmem>>
    %dma_start3A_17 = tpu.memref_slice %arg2[%add3A_11] : memref<327680xi32, #tpu.memory_space<hbm>> -> memref<512xi32, #tpu.memory_space<hbm>>
    tpu.enqueue_dma source(%dma_start3A_17 : memref<512xi32, #tpu.memory_space<hbm>>) target(%dma_start3A_16 : memref<512xi32, #tpu.memory_space<vmem>>) target_semaphore(%arg20 : memref<!tpu.dma_semaphore, #tpu.memory_space<semaphore_mem>>)
    %add3A_18 = arith.constant 32768 : i32
    %add3A_19 = arith.addi %add3A_18, %mul3A_2 : i32
    %dma_start3A_20 = arith.constant 1024 : i32
    %dma_start3A_21 = tpu.memref_slice %arg9[%dma_start3A_20] : memref<10240xi32, #tpu.memory_space<vmem>> -> memref<512xi32, #tpu.memory_space<vmem>>
    %dma_start3A_22 = tpu.memref_slice %arg2[%add3A_19] : memref<327680xi32, #tpu.memory_space<hbm>> -> memref<512xi32, #tpu.memory_space<hbm>>
    %dma_start3A_23 = arith.constant 1024 : i32
    %dma_start3A_24 = tpu.memref_slice %arg9[%dma_start3A_23] : memref<10240xi32, #tpu.memory_space<vmem>> -> memref<512xi32, #tpu.memory_space<vmem>>
    %dma_start3A_25 = tpu.memref_slice %arg2[%add3A_19] : memref<327680xi32, #tpu.memory_space<hbm>> -> memref<512xi32, #tpu.memory_space<hbm>>
    tpu.enqueue_dma source(%dma_start3A_25 : memref<512xi32, #tpu.memory_space<hbm>>) target(%dma_start3A_24 : memref<512xi32, #tpu.memory_space<vmem>>) target_semaphore(%arg20 : memref<!tpu.dma_semaphore, #tpu.memory_space<semaphore_mem>>)
    %add3A_26 = arith.constant 49152 : i32
    %add3A_27 = arith.addi %add3A_26, %mul3A_2 : i32
    %dma_start3A_28 = arith.constant 1536 : i32
    %dma_start3A_29 = tpu.memref_slice %arg9[%dma_start3A_28] : memref<10240xi32, #tpu.memory_space<vmem>> -> memref<512xi32, #tpu.memory_space<vmem>>
    %dma_start3A_30 = tpu.memref_slice %arg2[%add3A_27] : memref<327680xi32, #tpu.memory_space<hbm>> -> memref<512xi32, #tpu.memory_space<hbm>>
    %dma_start3A_31 = arith.constant 1536 : i32
    %dma_start3A_32 = tpu.memref_slice %arg9[%dma_start3A_31] : memref<10240xi32, #tpu.memory_space<vmem>> -> memref<512xi32, #tpu.memory_space<vmem>>
    %dma_start3A_33 = tpu.memref_slice %arg2[%add3A_27] : memref<327680xi32, #tpu.memory_space<hbm>> -> memref<512xi32, #tpu.memory_space<hbm>>
    tpu.enqueue_dma source(%dma_start3A_33 : memref<512xi32, #tpu.memory_space<hbm>>) target(%dma_start3A_32 : memref<512xi32, #tpu.memory_space<vmem>>) target_semaphore(%arg20 : memref<!tpu.dma_semaphore, #tpu.memory_space<semaphore_mem>>)
    %add3A_34 = arith.constant 65536 : i32
    %add3A_35 = arith.addi %add3A_34, %mul3A_2 : i32
    %dma_start3A_36 = arith.constant 2048 : i32
    %dma_start3A_37 = tpu.memref_slice %arg9[%dma_start3A_36] : memref<10240xi32, #tpu.memory_space<vmem>> -> memref<512xi32, #tpu.memory_space<vmem>>
    %dma_start3A_38 = tpu.memref_slice %arg2[%add3A_35] : memref<327680xi32, #tpu.memory_space<hbm>> -> memref<512xi32, #tpu.memory_space<hbm>>
    %dma_start3A_39 = arith.constant 2048 : i32
    %dma_start3A_40 = tpu.memref_slice %arg9[%dma_start3A_39] : memref<10240xi32, #tpu.memory_space<vmem>> -> memref<512xi32, #tpu.memory_space<vmem>>
    %dma_start3A_41 = tpu.memref_slice %arg2[%add3A_35] : memref<327680xi32, #tpu.memory_space<hbm>> -> memref<512xi32, #tpu.memory_space<hbm>>
    tpu.enqueue_dma source(%dma_start3A_41 : memref<512xi32, #tpu.memory_space<hbm>>) target(%dma_start3A_40 : memref<512xi32, #tpu.memory_space<vmem>>) target_semaphore(%arg20 : memref<!tpu.dma_semaphore, #tpu.memory_space<semaphore_mem>>)
    %add3A_42 = arith.constant 81920 : i32
    %add3A_43 = arith.addi %add3A_42, %mul3A_2 : i32
    %dma_start3A_44 = arith.constant 2560 : i32
    %dma_start3A_45 = tpu.memref_slice %arg9[%dma_start3A_44] : memref<10240xi32, #tpu.memory_space<vmem>> -> memref<512xi32, #tpu.memory_space<vmem>>
    %dma_start3A_46 = tpu.memref_slice %arg2[%add3A_43] : memref<327680xi32, #tpu.memory_space<hbm>> -> memref<512xi32, #tpu.memory_space<hbm>>
    %dma_start3A_47 = arith.constant 2560 : i32
    %dma_start3A_48 = tpu.memref_slice %arg9[%dma_start3A_47] : memref<10240xi32, #tpu.memory_space<vmem>> -> memref<512xi32, #tpu.memory_space<vmem>>
    %dma_start3A_49 = tpu.memref_slice %arg2[%add3A_43] : memref<327680xi32, #tpu.memory_space<hbm>> -> memref<512xi32, #tpu.memory_space<hbm>>
    tpu.enqueue_dma source(%dma_start3A_49 : memref<512xi32, #tpu.memory_space<hbm>>) target(%dma_start3A_48 : memref<512xi32, #tpu.memory_space<vmem>>) target_semaphore(%arg20 : memref<!tpu.dma_semaphore, #tpu.memory_space<semaphore_mem>>)
    %add3A_50 = arith.constant 98304 : i32
    %add3A_51 = arith.addi %add3A_50, %mul3A_2 : i32
    %dma_start3A_52 = arith.constant 3072 : i32
    %dma_start3A_53 = tpu.memref_slice %arg9[%dma_start3A_52] : memref<10240xi32, #tpu.memory_space<vmem>> -> memref<512xi32, #tpu.memory_space<vmem>>
    %dma_start3A_54 = tpu.memref_slice %arg2[%add3A_51] : memref<327680xi32, #tpu.memory_space<hbm>> -> memref<512xi32, #tpu.memory_space<hbm>>
    %dma_start3A_55 = arith.constant 3072 : i32
    %dma_start3A_56 = tpu.memref_slice %arg9[%dma_start3A_55] : memref<10240xi32, #tpu.memory_space<vmem>> -> memref<512xi32, #tpu.memory_space<vmem>>
    %dma_start3A_57 = tpu.memref_slice %arg2[%add3A_51] : memref<327680xi32, #tpu.memory_space<hbm>> -> memref<512xi32, #tpu.memory_space<hbm>>
    tpu.enqueue_dma source(%dma_start3A_57 : memref<512xi32, #tpu.memory_space<hbm>>) target(%dma_start3A_56 : memref<512xi32, #tpu.memory_space<vmem>>) target_semaphore(%arg20 : memref<!tpu.dma_semaphore, #tpu.memory_space<semaphore_mem>>)
    %add3A_58 = arith.constant 114688 : i32
    %add3A_59 = arith.addi %add3A_58, %mul3A_2 : i32
    %dma_start3A_60 = arith.constant 3584 : i32
    %dma_start3A_61 = tpu.memref_slice %arg9[%dma_start3A_60] : memref<10240xi32, #tpu.memory_space<vmem>> -> memref<512xi32, #tpu.memory_space<vmem>>
    %dma_start3A_62 = tpu.memref_slice %arg2[%add3A_59] : memref<327680xi32, #tpu.memory_space<hbm>> -> memref<512xi32, #tpu.memory_space<hbm>>
    %dma_start3A_63 = arith.constant 3584 : i32
    %dma_start3A_64 = tpu.memref_slice %arg9[%dma_start3A_63] : memref<10240xi32, #tpu.memory_space<vmem>> -> memref<512xi32, #tpu.memory_space<vmem>>
    %dma_start3A_65 = tpu.memref_slice %arg2[%add3A_59] : memref<327680xi32, #tpu.memory_space<hbm>> -> memref<512xi32, #tpu.memory_space<hbm>>
    tpu.enqueue_dma source(%dma_start3A_65 : memref<512xi32, #tpu.memory_space<hbm>>) target(%dma_start3A_64 : memref<512xi32, #tpu.memory_space<vmem>>) target_semaphore(%arg20 : memref<!tpu.dma_semaphore, #tpu.memory_space<semaphore_mem>>)
    %add3A_66 = arith.constant 131072 : i32
    %add3A_67 = arith.addi %add3A_66, %mul3A_2 : i32
    %dma_start3A_68 = arith.constant 4096 : i32
    %dma_start3A_69 = tpu.memref_slice %arg9[%dma_start3A_68] : memref<10240xi32, #tpu.memory_space<vmem>> -> memref<512xi32, #tpu.memory_space<vmem>>
    %dma_start3A_70 = tpu.memref_slice %arg2[%add3A_67] : memref<327680xi32, #tpu.memory_space<hbm>> -> memref<512xi32, #tpu.memory_space<hbm>>
    %dma_start3A_71 = arith.constant 4096 : i32
    %dma_start3A_72 = tpu.memref_slice %arg9[%dma_start3A_71] : memref<10240xi32, #tpu.memory_space<vmem>> -> memref<512xi32, #tpu.memory_space<vmem>>
    %dma_start3A_73 = tpu.memref_slice %arg2[%add3A_67] : memref<327680xi32, #tpu.memory_space<hbm>> -> memref<512xi32, #tpu.memory_space<hbm>>
    tpu.enqueue_dma source(%dma_start3A_73 : memref<512xi32, #tpu.memory_space<hbm>>) target(%dma_start3A_72 : memref<512xi32, #tpu.memory_space<vmem>>) target_semaphore(%arg20 : memref<!tpu.dma_semaphore, #tpu.memory_space<semaphore_mem>>)
    %add3A_74 = arith.constant 147456 : i32
    %add3A_75 = arith.addi %add3A_74, %mul3A_2 : i32
    %dma_start3A_76 = arith.constant 4608 : i32
    %dma_start3A_77 = tpu.memref_slice %arg9[%dma_start3A_76] : memref<10240xi32, #tpu.memory_space<vmem>> -> memref<512xi32, #tpu.memory_space<vmem>>
    %dma_start3A_78 = tpu.memref_slice %arg2[%add3A_75] : memref<327680xi32, #tpu.memory_space<hbm>> -> memref<512xi32, #tpu.memory_space<hbm>>
    %dma_start3A_79 = arith.constant 4608 : i32
    %dma_start3A_80 = tpu.memref_slice %arg9[%dma_start3A_79] : memref<10240xi32, #tpu.memory_space<vmem>> -> memref<512xi32, #tpu.memory_space<vmem>>
    %dma_start3A_81 = tpu.memref_slice %arg2[%add3A_75] : memref<327680xi32, #tpu.memory_space<hbm>> -> memref<512xi32, #tpu.memory_space<hbm>>
    tpu.enqueue_dma source(%dma_start3A_81 : memref<512xi32, #tpu.memory_space<hbm>>) target(%dma_start3A_80 : memref<512xi32, #tpu.memory_space<vmem>>) target_semaphore(%arg20 : memref<!tpu.dma_semaphore, #tpu.memory_space<semaphore_mem>>)
    %add3A_82 = arith.constant 163840 : i32
    %add3A_83 = arith.addi %add3A_82, %mul3A_2 : i32
    %dma_start3A_84 = arith.constant 5120 : i32
    %dma_start3A_85 = tpu.memref_slice %arg9[%dma_start3A_84] : memref<10240xi32, #tpu.memory_space<vmem>> -> memref<512xi32, #tpu.memory_space<vmem>>
    %dma_start3A_86 = tpu.memref_slice %arg2[%add3A_83] : memref<327680xi32, #tpu.memory_space<hbm>> -> memref<512xi32, #tpu.memory_space<hbm>>
    %dma_start3A_87 = arith.constant 5120 : i32
    %dma_start3A_88 = tpu.memref_slice %arg9[%dma_start3A_87] : memref<10240xi32, #tpu.memory_space<vmem>> -> memref<512xi32, #tpu.memory_space<vmem>>
    %dma_start3A_89 = tpu.memref_slice %arg2[%add3A_83] : memref<327680xi32, #tpu.memory_space<hbm>> -> memref<512xi32, #tpu.memory_space<hbm>>
    tpu.enqueue_dma source(%dma_start3A_89 : memref<512xi32, #tpu.memory_space<hbm>>) target(%dma_start3A_88 : memref<512xi32, #tpu.memory_space<vmem>>) target_semaphore(%arg20 : memref<!tpu.dma_semaphore, #tpu.memory_space<semaphore_mem>>)
    %add3A_90 = arith.constant 180224 : i32
    %add3A_91 = arith.addi %add3A_90, %mul3A_2 : i32
    %dma_start3A_92 = arith.constant 5632 : i32
    %dma_start3A_93 = tpu.memref_slice %arg9[%dma_start3A_92] : memref<10240xi32, #tpu.memory_space<vmem>> -> memref<512xi32, #tpu.memory_space<vmem>>
    %dma_start3A_94 = tpu.memref_slice %arg2[%add3A_91] : memref<327680xi32, #tpu.memory_space<hbm>> -> memref<512xi32, #tpu.memory_space<hbm>>
    %dma_start3A_95 = arith.constant 5632 : i32
    %dma_start3A_96 = tpu.memref_slice %arg9[%dma_start3A_95] : memref<10240xi32, #tpu.memory_space<vmem>> -> memref<512xi32, #tpu.memory_space<vmem>>
    %dma_start3A_97 = tpu.memref_slice %arg2[%add3A_91] : memref<327680xi32, #tpu.memory_space<hbm>> -> memref<512xi32, #tpu.memory_space<hbm>>
    tpu.enqueue_dma source(%dma_start3A_97 : memref<512xi32, #tpu.memory_space<hbm>>) target(%dma_start3A_96 : memref<512xi32, #tpu.memory_space<vmem>>) target_semaphore(%arg20 : memref<!tpu.dma_semaphore, #tpu.memory_space<semaphore_mem>>)
    %add3A_98 = arith.constant 196608 : i32
    %add3A_99 = arith.addi %add3A_98, %mul3A_2 : i32
    %dma_start3A_100 = arith.constant 6144 : i32
    %dma_start3A_101 = tpu.memref_slice %arg9[%dma_start3A_100] : memref<10240xi32, #tpu.memory_space<vmem>> -> memref<512xi32, #tpu.memory_space<vmem>>
    %dma_start3A_102 = tpu.memref_slice %arg2[%add3A_99] : memref<327680xi32, #tpu.memory_space<hbm>> -> memref<512xi32, #tpu.memory_space<hbm>>
    %dma_start3A_103 = arith.constant 6144 : i32
    %dma_start3A_104 = tpu.memref_slice %arg9[%dma_start3A_103] : memref<10240xi32, #tpu.memory_space<vmem>> -> memref<512xi32, #tpu.memory_space<vmem>>
    %dma_start3A_105 = tpu.memref_slice %arg2[%add3A_99] : memref<327680xi32, #tpu.memory_space<hbm>> -> memref<512xi32, #tpu.memory_space<hbm>>
    tpu.enqueue_dma source(%dma_start3A_105 : memref<512xi32, #tpu.memory_space<hbm>>) target(%dma_start3A_104 : memref<512xi32, #tpu.memory_space<vmem>>) target_semaphore(%arg20 : memref<!tpu.dma_semaphore, #tpu.memory_space<semaphore_mem>>)
    %add3A_106 = arith.constant 212992 : i32
    %add3A_107 = arith.addi %add3A_106, %mul3A_2 : i32
    %dma_start3A_108 = arith.constant 6656 : i32
    %dma_start3A_109 = tpu.memref_slice %arg9[%dma_start3A_108] : memref<10240xi32, #tpu.memory_space<vmem>> -> memref<512xi32, #tpu.memory_space<vmem>>
    %dma_start3A_110 = tpu.memref_slice %arg2[%add3A_107] : memref<327680xi32, #tpu.memory_space<hbm>> -> memref<512xi32, #tpu.memory_space<hbm>>
    %dma_start3A_111 = arith.constant 6656 : i32
    %dma_start3A_112 = tpu.memref_slice %arg9[%dma_start3A_111] : memref<10240xi32, #tpu.memory_space<vmem>> -> memref<512xi32, #tpu.memory_space<vmem>>
    %dma_start3A_113 = tpu.memref_slice %arg2[%add3A_107] : memref<327680xi32, #tpu.memory_space<hbm>> -> memref<512xi32, #tpu.memory_space<hbm>>
    tpu.enqueue_dma source(%dma_start3A_113 : memref<512xi32, #tpu.memory_space<hbm>>) target(%dma_start3A_112 : memref<512xi32, #tpu.memory_space<vmem>>) target_semaphore(%arg20 : memref<!tpu.dma_semaphore, #tpu.memory_space<semaphore_mem>>)
    %add3A_114 = arith.constant 229376 : i32
    %add3A_115 = arith.addi %add3A_114, %mul3A_2 : i32
    %dma_start3A_116 = arith.constant 7168 : i32
    %dma_start3A_117 = tpu.memref_slice %arg9[%dma_start3A_116] : memref<10240xi32, #tpu.memory_space<vmem>> -> memref<512xi32, #tpu.memory_space<vmem>>
    %dma_start3A_118 = tpu.memref_slice %arg2[%add3A_115] : memref<327680xi32, #tpu.memory_space<hbm>> -> memref<512xi32, #tpu.memory_space<hbm>>
    %dma_start3A_119 = arith.constant 7168 : i32
    %dma_start3A_120 = tpu.memref_slice %arg9[%dma_start3A_119] : memref<10240xi32, #tpu.memory_space<vmem>> -> memref<512xi32, #tpu.memory_space<vmem>>
    %dma_start3A_121 = tpu.memref_slice %arg2[%add3A_115] : memref<327680xi32, #tpu.memory_space<hbm>> -> memref<512xi32, #tpu.memory_space<hbm>>
    tpu.enqueue_dma source(%dma_start3A_121 : memref<512xi32, #tpu.memory_space<hbm>>) target(%dma_start3A_120 : memref<512xi32, #tpu.memory_space<vmem>>) target_semaphore(%arg20 : memref<!tpu.dma_semaphore, #tpu.memory_space<semaphore_mem>>)
    %add3A_122 = arith.constant 245760 : i32
    %add3A_123 = arith.addi %add3A_122, %mul3A_2 : i32
    %dma_start3A_124 = arith.constant 7680 : i32
    %dma_start3A_125 = tpu.memref_slice %arg9[%dma_start3A_124] : memref<10240xi32, #tpu.memory_space<vmem>> -> memref<512xi32, #tpu.memory_space<vmem>>
    %dma_start3A_126 = tpu.memref_slice %arg2[%add3A_123] : memref<327680xi32, #tpu.memory_space<hbm>> -> memref<512xi32, #tpu.memory_space<hbm>>
    %dma_start3A_127 = arith.constant 7680 : i32
    %dma_start3A_128 = tpu.memref_slice %arg9[%dma_start3A_127] : memref<10240xi32, #tpu.memory_space<vmem>> -> memref<512xi32, #tpu.memory_space<vmem>>
    %dma_start3A_129 = tpu.memref_slice %arg2[%add3A_123] : memref<327680xi32, #tpu.memory_space<hbm>> -> memref<512xi32, #tpu.memory_space<hbm>>
    tpu.enqueue_dma source(%dma_start3A_129 : memref<512xi32, #tpu.memory_space<hbm>>) target(%dma_start3A_128 : memref<512xi32, #tpu.memory_space<vmem>>) target_semaphore(%arg20 : memref<!tpu.dma_semaphore, #tpu.memory_space<semaphore_mem>>)
    %add3A_130 = arith.constant 262144 : i32
    %add3A_131 = arith.addi %add3A_130, %mul3A_2 : i32
    %dma_start3A_132 = arith.constant 8192 : i32
    %dma_start3A_133 = tpu.memref_slice %arg9[%dma_start3A_132] : memref<10240xi32, #tpu.memory_space<vmem>> -> memref<512xi32, #tpu.memory_space<vmem>>
    %dma_start3A_134 = tpu.memref_slice %arg2[%add3A_131] : memref<327680xi32, #tpu.memory_space<hbm>> -> memref<512xi32, #tpu.memory_space<hbm>>
    %dma_start3A_135 = arith.constant 8192 : i32
    %dma_start3A_136 = tpu.memref_slice %arg9[%dma_start3A_135] : memref<10240xi32, #tpu.memory_space<vmem>> -> memref<512xi32, #tpu.memory_space<vmem>>
    %dma_start3A_137 = tpu.memref_slice %arg2[%add3A_131] : memref<327680xi32, #tpu.memory_space<hbm>> -> memref<512xi32, #tpu.memory_space<hbm>>
    tpu.enqueue_dma source(%dma_start3A_137 : memref<512xi32, #tpu.memory_space<hbm>>) target(%dma_start3A_136 : memref<512xi32, #tpu.memory_space<vmem>>) target_semaphore(%arg20 : memref<!tpu.dma_semaphore, #tpu.memory_space<semaphore_mem>>)
    %add3A_138 = arith.constant 278528 : i32
    %add3A_139 = arith.addi %add3A_138, %mul3A_2 : i32
    %dma_start3A_140 = arith.constant 8704 : i32
    %dma_start3A_141 = tpu.memref_slice %arg9[%dma_start3A_140] : memref<10240xi32, #tpu.memory_space<vmem>> -> memref<512xi32, #tpu.memory_space<vmem>>
    %dma_start3A_142 = tpu.memref_slice %arg2[%add3A_139] : memref<327680xi32, #tpu.memory_space<hbm>> -> memref<512xi32, #tpu.memory_space<hbm>>
    %dma_start3A_143 = arith.constant 8704 : i32
    %dma_start3A_144 = tpu.memref_slice %arg9[%dma_start3A_143] : memref<10240xi32, #tpu.memory_space<vmem>> -> memref<512xi32, #tpu.memory_space<vmem>>
    %dma_start3A_145 = tpu.memref_slice %arg2[%add3A_139] : memref<327680xi32, #tpu.memory_space<hbm>> -> memref<512xi32, #tpu.memory_space<hbm>>
    tpu.enqueue_dma source(%dma_start3A_145 : memref<512xi32, #tpu.memory_space<hbm>>) target(%dma_start3A_144 : memref<512xi32, #tpu.memory_space<vmem>>) target_semaphore(%arg20 : memref<!tpu.dma_semaphore, #tpu.memory_space<semaphore_mem>>)
    %add3A_146 = arith.constant 294912 : i32
    %add3A_147 = arith.addi %add3A_146, %mul3A_2 : i32
    %dma_start3A_148 = arith.constant 9216 : i32
    %dma_start3A_149 = tpu.memref_slice %arg9[%dma_start3A_148] : memref<10240xi32, #tpu.memory_space<vmem>> -> memref<512xi32, #tpu.memory_space<vmem>>
    %dma_start3A_150 = tpu.memref_slice %arg2[%add3A_147] : memref<327680xi32, #tpu.memory_space<hbm>> -> memref<512xi32, #tpu.memory_space<hbm>>
    %dma_start3A_151 = arith.constant 9216 : i32
    %dma_start3A_152 = tpu.memref_slice %arg9[%dma_start3A_151] : memref<10240xi32, #tpu.memory_space<vmem>> -> memref<512xi32, #tpu.memory_space<vmem>>
    %dma_start3A_153 = tpu.memref_slice %arg2[%add3A_147] : memref<327680xi32, #tpu.memory_space<hbm>> -> memref<512xi32, #tpu.memory_space<hbm>>
    tpu.enqueue_dma source(%dma_start3A_153 : memref<512xi32, #tpu.memory_space<hbm>>) target(%dma_start3A_152 : memref<512xi32, #tpu.memory_space<vmem>>) target_semaphore(%arg20 : memref<!tpu.dma_semaphore, #tpu.memory_space<semaphore_mem>>)
    %add3A_154 = arith.constant 311296 : i32
    %add3A_155 = arith.addi %add3A_154, %mul3A_2 : i32
    %dma_start3A_156 = arith.constant 9728 : i32
    %dma_start3A_157 = tpu.memref_slice %arg9[%dma_start3A_156] : memref<10240xi32, #tpu.memory_space<vmem>> -> memref<512xi32, #tpu.memory_space<vmem>>
    %dma_start3A_158 = tpu.memref_slice %arg2[%add3A_155] : memref<327680xi32, #tpu.memory_space<hbm>> -> memref<512xi32, #tpu.memory_space<hbm>>
    %dma_start3A_159 = arith.constant 9728 : i32
    %dma_start3A_160 = tpu.memref_slice %arg9[%dma_start3A_159] : memref<10240xi32, #tpu.memory_space<vmem>> -> memref<512xi32, #tpu.memory_space<vmem>>
    %dma_start3A_161 = tpu.memref_slice %arg2[%add3A_155] : memref<327680xi32, #tpu.memory_space<hbm>> -> memref<512xi32, #tpu.memory_space<hbm>>
    tpu.enqueue_dma source(%dma_start3A_161 : memref<512xi32, #tpu.memory_space<hbm>>) target(%dma_start3A_160 : memref<512xi32, #tpu.memory_space<vmem>>) target_semaphore(%arg20 : memref<!tpu.dma_semaphore, #tpu.memory_space<semaphore_mem>>)
    %add3A_162 = arith.constant 0 : i32
    %add3A_163 = arith.addi %add3A_162, %mul3A_2 : i32
    %dma_start3A_164 = arith.constant 0 : i32
    %dma_start3A_165 = tpu.memref_slice %arg10[%dma_start3A_164] : memref<10240xi32, #tpu.memory_space<vmem>> -> memref<512xi32, #tpu.memory_space<vmem>>
    %dma_start3A_166 = tpu.memref_slice %arg3[%add3A_163] : memref<327680xi32, #tpu.memory_space<hbm>> -> memref<512xi32, #tpu.memory_space<hbm>>
    %dma_start3A_167 = arith.constant 0 : i32
    %dma_start3A_168 = tpu.memref_slice %arg10[%dma_start3A_167] : memref<10240xi32, #tpu.memory_space<vmem>> -> memref<512xi32, #tpu.memory_space<vmem>>
    %dma_start3A_169 = tpu.memref_slice %arg3[%add3A_163] : memref<327680xi32, #tpu.memory_space<hbm>> -> memref<512xi32, #tpu.memory_space<hbm>>
    tpu.enqueue_dma source(%dma_start3A_169 : memref<512xi32, #tpu.memory_space<hbm>>) target(%dma_start3A_168 : memref<512xi32, #tpu.memory_space<vmem>>) target_semaphore(%arg21 : memref<!tpu.dma_semaphore, #tpu.memory_space<semaphore_mem>>)
    %add3A_170 = arith.constant 16384 : i32
    %add3A_171 = arith.addi %add3A_170, %mul3A_2 : i32
    %dma_start3A_172 = arith.constant 512 : i32
    %dma_start3A_173 = tpu.memref_slice %arg10[%dma_start3A_172] : memref<10240xi32, #tpu.memory_space<vmem>> -> memref<512xi32, #tpu.memory_space<vmem>>
    %dma_start3A_174 = tpu.memref_slice %arg3[%add3A_171] : memref<327680xi32, #tpu.memory_space<hbm>> -> memref<512xi32, #tpu.memory_space<hbm>>
    %dma_start3A_175 = arith.constant 512 : i32
    %dma_start3A_176 = tpu.memref_slice %arg10[%dma_start3A_175] : memref<10240xi32, #tpu.memory_space<vmem>> -> memref<512xi32, #tpu.memory_space<vmem>>
    %dma_start3A_177 = tpu.memref_slice %arg3[%add3A_171] : memref<327680xi32, #tpu.memory_space<hbm>> -> memref<512xi32, #tpu.memory_space<hbm>>
    tpu.enqueue_dma source(%dma_start3A_177 : memref<512xi32, #tpu.memory_space<hbm>>) target(%dma_start3A_176 : memref<512xi32, #tpu.memory_space<vmem>>) target_semaphore(%arg21 : memref<!tpu.dma_semaphore, #tpu.memory_space<semaphore_mem>>)
    %add3A_178 = arith.constant 32768 : i32
    %add3A_179 = arith.addi %add3A_178, %mul3A_2 : i32
    %dma_start3A_180 = arith.constant 1024 : i32
    %dma_start3A_181 = tpu.memref_slice %arg10[%dma_start3A_180] : memref<10240xi32, #tpu.memory_space<vmem>> -> memref<512xi32, #tpu.memory_space<vmem>>
    %dma_start3A_182 = tpu.memref_slice %arg3[%add3A_179] : memref<327680xi32, #tpu.memory_space<hbm>> -> memref<512xi32, #tpu.memory_space<hbm>>
    %dma_start3A_183 = arith.constant 1024 : i32
    %dma_start3A_184 = tpu.memref_slice %arg10[%dma_start3A_183] : memref<10240xi32, #tpu.memory_space<vmem>> -> memref<512xi32, #tpu.memory_space<vmem>>
    %dma_start3A_185 = tpu.memref_slice %arg3[%add3A_179] : memref<327680xi32, #tpu.memory_space<hbm>> -> memref<512xi32, #tpu.memory_space<hbm>>
    tpu.enqueue_dma source(%dma_start3A_185 : memref<512xi32, #tpu.memory_space<hbm>>) target(%dma_start3A_184 : memref<512xi32, #tpu.memory_space<vmem>>) target_semaphore(%arg21 : memref<!tpu.dma_semaphore, #tpu.memory_space<semaphore_mem>>)
    %add3A_186 = arith.constant 49152 : i32
    %add3A_187 = arith.addi %add3A_186, %mul3A_2 : i32
    %dma_start3A_188 = arith.constant 1536 : i32
    %dma_start3A_189 = tpu.memref_slice %arg10[%dma_start3A_188] : memref<10240xi32, #tpu.memory_space<vmem>> -> memref<512xi32, #tpu.memory_space<vmem>>
    %dma_start3A_190 = tpu.memref_slice %arg3[%add3A_187] : memref<327680xi32, #tpu.memory_space<hbm>> -> memref<512xi32, #tpu.memory_space<hbm>>
    %dma_start3A_191 = arith.constant 1536 : i32
    %dma_start3A_192 = tpu.memref_slice %arg10[%dma_start3A_191] : memref<10240xi32, #tpu.memory_space<vmem>> -> memref<512xi32, #tpu.memory_space<vmem>>
    %dma_start3A_193 = tpu.memref_slice %arg3[%add3A_187] : memref<327680xi32, #tpu.memory_space<hbm>> -> memref<512xi32, #tpu.memory_space<hbm>>
    tpu.enqueue_dma source(%dma_start3A_193 : memref<512xi32, #tpu.memory_space<hbm>>) target(%dma_start3A_192 : memref<512xi32, #tpu.memory_space<vmem>>) target_semaphore(%arg21 : memref<!tpu.dma_semaphore, #tpu.memory_space<semaphore_mem>>)
    %add3A_194 = arith.constant 65536 : i32
    %add3A_195 = arith.addi %add3A_194, %mul3A_2 : i32
    %dma_start3A_196 = arith.constant 2048 : i32
    %dma_start3A_197 = tpu.memref_slice %arg10[%dma_start3A_196] : memref<10240xi32, #tpu.memory_space<vmem>> -> memref<512xi32, #tpu.memory_space<vmem>>
    %dma_start3A_198 = tpu.memref_slice %arg3[%add3A_195] : memref<327680xi32, #tpu.memory_space<hbm>> -> memref<512xi32, #tpu.memory_space<hbm>>
    %dma_start3A_199 = arith.constant 2048 : i32
    %dma_start3A_200 = tpu.memref_slice %arg10[%dma_start3A_199] : memref<10240xi32, #tpu.memory_space<vmem>> -> memref<512xi32, #tpu.memory_space<vmem>>
    %dma_start3A_201 = tpu.memref_slice %arg3[%add3A_195] : memref<327680xi32, #tpu.memory_space<hbm>> -> memref<512xi32, #tpu.memory_space<hbm>>
    tpu.enqueue_dma source(%dma_start3A_201 : memref<512xi32, #tpu.memory_space<hbm>>) target(%dma_start3A_200 : memref<512xi32, #tpu.memory_space<vmem>>) target_semaphore(%arg21 : memref<!tpu.dma_semaphore, #tpu.memory_space<semaphore_mem>>)
    %add3A_202 = arith.constant 81920 : i32
    %add3A_203 = arith.addi %add3A_202, %mul3A_2 : i32
    %dma_start3A_204 = arith.constant 2560 : i32
    %dma_start3A_205 = tpu.memref_slice %arg10[%dma_start3A_204] : memref<10240xi32, #tpu.memory_space<vmem>> -> memref<512xi32, #tpu.memory_space<vmem>>
    %dma_start3A_206 = tpu.memref_slice %arg3[%add3A_203] : memref<327680xi32, #tpu.memory_space<hbm>> -> memref<512xi32, #tpu.memory_space<hbm>>
    %dma_start3A_207 = arith.constant 2560 : i32
    %dma_start3A_208 = tpu.memref_slice %arg10[%dma_start3A_207] : memref<10240xi32, #tpu.memory_space<vmem>> -> memref<512xi32, #tpu.memory_space<vmem>>
    %dma_start3A_209 = tpu.memref_slice %arg3[%add3A_203] : memref<327680xi32, #tpu.memory_space<hbm>> -> memref<512xi32, #tpu.memory_space<hbm>>
    tpu.enqueue_dma source(%dma_start3A_209 : memref<512xi32, #tpu.memory_space<hbm>>) target(%dma_start3A_208 : memref<512xi32, #tpu.memory_space<vmem>>) target_semaphore(%arg21 : memref<!tpu.dma_semaphore, #tpu.memory_space<semaphore_mem>>)
    %add3A_210 = arith.constant 98304 : i32
    %add3A_211 = arith.addi %add3A_210, %mul3A_2 : i32
    %dma_start3A_212 = arith.constant 3072 : i32
    %dma_start3A_213 = tpu.memref_slice %arg10[%dma_start3A_212] : memref<10240xi32, #tpu.memory_space<vmem>> -> memref<512xi32, #tpu.memory_space<vmem>>
    %dma_start3A_214 = tpu.memref_slice %arg3[%add3A_211] : memref<327680xi32, #tpu.memory_space<hbm>> -> memref<512xi32, #tpu.memory_space<hbm>>
    %dma_start3A_215 = arith.constant 3072 : i32
    %dma_start3A_216 = tpu.memref_slice %arg10[%dma_start3A_215] : memref<10240xi32, #tpu.memory_space<vmem>> -> memref<512xi32, #tpu.memory_space<vmem>>
    %dma_start3A_217 = tpu.memref_slice %arg3[%add3A_211] : memref<327680xi32, #tpu.memory_space<hbm>> -> memref<512xi32, #tpu.memory_space<hbm>>
    tpu.enqueue_dma source(%dma_start3A_217 : memref<512xi32, #tpu.memory_space<hbm>>) target(%dma_start3A_216 : memref<512xi32, #tpu.memory_space<vmem>>) target_semaphore(%arg21 : memref<!tpu.dma_semaphore, #tpu.memory_space<semaphore_mem>>)
    %add3A_218 = arith.constant 114688 : i32
    %add3A_219 = arith.addi %add3A_218, %mul3A_2 : i32
    %dma_start3A_220 = arith.constant 3584 : i32
    %dma_start3A_221 = tpu.memref_slice %arg10[%dma_start3A_220] : memref<10240xi32, #tpu.memory_space<vmem>> -> memref<512xi32, #tpu.memory_space<vmem>>
    %dma_start3A_222 = tpu.memref_slice %arg3[%add3A_219] : memref<327680xi32, #tpu.memory_space<hbm>> -> memref<512xi32, #tpu.memory_space<hbm>>
    %dma_start3A_223 = arith.constant 3584 : i32
    %dma_start3A_224 = tpu.memref_slice %arg10[%dma_start3A_223] : memref<10240xi32, #tpu.memory_space<vmem>> -> memref<512xi32, #tpu.memory_space<vmem>>
    %dma_start3A_225 = tpu.memref_slice %arg3[%add3A_219] : memref<327680xi32, #tpu.memory_space<hbm>> -> memref<512xi32, #tpu.memory_space<hbm>>
    tpu.enqueue_dma source(%dma_start3A_225 : memref<512xi32, #tpu.memory_space<hbm>>) target(%dma_start3A_224 : memref<512xi32, #tpu.memory_space<vmem>>) target_semaphore(%arg21 : memref<!tpu.dma_semaphore, #tpu.memory_space<semaphore_mem>>)
    %add3A_226 = arith.constant 131072 : i32
    %add3A_227 = arith.addi %add3A_226, %mul3A_2 : i32
    %dma_start3A_228 = arith.constant 4096 : i32
    %dma_start3A_229 = tpu.memref_slice %arg10[%dma_start3A_228] : memref<10240xi32, #tpu.memory_space<vmem>> -> memref<512xi32, #tpu.memory_space<vmem>>
    %dma_start3A_230 = tpu.memref_slice %arg3[%add3A_227] : memref<327680xi32, #tpu.memory_space<hbm>> -> memref<512xi32, #tpu.memory_space<hbm>>
    %dma_start3A_231 = arith.constant 4096 : i32
    %dma_start3A_232 = tpu.memref_slice %arg10[%dma_start3A_231] : memref<10240xi32, #tpu.memory_space<vmem>> -> memref<512xi32, #tpu.memory_space<vmem>>
    %dma_start3A_233 = tpu.memref_slice %arg3[%add3A_227] : memref<327680xi32, #tpu.memory_space<hbm>> -> memref<512xi32, #tpu.memory_space<hbm>>
    tpu.enqueue_dma source(%dma_start3A_233 : memref<512xi32, #tpu.memory_space<hbm>>) target(%dma_start3A_232 : memref<512xi32, #tpu.memory_space<vmem>>) target_semaphore(%arg21 : memref<!tpu.dma_semaphore, #tpu.memory_space<semaphore_mem>>)
    %add3A_234 = arith.constant 147456 : i32
    %add3A_235 = arith.addi %add3A_234, %mul3A_2 : i32
    %dma_start3A_236 = arith.constant 4608 : i32
    %dma_start3A_237 = tpu.memref_slice %arg10[%dma_start3A_236] : memref<10240xi32, #tpu.memory_space<vmem>> -> memref<512xi32, #tpu.memory_space<vmem>>
    %dma_start3A_238 = tpu.memref_slice %arg3[%add3A_235] : memref<327680xi32, #tpu.memory_space<hbm>> -> memref<512xi32, #tpu.memory_space<hbm>>
    %dma_start3A_239 = arith.constant 4608 : i32
    %dma_start3A_240 = tpu.memref_slice %arg10[%dma_start3A_239] : memref<10240xi32, #tpu.memory_space<vmem>> -> memref<512xi32, #tpu.memory_space<vmem>>
    %dma_start3A_241 = tpu.memref_slice %arg3[%add3A_235] : memref<327680xi32, #tpu.memory_space<hbm>> -> memref<512xi32, #tpu.memory_space<hbm>>
    tpu.enqueue_dma source(%dma_start3A_241 : memref<512xi32, #tpu.memory_space<hbm>>) target(%dma_start3A_240 : memref<512xi32, #tpu.memory_space<vmem>>) target_semaphore(%arg21 : memref<!tpu.dma_semaphore, #tpu.memory_space<semaphore_mem>>)
    %add3A_242 = arith.constant 163840 : i32
    %add3A_243 = arith.addi %add3A_242, %mul3A_2 : i32
    %dma_start3A_244 = arith.constant 5120 : i32
    %dma_start3A_245 = tpu.memref_slice %arg10[%dma_start3A_244] : memref<10240xi32, #tpu.memory_space<vmem>> -> memref<512xi32, #tpu.memory_space<vmem>>
    %dma_start3A_246 = tpu.memref_slice %arg3[%add3A_243] : memref<327680xi32, #tpu.memory_space<hbm>> -> memref<512xi32, #tpu.memory_space<hbm>>
    %dma_start3A_247 = arith.constant 5120 : i32
    %dma_start3A_248 = tpu.memref_slice %arg10[%dma_start3A_247] : memref<10240xi32, #tpu.memory_space<vmem>> -> memref<512xi32, #tpu.memory_space<vmem>>
    %dma_start3A_249 = tpu.memref_slice %arg3[%add3A_243] : memref<327680xi32, #tpu.memory_space<hbm>> -> memref<512xi32, #tpu.memory_space<hbm>>
    tpu.enqueue_dma source(%dma_start3A_249 : memref<512xi32, #tpu.memory_space<hbm>>) target(%dma_start3A_248 : memref<512xi32, #tpu.memory_space<vmem>>) target_semaphore(%arg21 : memref<!tpu.dma_semaphore, #tpu.memory_space<semaphore_mem>>)
    %add3A_250 = arith.constant 180224 : i32
    %add3A_251 = arith.addi %add3A_250, %mul3A_2 : i32
    %dma_start3A_252 = arith.constant 5632 : i32
    %dma_start3A_253 = tpu.memref_slice %arg10[%dma_start3A_252] : memref<10240xi32, #tpu.memory_space<vmem>> -> memref<512xi32, #tpu.memory_space<vmem>>
    %dma_start3A_254 = tpu.memref_slice %arg3[%add3A_251] : memref<327680xi32, #tpu.memory_space<hbm>> -> memref<512xi32, #tpu.memory_space<hbm>>
    %dma_start3A_255 = arith.constant 5632 : i32
    %dma_start3A_256 = tpu.memref_slice %arg10[%dma_start3A_255] : memref<10240xi32, #tpu.memory_space<vmem>> -> memref<512xi32, #tpu.memory_space<vmem>>
    %dma_start3A_257 = tpu.memref_slice %arg3[%add3A_251] : memref<327680xi32, #tpu.memory_space<hbm>> -> memref<512xi32, #tpu.memory_space<hbm>>
    tpu.enqueue_dma source(%dma_start3A_257 : memref<512xi32, #tpu.memory_space<hbm>>) target(%dma_start3A_256 : memref<512xi32, #tpu.memory_space<vmem>>) target_semaphore(%arg21 : memref<!tpu.dma_semaphore, #tpu.memory_space<semaphore_mem>>)
    %add3A_258 = arith.constant 196608 : i32
    %add3A_259 = arith.addi %add3A_258, %mul3A_2 : i32
    %dma_start3A_260 = arith.constant 6144 : i32
    %dma_start3A_261 = tpu.memref_slice %arg10[%dma_start3A_260] : memref<10240xi32, #tpu.memory_space<vmem>> -> memref<512xi32, #tpu.memory_space<vmem>>
    %dma_start3A_262 = tpu.memref_slice %arg3[%add3A_259] : memref<327680xi32, #tpu.memory_space<hbm>> -> memref<512xi32, #tpu.memory_space<hbm>>
    %dma_start3A_263 = arith.constant 6144 : i32
    %dma_start3A_264 = tpu.memref_slice %arg10[%dma_start3A_263] : memref<10240xi32, #tpu.memory_space<vmem>> -> memref<512xi32, #tpu.memory_space<vmem>>
    %dma_start3A_265 = tpu.memref_slice %arg3[%add3A_259] : memref<327680xi32, #tpu.memory_space<hbm>> -> memref<512xi32, #tpu.memory_space<hbm>>
    tpu.enqueue_dma source(%dma_start3A_265 : memref<512xi32, #tpu.memory_space<hbm>>) target(%dma_start3A_264 : memref<512xi32, #tpu.memory_space<vmem>>) target_semaphore(%arg21 : memref<!tpu.dma_semaphore, #tpu.memory_space<semaphore_mem>>)
    %add3A_266 = arith.constant 212992 : i32
    %add3A_267 = arith.addi %add3A_266, %mul3A_2 : i32
    %dma_start3A_268 = arith.constant 6656 : i32
    %dma_start3A_269 = tpu.memref_slice %arg10[%dma_start3A_268] : memref<10240xi32, #tpu.memory_space<vmem>> -> memref<512xi32, #tpu.memory_space<vmem>>
    %dma_start3A_270 = tpu.memref_slice %arg3[%add3A_267] : memref<327680xi32, #tpu.memory_space<hbm>> -> memref<512xi32, #tpu.memory_space<hbm>>
    %dma_start3A_271 = arith.constant 6656 : i32
    %dma_start3A_272 = tpu.memref_slice %arg10[%dma_start3A_271] : memref<10240xi32, #tpu.memory_space<vmem>> -> memref<512xi32, #tpu.memory_space<vmem>>
    %dma_start3A_273 = tpu.memref_slice %arg3[%add3A_267] : memref<327680xi32, #tpu.memory_space<hbm>> -> memref<512xi32, #tpu.memory_space<hbm>>
    tpu.enqueue_dma source(%dma_start3A_273 : memref<512xi32, #tpu.memory_space<hbm>>) target(%dma_start3A_272 : memref<512xi32, #tpu.memory_space<vmem>>) target_semaphore(%arg21 : memref<!tpu.dma_semaphore, #tpu.memory_space<semaphore_mem>>)
    %add3A_274 = arith.constant 229376 : i32
    %add3A_275 = arith.addi %add3A_274, %mul3A_2 : i32
    %dma_start3A_276 = arith.constant 7168 : i32
    %dma_start3A_277 = tpu.memref_slice %arg10[%dma_start3A_276] : memref<10240xi32, #tpu.memory_space<vmem>> -> memref<512xi32, #tpu.memory_space<vmem>>
    %dma_start3A_278 = tpu.memref_slice %arg3[%add3A_275] : memref<327680xi32, #tpu.memory_space<hbm>> -> memref<512xi32, #tpu.memory_space<hbm>>
    %dma_start3A_279 = arith.constant 7168 : i32
    %dma_start3A_280 = tpu.memref_slice %arg10[%dma_start3A_279] : memref<10240xi32, #tpu.memory_space<vmem>> -> memref<512xi32, #tpu.memory_space<vmem>>
    %dma_start3A_281 = tpu.memref_slice %arg3[%add3A_275] : memref<327680xi32, #tpu.memory_space<hbm>> -> memref<512xi32, #tpu.memory_space<hbm>>
    tpu.enqueue_dma source(%dma_start3A_281 : memref<512xi32, #tpu.memory_space<hbm>>) target(%dma_start3A_280 : memref<512xi32, #tpu.memory_space<vmem>>) target_semaphore(%arg21 : memref<!tpu.dma_semaphore, #tpu.memory_space<semaphore_mem>>)
    %add3A_282 = arith.constant 245760 : i32
    %add3A_283 = arith.addi %add3A_282, %mul3A_2 : i32
    %dma_start3A_284 = arith.constant 7680 : i32
    %dma_start3A_285 = tpu.memref_slice %arg10[%dma_start3A_284] : memref<10240xi32, #tpu.memory_space<vmem>> -> memref<512xi32, #tpu.memory_space<vmem>>
    %dma_start3A_286 = tpu.memref_slice %arg3[%add3A_283] : memref<327680xi32, #tpu.memory_space<hbm>> -> memref<512xi32, #tpu.memory_space<hbm>>
    %dma_start3A_287 = arith.constant 7680 : i32
    %dma_start3A_288 = tpu.memref_slice %arg10[%dma_start3A_287] : memref<10240xi32, #tpu.memory_space<vmem>> -> memref<512xi32, #tpu.memory_space<vmem>>
    %dma_start3A_289 = tpu.memref_slice %arg3[%add3A_283] : memref<327680xi32, #tpu.memory_space<hbm>> -> memref<512xi32, #tpu.memory_space<hbm>>
    tpu.enqueue_dma source(%dma_start3A_289 : memref<512xi32, #tpu.memory_space<hbm>>) target(%dma_start3A_288 : memref<512xi32, #tpu.memory_space<vmem>>) target_semaphore(%arg21 : memref<!tpu.dma_semaphore, #tpu.memory_space<semaphore_mem>>)
    %add3A_290 = arith.constant 262144 : i32
    %add3A_291 = arith.addi %add3A_290, %mul3A_2 : i32
    %dma_start3A_292 = arith.constant 8192 : i32
    %dma_start3A_293 = tpu.memref_slice %arg10[%dma_start3A_292] : memref<10240xi32, #tpu.memory_space<vmem>> -> memref<512xi32, #tpu.memory_space<vmem>>
    %dma_start3A_294 = tpu.memref_slice %arg3[%add3A_291] : memref<327680xi32, #tpu.memory_space<hbm>> -> memref<512xi32, #tpu.memory_space<hbm>>
    %dma_start3A_295 = arith.constant 8192 : i32
    %dma_start3A_296 = tpu.memref_slice %arg10[%dma_start3A_295] : memref<10240xi32, #tpu.memory_space<vmem>> -> memref<512xi32, #tpu.memory_space<vmem>>
    %dma_start3A_297 = tpu.memref_slice %arg3[%add3A_291] : memref<327680xi32, #tpu.memory_space<hbm>> -> memref<512xi32, #tpu.memory_space<hbm>>
    tpu.enqueue_dma source(%dma_start3A_297 : memref<512xi32, #tpu.memory_space<hbm>>) target(%dma_start3A_296 : memref<512xi32, #tpu.memory_space<vmem>>) target_semaphore(%arg21 : memref<!tpu.dma_semaphore, #tpu.memory_space<semaphore_mem>>)
    %add3A_298 = arith.constant 278528 : i32
    %add3A_299 = arith.addi %add3A_298, %mul3A_2 : i32
    %dma_start3A_300 = arith.constant 8704 : i32
    %dma_start3A_301 = tpu.memref_slice %arg10[%dma_start3A_300] : memref<10240xi32, #tpu.memory_space<vmem>> -> memref<512xi32, #tpu.memory_space<vmem>>
    %dma_start3A_302 = tpu.memref_slice %arg3[%add3A_299] : memref<327680xi32, #tpu.memory_space<hbm>> -> memref<512xi32, #tpu.memory_space<hbm>>
    %dma_start3A_303 = arith.constant 8704 : i32
    %dma_start3A_304 = tpu.memref_slice %arg10[%dma_start3A_303] : memref<10240xi32, #tpu.memory_space<vmem>> -> memref<512xi32, #tpu.memory_space<vmem>>
    %dma_start3A_305 = tpu.memref_slice %arg3[%add3A_299] : memref<327680xi32, #tpu.memory_space<hbm>> -> memref<512xi32, #tpu.memory_space<hbm>>
    tpu.enqueue_dma source(%dma_start3A_305 : memref<512xi32, #tpu.memory_space<hbm>>) target(%dma_start3A_304 : memref<512xi32, #tpu.memory_space<vmem>>) target_semaphore(%arg21 : memref<!tpu.dma_semaphore, #tpu.memory_space<semaphore_mem>>)
    %add3A_306 = arith.constant 294912 : i32
    %add3A_307 = arith.addi %add3A_306, %mul3A_2 : i32
    %dma_start3A_308 = arith.constant 9216 : i32
    %dma_start3A_309 = tpu.memref_slice %arg10[%dma_start3A_308] : memref<10240xi32, #tpu.memory_space<vmem>> -> memref<512xi32, #tpu.memory_space<vmem>>
    %dma_start3A_310 = tpu.memref_slice %arg3[%add3A_307] : memref<327680xi32, #tpu.memory_space<hbm>> -> memref<512xi32, #tpu.memory_space<hbm>>
    %dma_start3A_311 = arith.constant 9216 : i32
    %dma_start3A_312 = tpu.memref_slice %arg10[%dma_start3A_311] : memref<10240xi32, #tpu.memory_space<vmem>> -> memref<512xi32, #tpu.memory_space<vmem>>
    %dma_start3A_313 = tpu.memref_slice %arg3[%add3A_307] : memref<327680xi32, #tpu.memory_space<hbm>> -> memref<512xi32, #tpu.memory_space<hbm>>
    tpu.enqueue_dma source(%dma_start3A_313 : memref<512xi32, #tpu.memory_space<hbm>>) target(%dma_start3A_312 : memref<512xi32, #tpu.memory_space<vmem>>) target_semaphore(%arg21 : memref<!tpu.dma_semaphore, #tpu.memory_space<semaphore_mem>>)
    %add3A_314 = arith.constant 311296 : i32
    %add3A_315 = arith.addi %add3A_314, %mul3A_2 : i32
    %dma_start3A_316 = arith.constant 9728 : i32
    %dma_start3A_317 = tpu.memref_slice %arg10[%dma_start3A_316] : memref<10240xi32, #tpu.memory_space<vmem>> -> memref<512xi32, #tpu.memory_space<vmem>>
    %dma_start3A_318 = tpu.memref_slice %arg3[%add3A_315] : memref<327680xi32, #tpu.memory_space<hbm>> -> memref<512xi32, #tpu.memory_space<hbm>>
    %dma_start3A_319 = arith.constant 9728 : i32
    %dma_start3A_320 = tpu.memref_slice %arg10[%dma_start3A_319] : memref<10240xi32, #tpu.memory_space<vmem>> -> memref<512xi32, #tpu.memory_space<vmem>>
    %dma_start3A_321 = tpu.memref_slice %arg3[%add3A_315] : memref<327680xi32, #tpu.memory_space<hbm>> -> memref<512xi32, #tpu.memory_space<hbm>>
    tpu.enqueue_dma source(%dma_start3A_321 : memref<512xi32, #tpu.memory_space<hbm>>) target(%dma_start3A_320 : memref<512xi32, #tpu.memory_space<vmem>>) target_semaphore(%arg21 : memref<!tpu.dma_semaphore, #tpu.memory_space<semaphore_mem>>)
    %add3A_322 = arith.constant 0 : i32
    %add3A_323 = arith.addi %add3A_322, %mul3A_2 : i32
    %dma_start3A_324 = arith.constant 0 : i32
    %dma_start3A_325 = tpu.memref_slice %arg11[%dma_start3A_324] : memref<10240xi32, #tpu.memory_space<vmem>> -> memref<512xi32, #tpu.memory_space<vmem>>
    %dma_start3A_326 = tpu.memref_slice %arg4[%add3A_323] : memref<327680xi32, #tpu.memory_space<hbm>> -> memref<512xi32, #tpu.memory_space<hbm>>
    %dma_start3A_327 = arith.constant 0 : i32
    %dma_start3A_328 = tpu.memref_slice %arg11[%dma_start3A_327] : memref<10240xi32, #tpu.memory_space<vmem>> -> memref<512xi32, #tpu.memory_space<vmem>>
    %dma_start3A_329 = tpu.memref_slice %arg4[%add3A_323] : memref<327680xi32, #tpu.memory_space<hbm>> -> memref<512xi32, #tpu.memory_space<hbm>>
    tpu.enqueue_dma source(%dma_start3A_329 : memref<512xi32, #tpu.memory_space<hbm>>) target(%dma_start3A_328 : memref<512xi32, #tpu.memory_space<vmem>>) target_semaphore(%arg22 : memref<!tpu.dma_semaphore, #tpu.memory_space<semaphore_mem>>)
    %add3A_330 = arith.constant 16384 : i32
    %add3A_331 = arith.addi %add3A_330, %mul3A_2 : i32
    %dma_start3A_332 = arith.constant 512 : i32
    %dma_start3A_333 = tpu.memref_slice %arg11[%dma_start3A_332] : memref<10240xi32, #tpu.memory_space<vmem>> -> memref<512xi32, #tpu.memory_space<vmem>>
    %dma_start3A_334 = tpu.memref_slice %arg4[%add3A_331] : memref<327680xi32, #tpu.memory_space<hbm>> -> memref<512xi32, #tpu.memory_space<hbm>>
    %dma_start3A_335 = arith.constant 512 : i32
    %dma_start3A_336 = tpu.memref_slice %arg11[%dma_start3A_335] : memref<10240xi32, #tpu.memory_space<vmem>> -> memref<512xi32, #tpu.memory_space<vmem>>
    %dma_start3A_337 = tpu.memref_slice %arg4[%add3A_331] : memref<327680xi32, #tpu.memory_space<hbm>> -> memref<512xi32, #tpu.memory_space<hbm>>
    tpu.enqueue_dma source(%dma_start3A_337 : memref<512xi32, #tpu.memory_space<hbm>>) target(%dma_start3A_336 : memref<512xi32, #tpu.memory_space<vmem>>) target_semaphore(%arg22 : memref<!tpu.dma_semaphore, #tpu.memory_space<semaphore_mem>>)
    %add3A_338 = arith.constant 32768 : i32
    %add3A_339 = arith.addi %add3A_338, %mul3A_2 : i32
    %dma_start3A_340 = arith.constant 1024 : i32
    %dma_start3A_341 = tpu.memref_slice %arg11[%dma_start3A_340] : memref<10240xi32, #tpu.memory_space<vmem>> -> memref<512xi32, #tpu.memory_space<vmem>>
    %dma_start3A_342 = tpu.memref_slice %arg4[%add3A_339] : memref<327680xi32, #tpu.memory_space<hbm>> -> memref<512xi32, #tpu.memory_space<hbm>>
    %dma_start3A_343 = arith.constant 1024 : i32
    %dma_start3A_344 = tpu.memref_slice %arg11[%dma_start3A_343] : memref<10240xi32, #tpu.memory_space<vmem>> -> memref<512xi32, #tpu.memory_space<vmem>>
    %dma_start3A_345 = tpu.memref_slice %arg4[%add3A_339] : memref<327680xi32, #tpu.memory_space<hbm>> -> memref<512xi32, #tpu.memory_space<hbm>>
    tpu.enqueue_dma source(%dma_start3A_345 : memref<512xi32, #tpu.memory_space<hbm>>) target(%dma_start3A_344 : memref<512xi32, #tpu.memory_space<vmem>>) target_semaphore(%arg22 : memref<!tpu.dma_semaphore, #tpu.memory_space<semaphore_mem>>)
    %add3A_346 = arith.constant 49152 : i32
    %add3A_347 = arith.addi %add3A_346, %mul3A_2 : i32
    %dma_start3A_348 = arith.constant 1536 : i32
    %dma_start3A_349 = tpu.memref_slice %arg11[%dma_start3A_348] : memref<10240xi32, #tpu.memory_space<vmem>> -> memref<512xi32, #tpu.memory_space<vmem>>
    %dma_start3A_350 = tpu.memref_slice %arg4[%add3A_347] : memref<327680xi32, #tpu.memory_space<hbm>> -> memref<512xi32, #tpu.memory_space<hbm>>
    %dma_start3A_351 = arith.constant 1536 : i32
    %dma_start3A_352 = tpu.memref_slice %arg11[%dma_start3A_351] : memref<10240xi32, #tpu.memory_space<vmem>> -> memref<512xi32, #tpu.memory_space<vmem>>
    %dma_start3A_353 = tpu.memref_slice %arg4[%add3A_347] : memref<327680xi32, #tpu.memory_space<hbm>> -> memref<512xi32, #tpu.memory_space<hbm>>
    tpu.enqueue_dma source(%dma_start3A_353 : memref<512xi32, #tpu.memory_space<hbm>>) target(%dma_start3A_352 : memref<512xi32, #tpu.memory_space<vmem>>) target_semaphore(%arg22 : memref<!tpu.dma_semaphore, #tpu.memory_space<semaphore_mem>>)
    %add3A_354 = arith.constant 65536 : i32
    %add3A_355 = arith.addi %add3A_354, %mul3A_2 : i32
    %dma_start3A_356 = arith.constant 2048 : i32
    %dma_start3A_357 = tpu.memref_slice %arg11[%dma_start3A_356] : memref<10240xi32, #tpu.memory_space<vmem>> -> memref<512xi32, #tpu.memory_space<vmem>>
    %dma_start3A_358 = tpu.memref_slice %arg4[%add3A_355] : memref<327680xi32, #tpu.memory_space<hbm>> -> memref<512xi32, #tpu.memory_space<hbm>>
    %dma_start3A_359 = arith.constant 2048 : i32
    %dma_start3A_360 = tpu.memref_slice %arg11[%dma_start3A_359] : memref<10240xi32, #tpu.memory_space<vmem>> -> memref<512xi32, #tpu.memory_space<vmem>>
    %dma_start3A_361 = tpu.memref_slice %arg4[%add3A_355] : memref<327680xi32, #tpu.memory_space<hbm>> -> memref<512xi32, #tpu.memory_space<hbm>>
    tpu.enqueue_dma source(%dma_start3A_361 : memref<512xi32, #tpu.memory_space<hbm>>) target(%dma_start3A_360 : memref<512xi32, #tpu.memory_space<vmem>>) target_semaphore(%arg22 : memref<!tpu.dma_semaphore, #tpu.memory_space<semaphore_mem>>)
    %add3A_362 = arith.constant 81920 : i32
    %add3A_363 = arith.addi %add3A_362, %mul3A_2 : i32
    %dma_start3A_364 = arith.constant 2560 : i32
    %dma_start3A_365 = tpu.memref_slice %arg11[%dma_start3A_364] : memref<10240xi32, #tpu.memory_space<vmem>> -> memref<512xi32, #tpu.memory_space<vmem>>
    %dma_start3A_366 = tpu.memref_slice %arg4[%add3A_363] : memref<327680xi32, #tpu.memory_space<hbm>> -> memref<512xi32, #tpu.memory_space<hbm>>
    %dma_start3A_367 = arith.constant 2560 : i32
    %dma_start3A_368 = tpu.memref_slice %arg11[%dma_start3A_367] : memref<10240xi32, #tpu.memory_space<vmem>> -> memref<512xi32, #tpu.memory_space<vmem>>
    %dma_start3A_369 = tpu.memref_slice %arg4[%add3A_363] : memref<327680xi32, #tpu.memory_space<hbm>> -> memref<512xi32, #tpu.memory_space<hbm>>
    tpu.enqueue_dma source(%dma_start3A_369 : memref<512xi32, #tpu.memory_space<hbm>>) target(%dma_start3A_368 : memref<512xi32, #tpu.memory_space<vmem>>) target_semaphore(%arg22 : memref<!tpu.dma_semaphore, #tpu.memory_space<semaphore_mem>>)
    %add3A_370 = arith.constant 98304 : i32
    %add3A_371 = arith.addi %add3A_370, %mul3A_2 : i32
    %dma_start3A_372 = arith.constant 3072 : i32
    %dma_start3A_373 = tpu.memref_slice %arg11[%dma_start3A_372] : memref<10240xi32, #tpu.memory_space<vmem>> -> memref<512xi32, #tpu.memory_space<vmem>>
    %dma_start3A_374 = tpu.memref_slice %arg4[%add3A_371] : memref<327680xi32, #tpu.memory_space<hbm>> -> memref<512xi32, #tpu.memory_space<hbm>>
    %dma_start3A_375 = arith.constant 3072 : i32
    %dma_start3A_376 = tpu.memref_slice %arg11[%dma_start3A_375] : memref<10240xi32, #tpu.memory_space<vmem>> -> memref<512xi32, #tpu.memory_space<vmem>>
    %dma_start3A_377 = tpu.memref_slice %arg4[%add3A_371] : memref<327680xi32, #tpu.memory_space<hbm>> -> memref<512xi32, #tpu.memory_space<hbm>>
    tpu.enqueue_dma source(%dma_start3A_377 : memref<512xi32, #tpu.memory_space<hbm>>) target(%dma_start3A_376 : memref<512xi32, #tpu.memory_space<vmem>>) target_semaphore(%arg22 : memref<!tpu.dma_semaphore, #tpu.memory_space<semaphore_mem>>)
    %add3A_378 = arith.constant 114688 : i32
    %add3A_379 = arith.addi %add3A_378, %mul3A_2 : i32
    %dma_start3A_380 = arith.constant 3584 : i32
    %dma_start3A_381 = tpu.memref_slice %arg11[%dma_start3A_380] : memref<10240xi32, #tpu.memory_space<vmem>> -> memref<512xi32, #tpu.memory_space<vmem>>
    %dma_start3A_382 = tpu.memref_slice %arg4[%add3A_379] : memref<327680xi32, #tpu.memory_space<hbm>> -> memref<512xi32, #tpu.memory_space<hbm>>
    %dma_start3A_383 = arith.constant 3584 : i32
    %dma_start3A_384 = tpu.memref_slice %arg11[%dma_start3A_383] : memref<10240xi32, #tpu.memory_space<vmem>> -> memref<512xi32, #tpu.memory_space<vmem>>
    %dma_start3A_385 = tpu.memref_slice %arg4[%add3A_379] : memref<327680xi32, #tpu.memory_space<hbm>> -> memref<512xi32, #tpu.memory_space<hbm>>
    tpu.enqueue_dma source(%dma_start3A_385 : memref<512xi32, #tpu.memory_space<hbm>>) target(%dma_start3A_384 : memref<512xi32, #tpu.memory_space<vmem>>) target_semaphore(%arg22 : memref<!tpu.dma_semaphore, #tpu.memory_space<semaphore_mem>>)
    %add3A_386 = arith.constant 131072 : i32
    %add3A_387 = arith.addi %add3A_386, %mul3A_2 : i32
    %dma_start3A_388 = arith.constant 4096 : i32
    %dma_start3A_389 = tpu.memref_slice %arg11[%dma_start3A_388] : memref<10240xi32, #tpu.memory_space<vmem>> -> memref<512xi32, #tpu.memory_space<vmem>>
    %dma_start3A_390 = tpu.memref_slice %arg4[%add3A_387] : memref<327680xi32, #tpu.memory_space<hbm>> -> memref<512xi32, #tpu.memory_space<hbm>>
    %dma_start3A_391 = arith.constant 4096 : i32
    %dma_start3A_392 = tpu.memref_slice %arg11[%dma_start3A_391] : memref<10240xi32, #tpu.memory_space<vmem>> -> memref<512xi32, #tpu.memory_space<vmem>>
    %dma_start3A_393 = tpu.memref_slice %arg4[%add3A_387] : memref<327680xi32, #tpu.memory_space<hbm>> -> memref<512xi32, #tpu.memory_space<hbm>>
    tpu.enqueue_dma source(%dma_start3A_393 : memref<512xi32, #tpu.memory_space<hbm>>) target(%dma_start3A_392 : memref<512xi32, #tpu.memory_space<vmem>>) target_semaphore(%arg22 : memref<!tpu.dma_semaphore, #tpu.memory_space<semaphore_mem>>)
    %add3A_394 = arith.constant 147456 : i32
    %add3A_395 = arith.addi %add3A_394, %mul3A_2 : i32
    %dma_start3A_396 = arith.constant 4608 : i32
    %dma_start3A_397 = tpu.memref_slice %arg11[%dma_start3A_396] : memref<10240xi32, #tpu.memory_space<vmem>> -> memref<512xi32, #tpu.memory_space<vmem>>
    %dma_start3A_398 = tpu.memref_slice %arg4[%add3A_395] : memref<327680xi32, #tpu.memory_space<hbm>> -> memref<512xi32, #tpu.memory_space<hbm>>
    %dma_start3A_399 = arith.constant 4608 : i32
    %dma_start3A_400 = tpu.memref_slice %arg11[%dma_start3A_399] : memref<10240xi32, #tpu.memory_space<vmem>> -> memref<512xi32, #tpu.memory_space<vmem>>
    %dma_start3A_401 = tpu.memref_slice %arg4[%add3A_395] : memref<327680xi32, #tpu.memory_space<hbm>> -> memref<512xi32, #tpu.memory_space<hbm>>
    tpu.enqueue_dma source(%dma_start3A_401 : memref<512xi32, #tpu.memory_space<hbm>>) target(%dma_start3A_400 : memref<512xi32, #tpu.memory_space<vmem>>) target_semaphore(%arg22 : memref<!tpu.dma_semaphore, #tpu.memory_space<semaphore_mem>>)
    %add3A_402 = arith.constant 163840 : i32
    %add3A_403 = arith.addi %add3A_402, %mul3A_2 : i32
    %dma_start3A_404 = arith.constant 5120 : i32
    %dma_start3A_405 = tpu.memref_slice %arg11[%dma_start3A_404] : memref<10240xi32, #tpu.memory_space<vmem>> -> memref<512xi32, #tpu.memory_space<vmem>>
    %dma_start3A_406 = tpu.memref_slice %arg4[%add3A_403] : memref<327680xi32, #tpu.memory_space<hbm>> -> memref<512xi32, #tpu.memory_space<hbm>>
    %dma_start3A_407 = arith.constant 5120 : i32
    %dma_start3A_408 = tpu.memref_slice %arg11[%dma_start3A_407] : memref<10240xi32, #tpu.memory_space<vmem>> -> memref<512xi32, #tpu.memory_space<vmem>>
    %dma_start3A_409 = tpu.memref_slice %arg4[%add3A_403] : memref<327680xi32, #tpu.memory_space<hbm>> -> memref<512xi32, #tpu.memory_space<hbm>>
    tpu.enqueue_dma source(%dma_start3A_409 : memref<512xi32, #tpu.memory_space<hbm>>) target(%dma_start3A_408 : memref<512xi32, #tpu.memory_space<vmem>>) target_semaphore(%arg22 : memref<!tpu.dma_semaphore, #tpu.memory_space<semaphore_mem>>)
    %add3A_410 = arith.constant 180224 : i32
    %add3A_411 = arith.addi %add3A_410, %mul3A_2 : i32
    %dma_start3A_412 = arith.constant 5632 : i32
    %dma_start3A_413 = tpu.memref_slice %arg11[%dma_start3A_412] : memref<10240xi32, #tpu.memory_space<vmem>> -> memref<512xi32, #tpu.memory_space<vmem>>
    %dma_start3A_414 = tpu.memref_slice %arg4[%add3A_411] : memref<327680xi32, #tpu.memory_space<hbm>> -> memref<512xi32, #tpu.memory_space<hbm>>
    %dma_start3A_415 = arith.constant 5632 : i32
    %dma_start3A_416 = tpu.memref_slice %arg11[%dma_start3A_415] : memref<10240xi32, #tpu.memory_space<vmem>> -> memref<512xi32, #tpu.memory_space<vmem>>
    %dma_start3A_417 = tpu.memref_slice %arg4[%add3A_411] : memref<327680xi32, #tpu.memory_space<hbm>> -> memref<512xi32, #tpu.memory_space<hbm>>
    tpu.enqueue_dma source(%dma_start3A_417 : memref<512xi32, #tpu.memory_space<hbm>>) target(%dma_start3A_416 : memref<512xi32, #tpu.memory_space<vmem>>) target_semaphore(%arg22 : memref<!tpu.dma_semaphore, #tpu.memory_space<semaphore_mem>>)
    %add3A_418 = arith.constant 196608 : i32
    %add3A_419 = arith.addi %add3A_418, %mul3A_2 : i32
    %dma_start3A_420 = arith.constant 6144 : i32
    %dma_start3A_421 = tpu.memref_slice %arg11[%dma_start3A_420] : memref<10240xi32, #tpu.memory_space<vmem>> -> memref<512xi32, #tpu.memory_space<vmem>>
    %dma_start3A_422 = tpu.memref_slice %arg4[%add3A_419] : memref<327680xi32, #tpu.memory_space<hbm>> -> memref<512xi32, #tpu.memory_space<hbm>>
    %dma_start3A_423 = arith.constant 6144 : i32
    %dma_start3A_424 = tpu.memref_slice %arg11[%dma_start3A_423] : memref<10240xi32, #tpu.memory_space<vmem>> -> memref<512xi32, #tpu.memory_space<vmem>>
    %dma_start3A_425 = tpu.memref_slice %arg4[%add3A_419] : memref<327680xi32, #tpu.memory_space<hbm>> -> memref<512xi32, #tpu.memory_space<hbm>>
    tpu.enqueue_dma source(%dma_start3A_425 : memref<512xi32, #tpu.memory_space<hbm>>) target(%dma_start3A_424 : memref<512xi32, #tpu.memory_space<vmem>>) target_semaphore(%arg22 : memref<!tpu.dma_semaphore, #tpu.memory_space<semaphore_mem>>)
    %add3A_426 = arith.constant 212992 : i32
    %add3A_427 = arith.addi %add3A_426, %mul3A_2 : i32
    %dma_start3A_428 = arith.constant 6656 : i32
    %dma_start3A_429 = tpu.memref_slice %arg11[%dma_start3A_428] : memref<10240xi32, #tpu.memory_space<vmem>> -> memref<512xi32, #tpu.memory_space<vmem>>
    %dma_start3A_430 = tpu.memref_slice %arg4[%add3A_427] : memref<327680xi32, #tpu.memory_space<hbm>> -> memref<512xi32, #tpu.memory_space<hbm>>
    %dma_start3A_431 = arith.constant 6656 : i32
    %dma_start3A_432 = tpu.memref_slice %arg11[%dma_start3A_431] : memref<10240xi32, #tpu.memory_space<vmem>> -> memref<512xi32, #tpu.memory_space<vmem>>
    %dma_start3A_433 = tpu.memref_slice %arg4[%add3A_427] : memref<327680xi32, #tpu.memory_space<hbm>> -> memref<512xi32, #tpu.memory_space<hbm>>
    tpu.enqueue_dma source(%dma_start3A_433 : memref<512xi32, #tpu.memory_space<hbm>>) target(%dma_start3A_432 : memref<512xi32, #tpu.memory_space<vmem>>) target_semaphore(%arg22 : memref<!tpu.dma_semaphore, #tpu.memory_space<semaphore_mem>>)
    %add3A_434 = arith.constant 229376 : i32
    %add3A_435 = arith.addi %add3A_434, %mul3A_2 : i32
    %dma_start3A_436 = arith.constant 7168 : i32
    %dma_start3A_437 = tpu.memref_slice %arg11[%dma_start3A_436] : memref<10240xi32, #tpu.memory_space<vmem>> -> memref<512xi32, #tpu.memory_space<vmem>>
    %dma_start3A_438 = tpu.memref_slice %arg4[%add3A_435] : memref<327680xi32, #tpu.memory_space<hbm>> -> memref<512xi32, #tpu.memory_space<hbm>>
    %dma_start3A_439 = arith.constant 7168 : i32
    %dma_start3A_440 = tpu.memref_slice %arg11[%dma_start3A_439] : memref<10240xi32, #tpu.memory_space<vmem>> -> memref<512xi32, #tpu.memory_space<vmem>>
    %dma_start3A_441 = tpu.memref_slice %arg4[%add3A_435] : memref<327680xi32, #tpu.memory_space<hbm>> -> memref<512xi32, #tpu.memory_space<hbm>>
    tpu.enqueue_dma source(%dma_start3A_441 : memref<512xi32, #tpu.memory_space<hbm>>) target(%dma_start3A_440 : memref<512xi32, #tpu.memory_space<vmem>>) target_semaphore(%arg22 : memref<!tpu.dma_semaphore, #tpu.memory_space<semaphore_mem>>)
    %add3A_442 = arith.constant 245760 : i32
    %add3A_443 = arith.addi %add3A_442, %mul3A_2 : i32
    %dma_start3A_444 = arith.constant 7680 : i32
    %dma_start3A_445 = tpu.memref_slice %arg11[%dma_start3A_444] : memref<10240xi32, #tpu.memory_space<vmem>> -> memref<512xi32, #tpu.memory_space<vmem>>
    %dma_start3A_446 = tpu.memref_slice %arg4[%add3A_443] : memref<327680xi32, #tpu.memory_space<hbm>> -> memref<512xi32, #tpu.memory_space<hbm>>
    %dma_start3A_447 = arith.constant 7680 : i32
    %dma_start3A_448 = tpu.memref_slice %arg11[%dma_start3A_447] : memref<10240xi32, #tpu.memory_space<vmem>> -> memref<512xi32, #tpu.memory_space<vmem>>
    %dma_start3A_449 = tpu.memref_slice %arg4[%add3A_443] : memref<327680xi32, #tpu.memory_space<hbm>> -> memref<512xi32, #tpu.memory_space<hbm>>
    tpu.enqueue_dma source(%dma_start3A_449 : memref<512xi32, #tpu.memory_space<hbm>>) target(%dma_start3A_448 : memref<512xi32, #tpu.memory_space<vmem>>) target_semaphore(%arg22 : memref<!tpu.dma_semaphore, #tpu.memory_space<semaphore_mem>>)
    %add3A_450 = arith.constant 262144 : i32
    %add3A_451 = arith.addi %add3A_450, %mul3A_2 : i32
    %dma_start3A_452 = arith.constant 8192 : i32
    %dma_start3A_453 = tpu.memref_slice %arg11[%dma_start3A_452] : memref<10240xi32, #tpu.memory_space<vmem>> -> memref<512xi32, #tpu.memory_space<vmem>>
    %dma_start3A_454 = tpu.memref_slice %arg4[%add3A_451] : memref<327680xi32, #tpu.memory_space<hbm>> -> memref<512xi32, #tpu.memory_space<hbm>>
    %dma_start3A_455 = arith.constant 8192 : i32
    %dma_start3A_456 = tpu.memref_slice %arg11[%dma_start3A_455] : memref<10240xi32, #tpu.memory_space<vmem>> -> memref<512xi32, #tpu.memory_space<vmem>>
    %dma_start3A_457 = tpu.memref_slice %arg4[%add3A_451] : memref<327680xi32, #tpu.memory_space<hbm>> -> memref<512xi32, #tpu.memory_space<hbm>>
    tpu.enqueue_dma source(%dma_start3A_457 : memref<512xi32, #tpu.memory_space<hbm>>) target(%dma_start3A_456 : memref<512xi32, #tpu.memory_space<vmem>>) target_semaphore(%arg22 : memref<!tpu.dma_semaphore, #tpu.memory_space<semaphore_mem>>)
    %add3A_458 = arith.constant 278528 : i32
    %add3A_459 = arith.addi %add3A_458, %mul3A_2 : i32
    %dma_start3A_460 = arith.constant 8704 : i32
    %dma_start3A_461 = tpu.memref_slice %arg11[%dma_start3A_460] : memref<10240xi32, #tpu.memory_space<vmem>> -> memref<512xi32, #tpu.memory_space<vmem>>
    %dma_start3A_462 = tpu.memref_slice %arg4[%add3A_459] : memref<327680xi32, #tpu.memory_space<hbm>> -> memref<512xi32, #tpu.memory_space<hbm>>
    %dma_start3A_463 = arith.constant 8704 : i32
    %dma_start3A_464 = tpu.memref_slice %arg11[%dma_start3A_463] : memref<10240xi32, #tpu.memory_space<vmem>> -> memref<512xi32, #tpu.memory_space<vmem>>
    %dma_start3A_465 = tpu.memref_slice %arg4[%add3A_459] : memref<327680xi32, #tpu.memory_space<hbm>> -> memref<512xi32, #tpu.memory_space<hbm>>
    tpu.enqueue_dma source(%dma_start3A_465 : memref<512xi32, #tpu.memory_space<hbm>>) target(%dma_start3A_464 : memref<512xi32, #tpu.memory_space<vmem>>) target_semaphore(%arg22 : memref<!tpu.dma_semaphore, #tpu.memory_space<semaphore_mem>>)
    %add3A_466 = arith.constant 294912 : i32
    %add3A_467 = arith.addi %add3A_466, %mul3A_2 : i32
    %dma_start3A_468 = arith.constant 9216 : i32
    %dma_start3A_469 = tpu.memref_slice %arg11[%dma_start3A_468] : memref<10240xi32, #tpu.memory_space<vmem>> -> memref<512xi32, #tpu.memory_space<vmem>>
    %dma_start3A_470 = tpu.memref_slice %arg4[%add3A_467] : memref<327680xi32, #tpu.memory_space<hbm>> -> memref<512xi32, #tpu.memory_space<hbm>>
    %dma_start3A_471 = arith.constant 9216 : i32
    %dma_start3A_472 = tpu.memref_slice %arg11[%dma_start3A_471] : memref<10240xi32, #tpu.memory_space<vmem>> -> memref<512xi32, #tpu.memory_space<vmem>>
    %dma_start3A_473 = tpu.memref_slice %arg4[%add3A_467] : memref<327680xi32, #tpu.memory_space<hbm>> -> memref<512xi32, #tpu.memory_space<hbm>>
    tpu.enqueue_dma source(%dma_start3A_473 : memref<512xi32, #tpu.memory_space<hbm>>) target(%dma_start3A_472 : memref<512xi32, #tpu.memory_space<vmem>>) target_semaphore(%arg22 : memref<!tpu.dma_semaphore, #tpu.memory_space<semaphore_mem>>)
    %add3A_474 = arith.constant 311296 : i32
    %add3A_475 = arith.addi %add3A_474, %mul3A_2 : i32
    %dma_start3A_476 = arith.constant 9728 : i32
    %dma_start3A_477 = tpu.memref_slice %arg11[%dma_start3A_476] : memref<10240xi32, #tpu.memory_space<vmem>> -> memref<512xi32, #tpu.memory_space<vmem>>
    %dma_start3A_478 = tpu.memref_slice %arg4[%add3A_475] : memref<327680xi32, #tpu.memory_space<hbm>> -> memref<512xi32, #tpu.memory_space<hbm>>
    %dma_start3A_479 = arith.constant 9728 : i32
    %dma_start3A_480 = tpu.memref_slice %arg11[%dma_start3A_479] : memref<10240xi32, #tpu.memory_space<vmem>> -> memref<512xi32, #tpu.memory_space<vmem>>
    %dma_start3A_481 = tpu.memref_slice %arg4[%add3A_475] : memref<327680xi32, #tpu.memory_space<hbm>> -> memref<512xi32, #tpu.memory_space<hbm>>
    tpu.enqueue_dma source(%dma_start3A_481 : memref<512xi32, #tpu.memory_space<hbm>>) target(%dma_start3A_480 : memref<512xi32, #tpu.memory_space<vmem>>) target_semaphore(%arg22 : memref<!tpu.dma_semaphore, #tpu.memory_space<semaphore_mem>>)
    %add3A_482 = arith.constant 0 : i32
    %add3A_483 = arith.addi %add3A_482, %mul3A_2 : i32
    %dma_start3A_484 = arith.constant 0 : i32
    %dma_start3A_485 = tpu.memref_slice %arg12[%dma_start3A_484] : memref<10240xi32, #tpu.memory_space<vmem>> -> memref<512xi32, #tpu.memory_space<vmem>>
    %dma_start3A_486 = tpu.memref_slice %arg5[%add3A_483] : memref<327680xi32, #tpu.memory_space<hbm>> -> memref<512xi32, #tpu.memory_space<hbm>>
    %dma_start3A_487 = arith.constant 0 : i32
    %dma_start3A_488 = tpu.memref_slice %arg12[%dma_start3A_487] : memref<10240xi32, #tpu.memory_space<vmem>> -> memref<512xi32, #tpu.memory_space<vmem>>
    %dma_start3A_489 = tpu.memref_slice %arg5[%add3A_483] : memref<327680xi32, #tpu.memory_space<hbm>> -> memref<512xi32, #tpu.memory_space<hbm>>
    tpu.enqueue_dma source(%dma_start3A_489 : memref<512xi32, #tpu.memory_space<hbm>>) target(%dma_start3A_488 : memref<512xi32, #tpu.memory_space<vmem>>) target_semaphore(%arg23 : memref<!tpu.dma_semaphore, #tpu.memory_space<semaphore_mem>>)
    %add3A_490 = arith.constant 16384 : i32
    %add3A_491 = arith.addi %add3A_490, %mul3A_2 : i32
    %dma_start3A_492 = arith.constant 512 : i32
    %dma_start3A_493 = tpu.memref_slice %arg12[%dma_start3A_492] : memref<10240xi32, #tpu.memory_space<vmem>> -> memref<512xi32, #tpu.memory_space<vmem>>
    %dma_start3A_494 = tpu.memref_slice %arg5[%add3A_491] : memref<327680xi32, #tpu.memory_space<hbm>> -> memref<512xi32, #tpu.memory_space<hbm>>
    %dma_start3A_495 = arith.constant 512 : i32
    %dma_start3A_496 = tpu.memref_slice %arg12[%dma_start3A_495] : memref<10240xi32, #tpu.memory_space<vmem>> -> memref<512xi32, #tpu.memory_space<vmem>>
    %dma_start3A_497 = tpu.memref_slice %arg5[%add3A_491] : memref<327680xi32, #tpu.memory_space<hbm>> -> memref<512xi32, #tpu.memory_space<hbm>>
    tpu.enqueue_dma source(%dma_start3A_497 : memref<512xi32, #tpu.memory_space<hbm>>) target(%dma_start3A_496 : memref<512xi32, #tpu.memory_space<vmem>>) target_semaphore(%arg23 : memref<!tpu.dma_semaphore, #tpu.memory_space<semaphore_mem>>)
    %add3A_498 = arith.constant 32768 : i32
    %add3A_499 = arith.addi %add3A_498, %mul3A_2 : i32
    %dma_start3A_500 = arith.constant 1024 : i32
    %dma_start3A_501 = tpu.memref_slice %arg12[%dma_start3A_500] : memref<10240xi32, #tpu.memory_space<vmem>> -> memref<512xi32, #tpu.memory_space<vmem>>
    %dma_start3A_502 = tpu.memref_slice %arg5[%add3A_499] : memref<327680xi32, #tpu.memory_space<hbm>> -> memref<512xi32, #tpu.memory_space<hbm>>
    %dma_start3A_503 = arith.constant 1024 : i32
    %dma_start3A_504 = tpu.memref_slice %arg12[%dma_start3A_503] : memref<10240xi32, #tpu.memory_space<vmem>> -> memref<512xi32, #tpu.memory_space<vmem>>
    %dma_start3A_505 = tpu.memref_slice %arg5[%add3A_499] : memref<327680xi32, #tpu.memory_space<hbm>> -> memref<512xi32, #tpu.memory_space<hbm>>
    tpu.enqueue_dma source(%dma_start3A_505 : memref<512xi32, #tpu.memory_space<hbm>>) target(%dma_start3A_504 : memref<512xi32, #tpu.memory_space<vmem>>) target_semaphore(%arg23 : memref<!tpu.dma_semaphore, #tpu.memory_space<semaphore_mem>>)
    %add3A_506 = arith.constant 49152 : i32
    %add3A_507 = arith.addi %add3A_506, %mul3A_2 : i32
    %dma_start3A_508 = arith.constant 1536 : i32
    %dma_start3A_509 = tpu.memref_slice %arg12[%dma_start3A_508] : memref<10240xi32, #tpu.memory_space<vmem>> -> memref<512xi32, #tpu.memory_space<vmem>>
    %dma_start3A_510 = tpu.memref_slice %arg5[%add3A_507] : memref<327680xi32, #tpu.memory_space<hbm>> -> memref<512xi32, #tpu.memory_space<hbm>>
    %dma_start3A_511 = arith.constant 1536 : i32
    %dma_start3A_512 = tpu.memref_slice %arg12[%dma_start3A_511] : memref<10240xi32, #tpu.memory_space<vmem>> -> memref<512xi32, #tpu.memory_space<vmem>>
    %dma_start3A_513 = tpu.memref_slice %arg5[%add3A_507] : memref<327680xi32, #tpu.memory_space<hbm>> -> memref<512xi32, #tpu.memory_space<hbm>>
    tpu.enqueue_dma source(%dma_start3A_513 : memref<512xi32, #tpu.memory_space<hbm>>) target(%dma_start3A_512 : memref<512xi32, #tpu.memory_space<vmem>>) target_semaphore(%arg23 : memref<!tpu.dma_semaphore, #tpu.memory_space<semaphore_mem>>)
    %add3A_514 = arith.constant 65536 : i32
    %add3A_515 = arith.addi %add3A_514, %mul3A_2 : i32
    %dma_start3A_516 = arith.constant 2048 : i32
    %dma_start3A_517 = tpu.memref_slice %arg12[%dma_start3A_516] : memref<10240xi32, #tpu.memory_space<vmem>> -> memref<512xi32, #tpu.memory_space<vmem>>
    %dma_start3A_518 = tpu.memref_slice %arg5[%add3A_515] : memref<327680xi32, #tpu.memory_space<hbm>> -> memref<512xi32, #tpu.memory_space<hbm>>
    %dma_start3A_519 = arith.constant 2048 : i32
    %dma_start3A_520 = tpu.memref_slice %arg12[%dma_start3A_519] : memref<10240xi32, #tpu.memory_space<vmem>> -> memref<512xi32, #tpu.memory_space<vmem>>
    %dma_start3A_521 = tpu.memref_slice %arg5[%add3A_515] : memref<327680xi32, #tpu.memory_space<hbm>> -> memref<512xi32, #tpu.memory_space<hbm>>
    tpu.enqueue_dma source(%dma_start3A_521 : memref<512xi32, #tpu.memory_space<hbm>>) target(%dma_start3A_520 : memref<512xi32, #tpu.memory_space<vmem>>) target_semaphore(%arg23 : memref<!tpu.dma_semaphore, #tpu.memory_space<semaphore_mem>>)
    %add3A_522 = arith.constant 81920 : i32
    %add3A_523 = arith.addi %add3A_522, %mul3A_2 : i32
    %dma_start3A_524 = arith.constant 2560 : i32
    %dma_start3A_525 = tpu.memref_slice %arg12[%dma_start3A_524] : memref<10240xi32, #tpu.memory_space<vmem>> -> memref<512xi32, #tpu.memory_space<vmem>>
    %dma_start3A_526 = tpu.memref_slice %arg5[%add3A_523] : memref<327680xi32, #tpu.memory_space<hbm>> -> memref<512xi32, #tpu.memory_space<hbm>>
    %dma_start3A_527 = arith.constant 2560 : i32
    %dma_start3A_528 = tpu.memref_slice %arg12[%dma_start3A_527] : memref<10240xi32, #tpu.memory_space<vmem>> -> memref<512xi32, #tpu.memory_space<vmem>>
    %dma_start3A_529 = tpu.memref_slice %arg5[%add3A_523] : memref<327680xi32, #tpu.memory_space<hbm>> -> memref<512xi32, #tpu.memory_space<hbm>>
    tpu.enqueue_dma source(%dma_start3A_529 : memref<512xi32, #tpu.memory_space<hbm>>) target(%dma_start3A_528 : memref<512xi32, #tpu.memory_space<vmem>>) target_semaphore(%arg23 : memref<!tpu.dma_semaphore, #tpu.memory_space<semaphore_mem>>)
    %add3A_530 = arith.constant 98304 : i32
    %add3A_531 = arith.addi %add3A_530, %mul3A_2 : i32
    %dma_start3A_532 = arith.constant 3072 : i32
    %dma_start3A_533 = tpu.memref_slice %arg12[%dma_start3A_532] : memref<10240xi32, #tpu.memory_space<vmem>> -> memref<512xi32, #tpu.memory_space<vmem>>
    %dma_start3A_534 = tpu.memref_slice %arg5[%add3A_531] : memref<327680xi32, #tpu.memory_space<hbm>> -> memref<512xi32, #tpu.memory_space<hbm>>
    %dma_start3A_535 = arith.constant 3072 : i32
    %dma_start3A_536 = tpu.memref_slice %arg12[%dma_start3A_535] : memref<10240xi32, #tpu.memory_space<vmem>> -> memref<512xi32, #tpu.memory_space<vmem>>
    %dma_start3A_537 = tpu.memref_slice %arg5[%add3A_531] : memref<327680xi32, #tpu.memory_space<hbm>> -> memref<512xi32, #tpu.memory_space<hbm>>
    tpu.enqueue_dma source(%dma_start3A_537 : memref<512xi32, #tpu.memory_space<hbm>>) target(%dma_start3A_536 : memref<512xi32, #tpu.memory_space<vmem>>) target_semaphore(%arg23 : memref<!tpu.dma_semaphore, #tpu.memory_space<semaphore_mem>>)
    %add3A_538 = arith.constant 114688 : i32
    %add3A_539 = arith.addi %add3A_538, %mul3A_2 : i32
    %dma_start3A_540 = arith.constant 3584 : i32
    %dma_start3A_541 = tpu.memref_slice %arg12[%dma_start3A_540] : memref<10240xi32, #tpu.memory_space<vmem>> -> memref<512xi32, #tpu.memory_space<vmem>>
    %dma_start3A_542 = tpu.memref_slice %arg5[%add3A_539] : memref<327680xi32, #tpu.memory_space<hbm>> -> memref<512xi32, #tpu.memory_space<hbm>>
    %dma_start3A_543 = arith.constant 3584 : i32
    %dma_start3A_544 = tpu.memref_slice %arg12[%dma_start3A_543] : memref<10240xi32, #tpu.memory_space<vmem>> -> memref<512xi32, #tpu.memory_space<vmem>>
    %dma_start3A_545 = tpu.memref_slice %arg5[%add3A_539] : memref<327680xi32, #tpu.memory_space<hbm>> -> memref<512xi32, #tpu.memory_space<hbm>>
    tpu.enqueue_dma source(%dma_start3A_545 : memref<512xi32, #tpu.memory_space<hbm>>) target(%dma_start3A_544 : memref<512xi32, #tpu.memory_space<vmem>>) target_semaphore(%arg23 : memref<!tpu.dma_semaphore, #tpu.memory_space<semaphore_mem>>)
    %add3A_546 = arith.constant 131072 : i32
    %add3A_547 = arith.addi %add3A_546, %mul3A_2 : i32
    %dma_start3A_548 = arith.constant 4096 : i32
    %dma_start3A_549 = tpu.memref_slice %arg12[%dma_start3A_548] : memref<10240xi32, #tpu.memory_space<vmem>> -> memref<512xi32, #tpu.memory_space<vmem>>
    %dma_start3A_550 = tpu.memref_slice %arg5[%add3A_547] : memref<327680xi32, #tpu.memory_space<hbm>> -> memref<512xi32, #tpu.memory_space<hbm>>
    %dma_start3A_551 = arith.constant 4096 : i32
    %dma_start3A_552 = tpu.memref_slice %arg12[%dma_start3A_551] : memref<10240xi32, #tpu.memory_space<vmem>> -> memref<512xi32, #tpu.memory_space<vmem>>
    %dma_start3A_553 = tpu.memref_slice %arg5[%add3A_547] : memref<327680xi32, #tpu.memory_space<hbm>> -> memref<512xi32, #tpu.memory_space<hbm>>
    tpu.enqueue_dma source(%dma_start3A_553 : memref<512xi32, #tpu.memory_space<hbm>>) target(%dma_start3A_552 : memref<512xi32, #tpu.memory_space<vmem>>) target_semaphore(%arg23 : memref<!tpu.dma_semaphore, #tpu.memory_space<semaphore_mem>>)
    %add3A_554 = arith.constant 147456 : i32
    %add3A_555 = arith.addi %add3A_554, %mul3A_2 : i32
    %dma_start3A_556 = arith.constant 4608 : i32
    %dma_start3A_557 = tpu.memref_slice %arg12[%dma_start3A_556] : memref<10240xi32, #tpu.memory_space<vmem>> -> memref<512xi32, #tpu.memory_space<vmem>>
    %dma_start3A_558 = tpu.memref_slice %arg5[%add3A_555] : memref<327680xi32, #tpu.memory_space<hbm>> -> memref<512xi32, #tpu.memory_space<hbm>>
    %dma_start3A_559 = arith.constant 4608 : i32
    %dma_start3A_560 = tpu.memref_slice %arg12[%dma_start3A_559] : memref<10240xi32, #tpu.memory_space<vmem>> -> memref<512xi32, #tpu.memory_space<vmem>>
    %dma_start3A_561 = tpu.memref_slice %arg5[%add3A_555] : memref<327680xi32, #tpu.memory_space<hbm>> -> memref<512xi32, #tpu.memory_space<hbm>>
    tpu.enqueue_dma source(%dma_start3A_561 : memref<512xi32, #tpu.memory_space<hbm>>) target(%dma_start3A_560 : memref<512xi32, #tpu.memory_space<vmem>>) target_semaphore(%arg23 : memref<!tpu.dma_semaphore, #tpu.memory_space<semaphore_mem>>)
    %add3A_562 = arith.constant 163840 : i32
    %add3A_563 = arith.addi %add3A_562, %mul3A_2 : i32
    %dma_start3A_564 = arith.constant 5120 : i32
    %dma_start3A_565 = tpu.memref_slice %arg12[%dma_start3A_564] : memref<10240xi32, #tpu.memory_space<vmem>> -> memref<512xi32, #tpu.memory_space<vmem>>
    %dma_start3A_566 = tpu.memref_slice %arg5[%add3A_563] : memref<327680xi32, #tpu.memory_space<hbm>> -> memref<512xi32, #tpu.memory_space<hbm>>
    %dma_start3A_567 = arith.constant 5120 : i32
    %dma_start3A_568 = tpu.memref_slice %arg12[%dma_start3A_567] : memref<10240xi32, #tpu.memory_space<vmem>> -> memref<512xi32, #tpu.memory_space<vmem>>
    %dma_start3A_569 = tpu.memref_slice %arg5[%add3A_563] : memref<327680xi32, #tpu.memory_space<hbm>> -> memref<512xi32, #tpu.memory_space<hbm>>
    tpu.enqueue_dma source(%dma_start3A_569 : memref<512xi32, #tpu.memory_space<hbm>>) target(%dma_start3A_568 : memref<512xi32, #tpu.memory_space<vmem>>) target_semaphore(%arg23 : memref<!tpu.dma_semaphore, #tpu.memory_space<semaphore_mem>>)
    %add3A_570 = arith.constant 180224 : i32
    %add3A_571 = arith.addi %add3A_570, %mul3A_2 : i32
    %dma_start3A_572 = arith.constant 5632 : i32
    %dma_start3A_573 = tpu.memref_slice %arg12[%dma_start3A_572] : memref<10240xi32, #tpu.memory_space<vmem>> -> memref<512xi32, #tpu.memory_space<vmem>>
    %dma_start3A_574 = tpu.memref_slice %arg5[%add3A_571] : memref<327680xi32, #tpu.memory_space<hbm>> -> memref<512xi32, #tpu.memory_space<hbm>>
    %dma_start3A_575 = arith.constant 5632 : i32
    %dma_start3A_576 = tpu.memref_slice %arg12[%dma_start3A_575] : memref<10240xi32, #tpu.memory_space<vmem>> -> memref<512xi32, #tpu.memory_space<vmem>>
    %dma_start3A_577 = tpu.memref_slice %arg5[%add3A_571] : memref<327680xi32, #tpu.memory_space<hbm>> -> memref<512xi32, #tpu.memory_space<hbm>>
    tpu.enqueue_dma source(%dma_start3A_577 : memref<512xi32, #tpu.memory_space<hbm>>) target(%dma_start3A_576 : memref<512xi32, #tpu.memory_space<vmem>>) target_semaphore(%arg23 : memref<!tpu.dma_semaphore, #tpu.memory_space<semaphore_mem>>)
    %add3A_578 = arith.constant 196608 : i32
    %add3A_579 = arith.addi %add3A_578, %mul3A_2 : i32
    %dma_start3A_580 = arith.constant 6144 : i32
    %dma_start3A_581 = tpu.memref_slice %arg12[%dma_start3A_580] : memref<10240xi32, #tpu.memory_space<vmem>> -> memref<512xi32, #tpu.memory_space<vmem>>
    %dma_start3A_582 = tpu.memref_slice %arg5[%add3A_579] : memref<327680xi32, #tpu.memory_space<hbm>> -> memref<512xi32, #tpu.memory_space<hbm>>
    %dma_start3A_583 = arith.constant 6144 : i32
    %dma_start3A_584 = tpu.memref_slice %arg12[%dma_start3A_583] : memref<10240xi32, #tpu.memory_space<vmem>> -> memref<512xi32, #tpu.memory_space<vmem>>
    %dma_start3A_585 = tpu.memref_slice %arg5[%add3A_579] : memref<327680xi32, #tpu.memory_space<hbm>> -> memref<512xi32, #tpu.memory_space<hbm>>
    tpu.enqueue_dma source(%dma_start3A_585 : memref<512xi32, #tpu.memory_space<hbm>>) target(%dma_start3A_584 : memref<512xi32, #tpu.memory_space<vmem>>) target_semaphore(%arg23 : memref<!tpu.dma_semaphore, #tpu.memory_space<semaphore_mem>>)
    %add3A_586 = arith.constant 212992 : i32
    %add3A_587 = arith.addi %add3A_586, %mul3A_2 : i32
    %dma_start3A_588 = arith.constant 6656 : i32
    %dma_start3A_589 = tpu.memref_slice %arg12[%dma_start3A_588] : memref<10240xi32, #tpu.memory_space<vmem>> -> memref<512xi32, #tpu.memory_space<vmem>>
    %dma_start3A_590 = tpu.memref_slice %arg5[%add3A_587] : memref<327680xi32, #tpu.memory_space<hbm>> -> memref<512xi32, #tpu.memory_space<hbm>>
    %dma_start3A_591 = arith.constant 6656 : i32
    %dma_start3A_592 = tpu.memref_slice %arg12[%dma_start3A_591] : memref<10240xi32, #tpu.memory_space<vmem>> -> memref<512xi32, #tpu.memory_space<vmem>>
    %dma_start3A_593 = tpu.memref_slice %arg5[%add3A_587] : memref<327680xi32, #tpu.memory_space<hbm>> -> memref<512xi32, #tpu.memory_space<hbm>>
    tpu.enqueue_dma source(%dma_start3A_593 : memref<512xi32, #tpu.memory_space<hbm>>) target(%dma_start3A_592 : memref<512xi32, #tpu.memory_space<vmem>>) target_semaphore(%arg23 : memref<!tpu.dma_semaphore, #tpu.memory_space<semaphore_mem>>)
    %add3A_594 = arith.constant 229376 : i32
    %add3A_595 = arith.addi %add3A_594, %mul3A_2 : i32
    %dma_start3A_596 = arith.constant 7168 : i32
    %dma_start3A_597 = tpu.memref_slice %arg12[%dma_start3A_596] : memref<10240xi32, #tpu.memory_space<vmem>> -> memref<512xi32, #tpu.memory_space<vmem>>
    %dma_start3A_598 = tpu.memref_slice %arg5[%add3A_595] : memref<327680xi32, #tpu.memory_space<hbm>> -> memref<512xi32, #tpu.memory_space<hbm>>
    %dma_start3A_599 = arith.constant 7168 : i32
    %dma_start3A_600 = tpu.memref_slice %arg12[%dma_start3A_599] : memref<10240xi32, #tpu.memory_space<vmem>> -> memref<512xi32, #tpu.memory_space<vmem>>
    %dma_start3A_601 = tpu.memref_slice %arg5[%add3A_595] : memref<327680xi32, #tpu.memory_space<hbm>> -> memref<512xi32, #tpu.memory_space<hbm>>
    tpu.enqueue_dma source(%dma_start3A_601 : memref<512xi32, #tpu.memory_space<hbm>>) target(%dma_start3A_600 : memref<512xi32, #tpu.memory_space<vmem>>) target_semaphore(%arg23 : memref<!tpu.dma_semaphore, #tpu.memory_space<semaphore_mem>>)
    %add3A_602 = arith.constant 245760 : i32
    %add3A_603 = arith.addi %add3A_602, %mul3A_2 : i32
    %dma_start3A_604 = arith.constant 7680 : i32
    %dma_start3A_605 = tpu.memref_slice %arg12[%dma_start3A_604] : memref<10240xi32, #tpu.memory_space<vmem>> -> memref<512xi32, #tpu.memory_space<vmem>>
    %dma_start3A_606 = tpu.memref_slice %arg5[%add3A_603] : memref<327680xi32, #tpu.memory_space<hbm>> -> memref<512xi32, #tpu.memory_space<hbm>>
    %dma_start3A_607 = arith.constant 7680 : i32
    %dma_start3A_608 = tpu.memref_slice %arg12[%dma_start3A_607] : memref<10240xi32, #tpu.memory_space<vmem>> -> memref<512xi32, #tpu.memory_space<vmem>>
    %dma_start3A_609 = tpu.memref_slice %arg5[%add3A_603] : memref<327680xi32, #tpu.memory_space<hbm>> -> memref<512xi32, #tpu.memory_space<hbm>>
    tpu.enqueue_dma source(%dma_start3A_609 : memref<512xi32, #tpu.memory_space<hbm>>) target(%dma_start3A_608 : memref<512xi32, #tpu.memory_space<vmem>>) target_semaphore(%arg23 : memref<!tpu.dma_semaphore, #tpu.memory_space<semaphore_mem>>)
    %add3A_610 = arith.constant 262144 : i32
    %add3A_611 = arith.addi %add3A_610, %mul3A_2 : i32
    %dma_start3A_612 = arith.constant 8192 : i32
    %dma_start3A_613 = tpu.memref_slice %arg12[%dma_start3A_612] : memref<10240xi32, #tpu.memory_space<vmem>> -> memref<512xi32, #tpu.memory_space<vmem>>
    %dma_start3A_614 = tpu.memref_slice %arg5[%add3A_611] : memref<327680xi32, #tpu.memory_space<hbm>> -> memref<512xi32, #tpu.memory_space<hbm>>
    %dma_start3A_615 = arith.constant 8192 : i32
    %dma_start3A_616 = tpu.memref_slice %arg12[%dma_start3A_615] : memref<10240xi32, #tpu.memory_space<vmem>> -> memref<512xi32, #tpu.memory_space<vmem>>
    %dma_start3A_617 = tpu.memref_slice %arg5[%add3A_611] : memref<327680xi32, #tpu.memory_space<hbm>> -> memref<512xi32, #tpu.memory_space<hbm>>
    tpu.enqueue_dma source(%dma_start3A_617 : memref<512xi32, #tpu.memory_space<hbm>>) target(%dma_start3A_616 : memref<512xi32, #tpu.memory_space<vmem>>) target_semaphore(%arg23 : memref<!tpu.dma_semaphore, #tpu.memory_space<semaphore_mem>>)
    %add3A_618 = arith.constant 278528 : i32
    %add3A_619 = arith.addi %add3A_618, %mul3A_2 : i32
    %dma_start3A_620 = arith.constant 8704 : i32
    %dma_start3A_621 = tpu.memref_slice %arg12[%dma_start3A_620] : memref<10240xi32, #tpu.memory_space<vmem>> -> memref<512xi32, #tpu.memory_space<vmem>>
    %dma_start3A_622 = tpu.memref_slice %arg5[%add3A_619] : memref<327680xi32, #tpu.memory_space<hbm>> -> memref<512xi32, #tpu.memory_space<hbm>>
    %dma_start3A_623 = arith.constant 8704 : i32
    %dma_start3A_624 = tpu.memref_slice %arg12[%dma_start3A_623] : memref<10240xi32, #tpu.memory_space<vmem>> -> memref<512xi32, #tpu.memory_space<vmem>>
    %dma_start3A_625 = tpu.memref_slice %arg5[%add3A_619] : memref<327680xi32, #tpu.memory_space<hbm>> -> memref<512xi32, #tpu.memory_space<hbm>>
    tpu.enqueue_dma source(%dma_start3A_625 : memref<512xi32, #tpu.memory_space<hbm>>) target(%dma_start3A_624 : memref<512xi32, #tpu.memory_space<vmem>>) target_semaphore(%arg23 : memref<!tpu.dma_semaphore, #tpu.memory_space<semaphore_mem>>)
    %add3A_626 = arith.constant 294912 : i32
    %add3A_627 = arith.addi %add3A_626, %mul3A_2 : i32
    %dma_start3A_628 = arith.constant 9216 : i32
    %dma_start3A_629 = tpu.memref_slice %arg12[%dma_start3A_628] : memref<10240xi32, #tpu.memory_space<vmem>> -> memref<512xi32, #tpu.memory_space<vmem>>
    %dma_start3A_630 = tpu.memref_slice %arg5[%add3A_627] : memref<327680xi32, #tpu.memory_space<hbm>> -> memref<512xi32, #tpu.memory_space<hbm>>
    %dma_start3A_631 = arith.constant 9216 : i32
    %dma_start3A_632 = tpu.memref_slice %arg12[%dma_start3A_631] : memref<10240xi32, #tpu.memory_space<vmem>> -> memref<512xi32, #tpu.memory_space<vmem>>
    %dma_start3A_633 = tpu.memref_slice %arg5[%add3A_627] : memref<327680xi32, #tpu.memory_space<hbm>> -> memref<512xi32, #tpu.memory_space<hbm>>
    tpu.enqueue_dma source(%dma_start3A_633 : memref<512xi32, #tpu.memory_space<hbm>>) target(%dma_start3A_632 : memref<512xi32, #tpu.memory_space<vmem>>) target_semaphore(%arg23 : memref<!tpu.dma_semaphore, #tpu.memory_space<semaphore_mem>>)
    %add3A_634 = arith.constant 311296 : i32
    %add3A_635 = arith.addi %add3A_634, %mul3A_2 : i32
    %dma_start3A_636 = arith.constant 9728 : i32
    %dma_start3A_637 = tpu.memref_slice %arg12[%dma_start3A_636] : memref<10240xi32, #tpu.memory_space<vmem>> -> memref<512xi32, #tpu.memory_space<vmem>>
    %dma_start3A_638 = tpu.memref_slice %arg5[%add3A_635] : memref<327680xi32, #tpu.memory_space<hbm>> -> memref<512xi32, #tpu.memory_space<hbm>>
    %dma_start3A_639 = arith.constant 9728 : i32
    %dma_start3A_640 = tpu.memref_slice %arg12[%dma_start3A_639] : memref<10240xi32, #tpu.memory_space<vmem>> -> memref<512xi32, #tpu.memory_space<vmem>>
    %dma_start3A_641 = tpu.memref_slice %arg5[%add3A_635] : memref<327680xi32, #tpu.memory_space<hbm>> -> memref<512xi32, #tpu.memory_space<hbm>>
    tpu.enqueue_dma source(%dma_start3A_641 : memref<512xi32, #tpu.memory_space<hbm>>) target(%dma_start3A_640 : memref<512xi32, #tpu.memory_space<vmem>>) target_semaphore(%arg23 : memref<!tpu.dma_semaphore, #tpu.memory_space<semaphore_mem>>)
    %add3A_642 = arith.constant 0 : i32
    %add3A_643 = arith.addi %add3A_642, %mul3A_2 : i32
    %dma_start3A_644 = arith.constant 0 : i32
    %dma_start3A_645 = tpu.memref_slice %arg13[%dma_start3A_644] : memref<10240xi32, #tpu.memory_space<vmem>> -> memref<512xi32, #tpu.memory_space<vmem>>
    %dma_start3A_646 = tpu.memref_slice %arg6[%add3A_643] : memref<327680xi32, #tpu.memory_space<hbm>> -> memref<512xi32, #tpu.memory_space<hbm>>
    %dma_start3A_647 = arith.constant 0 : i32
    %dma_start3A_648 = tpu.memref_slice %arg13[%dma_start3A_647] : memref<10240xi32, #tpu.memory_space<vmem>> -> memref<512xi32, #tpu.memory_space<vmem>>
    %dma_start3A_649 = tpu.memref_slice %arg6[%add3A_643] : memref<327680xi32, #tpu.memory_space<hbm>> -> memref<512xi32, #tpu.memory_space<hbm>>
    tpu.enqueue_dma source(%dma_start3A_649 : memref<512xi32, #tpu.memory_space<hbm>>) target(%dma_start3A_648 : memref<512xi32, #tpu.memory_space<vmem>>) target_semaphore(%arg24 : memref<!tpu.dma_semaphore, #tpu.memory_space<semaphore_mem>>)
    %add3A_650 = arith.constant 16384 : i32
    %add3A_651 = arith.addi %add3A_650, %mul3A_2 : i32
    %dma_start3A_652 = arith.constant 512 : i32
    %dma_start3A_653 = tpu.memref_slice %arg13[%dma_start3A_652] : memref<10240xi32, #tpu.memory_space<vmem>> -> memref<512xi32, #tpu.memory_space<vmem>>
    %dma_start3A_654 = tpu.memref_slice %arg6[%add3A_651] : memref<327680xi32, #tpu.memory_space<hbm>> -> memref<512xi32, #tpu.memory_space<hbm>>
    %dma_start3A_655 = arith.constant 512 : i32
    %dma_start3A_656 = tpu.memref_slice %arg13[%dma_start3A_655] : memref<10240xi32, #tpu.memory_space<vmem>> -> memref<512xi32, #tpu.memory_space<vmem>>
    %dma_start3A_657 = tpu.memref_slice %arg6[%add3A_651] : memref<327680xi32, #tpu.memory_space<hbm>> -> memref<512xi32, #tpu.memory_space<hbm>>
    tpu.enqueue_dma source(%dma_start3A_657 : memref<512xi32, #tpu.memory_space<hbm>>) target(%dma_start3A_656 : memref<512xi32, #tpu.memory_space<vmem>>) target_semaphore(%arg24 : memref<!tpu.dma_semaphore, #tpu.memory_space<semaphore_mem>>)
    %add3A_658 = arith.constant 32768 : i32
    %add3A_659 = arith.addi %add3A_658, %mul3A_2 : i32
    %dma_start3A_660 = arith.constant 1024 : i32
    %dma_start3A_661 = tpu.memref_slice %arg13[%dma_start3A_660] : memref<10240xi32, #tpu.memory_space<vmem>> -> memref<512xi32, #tpu.memory_space<vmem>>
    %dma_start3A_662 = tpu.memref_slice %arg6[%add3A_659] : memref<327680xi32, #tpu.memory_space<hbm>> -> memref<512xi32, #tpu.memory_space<hbm>>
    %dma_start3A_663 = arith.constant 1024 : i32
    %dma_start3A_664 = tpu.memref_slice %arg13[%dma_start3A_663] : memref<10240xi32, #tpu.memory_space<vmem>> -> memref<512xi32, #tpu.memory_space<vmem>>
    %dma_start3A_665 = tpu.memref_slice %arg6[%add3A_659] : memref<327680xi32, #tpu.memory_space<hbm>> -> memref<512xi32, #tpu.memory_space<hbm>>
    tpu.enqueue_dma source(%dma_start3A_665 : memref<512xi32, #tpu.memory_space<hbm>>) target(%dma_start3A_664 : memref<512xi32, #tpu.memory_space<vmem>>) target_semaphore(%arg24 : memref<!tpu.dma_semaphore, #tpu.memory_space<semaphore_mem>>)
    %add3A_666 = arith.constant 49152 : i32
    %add3A_667 = arith.addi %add3A_666, %mul3A_2 : i32
    %dma_start3A_668 = arith.constant 1536 : i32
    %dma_start3A_669 = tpu.memref_slice %arg13[%dma_start3A_668] : memref<10240xi32, #tpu.memory_space<vmem>> -> memref<512xi32, #tpu.memory_space<vmem>>
    %dma_start3A_670 = tpu.memref_slice %arg6[%add3A_667] : memref<327680xi32, #tpu.memory_space<hbm>> -> memref<512xi32, #tpu.memory_space<hbm>>
    %dma_start3A_671 = arith.constant 1536 : i32
    %dma_start3A_672 = tpu.memref_slice %arg13[%dma_start3A_671] : memref<10240xi32, #tpu.memory_space<vmem>> -> memref<512xi32, #tpu.memory_space<vmem>>
    %dma_start3A_673 = tpu.memref_slice %arg6[%add3A_667] : memref<327680xi32, #tpu.memory_space<hbm>> -> memref<512xi32, #tpu.memory_space<hbm>>
    tpu.enqueue_dma source(%dma_start3A_673 : memref<512xi32, #tpu.memory_space<hbm>>) target(%dma_start3A_672 : memref<512xi32, #tpu.memory_space<vmem>>) target_semaphore(%arg24 : memref<!tpu.dma_semaphore, #tpu.memory_space<semaphore_mem>>)
    %add3A_674 = arith.constant 65536 : i32
    %add3A_675 = arith.addi %add3A_674, %mul3A_2 : i32
    %dma_start3A_676 = arith.constant 2048 : i32
    %dma_start3A_677 = tpu.memref_slice %arg13[%dma_start3A_676] : memref<10240xi32, #tpu.memory_space<vmem>> -> memref<512xi32, #tpu.memory_space<vmem>>
    %dma_start3A_678 = tpu.memref_slice %arg6[%add3A_675] : memref<327680xi32, #tpu.memory_space<hbm>> -> memref<512xi32, #tpu.memory_space<hbm>>
    %dma_start3A_679 = arith.constant 2048 : i32
    %dma_start3A_680 = tpu.memref_slice %arg13[%dma_start3A_679] : memref<10240xi32, #tpu.memory_space<vmem>> -> memref<512xi32, #tpu.memory_space<vmem>>
    %dma_start3A_681 = tpu.memref_slice %arg6[%add3A_675] : memref<327680xi32, #tpu.memory_space<hbm>> -> memref<512xi32, #tpu.memory_space<hbm>>
    tpu.enqueue_dma source(%dma_start3A_681 : memref<512xi32, #tpu.memory_space<hbm>>) target(%dma_start3A_680 : memref<512xi32, #tpu.memory_space<vmem>>) target_semaphore(%arg24 : memref<!tpu.dma_semaphore, #tpu.memory_space<semaphore_mem>>)
    %add3A_682 = arith.constant 81920 : i32
    %add3A_683 = arith.addi %add3A_682, %mul3A_2 : i32
    %dma_start3A_684 = arith.constant 2560 : i32
    %dma_start3A_685 = tpu.memref_slice %arg13[%dma_start3A_684] : memref<10240xi32, #tpu.memory_space<vmem>> -> memref<512xi32, #tpu.memory_space<vmem>>
    %dma_start3A_686 = tpu.memref_slice %arg6[%add3A_683] : memref<327680xi32, #tpu.memory_space<hbm>> -> memref<512xi32, #tpu.memory_space<hbm>>
    %dma_start3A_687 = arith.constant 2560 : i32
    %dma_start3A_688 = tpu.memref_slice %arg13[%dma_start3A_687] : memref<10240xi32, #tpu.memory_space<vmem>> -> memref<512xi32, #tpu.memory_space<vmem>>
    %dma_start3A_689 = tpu.memref_slice %arg6[%add3A_683] : memref<327680xi32, #tpu.memory_space<hbm>> -> memref<512xi32, #tpu.memory_space<hbm>>
    tpu.enqueue_dma source(%dma_start3A_689 : memref<512xi32, #tpu.memory_space<hbm>>) target(%dma_start3A_688 : memref<512xi32, #tpu.memory_space<vmem>>) target_semaphore(%arg24 : memref<!tpu.dma_semaphore, #tpu.memory_space<semaphore_mem>>)
    %add3A_690 = arith.constant 98304 : i32
    %add3A_691 = arith.addi %add3A_690, %mul3A_2 : i32
    %dma_start3A_692 = arith.constant 3072 : i32
    %dma_start3A_693 = tpu.memref_slice %arg13[%dma_start3A_692] : memref<10240xi32, #tpu.memory_space<vmem>> -> memref<512xi32, #tpu.memory_space<vmem>>
    %dma_start3A_694 = tpu.memref_slice %arg6[%add3A_691] : memref<327680xi32, #tpu.memory_space<hbm>> -> memref<512xi32, #tpu.memory_space<hbm>>
    %dma_start3A_695 = arith.constant 3072 : i32
    %dma_start3A_696 = tpu.memref_slice %arg13[%dma_start3A_695] : memref<10240xi32, #tpu.memory_space<vmem>> -> memref<512xi32, #tpu.memory_space<vmem>>
    %dma_start3A_697 = tpu.memref_slice %arg6[%add3A_691] : memref<327680xi32, #tpu.memory_space<hbm>> -> memref<512xi32, #tpu.memory_space<hbm>>
    tpu.enqueue_dma source(%dma_start3A_697 : memref<512xi32, #tpu.memory_space<hbm>>) target(%dma_start3A_696 : memref<512xi32, #tpu.memory_space<vmem>>) target_semaphore(%arg24 : memref<!tpu.dma_semaphore, #tpu.memory_space<semaphore_mem>>)
    %add3A_698 = arith.constant 114688 : i32
    %add3A_699 = arith.addi %add3A_698, %mul3A_2 : i32
    %dma_start3A_700 = arith.constant 3584 : i32
    %dma_start3A_701 = tpu.memref_slice %arg13[%dma_start3A_700] : memref<10240xi32, #tpu.memory_space<vmem>> -> memref<512xi32, #tpu.memory_space<vmem>>
    %dma_start3A_702 = tpu.memref_slice %arg6[%add3A_699] : memref<327680xi32, #tpu.memory_space<hbm>> -> memref<512xi32, #tpu.memory_space<hbm>>
    %dma_start3A_703 = arith.constant 3584 : i32
    %dma_start3A_704 = tpu.memref_slice %arg13[%dma_start3A_703] : memref<10240xi32, #tpu.memory_space<vmem>> -> memref<512xi32, #tpu.memory_space<vmem>>
    %dma_start3A_705 = tpu.memref_slice %arg6[%add3A_699] : memref<327680xi32, #tpu.memory_space<hbm>> -> memref<512xi32, #tpu.memory_space<hbm>>
    tpu.enqueue_dma source(%dma_start3A_705 : memref<512xi32, #tpu.memory_space<hbm>>) target(%dma_start3A_704 : memref<512xi32, #tpu.memory_space<vmem>>) target_semaphore(%arg24 : memref<!tpu.dma_semaphore, #tpu.memory_space<semaphore_mem>>)
    %add3A_706 = arith.constant 131072 : i32
    %add3A_707 = arith.addi %add3A_706, %mul3A_2 : i32
    %dma_start3A_708 = arith.constant 4096 : i32
    %dma_start3A_709 = tpu.memref_slice %arg13[%dma_start3A_708] : memref<10240xi32, #tpu.memory_space<vmem>> -> memref<512xi32, #tpu.memory_space<vmem>>
    %dma_start3A_710 = tpu.memref_slice %arg6[%add3A_707] : memref<327680xi32, #tpu.memory_space<hbm>> -> memref<512xi32, #tpu.memory_space<hbm>>
    %dma_start3A_711 = arith.constant 4096 : i32
    %dma_start3A_712 = tpu.memref_slice %arg13[%dma_start3A_711] : memref<10240xi32, #tpu.memory_space<vmem>> -> memref<512xi32, #tpu.memory_space<vmem>>
    %dma_start3A_713 = tpu.memref_slice %arg6[%add3A_707] : memref<327680xi32, #tpu.memory_space<hbm>> -> memref<512xi32, #tpu.memory_space<hbm>>
    tpu.enqueue_dma source(%dma_start3A_713 : memref<512xi32, #tpu.memory_space<hbm>>) target(%dma_start3A_712 : memref<512xi32, #tpu.memory_space<vmem>>) target_semaphore(%arg24 : memref<!tpu.dma_semaphore, #tpu.memory_space<semaphore_mem>>)
    %add3A_714 = arith.constant 147456 : i32
    %add3A_715 = arith.addi %add3A_714, %mul3A_2 : i32
    %dma_start3A_716 = arith.constant 4608 : i32
    %dma_start3A_717 = tpu.memref_slice %arg13[%dma_start3A_716] : memref<10240xi32, #tpu.memory_space<vmem>> -> memref<512xi32, #tpu.memory_space<vmem>>
    %dma_start3A_718 = tpu.memref_slice %arg6[%add3A_715] : memref<327680xi32, #tpu.memory_space<hbm>> -> memref<512xi32, #tpu.memory_space<hbm>>
    %dma_start3A_719 = arith.constant 4608 : i32
    %dma_start3A_720 = tpu.memref_slice %arg13[%dma_start3A_719] : memref<10240xi32, #tpu.memory_space<vmem>> -> memref<512xi32, #tpu.memory_space<vmem>>
    %dma_start3A_721 = tpu.memref_slice %arg6[%add3A_715] : memref<327680xi32, #tpu.memory_space<hbm>> -> memref<512xi32, #tpu.memory_space<hbm>>
    tpu.enqueue_dma source(%dma_start3A_721 : memref<512xi32, #tpu.memory_space<hbm>>) target(%dma_start3A_720 : memref<512xi32, #tpu.memory_space<vmem>>) target_semaphore(%arg24 : memref<!tpu.dma_semaphore, #tpu.memory_space<semaphore_mem>>)
    %add3A_722 = arith.constant 163840 : i32
    %add3A_723 = arith.addi %add3A_722, %mul3A_2 : i32
    %dma_start3A_724 = arith.constant 5120 : i32
    %dma_start3A_725 = tpu.memref_slice %arg13[%dma_start3A_724] : memref<10240xi32, #tpu.memory_space<vmem>> -> memref<512xi32, #tpu.memory_space<vmem>>
    %dma_start3A_726 = tpu.memref_slice %arg6[%add3A_723] : memref<327680xi32, #tpu.memory_space<hbm>> -> memref<512xi32, #tpu.memory_space<hbm>>
    %dma_start3A_727 = arith.constant 5120 : i32
    %dma_start3A_728 = tpu.memref_slice %arg13[%dma_start3A_727] : memref<10240xi32, #tpu.memory_space<vmem>> -> memref<512xi32, #tpu.memory_space<vmem>>
    %dma_start3A_729 = tpu.memref_slice %arg6[%add3A_723] : memref<327680xi32, #tpu.memory_space<hbm>> -> memref<512xi32, #tpu.memory_space<hbm>>
    tpu.enqueue_dma source(%dma_start3A_729 : memref<512xi32, #tpu.memory_space<hbm>>) target(%dma_start3A_728 : memref<512xi32, #tpu.memory_space<vmem>>) target_semaphore(%arg24 : memref<!tpu.dma_semaphore, #tpu.memory_space<semaphore_mem>>)
    %add3A_730 = arith.constant 180224 : i32
    %add3A_731 = arith.addi %add3A_730, %mul3A_2 : i32
    %dma_start3A_732 = arith.constant 5632 : i32
    %dma_start3A_733 = tpu.memref_slice %arg13[%dma_start3A_732] : memref<10240xi32, #tpu.memory_space<vmem>> -> memref<512xi32, #tpu.memory_space<vmem>>
    %dma_start3A_734 = tpu.memref_slice %arg6[%add3A_731] : memref<327680xi32, #tpu.memory_space<hbm>> -> memref<512xi32, #tpu.memory_space<hbm>>
    %dma_start3A_735 = arith.constant 5632 : i32
    %dma_start3A_736 = tpu.memref_slice %arg13[%dma_start3A_735] : memref<10240xi32, #tpu.memory_space<vmem>> -> memref<512xi32, #tpu.memory_space<vmem>>
    %dma_start3A_737 = tpu.memref_slice %arg6[%add3A_731] : memref<327680xi32, #tpu.memory_space<hbm>> -> memref<512xi32, #tpu.memory_space<hbm>>
    tpu.enqueue_dma source(%dma_start3A_737 : memref<512xi32, #tpu.memory_space<hbm>>) target(%dma_start3A_736 : memref<512xi32, #tpu.memory_space<vmem>>) target_semaphore(%arg24 : memref<!tpu.dma_semaphore, #tpu.memory_space<semaphore_mem>>)
    %add3A_738 = arith.constant 196608 : i32
    %add3A_739 = arith.addi %add3A_738, %mul3A_2 : i32
    %dma_start3A_740 = arith.constant 6144 : i32
    %dma_start3A_741 = tpu.memref_slice %arg13[%dma_start3A_740] : memref<10240xi32, #tpu.memory_space<vmem>> -> memref<512xi32, #tpu.memory_space<vmem>>
    %dma_start3A_742 = tpu.memref_slice %arg6[%add3A_739] : memref<327680xi32, #tpu.memory_space<hbm>> -> memref<512xi32, #tpu.memory_space<hbm>>
    %dma_start3A_743 = arith.constant 6144 : i32
    %dma_start3A_744 = tpu.memref_slice %arg13[%dma_start3A_743] : memref<10240xi32, #tpu.memory_space<vmem>> -> memref<512xi32, #tpu.memory_space<vmem>>
    %dma_start3A_745 = tpu.memref_slice %arg6[%add3A_739] : memref<327680xi32, #tpu.memory_space<hbm>> -> memref<512xi32, #tpu.memory_space<hbm>>
    tpu.enqueue_dma source(%dma_start3A_745 : memref<512xi32, #tpu.memory_space<hbm>>) target(%dma_start3A_744 : memref<512xi32, #tpu.memory_space<vmem>>) target_semaphore(%arg24 : memref<!tpu.dma_semaphore, #tpu.memory_space<semaphore_mem>>)
    %add3A_746 = arith.constant 212992 : i32
    %add3A_747 = arith.addi %add3A_746, %mul3A_2 : i32
    %dma_start3A_748 = arith.constant 6656 : i32
    %dma_start3A_749 = tpu.memref_slice %arg13[%dma_start3A_748] : memref<10240xi32, #tpu.memory_space<vmem>> -> memref<512xi32, #tpu.memory_space<vmem>>
    %dma_start3A_750 = tpu.memref_slice %arg6[%add3A_747] : memref<327680xi32, #tpu.memory_space<hbm>> -> memref<512xi32, #tpu.memory_space<hbm>>
    %dma_start3A_751 = arith.constant 6656 : i32
    %dma_start3A_752 = tpu.memref_slice %arg13[%dma_start3A_751] : memref<10240xi32, #tpu.memory_space<vmem>> -> memref<512xi32, #tpu.memory_space<vmem>>
    %dma_start3A_753 = tpu.memref_slice %arg6[%add3A_747] : memref<327680xi32, #tpu.memory_space<hbm>> -> memref<512xi32, #tpu.memory_space<hbm>>
    tpu.enqueue_dma source(%dma_start3A_753 : memref<512xi32, #tpu.memory_space<hbm>>) target(%dma_start3A_752 : memref<512xi32, #tpu.memory_space<vmem>>) target_semaphore(%arg24 : memref<!tpu.dma_semaphore, #tpu.memory_space<semaphore_mem>>)
    %add3A_754 = arith.constant 229376 : i32
    %add3A_755 = arith.addi %add3A_754, %mul3A_2 : i32
    %dma_start3A_756 = arith.constant 7168 : i32
    %dma_start3A_757 = tpu.memref_slice %arg13[%dma_start3A_756] : memref<10240xi32, #tpu.memory_space<vmem>> -> memref<512xi32, #tpu.memory_space<vmem>>
    %dma_start3A_758 = tpu.memref_slice %arg6[%add3A_755] : memref<327680xi32, #tpu.memory_space<hbm>> -> memref<512xi32, #tpu.memory_space<hbm>>
    %dma_start3A_759 = arith.constant 7168 : i32
    %dma_start3A_760 = tpu.memref_slice %arg13[%dma_start3A_759] : memref<10240xi32, #tpu.memory_space<vmem>> -> memref<512xi32, #tpu.memory_space<vmem>>
    %dma_start3A_761 = tpu.memref_slice %arg6[%add3A_755] : memref<327680xi32, #tpu.memory_space<hbm>> -> memref<512xi32, #tpu.memory_space<hbm>>
    tpu.enqueue_dma source(%dma_start3A_761 : memref<512xi32, #tpu.memory_space<hbm>>) target(%dma_start3A_760 : memref<512xi32, #tpu.memory_space<vmem>>) target_semaphore(%arg24 : memref<!tpu.dma_semaphore, #tpu.memory_space<semaphore_mem>>)
    %add3A_762 = arith.constant 245760 : i32
    %add3A_763 = arith.addi %add3A_762, %mul3A_2 : i32
    %dma_start3A_764 = arith.constant 7680 : i32
    %dma_start3A_765 = tpu.memref_slice %arg13[%dma_start3A_764] : memref<10240xi32, #tpu.memory_space<vmem>> -> memref<512xi32, #tpu.memory_space<vmem>>
    %dma_start3A_766 = tpu.memref_slice %arg6[%add3A_763] : memref<327680xi32, #tpu.memory_space<hbm>> -> memref<512xi32, #tpu.memory_space<hbm>>
    %dma_start3A_767 = arith.constant 7680 : i32
    %dma_start3A_768 = tpu.memref_slice %arg13[%dma_start3A_767] : memref<10240xi32, #tpu.memory_space<vmem>> -> memref<512xi32, #tpu.memory_space<vmem>>
    %dma_start3A_769 = tpu.memref_slice %arg6[%add3A_763] : memref<327680xi32, #tpu.memory_space<hbm>> -> memref<512xi32, #tpu.memory_space<hbm>>
    tpu.enqueue_dma source(%dma_start3A_769 : memref<512xi32, #tpu.memory_space<hbm>>) target(%dma_start3A_768 : memref<512xi32, #tpu.memory_space<vmem>>) target_semaphore(%arg24 : memref<!tpu.dma_semaphore, #tpu.memory_space<semaphore_mem>>)
    %add3A_770 = arith.constant 262144 : i32
    %add3A_771 = arith.addi %add3A_770, %mul3A_2 : i32
    %dma_start3A_772 = arith.constant 8192 : i32
    %dma_start3A_773 = tpu.memref_slice %arg13[%dma_start3A_772] : memref<10240xi32, #tpu.memory_space<vmem>> -> memref<512xi32, #tpu.memory_space<vmem>>
    %dma_start3A_774 = tpu.memref_slice %arg6[%add3A_771] : memref<327680xi32, #tpu.memory_space<hbm>> -> memref<512xi32, #tpu.memory_space<hbm>>
    %dma_start3A_775 = arith.constant 8192 : i32
    %dma_start3A_776 = tpu.memref_slice %arg13[%dma_start3A_775] : memref<10240xi32, #tpu.memory_space<vmem>> -> memref<512xi32, #tpu.memory_space<vmem>>
    %dma_start3A_777 = tpu.memref_slice %arg6[%add3A_771] : memref<327680xi32, #tpu.memory_space<hbm>> -> memref<512xi32, #tpu.memory_space<hbm>>
    tpu.enqueue_dma source(%dma_start3A_777 : memref<512xi32, #tpu.memory_space<hbm>>) target(%dma_start3A_776 : memref<512xi32, #tpu.memory_space<vmem>>) target_semaphore(%arg24 : memref<!tpu.dma_semaphore, #tpu.memory_space<semaphore_mem>>)
    %add3A_778 = arith.constant 278528 : i32
    %add3A_779 = arith.addi %add3A_778, %mul3A_2 : i32
    %dma_start3A_780 = arith.constant 8704 : i32
    %dma_start3A_781 = tpu.memref_slice %arg13[%dma_start3A_780] : memref<10240xi32, #tpu.memory_space<vmem>> -> memref<512xi32, #tpu.memory_space<vmem>>
    %dma_start3A_782 = tpu.memref_slice %arg6[%add3A_779] : memref<327680xi32, #tpu.memory_space<hbm>> -> memref<512xi32, #tpu.memory_space<hbm>>
    %dma_start3A_783 = arith.constant 8704 : i32
    %dma_start3A_784 = tpu.memref_slice %arg13[%dma_start3A_783] : memref<10240xi32, #tpu.memory_space<vmem>> -> memref<512xi32, #tpu.memory_space<vmem>>
    %dma_start3A_785 = tpu.memref_slice %arg6[%add3A_779] : memref<327680xi32, #tpu.memory_space<hbm>> -> memref<512xi32, #tpu.memory_space<hbm>>
    tpu.enqueue_dma source(%dma_start3A_785 : memref<512xi32, #tpu.memory_space<hbm>>) target(%dma_start3A_784 : memref<512xi32, #tpu.memory_space<vmem>>) target_semaphore(%arg24 : memref<!tpu.dma_semaphore, #tpu.memory_space<semaphore_mem>>)
    %add3A_786 = arith.constant 294912 : i32
    %add3A_787 = arith.addi %add3A_786, %mul3A_2 : i32
    %dma_start3A_788 = arith.constant 9216 : i32
    %dma_start3A_789 = tpu.memref_slice %arg13[%dma_start3A_788] : memref<10240xi32, #tpu.memory_space<vmem>> -> memref<512xi32, #tpu.memory_space<vmem>>
    %dma_start3A_790 = tpu.memref_slice %arg6[%add3A_787] : memref<327680xi32, #tpu.memory_space<hbm>> -> memref<512xi32, #tpu.memory_space<hbm>>
    %dma_start3A_791 = arith.constant 9216 : i32
    %dma_start3A_792 = tpu.memref_slice %arg13[%dma_start3A_791] : memref<10240xi32, #tpu.memory_space<vmem>> -> memref<512xi32, #tpu.memory_space<vmem>>
    %dma_start3A_793 = tpu.memref_slice %arg6[%add3A_787] : memref<327680xi32, #tpu.memory_space<hbm>> -> memref<512xi32, #tpu.memory_space<hbm>>
    tpu.enqueue_dma source(%dma_start3A_793 : memref<512xi32, #tpu.memory_space<hbm>>) target(%dma_start3A_792 : memref<512xi32, #tpu.memory_space<vmem>>) target_semaphore(%arg24 : memref<!tpu.dma_semaphore, #tpu.memory_space<semaphore_mem>>)
    %add3A_794 = arith.constant 311296 : i32
    %add3A_795 = arith.addi %add3A_794, %mul3A_2 : i32
    %dma_start3A_796 = arith.constant 9728 : i32
    %dma_start3A_797 = tpu.memref_slice %arg13[%dma_start3A_796] : memref<10240xi32, #tpu.memory_space<vmem>> -> memref<512xi32, #tpu.memory_space<vmem>>
    %dma_start3A_798 = tpu.memref_slice %arg6[%add3A_795] : memref<327680xi32, #tpu.memory_space<hbm>> -> memref<512xi32, #tpu.memory_space<hbm>>
    %dma_start3A_799 = arith.constant 9728 : i32
    %dma_start3A_800 = tpu.memref_slice %arg13[%dma_start3A_799] : memref<10240xi32, #tpu.memory_space<vmem>> -> memref<512xi32, #tpu.memory_space<vmem>>
    %dma_start3A_801 = tpu.memref_slice %arg6[%add3A_795] : memref<327680xi32, #tpu.memory_space<hbm>> -> memref<512xi32, #tpu.memory_space<hbm>>
    tpu.enqueue_dma source(%dma_start3A_801 : memref<512xi32, #tpu.memory_space<hbm>>) target(%dma_start3A_800 : memref<512xi32, #tpu.memory_space<vmem>>) target_semaphore(%arg24 : memref<!tpu.dma_semaphore, #tpu.memory_space<semaphore_mem>>)
    %dma_start3A_802 = arith.constant 0 : i32
    %dma_start3A_803 = tpu.memref_slice %arg7[%dma_start3A_802] : memref<6016xf32, #tpu.memory_space<hbm>> -> memref<8xf32, #tpu.memory_space<hbm>>
    %dma_start3A_804 = arith.constant 0 : i32
    %dma_start3A_805 = tpu.memref_slice %arg7[%dma_start3A_804] : memref<6016xf32, #tpu.memory_space<hbm>> -> memref<8xf32, #tpu.memory_space<hbm>>
    tpu.enqueue_dma source(%dma_start3A_805 : memref<8xf32, #tpu.memory_space<hbm>>) target(%arg14 : memref<8xf32, #tpu.memory_space<vmem>>) target_semaphore(%arg20 : memref<!tpu.dma_semaphore, #tpu.memory_space<semaphore_mem>>)
    %dma_start3A_806 = arith.constant 8 : i32
    %dma_start3A_807 = tpu.memref_slice %arg7[%dma_start3A_806] : memref<6016xf32, #tpu.memory_space<hbm>> -> memref<3000xf32, #tpu.memory_space<hbm>>
    %dma_start3A_808 = arith.constant 8 : i32
    %dma_start3A_809 = tpu.memref_slice %arg7[%dma_start3A_808] : memref<6016xf32, #tpu.memory_space<hbm>> -> memref<3000xf32, #tpu.memory_space<hbm>>
    tpu.enqueue_dma source(%dma_start3A_809 : memref<3000xf32, #tpu.memory_space<hbm>>) target(%arg15 : memref<3000xf32, #tpu.memory_space<vmem>>) target_semaphore(%arg21 : memref<!tpu.dma_semaphore, #tpu.memory_space<semaphore_mem>>)
    %dma_start3A_810 = arith.constant 3008 : i32
    %dma_start3A_811 = tpu.memref_slice %arg7[%dma_start3A_810] : memref<6016xf32, #tpu.memory_space<hbm>> -> memref<1000xf32, #tpu.memory_space<hbm>>
    %dma_start3A_812 = arith.constant 3008 : i32
    %dma_start3A_813 = tpu.memref_slice %arg7[%dma_start3A_812] : memref<6016xf32, #tpu.memory_space<hbm>> -> memref<1000xf32, #tpu.memory_space<hbm>>
    tpu.enqueue_dma source(%dma_start3A_813 : memref<1000xf32, #tpu.memory_space<hbm>>) target(%arg16 : memref<1000xf32, #tpu.memory_space<vmem>>) target_semaphore(%arg22 : memref<!tpu.dma_semaphore, #tpu.memory_space<semaphore_mem>>)
    %dma_start3A_814 = arith.constant 4008 : i32
    %dma_start3A_815 = tpu.memref_slice %arg7[%dma_start3A_814] : memref<6016xf32, #tpu.memory_space<hbm>> -> memref<1000xf32, #tpu.memory_space<hbm>>
    %dma_start3A_816 = arith.constant 4008 : i32
    %dma_start3A_817 = tpu.memref_slice %arg7[%dma_start3A_816] : memref<6016xf32, #tpu.memory_space<hbm>> -> memref<1000xf32, #tpu.memory_space<hbm>>
    tpu.enqueue_dma source(%dma_start3A_817 : memref<1000xf32, #tpu.memory_space<hbm>>) target(%arg17 : memref<1000xf32, #tpu.memory_space<vmem>>) target_semaphore(%arg23 : memref<!tpu.dma_semaphore, #tpu.memory_space<semaphore_mem>>)
    %dma_start3A_818 = arith.constant 5008 : i32
    %dma_start3A_819 = tpu.memref_slice %arg7[%dma_start3A_818] : memref<6016xf32, #tpu.memory_space<hbm>> -> memref<1000xf32, #tpu.memory_space<hbm>>
    %dma_start3A_820 = arith.constant 5008 : i32
    %dma_start3A_821 = tpu.memref_slice %arg7[%dma_start3A_820] : memref<6016xf32, #tpu.memory_space<hbm>> -> memref<1000xf32, #tpu.memory_space<hbm>>
    tpu.enqueue_dma source(%dma_start3A_821 : memref<1000xf32, #tpu.memory_space<hbm>>) target(%arg18 : memref<1000xf32, #tpu.memory_space<vmem>>) target_semaphore(%arg24 : memref<!tpu.dma_semaphore, #tpu.memory_space<semaphore_mem>>)
    %dma_wait3A = arith.constant 0 : i32
    %dma_wait3A_822 = tpu.memref_slice %arg9[%dma_wait3A] : memref<10240xi32, #tpu.memory_space<vmem>> -> memref<512xi32, #tpu.memory_space<vmem>>
    %dma_wait3A_823 = tpu.memref_slice %arg2[%add3A_4] : memref<327680xi32, #tpu.memory_space<hbm>> -> memref<512xi32, #tpu.memory_space<hbm>>
    %dma_wait3A_824 = arith.constant 0 : i32
    %dma_wait3A_825 = tpu.memref_slice %arg9[%dma_wait3A_824] : memref<10240xi32, #tpu.memory_space<vmem>> -> memref<512xi32, #tpu.memory_space<vmem>>
    %dma_wait3A_826 = tpu.memref_slice %arg2[%add3A_4] : memref<327680xi32, #tpu.memory_space<hbm>> -> memref<512xi32, #tpu.memory_space<hbm>>
    tpu.wait_dma2 semaphore(%arg20 : memref<!tpu.dma_semaphore, #tpu.memory_space<semaphore_mem>>) src(%dma_wait3A_826 : memref<512xi32, #tpu.memory_space<hbm>>) dst(%dma_wait3A_825 : memref<512xi32, #tpu.memory_space<vmem>>)
    %dma_wait3A_827 = arith.constant 512 : i32
    %dma_wait3A_828 = tpu.memref_slice %arg9[%dma_wait3A_827] : memref<10240xi32, #tpu.memory_space<vmem>> -> memref<512xi32, #tpu.memory_space<vmem>>
    %dma_wait3A_829 = tpu.memref_slice %arg2[%add3A_11] : memref<327680xi32, #tpu.memory_space<hbm>> -> memref<512xi32, #tpu.memory_space<hbm>>
    %dma_wait3A_830 = arith.constant 512 : i32
    %dma_wait3A_831 = tpu.memref_slice %arg9[%dma_wait3A_830] : memref<10240xi32, #tpu.memory_space<vmem>> -> memref<512xi32, #tpu.memory_space<vmem>>
    %dma_wait3A_832 = tpu.memref_slice %arg2[%add3A_11] : memref<327680xi32, #tpu.memory_space<hbm>> -> memref<512xi32, #tpu.memory_space<hbm>>
    tpu.wait_dma2 semaphore(%arg20 : memref<!tpu.dma_semaphore, #tpu.memory_space<semaphore_mem>>) src(%dma_wait3A_832 : memref<512xi32, #tpu.memory_space<hbm>>) dst(%dma_wait3A_831 : memref<512xi32, #tpu.memory_space<vmem>>)
    %dma_wait3A_833 = arith.constant 1024 : i32
    %dma_wait3A_834 = tpu.memref_slice %arg9[%dma_wait3A_833] : memref<10240xi32, #tpu.memory_space<vmem>> -> memref<512xi32, #tpu.memory_space<vmem>>
    %dma_wait3A_835 = tpu.memref_slice %arg2[%add3A_19] : memref<327680xi32, #tpu.memory_space<hbm>> -> memref<512xi32, #tpu.memory_space<hbm>>
    %dma_wait3A_836 = arith.constant 1024 : i32
    %dma_wait3A_837 = tpu.memref_slice %arg9[%dma_wait3A_836] : memref<10240xi32, #tpu.memory_space<vmem>> -> memref<512xi32, #tpu.memory_space<vmem>>
    %dma_wait3A_838 = tpu.memref_slice %arg2[%add3A_19] : memref<327680xi32, #tpu.memory_space<hbm>> -> memref<512xi32, #tpu.memory_space<hbm>>
    tpu.wait_dma2 semaphore(%arg20 : memref<!tpu.dma_semaphore, #tpu.memory_space<semaphore_mem>>) src(%dma_wait3A_838 : memref<512xi32, #tpu.memory_space<hbm>>) dst(%dma_wait3A_837 : memref<512xi32, #tpu.memory_space<vmem>>)
    %dma_wait3A_839 = arith.constant 1536 : i32
    %dma_wait3A_840 = tpu.memref_slice %arg9[%dma_wait3A_839] : memref<10240xi32, #tpu.memory_space<vmem>> -> memref<512xi32, #tpu.memory_space<vmem>>
    %dma_wait3A_841 = tpu.memref_slice %arg2[%add3A_27] : memref<327680xi32, #tpu.memory_space<hbm>> -> memref<512xi32, #tpu.memory_space<hbm>>
    %dma_wait3A_842 = arith.constant 1536 : i32
    %dma_wait3A_843 = tpu.memref_slice %arg9[%dma_wait3A_842] : memref<10240xi32, #tpu.memory_space<vmem>> -> memref<512xi32, #tpu.memory_space<vmem>>
    %dma_wait3A_844 = tpu.memref_slice %arg2[%add3A_27] : memref<327680xi32, #tpu.memory_space<hbm>> -> memref<512xi32, #tpu.memory_space<hbm>>
    tpu.wait_dma2 semaphore(%arg20 : memref<!tpu.dma_semaphore, #tpu.memory_space<semaphore_mem>>) src(%dma_wait3A_844 : memref<512xi32, #tpu.memory_space<hbm>>) dst(%dma_wait3A_843 : memref<512xi32, #tpu.memory_space<vmem>>)
    %dma_wait3A_845 = arith.constant 2048 : i32
    %dma_wait3A_846 = tpu.memref_slice %arg9[%dma_wait3A_845] : memref<10240xi32, #tpu.memory_space<vmem>> -> memref<512xi32, #tpu.memory_space<vmem>>
    %dma_wait3A_847 = tpu.memref_slice %arg2[%add3A_35] : memref<327680xi32, #tpu.memory_space<hbm>> -> memref<512xi32, #tpu.memory_space<hbm>>
    %dma_wait3A_848 = arith.constant 2048 : i32
    %dma_wait3A_849 = tpu.memref_slice %arg9[%dma_wait3A_848] : memref<10240xi32, #tpu.memory_space<vmem>> -> memref<512xi32, #tpu.memory_space<vmem>>
    %dma_wait3A_850 = tpu.memref_slice %arg2[%add3A_35] : memref<327680xi32, #tpu.memory_space<hbm>> -> memref<512xi32, #tpu.memory_space<hbm>>
    tpu.wait_dma2 semaphore(%arg20 : memref<!tpu.dma_semaphore, #tpu.memory_space<semaphore_mem>>) src(%dma_wait3A_850 : memref<512xi32, #tpu.memory_space<hbm>>) dst(%dma_wait3A_849 : memref<512xi32, #tpu.memory_space<vmem>>)
    %dma_wait3A_851 = arith.constant 2560 : i32
    %dma_wait3A_852 = tpu.memref_slice %arg9[%dma_wait3A_851] : memref<10240xi32, #tpu.memory_space<vmem>> -> memref<512xi32, #tpu.memory_space<vmem>>
    %dma_wait3A_853 = tpu.memref_slice %arg2[%add3A_43] : memref<327680xi32, #tpu.memory_space<hbm>> -> memref<512xi32, #tpu.memory_space<hbm>>
    %dma_wait3A_854 = arith.constant 2560 : i32
    %dma_wait3A_855 = tpu.memref_slice %arg9[%dma_wait3A_854] : memref<10240xi32, #tpu.memory_space<vmem>> -> memref<512xi32, #tpu.memory_space<vmem>>
    %dma_wait3A_856 = tpu.memref_slice %arg2[%add3A_43] : memref<327680xi32, #tpu.memory_space<hbm>> -> memref<512xi32, #tpu.memory_space<hbm>>
    tpu.wait_dma2 semaphore(%arg20 : memref<!tpu.dma_semaphore, #tpu.memory_space<semaphore_mem>>) src(%dma_wait3A_856 : memref<512xi32, #tpu.memory_space<hbm>>) dst(%dma_wait3A_855 : memref<512xi32, #tpu.memory_space<vmem>>)
    %dma_wait3A_857 = arith.constant 3072 : i32
    %dma_wait3A_858 = tpu.memref_slice %arg9[%dma_wait3A_857] : memref<10240xi32, #tpu.memory_space<vmem>> -> memref<512xi32, #tpu.memory_space<vmem>>
    %dma_wait3A_859 = tpu.memref_slice %arg2[%add3A_51] : memref<327680xi32, #tpu.memory_space<hbm>> -> memref<512xi32, #tpu.memory_space<hbm>>
    %dma_wait3A_860 = arith.constant 3072 : i32
    %dma_wait3A_861 = tpu.memref_slice %arg9[%dma_wait3A_860] : memref<10240xi32, #tpu.memory_space<vmem>> -> memref<512xi32, #tpu.memory_space<vmem>>
    %dma_wait3A_862 = tpu.memref_slice %arg2[%add3A_51] : memref<327680xi32, #tpu.memory_space<hbm>> -> memref<512xi32, #tpu.memory_space<hbm>>
    tpu.wait_dma2 semaphore(%arg20 : memref<!tpu.dma_semaphore, #tpu.memory_space<semaphore_mem>>) src(%dma_wait3A_862 : memref<512xi32, #tpu.memory_space<hbm>>) dst(%dma_wait3A_861 : memref<512xi32, #tpu.memory_space<vmem>>)
    %dma_wait3A_863 = arith.constant 3584 : i32
    %dma_wait3A_864 = tpu.memref_slice %arg9[%dma_wait3A_863] : memref<10240xi32, #tpu.memory_space<vmem>> -> memref<512xi32, #tpu.memory_space<vmem>>
    %dma_wait3A_865 = tpu.memref_slice %arg2[%add3A_59] : memref<327680xi32, #tpu.memory_space<hbm>> -> memref<512xi32, #tpu.memory_space<hbm>>
    %dma_wait3A_866 = arith.constant 3584 : i32
    %dma_wait3A_867 = tpu.memref_slice %arg9[%dma_wait3A_866] : memref<10240xi32, #tpu.memory_space<vmem>> -> memref<512xi32, #tpu.memory_space<vmem>>
    %dma_wait3A_868 = tpu.memref_slice %arg2[%add3A_59] : memref<327680xi32, #tpu.memory_space<hbm>> -> memref<512xi32, #tpu.memory_space<hbm>>
    tpu.wait_dma2 semaphore(%arg20 : memref<!tpu.dma_semaphore, #tpu.memory_space<semaphore_mem>>) src(%dma_wait3A_868 : memref<512xi32, #tpu.memory_space<hbm>>) dst(%dma_wait3A_867 : memref<512xi32, #tpu.memory_space<vmem>>)
    %dma_wait3A_869 = arith.constant 4096 : i32
    %dma_wait3A_870 = tpu.memref_slice %arg9[%dma_wait3A_869] : memref<10240xi32, #tpu.memory_space<vmem>> -> memref<512xi32, #tpu.memory_space<vmem>>
    %dma_wait3A_871 = tpu.memref_slice %arg2[%add3A_67] : memref<327680xi32, #tpu.memory_space<hbm>> -> memref<512xi32, #tpu.memory_space<hbm>>
    %dma_wait3A_872 = arith.constant 4096 : i32
    %dma_wait3A_873 = tpu.memref_slice %arg9[%dma_wait3A_872] : memref<10240xi32, #tpu.memory_space<vmem>> -> memref<512xi32, #tpu.memory_space<vmem>>
    %dma_wait3A_874 = tpu.memref_slice %arg2[%add3A_67] : memref<327680xi32, #tpu.memory_space<hbm>> -> memref<512xi32, #tpu.memory_space<hbm>>
    tpu.wait_dma2 semaphore(%arg20 : memref<!tpu.dma_semaphore, #tpu.memory_space<semaphore_mem>>) src(%dma_wait3A_874 : memref<512xi32, #tpu.memory_space<hbm>>) dst(%dma_wait3A_873 : memref<512xi32, #tpu.memory_space<vmem>>)
    %dma_wait3A_875 = arith.constant 4608 : i32
    %dma_wait3A_876 = tpu.memref_slice %arg9[%dma_wait3A_875] : memref<10240xi32, #tpu.memory_space<vmem>> -> memref<512xi32, #tpu.memory_space<vmem>>
    %dma_wait3A_877 = tpu.memref_slice %arg2[%add3A_75] : memref<327680xi32, #tpu.memory_space<hbm>> -> memref<512xi32, #tpu.memory_space<hbm>>
    %dma_wait3A_878 = arith.constant 4608 : i32
    %dma_wait3A_879 = tpu.memref_slice %arg9[%dma_wait3A_878] : memref<10240xi32, #tpu.memory_space<vmem>> -> memref<512xi32, #tpu.memory_space<vmem>>
    %dma_wait3A_880 = tpu.memref_slice %arg2[%add3A_75] : memref<327680xi32, #tpu.memory_space<hbm>> -> memref<512xi32, #tpu.memory_space<hbm>>
    tpu.wait_dma2 semaphore(%arg20 : memref<!tpu.dma_semaphore, #tpu.memory_space<semaphore_mem>>) src(%dma_wait3A_880 : memref<512xi32, #tpu.memory_space<hbm>>) dst(%dma_wait3A_879 : memref<512xi32, #tpu.memory_space<vmem>>)
    %dma_wait3A_881 = arith.constant 5120 : i32
    %dma_wait3A_882 = tpu.memref_slice %arg9[%dma_wait3A_881] : memref<10240xi32, #tpu.memory_space<vmem>> -> memref<512xi32, #tpu.memory_space<vmem>>
    %dma_wait3A_883 = tpu.memref_slice %arg2[%add3A_83] : memref<327680xi32, #tpu.memory_space<hbm>> -> memref<512xi32, #tpu.memory_space<hbm>>
    %dma_wait3A_884 = arith.constant 5120 : i32
    %dma_wait3A_885 = tpu.memref_slice %arg9[%dma_wait3A_884] : memref<10240xi32, #tpu.memory_space<vmem>> -> memref<512xi32, #tpu.memory_space<vmem>>
    %dma_wait3A_886 = tpu.memref_slice %arg2[%add3A_83] : memref<327680xi32, #tpu.memory_space<hbm>> -> memref<512xi32, #tpu.memory_space<hbm>>
    tpu.wait_dma2 semaphore(%arg20 : memref<!tpu.dma_semaphore, #tpu.memory_space<semaphore_mem>>) src(%dma_wait3A_886 : memref<512xi32, #tpu.memory_space<hbm>>) dst(%dma_wait3A_885 : memref<512xi32, #tpu.memory_space<vmem>>)
    %dma_wait3A_887 = arith.constant 5632 : i32
    %dma_wait3A_888 = tpu.memref_slice %arg9[%dma_wait3A_887] : memref<10240xi32, #tpu.memory_space<vmem>> -> memref<512xi32, #tpu.memory_space<vmem>>
    %dma_wait3A_889 = tpu.memref_slice %arg2[%add3A_91] : memref<327680xi32, #tpu.memory_space<hbm>> -> memref<512xi32, #tpu.memory_space<hbm>>
    %dma_wait3A_890 = arith.constant 5632 : i32
    %dma_wait3A_891 = tpu.memref_slice %arg9[%dma_wait3A_890] : memref<10240xi32, #tpu.memory_space<vmem>> -> memref<512xi32, #tpu.memory_space<vmem>>
    %dma_wait3A_892 = tpu.memref_slice %arg2[%add3A_91] : memref<327680xi32, #tpu.memory_space<hbm>> -> memref<512xi32, #tpu.memory_space<hbm>>
    tpu.wait_dma2 semaphore(%arg20 : memref<!tpu.dma_semaphore, #tpu.memory_space<semaphore_mem>>) src(%dma_wait3A_892 : memref<512xi32, #tpu.memory_space<hbm>>) dst(%dma_wait3A_891 : memref<512xi32, #tpu.memory_space<vmem>>)
    %dma_wait3A_893 = arith.constant 6144 : i32
    %dma_wait3A_894 = tpu.memref_slice %arg9[%dma_wait3A_893] : memref<10240xi32, #tpu.memory_space<vmem>> -> memref<512xi32, #tpu.memory_space<vmem>>
    %dma_wait3A_895 = tpu.memref_slice %arg2[%add3A_99] : memref<327680xi32, #tpu.memory_space<hbm>> -> memref<512xi32, #tpu.memory_space<hbm>>
    %dma_wait3A_896 = arith.constant 6144 : i32
    %dma_wait3A_897 = tpu.memref_slice %arg9[%dma_wait3A_896] : memref<10240xi32, #tpu.memory_space<vmem>> -> memref<512xi32, #tpu.memory_space<vmem>>
    %dma_wait3A_898 = tpu.memref_slice %arg2[%add3A_99] : memref<327680xi32, #tpu.memory_space<hbm>> -> memref<512xi32, #tpu.memory_space<hbm>>
    tpu.wait_dma2 semaphore(%arg20 : memref<!tpu.dma_semaphore, #tpu.memory_space<semaphore_mem>>) src(%dma_wait3A_898 : memref<512xi32, #tpu.memory_space<hbm>>) dst(%dma_wait3A_897 : memref<512xi32, #tpu.memory_space<vmem>>)
    %dma_wait3A_899 = arith.constant 6656 : i32
    %dma_wait3A_900 = tpu.memref_slice %arg9[%dma_wait3A_899] : memref<10240xi32, #tpu.memory_space<vmem>> -> memref<512xi32, #tpu.memory_space<vmem>>
    %dma_wait3A_901 = tpu.memref_slice %arg2[%add3A_107] : memref<327680xi32, #tpu.memory_space<hbm>> -> memref<512xi32, #tpu.memory_space<hbm>>
    %dma_wait3A_902 = arith.constant 6656 : i32
    %dma_wait3A_903 = tpu.memref_slice %arg9[%dma_wait3A_902] : memref<10240xi32, #tpu.memory_space<vmem>> -> memref<512xi32, #tpu.memory_space<vmem>>
    %dma_wait3A_904 = tpu.memref_slice %arg2[%add3A_107] : memref<327680xi32, #tpu.memory_space<hbm>> -> memref<512xi32, #tpu.memory_space<hbm>>
    tpu.wait_dma2 semaphore(%arg20 : memref<!tpu.dma_semaphore, #tpu.memory_space<semaphore_mem>>) src(%dma_wait3A_904 : memref<512xi32, #tpu.memory_space<hbm>>) dst(%dma_wait3A_903 : memref<512xi32, #tpu.memory_space<vmem>>)
    %dma_wait3A_905 = arith.constant 7168 : i32
    %dma_wait3A_906 = tpu.memref_slice %arg9[%dma_wait3A_905] : memref<10240xi32, #tpu.memory_space<vmem>> -> memref<512xi32, #tpu.memory_space<vmem>>
    %dma_wait3A_907 = tpu.memref_slice %arg2[%add3A_115] : memref<327680xi32, #tpu.memory_space<hbm>> -> memref<512xi32, #tpu.memory_space<hbm>>
    %dma_wait3A_908 = arith.constant 7168 : i32
    %dma_wait3A_909 = tpu.memref_slice %arg9[%dma_wait3A_908] : memref<10240xi32, #tpu.memory_space<vmem>> -> memref<512xi32, #tpu.memory_space<vmem>>
    %dma_wait3A_910 = tpu.memref_slice %arg2[%add3A_115] : memref<327680xi32, #tpu.memory_space<hbm>> -> memref<512xi32, #tpu.memory_space<hbm>>
    tpu.wait_dma2 semaphore(%arg20 : memref<!tpu.dma_semaphore, #tpu.memory_space<semaphore_mem>>) src(%dma_wait3A_910 : memref<512xi32, #tpu.memory_space<hbm>>) dst(%dma_wait3A_909 : memref<512xi32, #tpu.memory_space<vmem>>)
    %dma_wait3A_911 = arith.constant 7680 : i32
    %dma_wait3A_912 = tpu.memref_slice %arg9[%dma_wait3A_911] : memref<10240xi32, #tpu.memory_space<vmem>> -> memref<512xi32, #tpu.memory_space<vmem>>
    %dma_wait3A_913 = tpu.memref_slice %arg2[%add3A_123] : memref<327680xi32, #tpu.memory_space<hbm>> -> memref<512xi32, #tpu.memory_space<hbm>>
    %dma_wait3A_914 = arith.constant 7680 : i32
    %dma_wait3A_915 = tpu.memref_slice %arg9[%dma_wait3A_914] : memref<10240xi32, #tpu.memory_space<vmem>> -> memref<512xi32, #tpu.memory_space<vmem>>
    %dma_wait3A_916 = tpu.memref_slice %arg2[%add3A_123] : memref<327680xi32, #tpu.memory_space<hbm>> -> memref<512xi32, #tpu.memory_space<hbm>>
    tpu.wait_dma2 semaphore(%arg20 : memref<!tpu.dma_semaphore, #tpu.memory_space<semaphore_mem>>) src(%dma_wait3A_916 : memref<512xi32, #tpu.memory_space<hbm>>) dst(%dma_wait3A_915 : memref<512xi32, #tpu.memory_space<vmem>>)
    %dma_wait3A_917 = arith.constant 8192 : i32
    %dma_wait3A_918 = tpu.memref_slice %arg9[%dma_wait3A_917] : memref<10240xi32, #tpu.memory_space<vmem>> -> memref<512xi32, #tpu.memory_space<vmem>>
    %dma_wait3A_919 = tpu.memref_slice %arg2[%add3A_131] : memref<327680xi32, #tpu.memory_space<hbm>> -> memref<512xi32, #tpu.memory_space<hbm>>
    %dma_wait3A_920 = arith.constant 8192 : i32
    %dma_wait3A_921 = tpu.memref_slice %arg9[%dma_wait3A_920] : memref<10240xi32, #tpu.memory_space<vmem>> -> memref<512xi32, #tpu.memory_space<vmem>>
    %dma_wait3A_922 = tpu.memref_slice %arg2[%add3A_131] : memref<327680xi32, #tpu.memory_space<hbm>> -> memref<512xi32, #tpu.memory_space<hbm>>
    tpu.wait_dma2 semaphore(%arg20 : memref<!tpu.dma_semaphore, #tpu.memory_space<semaphore_mem>>) src(%dma_wait3A_922 : memref<512xi32, #tpu.memory_space<hbm>>) dst(%dma_wait3A_921 : memref<512xi32, #tpu.memory_space<vmem>>)
    %dma_wait3A_923 = arith.constant 8704 : i32
    %dma_wait3A_924 = tpu.memref_slice %arg9[%dma_wait3A_923] : memref<10240xi32, #tpu.memory_space<vmem>> -> memref<512xi32, #tpu.memory_space<vmem>>
    %dma_wait3A_925 = tpu.memref_slice %arg2[%add3A_139] : memref<327680xi32, #tpu.memory_space<hbm>> -> memref<512xi32, #tpu.memory_space<hbm>>
    %dma_wait3A_926 = arith.constant 8704 : i32
    %dma_wait3A_927 = tpu.memref_slice %arg9[%dma_wait3A_926] : memref<10240xi32, #tpu.memory_space<vmem>> -> memref<512xi32, #tpu.memory_space<vmem>>
    %dma_wait3A_928 = tpu.memref_slice %arg2[%add3A_139] : memref<327680xi32, #tpu.memory_space<hbm>> -> memref<512xi32, #tpu.memory_space<hbm>>
    tpu.wait_dma2 semaphore(%arg20 : memref<!tpu.dma_semaphore, #tpu.memory_space<semaphore_mem>>) src(%dma_wait3A_928 : memref<512xi32, #tpu.memory_space<hbm>>) dst(%dma_wait3A_927 : memref<512xi32, #tpu.memory_space<vmem>>)
    %dma_wait3A_929 = arith.constant 9216 : i32
    %dma_wait3A_930 = tpu.memref_slice %arg9[%dma_wait3A_929] : memref<10240xi32, #tpu.memory_space<vmem>> -> memref<512xi32, #tpu.memory_space<vmem>>
    %dma_wait3A_931 = tpu.memref_slice %arg2[%add3A_147] : memref<327680xi32, #tpu.memory_space<hbm>> -> memref<512xi32, #tpu.memory_space<hbm>>
    %dma_wait3A_932 = arith.constant 9216 : i32
    %dma_wait3A_933 = tpu.memref_slice %arg9[%dma_wait3A_932] : memref<10240xi32, #tpu.memory_space<vmem>> -> memref<512xi32, #tpu.memory_space<vmem>>
    %dma_wait3A_934 = tpu.memref_slice %arg2[%add3A_147] : memref<327680xi32, #tpu.memory_space<hbm>> -> memref<512xi32, #tpu.memory_space<hbm>>
    tpu.wait_dma2 semaphore(%arg20 : memref<!tpu.dma_semaphore, #tpu.memory_space<semaphore_mem>>) src(%dma_wait3A_934 : memref<512xi32, #tpu.memory_space<hbm>>) dst(%dma_wait3A_933 : memref<512xi32, #tpu.memory_space<vmem>>)
    %dma_wait3A_935 = arith.constant 9728 : i32
    %dma_wait3A_936 = tpu.memref_slice %arg9[%dma_wait3A_935] : memref<10240xi32, #tpu.memory_space<vmem>> -> memref<512xi32, #tpu.memory_space<vmem>>
    %dma_wait3A_937 = tpu.memref_slice %arg2[%add3A_155] : memref<327680xi32, #tpu.memory_space<hbm>> -> memref<512xi32, #tpu.memory_space<hbm>>
    %dma_wait3A_938 = arith.constant 9728 : i32
    %dma_wait3A_939 = tpu.memref_slice %arg9[%dma_wait3A_938] : memref<10240xi32, #tpu.memory_space<vmem>> -> memref<512xi32, #tpu.memory_space<vmem>>
    %dma_wait3A_940 = tpu.memref_slice %arg2[%add3A_155] : memref<327680xi32, #tpu.memory_space<hbm>> -> memref<512xi32, #tpu.memory_space<hbm>>
    tpu.wait_dma2 semaphore(%arg20 : memref<!tpu.dma_semaphore, #tpu.memory_space<semaphore_mem>>) src(%dma_wait3A_940 : memref<512xi32, #tpu.memory_space<hbm>>) dst(%dma_wait3A_939 : memref<512xi32, #tpu.memory_space<vmem>>)
    %dma_wait3A_941 = arith.constant 0 : i32
    %dma_wait3A_942 = tpu.memref_slice %arg10[%dma_wait3A_941] : memref<10240xi32, #tpu.memory_space<vmem>> -> memref<512xi32, #tpu.memory_space<vmem>>
    %dma_wait3A_943 = tpu.memref_slice %arg3[%add3A_163] : memref<327680xi32, #tpu.memory_space<hbm>> -> memref<512xi32, #tpu.memory_space<hbm>>
    %dma_wait3A_944 = arith.constant 0 : i32
    %dma_wait3A_945 = tpu.memref_slice %arg10[%dma_wait3A_944] : memref<10240xi32, #tpu.memory_space<vmem>> -> memref<512xi32, #tpu.memory_space<vmem>>
    %dma_wait3A_946 = tpu.memref_slice %arg3[%add3A_163] : memref<327680xi32, #tpu.memory_space<hbm>> -> memref<512xi32, #tpu.memory_space<hbm>>
    tpu.wait_dma2 semaphore(%arg21 : memref<!tpu.dma_semaphore, #tpu.memory_space<semaphore_mem>>) src(%dma_wait3A_946 : memref<512xi32, #tpu.memory_space<hbm>>) dst(%dma_wait3A_945 : memref<512xi32, #tpu.memory_space<vmem>>)
    %dma_wait3A_947 = arith.constant 512 : i32
    %dma_wait3A_948 = tpu.memref_slice %arg10[%dma_wait3A_947] : memref<10240xi32, #tpu.memory_space<vmem>> -> memref<512xi32, #tpu.memory_space<vmem>>
    %dma_wait3A_949 = tpu.memref_slice %arg3[%add3A_171] : memref<327680xi32, #tpu.memory_space<hbm>> -> memref<512xi32, #tpu.memory_space<hbm>>
    %dma_wait3A_950 = arith.constant 512 : i32
    %dma_wait3A_951 = tpu.memref_slice %arg10[%dma_wait3A_950] : memref<10240xi32, #tpu.memory_space<vmem>> -> memref<512xi32, #tpu.memory_space<vmem>>
    %dma_wait3A_952 = tpu.memref_slice %arg3[%add3A_171] : memref<327680xi32, #tpu.memory_space<hbm>> -> memref<512xi32, #tpu.memory_space<hbm>>
    tpu.wait_dma2 semaphore(%arg21 : memref<!tpu.dma_semaphore, #tpu.memory_space<semaphore_mem>>) src(%dma_wait3A_952 : memref<512xi32, #tpu.memory_space<hbm>>) dst(%dma_wait3A_951 : memref<512xi32, #tpu.memory_space<vmem>>)
    %dma_wait3A_953 = arith.constant 1024 : i32
    %dma_wait3A_954 = tpu.memref_slice %arg10[%dma_wait3A_953] : memref<10240xi32, #tpu.memory_space<vmem>> -> memref<512xi32, #tpu.memory_space<vmem>>
    %dma_wait3A_955 = tpu.memref_slice %arg3[%add3A_179] : memref<327680xi32, #tpu.memory_space<hbm>> -> memref<512xi32, #tpu.memory_space<hbm>>
    %dma_wait3A_956 = arith.constant 1024 : i32
    %dma_wait3A_957 = tpu.memref_slice %arg10[%dma_wait3A_956] : memref<10240xi32, #tpu.memory_space<vmem>> -> memref<512xi32, #tpu.memory_space<vmem>>
    %dma_wait3A_958 = tpu.memref_slice %arg3[%add3A_179] : memref<327680xi32, #tpu.memory_space<hbm>> -> memref<512xi32, #tpu.memory_space<hbm>>
    tpu.wait_dma2 semaphore(%arg21 : memref<!tpu.dma_semaphore, #tpu.memory_space<semaphore_mem>>) src(%dma_wait3A_958 : memref<512xi32, #tpu.memory_space<hbm>>) dst(%dma_wait3A_957 : memref<512xi32, #tpu.memory_space<vmem>>)
    %dma_wait3A_959 = arith.constant 1536 : i32
    %dma_wait3A_960 = tpu.memref_slice %arg10[%dma_wait3A_959] : memref<10240xi32, #tpu.memory_space<vmem>> -> memref<512xi32, #tpu.memory_space<vmem>>
    %dma_wait3A_961 = tpu.memref_slice %arg3[%add3A_187] : memref<327680xi32, #tpu.memory_space<hbm>> -> memref<512xi32, #tpu.memory_space<hbm>>
    %dma_wait3A_962 = arith.constant 1536 : i32
    %dma_wait3A_963 = tpu.memref_slice %arg10[%dma_wait3A_962] : memref<10240xi32, #tpu.memory_space<vmem>> -> memref<512xi32, #tpu.memory_space<vmem>>
    %dma_wait3A_964 = tpu.memref_slice %arg3[%add3A_187] : memref<327680xi32, #tpu.memory_space<hbm>> -> memref<512xi32, #tpu.memory_space<hbm>>
    tpu.wait_dma2 semaphore(%arg21 : memref<!tpu.dma_semaphore, #tpu.memory_space<semaphore_mem>>) src(%dma_wait3A_964 : memref<512xi32, #tpu.memory_space<hbm>>) dst(%dma_wait3A_963 : memref<512xi32, #tpu.memory_space<vmem>>)
    %dma_wait3A_965 = arith.constant 2048 : i32
    %dma_wait3A_966 = tpu.memref_slice %arg10[%dma_wait3A_965] : memref<10240xi32, #tpu.memory_space<vmem>> -> memref<512xi32, #tpu.memory_space<vmem>>
    %dma_wait3A_967 = tpu.memref_slice %arg3[%add3A_195] : memref<327680xi32, #tpu.memory_space<hbm>> -> memref<512xi32, #tpu.memory_space<hbm>>
    %dma_wait3A_968 = arith.constant 2048 : i32
    %dma_wait3A_969 = tpu.memref_slice %arg10[%dma_wait3A_968] : memref<10240xi32, #tpu.memory_space<vmem>> -> memref<512xi32, #tpu.memory_space<vmem>>
    %dma_wait3A_970 = tpu.memref_slice %arg3[%add3A_195] : memref<327680xi32, #tpu.memory_space<hbm>> -> memref<512xi32, #tpu.memory_space<hbm>>
    tpu.wait_dma2 semaphore(%arg21 : memref<!tpu.dma_semaphore, #tpu.memory_space<semaphore_mem>>) src(%dma_wait3A_970 : memref<512xi32, #tpu.memory_space<hbm>>) dst(%dma_wait3A_969 : memref<512xi32, #tpu.memory_space<vmem>>)
    %dma_wait3A_971 = arith.constant 2560 : i32
    %dma_wait3A_972 = tpu.memref_slice %arg10[%dma_wait3A_971] : memref<10240xi32, #tpu.memory_space<vmem>> -> memref<512xi32, #tpu.memory_space<vmem>>
    %dma_wait3A_973 = tpu.memref_slice %arg3[%add3A_203] : memref<327680xi32, #tpu.memory_space<hbm>> -> memref<512xi32, #tpu.memory_space<hbm>>
    %dma_wait3A_974 = arith.constant 2560 : i32
    %dma_wait3A_975 = tpu.memref_slice %arg10[%dma_wait3A_974] : memref<10240xi32, #tpu.memory_space<vmem>> -> memref<512xi32, #tpu.memory_space<vmem>>
    %dma_wait3A_976 = tpu.memref_slice %arg3[%add3A_203] : memref<327680xi32, #tpu.memory_space<hbm>> -> memref<512xi32, #tpu.memory_space<hbm>>
    tpu.wait_dma2 semaphore(%arg21 : memref<!tpu.dma_semaphore, #tpu.memory_space<semaphore_mem>>) src(%dma_wait3A_976 : memref<512xi32, #tpu.memory_space<hbm>>) dst(%dma_wait3A_975 : memref<512xi32, #tpu.memory_space<vmem>>)
    %dma_wait3A_977 = arith.constant 3072 : i32
    %dma_wait3A_978 = tpu.memref_slice %arg10[%dma_wait3A_977] : memref<10240xi32, #tpu.memory_space<vmem>> -> memref<512xi32, #tpu.memory_space<vmem>>
    %dma_wait3A_979 = tpu.memref_slice %arg3[%add3A_211] : memref<327680xi32, #tpu.memory_space<hbm>> -> memref<512xi32, #tpu.memory_space<hbm>>
    %dma_wait3A_980 = arith.constant 3072 : i32
    %dma_wait3A_981 = tpu.memref_slice %arg10[%dma_wait3A_980] : memref<10240xi32, #tpu.memory_space<vmem>> -> memref<512xi32, #tpu.memory_space<vmem>>
    %dma_wait3A_982 = tpu.memref_slice %arg3[%add3A_211] : memref<327680xi32, #tpu.memory_space<hbm>> -> memref<512xi32, #tpu.memory_space<hbm>>
    tpu.wait_dma2 semaphore(%arg21 : memref<!tpu.dma_semaphore, #tpu.memory_space<semaphore_mem>>) src(%dma_wait3A_982 : memref<512xi32, #tpu.memory_space<hbm>>) dst(%dma_wait3A_981 : memref<512xi32, #tpu.memory_space<vmem>>)
    %dma_wait3A_983 = arith.constant 3584 : i32
    %dma_wait3A_984 = tpu.memref_slice %arg10[%dma_wait3A_983] : memref<10240xi32, #tpu.memory_space<vmem>> -> memref<512xi32, #tpu.memory_space<vmem>>
    %dma_wait3A_985 = tpu.memref_slice %arg3[%add3A_219] : memref<327680xi32, #tpu.memory_space<hbm>> -> memref<512xi32, #tpu.memory_space<hbm>>
    %dma_wait3A_986 = arith.constant 3584 : i32
    %dma_wait3A_987 = tpu.memref_slice %arg10[%dma_wait3A_986] : memref<10240xi32, #tpu.memory_space<vmem>> -> memref<512xi32, #tpu.memory_space<vmem>>
    %dma_wait3A_988 = tpu.memref_slice %arg3[%add3A_219] : memref<327680xi32, #tpu.memory_space<hbm>> -> memref<512xi32, #tpu.memory_space<hbm>>
    tpu.wait_dma2 semaphore(%arg21 : memref<!tpu.dma_semaphore, #tpu.memory_space<semaphore_mem>>) src(%dma_wait3A_988 : memref<512xi32, #tpu.memory_space<hbm>>) dst(%dma_wait3A_987 : memref<512xi32, #tpu.memory_space<vmem>>)
    %dma_wait3A_989 = arith.constant 4096 : i32
    %dma_wait3A_990 = tpu.memref_slice %arg10[%dma_wait3A_989] : memref<10240xi32, #tpu.memory_space<vmem>> -> memref<512xi32, #tpu.memory_space<vmem>>
    %dma_wait3A_991 = tpu.memref_slice %arg3[%add3A_227] : memref<327680xi32, #tpu.memory_space<hbm>> -> memref<512xi32, #tpu.memory_space<hbm>>
    %dma_wait3A_992 = arith.constant 4096 : i32
    %dma_wait3A_993 = tpu.memref_slice %arg10[%dma_wait3A_992] : memref<10240xi32, #tpu.memory_space<vmem>> -> memref<512xi32, #tpu.memory_space<vmem>>
    %dma_wait3A_994 = tpu.memref_slice %arg3[%add3A_227] : memref<327680xi32, #tpu.memory_space<hbm>> -> memref<512xi32, #tpu.memory_space<hbm>>
    tpu.wait_dma2 semaphore(%arg21 : memref<!tpu.dma_semaphore, #tpu.memory_space<semaphore_mem>>) src(%dma_wait3A_994 : memref<512xi32, #tpu.memory_space<hbm>>) dst(%dma_wait3A_993 : memref<512xi32, #tpu.memory_space<vmem>>)
    %dma_wait3A_995 = arith.constant 4608 : i32
    %dma_wait3A_996 = tpu.memref_slice %arg10[%dma_wait3A_995] : memref<10240xi32, #tpu.memory_space<vmem>> -> memref<512xi32, #tpu.memory_space<vmem>>
    %dma_wait3A_997 = tpu.memref_slice %arg3[%add3A_235] : memref<327680xi32, #tpu.memory_space<hbm>> -> memref<512xi32, #tpu.memory_space<hbm>>
    %dma_wait3A_998 = arith.constant 4608 : i32
    %dma_wait3A_999 = tpu.memref_slice %arg10[%dma_wait3A_998] : memref<10240xi32, #tpu.memory_space<vmem>> -> memref<512xi32, #tpu.memory_space<vmem>>
    %dma_wait3A_1000 = tpu.memref_slice %arg3[%add3A_235] : memref<327680xi32, #tpu.memory_space<hbm>> -> memref<512xi32, #tpu.memory_space<hbm>>
    tpu.wait_dma2 semaphore(%arg21 : memref<!tpu.dma_semaphore, #tpu.memory_space<semaphore_mem>>) src(%dma_wait3A_1000 : memref<512xi32, #tpu.memory_space<hbm>>) dst(%dma_wait3A_999 : memref<512xi32, #tpu.memory_space<vmem>>)
    %dma_wait3A_1001 = arith.constant 5120 : i32
    %dma_wait3A_1002 = tpu.memref_slice %arg10[%dma_wait3A_1001] : memref<10240xi32, #tpu.memory_space<vmem>> -> memref<512xi32, #tpu.memory_space<vmem>>
    %dma_wait3A_1003 = tpu.memref_slice %arg3[%add3A_243] : memref<327680xi32, #tpu.memory_space<hbm>> -> memref<512xi32, #tpu.memory_space<hbm>>
    %dma_wait3A_1004 = arith.constant 5120 : i32
    %dma_wait3A_1005 = tpu.memref_slice %arg10[%dma_wait3A_1004] : memref<10240xi32, #tpu.memory_space<vmem>> -> memref<512xi32, #tpu.memory_space<vmem>>
    %dma_wait3A_1006 = tpu.memref_slice %arg3[%add3A_243] : memref<327680xi32, #tpu.memory_space<hbm>> -> memref<512xi32, #tpu.memory_space<hbm>>
    tpu.wait_dma2 semaphore(%arg21 : memref<!tpu.dma_semaphore, #tpu.memory_space<semaphore_mem>>) src(%dma_wait3A_1006 : memref<512xi32, #tpu.memory_space<hbm>>) dst(%dma_wait3A_1005 : memref<512xi32, #tpu.memory_space<vmem>>)
    %dma_wait3A_1007 = arith.constant 5632 : i32
    %dma_wait3A_1008 = tpu.memref_slice %arg10[%dma_wait3A_1007] : memref<10240xi32, #tpu.memory_space<vmem>> -> memref<512xi32, #tpu.memory_space<vmem>>
    %dma_wait3A_1009 = tpu.memref_slice %arg3[%add3A_251] : memref<327680xi32, #tpu.memory_space<hbm>> -> memref<512xi32, #tpu.memory_space<hbm>>
    %dma_wait3A_1010 = arith.constant 5632 : i32
    %dma_wait3A_1011 = tpu.memref_slice %arg10[%dma_wait3A_1010] : memref<10240xi32, #tpu.memory_space<vmem>> -> memref<512xi32, #tpu.memory_space<vmem>>
    %dma_wait3A_1012 = tpu.memref_slice %arg3[%add3A_251] : memref<327680xi32, #tpu.memory_space<hbm>> -> memref<512xi32, #tpu.memory_space<hbm>>
    tpu.wait_dma2 semaphore(%arg21 : memref<!tpu.dma_semaphore, #tpu.memory_space<semaphore_mem>>) src(%dma_wait3A_1012 : memref<512xi32, #tpu.memory_space<hbm>>) dst(%dma_wait3A_1011 : memref<512xi32, #tpu.memory_space<vmem>>)
    %dma_wait3A_1013 = arith.constant 6144 : i32
    %dma_wait3A_1014 = tpu.memref_slice %arg10[%dma_wait3A_1013] : memref<10240xi32, #tpu.memory_space<vmem>> -> memref<512xi32, #tpu.memory_space<vmem>>
    %dma_wait3A_1015 = tpu.memref_slice %arg3[%add3A_259] : memref<327680xi32, #tpu.memory_space<hbm>> -> memref<512xi32, #tpu.memory_space<hbm>>
    %dma_wait3A_1016 = arith.constant 6144 : i32
    %dma_wait3A_1017 = tpu.memref_slice %arg10[%dma_wait3A_1016] : memref<10240xi32, #tpu.memory_space<vmem>> -> memref<512xi32, #tpu.memory_space<vmem>>
    %dma_wait3A_1018 = tpu.memref_slice %arg3[%add3A_259] : memref<327680xi32, #tpu.memory_space<hbm>> -> memref<512xi32, #tpu.memory_space<hbm>>
    tpu.wait_dma2 semaphore(%arg21 : memref<!tpu.dma_semaphore, #tpu.memory_space<semaphore_mem>>) src(%dma_wait3A_1018 : memref<512xi32, #tpu.memory_space<hbm>>) dst(%dma_wait3A_1017 : memref<512xi32, #tpu.memory_space<vmem>>)
    %dma_wait3A_1019 = arith.constant 6656 : i32
    %dma_wait3A_1020 = tpu.memref_slice %arg10[%dma_wait3A_1019] : memref<10240xi32, #tpu.memory_space<vmem>> -> memref<512xi32, #tpu.memory_space<vmem>>
    %dma_wait3A_1021 = tpu.memref_slice %arg3[%add3A_267] : memref<327680xi32, #tpu.memory_space<hbm>> -> memref<512xi32, #tpu.memory_space<hbm>>
    %dma_wait3A_1022 = arith.constant 6656 : i32
    %dma_wait3A_1023 = tpu.memref_slice %arg10[%dma_wait3A_1022] : memref<10240xi32, #tpu.memory_space<vmem>> -> memref<512xi32, #tpu.memory_space<vmem>>
    %dma_wait3A_1024 = tpu.memref_slice %arg3[%add3A_267] : memref<327680xi32, #tpu.memory_space<hbm>> -> memref<512xi32, #tpu.memory_space<hbm>>
    tpu.wait_dma2 semaphore(%arg21 : memref<!tpu.dma_semaphore, #tpu.memory_space<semaphore_mem>>) src(%dma_wait3A_1024 : memref<512xi32, #tpu.memory_space<hbm>>) dst(%dma_wait3A_1023 : memref<512xi32, #tpu.memory_space<vmem>>)
    %dma_wait3A_1025 = arith.constant 7168 : i32
    %dma_wait3A_1026 = tpu.memref_slice %arg10[%dma_wait3A_1025] : memref<10240xi32, #tpu.memory_space<vmem>> -> memref<512xi32, #tpu.memory_space<vmem>>
    %dma_wait3A_1027 = tpu.memref_slice %arg3[%add3A_275] : memref<327680xi32, #tpu.memory_space<hbm>> -> memref<512xi32, #tpu.memory_space<hbm>>
    %dma_wait3A_1028 = arith.constant 7168 : i32
    %dma_wait3A_1029 = tpu.memref_slice %arg10[%dma_wait3A_1028] : memref<10240xi32, #tpu.memory_space<vmem>> -> memref<512xi32, #tpu.memory_space<vmem>>
    %dma_wait3A_1030 = tpu.memref_slice %arg3[%add3A_275] : memref<327680xi32, #tpu.memory_space<hbm>> -> memref<512xi32, #tpu.memory_space<hbm>>
    tpu.wait_dma2 semaphore(%arg21 : memref<!tpu.dma_semaphore, #tpu.memory_space<semaphore_mem>>) src(%dma_wait3A_1030 : memref<512xi32, #tpu.memory_space<hbm>>) dst(%dma_wait3A_1029 : memref<512xi32, #tpu.memory_space<vmem>>)
    %dma_wait3A_1031 = arith.constant 7680 : i32
    %dma_wait3A_1032 = tpu.memref_slice %arg10[%dma_wait3A_1031] : memref<10240xi32, #tpu.memory_space<vmem>> -> memref<512xi32, #tpu.memory_space<vmem>>
    %dma_wait3A_1033 = tpu.memref_slice %arg3[%add3A_283] : memref<327680xi32, #tpu.memory_space<hbm>> -> memref<512xi32, #tpu.memory_space<hbm>>
    %dma_wait3A_1034 = arith.constant 7680 : i32
    %dma_wait3A_1035 = tpu.memref_slice %arg10[%dma_wait3A_1034] : memref<10240xi32, #tpu.memory_space<vmem>> -> memref<512xi32, #tpu.memory_space<vmem>>
    %dma_wait3A_1036 = tpu.memref_slice %arg3[%add3A_283] : memref<327680xi32, #tpu.memory_space<hbm>> -> memref<512xi32, #tpu.memory_space<hbm>>
    tpu.wait_dma2 semaphore(%arg21 : memref<!tpu.dma_semaphore, #tpu.memory_space<semaphore_mem>>) src(%dma_wait3A_1036 : memref<512xi32, #tpu.memory_space<hbm>>) dst(%dma_wait3A_1035 : memref<512xi32, #tpu.memory_space<vmem>>)
    %dma_wait3A_1037 = arith.constant 8192 : i32
    %dma_wait3A_1038 = tpu.memref_slice %arg10[%dma_wait3A_1037] : memref<10240xi32, #tpu.memory_space<vmem>> -> memref<512xi32, #tpu.memory_space<vmem>>
    %dma_wait3A_1039 = tpu.memref_slice %arg3[%add3A_291] : memref<327680xi32, #tpu.memory_space<hbm>> -> memref<512xi32, #tpu.memory_space<hbm>>
    %dma_wait3A_1040 = arith.constant 8192 : i32
    %dma_wait3A_1041 = tpu.memref_slice %arg10[%dma_wait3A_1040] : memref<10240xi32, #tpu.memory_space<vmem>> -> memref<512xi32, #tpu.memory_space<vmem>>
    %dma_wait3A_1042 = tpu.memref_slice %arg3[%add3A_291] : memref<327680xi32, #tpu.memory_space<hbm>> -> memref<512xi32, #tpu.memory_space<hbm>>
    tpu.wait_dma2 semaphore(%arg21 : memref<!tpu.dma_semaphore, #tpu.memory_space<semaphore_mem>>) src(%dma_wait3A_1042 : memref<512xi32, #tpu.memory_space<hbm>>) dst(%dma_wait3A_1041 : memref<512xi32, #tpu.memory_space<vmem>>)
    %dma_wait3A_1043 = arith.constant 8704 : i32
    %dma_wait3A_1044 = tpu.memref_slice %arg10[%dma_wait3A_1043] : memref<10240xi32, #tpu.memory_space<vmem>> -> memref<512xi32, #tpu.memory_space<vmem>>
    %dma_wait3A_1045 = tpu.memref_slice %arg3[%add3A_299] : memref<327680xi32, #tpu.memory_space<hbm>> -> memref<512xi32, #tpu.memory_space<hbm>>
    %dma_wait3A_1046 = arith.constant 8704 : i32
    %dma_wait3A_1047 = tpu.memref_slice %arg10[%dma_wait3A_1046] : memref<10240xi32, #tpu.memory_space<vmem>> -> memref<512xi32, #tpu.memory_space<vmem>>
    %dma_wait3A_1048 = tpu.memref_slice %arg3[%add3A_299] : memref<327680xi32, #tpu.memory_space<hbm>> -> memref<512xi32, #tpu.memory_space<hbm>>
    tpu.wait_dma2 semaphore(%arg21 : memref<!tpu.dma_semaphore, #tpu.memory_space<semaphore_mem>>) src(%dma_wait3A_1048 : memref<512xi32, #tpu.memory_space<hbm>>) dst(%dma_wait3A_1047 : memref<512xi32, #tpu.memory_space<vmem>>)
    %dma_wait3A_1049 = arith.constant 9216 : i32
    %dma_wait3A_1050 = tpu.memref_slice %arg10[%dma_wait3A_1049] : memref<10240xi32, #tpu.memory_space<vmem>> -> memref<512xi32, #tpu.memory_space<vmem>>
    %dma_wait3A_1051 = tpu.memref_slice %arg3[%add3A_307] : memref<327680xi32, #tpu.memory_space<hbm>> -> memref<512xi32, #tpu.memory_space<hbm>>
    %dma_wait3A_1052 = arith.constant 9216 : i32
    %dma_wait3A_1053 = tpu.memref_slice %arg10[%dma_wait3A_1052] : memref<10240xi32, #tpu.memory_space<vmem>> -> memref<512xi32, #tpu.memory_space<vmem>>
    %dma_wait3A_1054 = tpu.memref_slice %arg3[%add3A_307] : memref<327680xi32, #tpu.memory_space<hbm>> -> memref<512xi32, #tpu.memory_space<hbm>>
    tpu.wait_dma2 semaphore(%arg21 : memref<!tpu.dma_semaphore, #tpu.memory_space<semaphore_mem>>) src(%dma_wait3A_1054 : memref<512xi32, #tpu.memory_space<hbm>>) dst(%dma_wait3A_1053 : memref<512xi32, #tpu.memory_space<vmem>>)
    %dma_wait3A_1055 = arith.constant 9728 : i32
    %dma_wait3A_1056 = tpu.memref_slice %arg10[%dma_wait3A_1055] : memref<10240xi32, #tpu.memory_space<vmem>> -> memref<512xi32, #tpu.memory_space<vmem>>
    %dma_wait3A_1057 = tpu.memref_slice %arg3[%add3A_315] : memref<327680xi32, #tpu.memory_space<hbm>> -> memref<512xi32, #tpu.memory_space<hbm>>
    %dma_wait3A_1058 = arith.constant 9728 : i32
    %dma_wait3A_1059 = tpu.memref_slice %arg10[%dma_wait3A_1058] : memref<10240xi32, #tpu.memory_space<vmem>> -> memref<512xi32, #tpu.memory_space<vmem>>
    %dma_wait3A_1060 = tpu.memref_slice %arg3[%add3A_315] : memref<327680xi32, #tpu.memory_space<hbm>> -> memref<512xi32, #tpu.memory_space<hbm>>
    tpu.wait_dma2 semaphore(%arg21 : memref<!tpu.dma_semaphore, #tpu.memory_space<semaphore_mem>>) src(%dma_wait3A_1060 : memref<512xi32, #tpu.memory_space<hbm>>) dst(%dma_wait3A_1059 : memref<512xi32, #tpu.memory_space<vmem>>)
    %dma_wait3A_1061 = arith.constant 0 : i32
    %dma_wait3A_1062 = tpu.memref_slice %arg11[%dma_wait3A_1061] : memref<10240xi32, #tpu.memory_space<vmem>> -> memref<512xi32, #tpu.memory_space<vmem>>
    %dma_wait3A_1063 = tpu.memref_slice %arg4[%add3A_323] : memref<327680xi32, #tpu.memory_space<hbm>> -> memref<512xi32, #tpu.memory_space<hbm>>
    %dma_wait3A_1064 = arith.constant 0 : i32
    %dma_wait3A_1065 = tpu.memref_slice %arg11[%dma_wait3A_1064] : memref<10240xi32, #tpu.memory_space<vmem>> -> memref<512xi32, #tpu.memory_space<vmem>>
    %dma_wait3A_1066 = tpu.memref_slice %arg4[%add3A_323] : memref<327680xi32, #tpu.memory_space<hbm>> -> memref<512xi32, #tpu.memory_space<hbm>>
    tpu.wait_dma2 semaphore(%arg22 : memref<!tpu.dma_semaphore, #tpu.memory_space<semaphore_mem>>) src(%dma_wait3A_1066 : memref<512xi32, #tpu.memory_space<hbm>>) dst(%dma_wait3A_1065 : memref<512xi32, #tpu.memory_space<vmem>>)
    %dma_wait3A_1067 = arith.constant 512 : i32
    %dma_wait3A_1068 = tpu.memref_slice %arg11[%dma_wait3A_1067] : memref<10240xi32, #tpu.memory_space<vmem>> -> memref<512xi32, #tpu.memory_space<vmem>>
    %dma_wait3A_1069 = tpu.memref_slice %arg4[%add3A_331] : memref<327680xi32, #tpu.memory_space<hbm>> -> memref<512xi32, #tpu.memory_space<hbm>>
    %dma_wait3A_1070 = arith.constant 512 : i32
    %dma_wait3A_1071 = tpu.memref_slice %arg11[%dma_wait3A_1070] : memref<10240xi32, #tpu.memory_space<vmem>> -> memref<512xi32, #tpu.memory_space<vmem>>
    %dma_wait3A_1072 = tpu.memref_slice %arg4[%add3A_331] : memref<327680xi32, #tpu.memory_space<hbm>> -> memref<512xi32, #tpu.memory_space<hbm>>
    tpu.wait_dma2 semaphore(%arg22 : memref<!tpu.dma_semaphore, #tpu.memory_space<semaphore_mem>>) src(%dma_wait3A_1072 : memref<512xi32, #tpu.memory_space<hbm>>) dst(%dma_wait3A_1071 : memref<512xi32, #tpu.memory_space<vmem>>)
    %dma_wait3A_1073 = arith.constant 1024 : i32
    %dma_wait3A_1074 = tpu.memref_slice %arg11[%dma_wait3A_1073] : memref<10240xi32, #tpu.memory_space<vmem>> -> memref<512xi32, #tpu.memory_space<vmem>>
    %dma_wait3A_1075 = tpu.memref_slice %arg4[%add3A_339] : memref<327680xi32, #tpu.memory_space<hbm>> -> memref<512xi32, #tpu.memory_space<hbm>>
    %dma_wait3A_1076 = arith.constant 1024 : i32
    %dma_wait3A_1077 = tpu.memref_slice %arg11[%dma_wait3A_1076] : memref<10240xi32, #tpu.memory_space<vmem>> -> memref<512xi32, #tpu.memory_space<vmem>>
    %dma_wait3A_1078 = tpu.memref_slice %arg4[%add3A_339] : memref<327680xi32, #tpu.memory_space<hbm>> -> memref<512xi32, #tpu.memory_space<hbm>>
    tpu.wait_dma2 semaphore(%arg22 : memref<!tpu.dma_semaphore, #tpu.memory_space<semaphore_mem>>) src(%dma_wait3A_1078 : memref<512xi32, #tpu.memory_space<hbm>>) dst(%dma_wait3A_1077 : memref<512xi32, #tpu.memory_space<vmem>>)
    %dma_wait3A_1079 = arith.constant 1536 : i32
    %dma_wait3A_1080 = tpu.memref_slice %arg11[%dma_wait3A_1079] : memref<10240xi32, #tpu.memory_space<vmem>> -> memref<512xi32, #tpu.memory_space<vmem>>
    %dma_wait3A_1081 = tpu.memref_slice %arg4[%add3A_347] : memref<327680xi32, #tpu.memory_space<hbm>> -> memref<512xi32, #tpu.memory_space<hbm>>
    %dma_wait3A_1082 = arith.constant 1536 : i32
    %dma_wait3A_1083 = tpu.memref_slice %arg11[%dma_wait3A_1082] : memref<10240xi32, #tpu.memory_space<vmem>> -> memref<512xi32, #tpu.memory_space<vmem>>
    %dma_wait3A_1084 = tpu.memref_slice %arg4[%add3A_347] : memref<327680xi32, #tpu.memory_space<hbm>> -> memref<512xi32, #tpu.memory_space<hbm>>
    tpu.wait_dma2 semaphore(%arg22 : memref<!tpu.dma_semaphore, #tpu.memory_space<semaphore_mem>>) src(%dma_wait3A_1084 : memref<512xi32, #tpu.memory_space<hbm>>) dst(%dma_wait3A_1083 : memref<512xi32, #tpu.memory_space<vmem>>)
    %dma_wait3A_1085 = arith.constant 2048 : i32
    %dma_wait3A_1086 = tpu.memref_slice %arg11[%dma_wait3A_1085] : memref<10240xi32, #tpu.memory_space<vmem>> -> memref<512xi32, #tpu.memory_space<vmem>>
    %dma_wait3A_1087 = tpu.memref_slice %arg4[%add3A_355] : memref<327680xi32, #tpu.memory_space<hbm>> -> memref<512xi32, #tpu.memory_space<hbm>>
    %dma_wait3A_1088 = arith.constant 2048 : i32
    %dma_wait3A_1089 = tpu.memref_slice %arg11[%dma_wait3A_1088] : memref<10240xi32, #tpu.memory_space<vmem>> -> memref<512xi32, #tpu.memory_space<vmem>>
    %dma_wait3A_1090 = tpu.memref_slice %arg4[%add3A_355] : memref<327680xi32, #tpu.memory_space<hbm>> -> memref<512xi32, #tpu.memory_space<hbm>>
    tpu.wait_dma2 semaphore(%arg22 : memref<!tpu.dma_semaphore, #tpu.memory_space<semaphore_mem>>) src(%dma_wait3A_1090 : memref<512xi32, #tpu.memory_space<hbm>>) dst(%dma_wait3A_1089 : memref<512xi32, #tpu.memory_space<vmem>>)
    %dma_wait3A_1091 = arith.constant 2560 : i32
    %dma_wait3A_1092 = tpu.memref_slice %arg11[%dma_wait3A_1091] : memref<10240xi32, #tpu.memory_space<vmem>> -> memref<512xi32, #tpu.memory_space<vmem>>
    %dma_wait3A_1093 = tpu.memref_slice %arg4[%add3A_363] : memref<327680xi32, #tpu.memory_space<hbm>> -> memref<512xi32, #tpu.memory_space<hbm>>
    %dma_wait3A_1094 = arith.constant 2560 : i32
    %dma_wait3A_1095 = tpu.memref_slice %arg11[%dma_wait3A_1094] : memref<10240xi32, #tpu.memory_space<vmem>> -> memref<512xi32, #tpu.memory_space<vmem>>
    %dma_wait3A_1096 = tpu.memref_slice %arg4[%add3A_363] : memref<327680xi32, #tpu.memory_space<hbm>> -> memref<512xi32, #tpu.memory_space<hbm>>
    tpu.wait_dma2 semaphore(%arg22 : memref<!tpu.dma_semaphore, #tpu.memory_space<semaphore_mem>>) src(%dma_wait3A_1096 : memref<512xi32, #tpu.memory_space<hbm>>) dst(%dma_wait3A_1095 : memref<512xi32, #tpu.memory_space<vmem>>)
    %dma_wait3A_1097 = arith.constant 3072 : i32
    %dma_wait3A_1098 = tpu.memref_slice %arg11[%dma_wait3A_1097] : memref<10240xi32, #tpu.memory_space<vmem>> -> memref<512xi32, #tpu.memory_space<vmem>>
    %dma_wait3A_1099 = tpu.memref_slice %arg4[%add3A_371] : memref<327680xi32, #tpu.memory_space<hbm>> -> memref<512xi32, #tpu.memory_space<hbm>>
    %dma_wait3A_1100 = arith.constant 3072 : i32
    %dma_wait3A_1101 = tpu.memref_slice %arg11[%dma_wait3A_1100] : memref<10240xi32, #tpu.memory_space<vmem>> -> memref<512xi32, #tpu.memory_space<vmem>>
    %dma_wait3A_1102 = tpu.memref_slice %arg4[%add3A_371] : memref<327680xi32, #tpu.memory_space<hbm>> -> memref<512xi32, #tpu.memory_space<hbm>>
    tpu.wait_dma2 semaphore(%arg22 : memref<!tpu.dma_semaphore, #tpu.memory_space<semaphore_mem>>) src(%dma_wait3A_1102 : memref<512xi32, #tpu.memory_space<hbm>>) dst(%dma_wait3A_1101 : memref<512xi32, #tpu.memory_space<vmem>>)
    %dma_wait3A_1103 = arith.constant 3584 : i32
    %dma_wait3A_1104 = tpu.memref_slice %arg11[%dma_wait3A_1103] : memref<10240xi32, #tpu.memory_space<vmem>> -> memref<512xi32, #tpu.memory_space<vmem>>
    %dma_wait3A_1105 = tpu.memref_slice %arg4[%add3A_379] : memref<327680xi32, #tpu.memory_space<hbm>> -> memref<512xi32, #tpu.memory_space<hbm>>
    %dma_wait3A_1106 = arith.constant 3584 : i32
    %dma_wait3A_1107 = tpu.memref_slice %arg11[%dma_wait3A_1106] : memref<10240xi32, #tpu.memory_space<vmem>> -> memref<512xi32, #tpu.memory_space<vmem>>
    %dma_wait3A_1108 = tpu.memref_slice %arg4[%add3A_379] : memref<327680xi32, #tpu.memory_space<hbm>> -> memref<512xi32, #tpu.memory_space<hbm>>
    tpu.wait_dma2 semaphore(%arg22 : memref<!tpu.dma_semaphore, #tpu.memory_space<semaphore_mem>>) src(%dma_wait3A_1108 : memref<512xi32, #tpu.memory_space<hbm>>) dst(%dma_wait3A_1107 : memref<512xi32, #tpu.memory_space<vmem>>)
    %dma_wait3A_1109 = arith.constant 4096 : i32
    %dma_wait3A_1110 = tpu.memref_slice %arg11[%dma_wait3A_1109] : memref<10240xi32, #tpu.memory_space<vmem>> -> memref<512xi32, #tpu.memory_space<vmem>>
    %dma_wait3A_1111 = tpu.memref_slice %arg4[%add3A_387] : memref<327680xi32, #tpu.memory_space<hbm>> -> memref<512xi32, #tpu.memory_space<hbm>>
    %dma_wait3A_1112 = arith.constant 4096 : i32
    %dma_wait3A_1113 = tpu.memref_slice %arg11[%dma_wait3A_1112] : memref<10240xi32, #tpu.memory_space<vmem>> -> memref<512xi32, #tpu.memory_space<vmem>>
    %dma_wait3A_1114 = tpu.memref_slice %arg4[%add3A_387] : memref<327680xi32, #tpu.memory_space<hbm>> -> memref<512xi32, #tpu.memory_space<hbm>>
    tpu.wait_dma2 semaphore(%arg22 : memref<!tpu.dma_semaphore, #tpu.memory_space<semaphore_mem>>) src(%dma_wait3A_1114 : memref<512xi32, #tpu.memory_space<hbm>>) dst(%dma_wait3A_1113 : memref<512xi32, #tpu.memory_space<vmem>>)
    %dma_wait3A_1115 = arith.constant 4608 : i32
    %dma_wait3A_1116 = tpu.memref_slice %arg11[%dma_wait3A_1115] : memref<10240xi32, #tpu.memory_space<vmem>> -> memref<512xi32, #tpu.memory_space<vmem>>
    %dma_wait3A_1117 = tpu.memref_slice %arg4[%add3A_395] : memref<327680xi32, #tpu.memory_space<hbm>> -> memref<512xi32, #tpu.memory_space<hbm>>
    %dma_wait3A_1118 = arith.constant 4608 : i32
    %dma_wait3A_1119 = tpu.memref_slice %arg11[%dma_wait3A_1118] : memref<10240xi32, #tpu.memory_space<vmem>> -> memref<512xi32, #tpu.memory_space<vmem>>
    %dma_wait3A_1120 = tpu.memref_slice %arg4[%add3A_395] : memref<327680xi32, #tpu.memory_space<hbm>> -> memref<512xi32, #tpu.memory_space<hbm>>
    tpu.wait_dma2 semaphore(%arg22 : memref<!tpu.dma_semaphore, #tpu.memory_space<semaphore_mem>>) src(%dma_wait3A_1120 : memref<512xi32, #tpu.memory_space<hbm>>) dst(%dma_wait3A_1119 : memref<512xi32, #tpu.memory_space<vmem>>)
    %dma_wait3A_1121 = arith.constant 5120 : i32
    %dma_wait3A_1122 = tpu.memref_slice %arg11[%dma_wait3A_1121] : memref<10240xi32, #tpu.memory_space<vmem>> -> memref<512xi32, #tpu.memory_space<vmem>>
    %dma_wait3A_1123 = tpu.memref_slice %arg4[%add3A_403] : memref<327680xi32, #tpu.memory_space<hbm>> -> memref<512xi32, #tpu.memory_space<hbm>>
    %dma_wait3A_1124 = arith.constant 5120 : i32
    %dma_wait3A_1125 = tpu.memref_slice %arg11[%dma_wait3A_1124] : memref<10240xi32, #tpu.memory_space<vmem>> -> memref<512xi32, #tpu.memory_space<vmem>>
    %dma_wait3A_1126 = tpu.memref_slice %arg4[%add3A_403] : memref<327680xi32, #tpu.memory_space<hbm>> -> memref<512xi32, #tpu.memory_space<hbm>>
    tpu.wait_dma2 semaphore(%arg22 : memref<!tpu.dma_semaphore, #tpu.memory_space<semaphore_mem>>) src(%dma_wait3A_1126 : memref<512xi32, #tpu.memory_space<hbm>>) dst(%dma_wait3A_1125 : memref<512xi32, #tpu.memory_space<vmem>>)
    %dma_wait3A_1127 = arith.constant 5632 : i32
    %dma_wait3A_1128 = tpu.memref_slice %arg11[%dma_wait3A_1127] : memref<10240xi32, #tpu.memory_space<vmem>> -> memref<512xi32, #tpu.memory_space<vmem>>
    %dma_wait3A_1129 = tpu.memref_slice %arg4[%add3A_411] : memref<327680xi32, #tpu.memory_space<hbm>> -> memref<512xi32, #tpu.memory_space<hbm>>
    %dma_wait3A_1130 = arith.constant 5632 : i32
    %dma_wait3A_1131 = tpu.memref_slice %arg11[%dma_wait3A_1130] : memref<10240xi32, #tpu.memory_space<vmem>> -> memref<512xi32, #tpu.memory_space<vmem>>
    %dma_wait3A_1132 = tpu.memref_slice %arg4[%add3A_411] : memref<327680xi32, #tpu.memory_space<hbm>> -> memref<512xi32, #tpu.memory_space<hbm>>
    tpu.wait_dma2 semaphore(%arg22 : memref<!tpu.dma_semaphore, #tpu.memory_space<semaphore_mem>>) src(%dma_wait3A_1132 : memref<512xi32, #tpu.memory_space<hbm>>) dst(%dma_wait3A_1131 : memref<512xi32, #tpu.memory_space<vmem>>)
    %dma_wait3A_1133 = arith.constant 6144 : i32
    %dma_wait3A_1134 = tpu.memref_slice %arg11[%dma_wait3A_1133] : memref<10240xi32, #tpu.memory_space<vmem>> -> memref<512xi32, #tpu.memory_space<vmem>>
    %dma_wait3A_1135 = tpu.memref_slice %arg4[%add3A_419] : memref<327680xi32, #tpu.memory_space<hbm>> -> memref<512xi32, #tpu.memory_space<hbm>>
    %dma_wait3A_1136 = arith.constant 6144 : i32
    %dma_wait3A_1137 = tpu.memref_slice %arg11[%dma_wait3A_1136] : memref<10240xi32, #tpu.memory_space<vmem>> -> memref<512xi32, #tpu.memory_space<vmem>>
    %dma_wait3A_1138 = tpu.memref_slice %arg4[%add3A_419] : memref<327680xi32, #tpu.memory_space<hbm>> -> memref<512xi32, #tpu.memory_space<hbm>>
    tpu.wait_dma2 semaphore(%arg22 : memref<!tpu.dma_semaphore, #tpu.memory_space<semaphore_mem>>) src(%dma_wait3A_1138 : memref<512xi32, #tpu.memory_space<hbm>>) dst(%dma_wait3A_1137 : memref<512xi32, #tpu.memory_space<vmem>>)
    %dma_wait3A_1139 = arith.constant 6656 : i32
    %dma_wait3A_1140 = tpu.memref_slice %arg11[%dma_wait3A_1139] : memref<10240xi32, #tpu.memory_space<vmem>> -> memref<512xi32, #tpu.memory_space<vmem>>
    %dma_wait3A_1141 = tpu.memref_slice %arg4[%add3A_427] : memref<327680xi32, #tpu.memory_space<hbm>> -> memref<512xi32, #tpu.memory_space<hbm>>
    %dma_wait3A_1142 = arith.constant 6656 : i32
    %dma_wait3A_1143 = tpu.memref_slice %arg11[%dma_wait3A_1142] : memref<10240xi32, #tpu.memory_space<vmem>> -> memref<512xi32, #tpu.memory_space<vmem>>
    %dma_wait3A_1144 = tpu.memref_slice %arg4[%add3A_427] : memref<327680xi32, #tpu.memory_space<hbm>> -> memref<512xi32, #tpu.memory_space<hbm>>
    tpu.wait_dma2 semaphore(%arg22 : memref<!tpu.dma_semaphore, #tpu.memory_space<semaphore_mem>>) src(%dma_wait3A_1144 : memref<512xi32, #tpu.memory_space<hbm>>) dst(%dma_wait3A_1143 : memref<512xi32, #tpu.memory_space<vmem>>)
    %dma_wait3A_1145 = arith.constant 7168 : i32
    %dma_wait3A_1146 = tpu.memref_slice %arg11[%dma_wait3A_1145] : memref<10240xi32, #tpu.memory_space<vmem>> -> memref<512xi32, #tpu.memory_space<vmem>>
    %dma_wait3A_1147 = tpu.memref_slice %arg4[%add3A_435] : memref<327680xi32, #tpu.memory_space<hbm>> -> memref<512xi32, #tpu.memory_space<hbm>>
    %dma_wait3A_1148 = arith.constant 7168 : i32
    %dma_wait3A_1149 = tpu.memref_slice %arg11[%dma_wait3A_1148] : memref<10240xi32, #tpu.memory_space<vmem>> -> memref<512xi32, #tpu.memory_space<vmem>>
    %dma_wait3A_1150 = tpu.memref_slice %arg4[%add3A_435] : memref<327680xi32, #tpu.memory_space<hbm>> -> memref<512xi32, #tpu.memory_space<hbm>>
    tpu.wait_dma2 semaphore(%arg22 : memref<!tpu.dma_semaphore, #tpu.memory_space<semaphore_mem>>) src(%dma_wait3A_1150 : memref<512xi32, #tpu.memory_space<hbm>>) dst(%dma_wait3A_1149 : memref<512xi32, #tpu.memory_space<vmem>>)
    %dma_wait3A_1151 = arith.constant 7680 : i32
    %dma_wait3A_1152 = tpu.memref_slice %arg11[%dma_wait3A_1151] : memref<10240xi32, #tpu.memory_space<vmem>> -> memref<512xi32, #tpu.memory_space<vmem>>
    %dma_wait3A_1153 = tpu.memref_slice %arg4[%add3A_443] : memref<327680xi32, #tpu.memory_space<hbm>> -> memref<512xi32, #tpu.memory_space<hbm>>
    %dma_wait3A_1154 = arith.constant 7680 : i32
    %dma_wait3A_1155 = tpu.memref_slice %arg11[%dma_wait3A_1154] : memref<10240xi32, #tpu.memory_space<vmem>> -> memref<512xi32, #tpu.memory_space<vmem>>
    %dma_wait3A_1156 = tpu.memref_slice %arg4[%add3A_443] : memref<327680xi32, #tpu.memory_space<hbm>> -> memref<512xi32, #tpu.memory_space<hbm>>
    tpu.wait_dma2 semaphore(%arg22 : memref<!tpu.dma_semaphore, #tpu.memory_space<semaphore_mem>>) src(%dma_wait3A_1156 : memref<512xi32, #tpu.memory_space<hbm>>) dst(%dma_wait3A_1155 : memref<512xi32, #tpu.memory_space<vmem>>)
    %dma_wait3A_1157 = arith.constant 8192 : i32
    %dma_wait3A_1158 = tpu.memref_slice %arg11[%dma_wait3A_1157] : memref<10240xi32, #tpu.memory_space<vmem>> -> memref<512xi32, #tpu.memory_space<vmem>>
    %dma_wait3A_1159 = tpu.memref_slice %arg4[%add3A_451] : memref<327680xi32, #tpu.memory_space<hbm>> -> memref<512xi32, #tpu.memory_space<hbm>>
    %dma_wait3A_1160 = arith.constant 8192 : i32
    %dma_wait3A_1161 = tpu.memref_slice %arg11[%dma_wait3A_1160] : memref<10240xi32, #tpu.memory_space<vmem>> -> memref<512xi32, #tpu.memory_space<vmem>>
    %dma_wait3A_1162 = tpu.memref_slice %arg4[%add3A_451] : memref<327680xi32, #tpu.memory_space<hbm>> -> memref<512xi32, #tpu.memory_space<hbm>>
    tpu.wait_dma2 semaphore(%arg22 : memref<!tpu.dma_semaphore, #tpu.memory_space<semaphore_mem>>) src(%dma_wait3A_1162 : memref<512xi32, #tpu.memory_space<hbm>>) dst(%dma_wait3A_1161 : memref<512xi32, #tpu.memory_space<vmem>>)
    %dma_wait3A_1163 = arith.constant 8704 : i32
    %dma_wait3A_1164 = tpu.memref_slice %arg11[%dma_wait3A_1163] : memref<10240xi32, #tpu.memory_space<vmem>> -> memref<512xi32, #tpu.memory_space<vmem>>
    %dma_wait3A_1165 = tpu.memref_slice %arg4[%add3A_459] : memref<327680xi32, #tpu.memory_space<hbm>> -> memref<512xi32, #tpu.memory_space<hbm>>
    %dma_wait3A_1166 = arith.constant 8704 : i32
    %dma_wait3A_1167 = tpu.memref_slice %arg11[%dma_wait3A_1166] : memref<10240xi32, #tpu.memory_space<vmem>> -> memref<512xi32, #tpu.memory_space<vmem>>
    %dma_wait3A_1168 = tpu.memref_slice %arg4[%add3A_459] : memref<327680xi32, #tpu.memory_space<hbm>> -> memref<512xi32, #tpu.memory_space<hbm>>
    tpu.wait_dma2 semaphore(%arg22 : memref<!tpu.dma_semaphore, #tpu.memory_space<semaphore_mem>>) src(%dma_wait3A_1168 : memref<512xi32, #tpu.memory_space<hbm>>) dst(%dma_wait3A_1167 : memref<512xi32, #tpu.memory_space<vmem>>)
    %dma_wait3A_1169 = arith.constant 9216 : i32
    %dma_wait3A_1170 = tpu.memref_slice %arg11[%dma_wait3A_1169] : memref<10240xi32, #tpu.memory_space<vmem>> -> memref<512xi32, #tpu.memory_space<vmem>>
    %dma_wait3A_1171 = tpu.memref_slice %arg4[%add3A_467] : memref<327680xi32, #tpu.memory_space<hbm>> -> memref<512xi32, #tpu.memory_space<hbm>>
    %dma_wait3A_1172 = arith.constant 9216 : i32
    %dma_wait3A_1173 = tpu.memref_slice %arg11[%dma_wait3A_1172] : memref<10240xi32, #tpu.memory_space<vmem>> -> memref<512xi32, #tpu.memory_space<vmem>>
    %dma_wait3A_1174 = tpu.memref_slice %arg4[%add3A_467] : memref<327680xi32, #tpu.memory_space<hbm>> -> memref<512xi32, #tpu.memory_space<hbm>>
    tpu.wait_dma2 semaphore(%arg22 : memref<!tpu.dma_semaphore, #tpu.memory_space<semaphore_mem>>) src(%dma_wait3A_1174 : memref<512xi32, #tpu.memory_space<hbm>>) dst(%dma_wait3A_1173 : memref<512xi32, #tpu.memory_space<vmem>>)
    %dma_wait3A_1175 = arith.constant 9728 : i32
    %dma_wait3A_1176 = tpu.memref_slice %arg11[%dma_wait3A_1175] : memref<10240xi32, #tpu.memory_space<vmem>> -> memref<512xi32, #tpu.memory_space<vmem>>
    %dma_wait3A_1177 = tpu.memref_slice %arg4[%add3A_475] : memref<327680xi32, #tpu.memory_space<hbm>> -> memref<512xi32, #tpu.memory_space<hbm>>
    %dma_wait3A_1178 = arith.constant 9728 : i32
    %dma_wait3A_1179 = tpu.memref_slice %arg11[%dma_wait3A_1178] : memref<10240xi32, #tpu.memory_space<vmem>> -> memref<512xi32, #tpu.memory_space<vmem>>
    %dma_wait3A_1180 = tpu.memref_slice %arg4[%add3A_475] : memref<327680xi32, #tpu.memory_space<hbm>> -> memref<512xi32, #tpu.memory_space<hbm>>
    tpu.wait_dma2 semaphore(%arg22 : memref<!tpu.dma_semaphore, #tpu.memory_space<semaphore_mem>>) src(%dma_wait3A_1180 : memref<512xi32, #tpu.memory_space<hbm>>) dst(%dma_wait3A_1179 : memref<512xi32, #tpu.memory_space<vmem>>)
    %dma_wait3A_1181 = arith.constant 0 : i32
    %dma_wait3A_1182 = tpu.memref_slice %arg12[%dma_wait3A_1181] : memref<10240xi32, #tpu.memory_space<vmem>> -> memref<512xi32, #tpu.memory_space<vmem>>
    %dma_wait3A_1183 = tpu.memref_slice %arg5[%add3A_483] : memref<327680xi32, #tpu.memory_space<hbm>> -> memref<512xi32, #tpu.memory_space<hbm>>
    %dma_wait3A_1184 = arith.constant 0 : i32
    %dma_wait3A_1185 = tpu.memref_slice %arg12[%dma_wait3A_1184] : memref<10240xi32, #tpu.memory_space<vmem>> -> memref<512xi32, #tpu.memory_space<vmem>>
    %dma_wait3A_1186 = tpu.memref_slice %arg5[%add3A_483] : memref<327680xi32, #tpu.memory_space<hbm>> -> memref<512xi32, #tpu.memory_space<hbm>>
    tpu.wait_dma2 semaphore(%arg23 : memref<!tpu.dma_semaphore, #tpu.memory_space<semaphore_mem>>) src(%dma_wait3A_1186 : memref<512xi32, #tpu.memory_space<hbm>>) dst(%dma_wait3A_1185 : memref<512xi32, #tpu.memory_space<vmem>>)
    %dma_wait3A_1187 = arith.constant 512 : i32
    %dma_wait3A_1188 = tpu.memref_slice %arg12[%dma_wait3A_1187] : memref<10240xi32, #tpu.memory_space<vmem>> -> memref<512xi32, #tpu.memory_space<vmem>>
    %dma_wait3A_1189 = tpu.memref_slice %arg5[%add3A_491] : memref<327680xi32, #tpu.memory_space<hbm>> -> memref<512xi32, #tpu.memory_space<hbm>>
    %dma_wait3A_1190 = arith.constant 512 : i32
    %dma_wait3A_1191 = tpu.memref_slice %arg12[%dma_wait3A_1190] : memref<10240xi32, #tpu.memory_space<vmem>> -> memref<512xi32, #tpu.memory_space<vmem>>
    %dma_wait3A_1192 = tpu.memref_slice %arg5[%add3A_491] : memref<327680xi32, #tpu.memory_space<hbm>> -> memref<512xi32, #tpu.memory_space<hbm>>
    tpu.wait_dma2 semaphore(%arg23 : memref<!tpu.dma_semaphore, #tpu.memory_space<semaphore_mem>>) src(%dma_wait3A_1192 : memref<512xi32, #tpu.memory_space<hbm>>) dst(%dma_wait3A_1191 : memref<512xi32, #tpu.memory_space<vmem>>)
    %dma_wait3A_1193 = arith.constant 1024 : i32
    %dma_wait3A_1194 = tpu.memref_slice %arg12[%dma_wait3A_1193] : memref<10240xi32, #tpu.memory_space<vmem>> -> memref<512xi32, #tpu.memory_space<vmem>>
    %dma_wait3A_1195 = tpu.memref_slice %arg5[%add3A_499] : memref<327680xi32, #tpu.memory_space<hbm>> -> memref<512xi32, #tpu.memory_space<hbm>>
    %dma_wait3A_1196 = arith.constant 1024 : i32
    %dma_wait3A_1197 = tpu.memref_slice %arg12[%dma_wait3A_1196] : memref<10240xi32, #tpu.memory_space<vmem>> -> memref<512xi32, #tpu.memory_space<vmem>>
    %dma_wait3A_1198 = tpu.memref_slice %arg5[%add3A_499] : memref<327680xi32, #tpu.memory_space<hbm>> -> memref<512xi32, #tpu.memory_space<hbm>>
    tpu.wait_dma2 semaphore(%arg23 : memref<!tpu.dma_semaphore, #tpu.memory_space<semaphore_mem>>) src(%dma_wait3A_1198 : memref<512xi32, #tpu.memory_space<hbm>>) dst(%dma_wait3A_1197 : memref<512xi32, #tpu.memory_space<vmem>>)
    %dma_wait3A_1199 = arith.constant 1536 : i32
    %dma_wait3A_1200 = tpu.memref_slice %arg12[%dma_wait3A_1199] : memref<10240xi32, #tpu.memory_space<vmem>> -> memref<512xi32, #tpu.memory_space<vmem>>
    %dma_wait3A_1201 = tpu.memref_slice %arg5[%add3A_507] : memref<327680xi32, #tpu.memory_space<hbm>> -> memref<512xi32, #tpu.memory_space<hbm>>
    %dma_wait3A_1202 = arith.constant 1536 : i32
    %dma_wait3A_1203 = tpu.memref_slice %arg12[%dma_wait3A_1202] : memref<10240xi32, #tpu.memory_space<vmem>> -> memref<512xi32, #tpu.memory_space<vmem>>
    %dma_wait3A_1204 = tpu.memref_slice %arg5[%add3A_507] : memref<327680xi32, #tpu.memory_space<hbm>> -> memref<512xi32, #tpu.memory_space<hbm>>
    tpu.wait_dma2 semaphore(%arg23 : memref<!tpu.dma_semaphore, #tpu.memory_space<semaphore_mem>>) src(%dma_wait3A_1204 : memref<512xi32, #tpu.memory_space<hbm>>) dst(%dma_wait3A_1203 : memref<512xi32, #tpu.memory_space<vmem>>)
    %dma_wait3A_1205 = arith.constant 2048 : i32
    %dma_wait3A_1206 = tpu.memref_slice %arg12[%dma_wait3A_1205] : memref<10240xi32, #tpu.memory_space<vmem>> -> memref<512xi32, #tpu.memory_space<vmem>>
    %dma_wait3A_1207 = tpu.memref_slice %arg5[%add3A_515] : memref<327680xi32, #tpu.memory_space<hbm>> -> memref<512xi32, #tpu.memory_space<hbm>>
    %dma_wait3A_1208 = arith.constant 2048 : i32
    %dma_wait3A_1209 = tpu.memref_slice %arg12[%dma_wait3A_1208] : memref<10240xi32, #tpu.memory_space<vmem>> -> memref<512xi32, #tpu.memory_space<vmem>>
    %dma_wait3A_1210 = tpu.memref_slice %arg5[%add3A_515] : memref<327680xi32, #tpu.memory_space<hbm>> -> memref<512xi32, #tpu.memory_space<hbm>>
    tpu.wait_dma2 semaphore(%arg23 : memref<!tpu.dma_semaphore, #tpu.memory_space<semaphore_mem>>) src(%dma_wait3A_1210 : memref<512xi32, #tpu.memory_space<hbm>>) dst(%dma_wait3A_1209 : memref<512xi32, #tpu.memory_space<vmem>>)
    %dma_wait3A_1211 = arith.constant 2560 : i32
    %dma_wait3A_1212 = tpu.memref_slice %arg12[%dma_wait3A_1211] : memref<10240xi32, #tpu.memory_space<vmem>> -> memref<512xi32, #tpu.memory_space<vmem>>
    %dma_wait3A_1213 = tpu.memref_slice %arg5[%add3A_523] : memref<327680xi32, #tpu.memory_space<hbm>> -> memref<512xi32, #tpu.memory_space<hbm>>
    %dma_wait3A_1214 = arith.constant 2560 : i32
    %dma_wait3A_1215 = tpu.memref_slice %arg12[%dma_wait3A_1214] : memref<10240xi32, #tpu.memory_space<vmem>> -> memref<512xi32, #tpu.memory_space<vmem>>
    %dma_wait3A_1216 = tpu.memref_slice %arg5[%add3A_523] : memref<327680xi32, #tpu.memory_space<hbm>> -> memref<512xi32, #tpu.memory_space<hbm>>
    tpu.wait_dma2 semaphore(%arg23 : memref<!tpu.dma_semaphore, #tpu.memory_space<semaphore_mem>>) src(%dma_wait3A_1216 : memref<512xi32, #tpu.memory_space<hbm>>) dst(%dma_wait3A_1215 : memref<512xi32, #tpu.memory_space<vmem>>)
    %dma_wait3A_1217 = arith.constant 3072 : i32
    %dma_wait3A_1218 = tpu.memref_slice %arg12[%dma_wait3A_1217] : memref<10240xi32, #tpu.memory_space<vmem>> -> memref<512xi32, #tpu.memory_space<vmem>>
    %dma_wait3A_1219 = tpu.memref_slice %arg5[%add3A_531] : memref<327680xi32, #tpu.memory_space<hbm>> -> memref<512xi32, #tpu.memory_space<hbm>>
    %dma_wait3A_1220 = arith.constant 3072 : i32
    %dma_wait3A_1221 = tpu.memref_slice %arg12[%dma_wait3A_1220] : memref<10240xi32, #tpu.memory_space<vmem>> -> memref<512xi32, #tpu.memory_space<vmem>>
    %dma_wait3A_1222 = tpu.memref_slice %arg5[%add3A_531] : memref<327680xi32, #tpu.memory_space<hbm>> -> memref<512xi32, #tpu.memory_space<hbm>>
    tpu.wait_dma2 semaphore(%arg23 : memref<!tpu.dma_semaphore, #tpu.memory_space<semaphore_mem>>) src(%dma_wait3A_1222 : memref<512xi32, #tpu.memory_space<hbm>>) dst(%dma_wait3A_1221 : memref<512xi32, #tpu.memory_space<vmem>>)
    %dma_wait3A_1223 = arith.constant 3584 : i32
    %dma_wait3A_1224 = tpu.memref_slice %arg12[%dma_wait3A_1223] : memref<10240xi32, #tpu.memory_space<vmem>> -> memref<512xi32, #tpu.memory_space<vmem>>
    %dma_wait3A_1225 = tpu.memref_slice %arg5[%add3A_539] : memref<327680xi32, #tpu.memory_space<hbm>> -> memref<512xi32, #tpu.memory_space<hbm>>
    %dma_wait3A_1226 = arith.constant 3584 : i32
    %dma_wait3A_1227 = tpu.memref_slice %arg12[%dma_wait3A_1226] : memref<10240xi32, #tpu.memory_space<vmem>> -> memref<512xi32, #tpu.memory_space<vmem>>
    %dma_wait3A_1228 = tpu.memref_slice %arg5[%add3A_539] : memref<327680xi32, #tpu.memory_space<hbm>> -> memref<512xi32, #tpu.memory_space<hbm>>
    tpu.wait_dma2 semaphore(%arg23 : memref<!tpu.dma_semaphore, #tpu.memory_space<semaphore_mem>>) src(%dma_wait3A_1228 : memref<512xi32, #tpu.memory_space<hbm>>) dst(%dma_wait3A_1227 : memref<512xi32, #tpu.memory_space<vmem>>)
    %dma_wait3A_1229 = arith.constant 4096 : i32
    %dma_wait3A_1230 = tpu.memref_slice %arg12[%dma_wait3A_1229] : memref<10240xi32, #tpu.memory_space<vmem>> -> memref<512xi32, #tpu.memory_space<vmem>>
    %dma_wait3A_1231 = tpu.memref_slice %arg5[%add3A_547] : memref<327680xi32, #tpu.memory_space<hbm>> -> memref<512xi32, #tpu.memory_space<hbm>>
    %dma_wait3A_1232 = arith.constant 4096 : i32
    %dma_wait3A_1233 = tpu.memref_slice %arg12[%dma_wait3A_1232] : memref<10240xi32, #tpu.memory_space<vmem>> -> memref<512xi32, #tpu.memory_space<vmem>>
    %dma_wait3A_1234 = tpu.memref_slice %arg5[%add3A_547] : memref<327680xi32, #tpu.memory_space<hbm>> -> memref<512xi32, #tpu.memory_space<hbm>>
    tpu.wait_dma2 semaphore(%arg23 : memref<!tpu.dma_semaphore, #tpu.memory_space<semaphore_mem>>) src(%dma_wait3A_1234 : memref<512xi32, #tpu.memory_space<hbm>>) dst(%dma_wait3A_1233 : memref<512xi32, #tpu.memory_space<vmem>>)
    %dma_wait3A_1235 = arith.constant 4608 : i32
    %dma_wait3A_1236 = tpu.memref_slice %arg12[%dma_wait3A_1235] : memref<10240xi32, #tpu.memory_space<vmem>> -> memref<512xi32, #tpu.memory_space<vmem>>
    %dma_wait3A_1237 = tpu.memref_slice %arg5[%add3A_555] : memref<327680xi32, #tpu.memory_space<hbm>> -> memref<512xi32, #tpu.memory_space<hbm>>
    %dma_wait3A_1238 = arith.constant 4608 : i32
    %dma_wait3A_1239 = tpu.memref_slice %arg12[%dma_wait3A_1238] : memref<10240xi32, #tpu.memory_space<vmem>> -> memref<512xi32, #tpu.memory_space<vmem>>
    %dma_wait3A_1240 = tpu.memref_slice %arg5[%add3A_555] : memref<327680xi32, #tpu.memory_space<hbm>> -> memref<512xi32, #tpu.memory_space<hbm>>
    tpu.wait_dma2 semaphore(%arg23 : memref<!tpu.dma_semaphore, #tpu.memory_space<semaphore_mem>>) src(%dma_wait3A_1240 : memref<512xi32, #tpu.memory_space<hbm>>) dst(%dma_wait3A_1239 : memref<512xi32, #tpu.memory_space<vmem>>)
    %dma_wait3A_1241 = arith.constant 5120 : i32
    %dma_wait3A_1242 = tpu.memref_slice %arg12[%dma_wait3A_1241] : memref<10240xi32, #tpu.memory_space<vmem>> -> memref<512xi32, #tpu.memory_space<vmem>>
    %dma_wait3A_1243 = tpu.memref_slice %arg5[%add3A_563] : memref<327680xi32, #tpu.memory_space<hbm>> -> memref<512xi32, #tpu.memory_space<hbm>>
    %dma_wait3A_1244 = arith.constant 5120 : i32
    %dma_wait3A_1245 = tpu.memref_slice %arg12[%dma_wait3A_1244] : memref<10240xi32, #tpu.memory_space<vmem>> -> memref<512xi32, #tpu.memory_space<vmem>>
    %dma_wait3A_1246 = tpu.memref_slice %arg5[%add3A_563] : memref<327680xi32, #tpu.memory_space<hbm>> -> memref<512xi32, #tpu.memory_space<hbm>>
    tpu.wait_dma2 semaphore(%arg23 : memref<!tpu.dma_semaphore, #tpu.memory_space<semaphore_mem>>) src(%dma_wait3A_1246 : memref<512xi32, #tpu.memory_space<hbm>>) dst(%dma_wait3A_1245 : memref<512xi32, #tpu.memory_space<vmem>>)
    %dma_wait3A_1247 = arith.constant 5632 : i32
    %dma_wait3A_1248 = tpu.memref_slice %arg12[%dma_wait3A_1247] : memref<10240xi32, #tpu.memory_space<vmem>> -> memref<512xi32, #tpu.memory_space<vmem>>
    %dma_wait3A_1249 = tpu.memref_slice %arg5[%add3A_571] : memref<327680xi32, #tpu.memory_space<hbm>> -> memref<512xi32, #tpu.memory_space<hbm>>
    %dma_wait3A_1250 = arith.constant 5632 : i32
    %dma_wait3A_1251 = tpu.memref_slice %arg12[%dma_wait3A_1250] : memref<10240xi32, #tpu.memory_space<vmem>> -> memref<512xi32, #tpu.memory_space<vmem>>
    %dma_wait3A_1252 = tpu.memref_slice %arg5[%add3A_571] : memref<327680xi32, #tpu.memory_space<hbm>> -> memref<512xi32, #tpu.memory_space<hbm>>
    tpu.wait_dma2 semaphore(%arg23 : memref<!tpu.dma_semaphore, #tpu.memory_space<semaphore_mem>>) src(%dma_wait3A_1252 : memref<512xi32, #tpu.memory_space<hbm>>) dst(%dma_wait3A_1251 : memref<512xi32, #tpu.memory_space<vmem>>)
    %dma_wait3A_1253 = arith.constant 6144 : i32
    %dma_wait3A_1254 = tpu.memref_slice %arg12[%dma_wait3A_1253] : memref<10240xi32, #tpu.memory_space<vmem>> -> memref<512xi32, #tpu.memory_space<vmem>>
    %dma_wait3A_1255 = tpu.memref_slice %arg5[%add3A_579] : memref<327680xi32, #tpu.memory_space<hbm>> -> memref<512xi32, #tpu.memory_space<hbm>>
    %dma_wait3A_1256 = arith.constant 6144 : i32
    %dma_wait3A_1257 = tpu.memref_slice %arg12[%dma_wait3A_1256] : memref<10240xi32, #tpu.memory_space<vmem>> -> memref<512xi32, #tpu.memory_space<vmem>>
    %dma_wait3A_1258 = tpu.memref_slice %arg5[%add3A_579] : memref<327680xi32, #tpu.memory_space<hbm>> -> memref<512xi32, #tpu.memory_space<hbm>>
    tpu.wait_dma2 semaphore(%arg23 : memref<!tpu.dma_semaphore, #tpu.memory_space<semaphore_mem>>) src(%dma_wait3A_1258 : memref<512xi32, #tpu.memory_space<hbm>>) dst(%dma_wait3A_1257 : memref<512xi32, #tpu.memory_space<vmem>>)
    %dma_wait3A_1259 = arith.constant 6656 : i32
    %dma_wait3A_1260 = tpu.memref_slice %arg12[%dma_wait3A_1259] : memref<10240xi32, #tpu.memory_space<vmem>> -> memref<512xi32, #tpu.memory_space<vmem>>
    %dma_wait3A_1261 = tpu.memref_slice %arg5[%add3A_587] : memref<327680xi32, #tpu.memory_space<hbm>> -> memref<512xi32, #tpu.memory_space<hbm>>
    %dma_wait3A_1262 = arith.constant 6656 : i32
    %dma_wait3A_1263 = tpu.memref_slice %arg12[%dma_wait3A_1262] : memref<10240xi32, #tpu.memory_space<vmem>> -> memref<512xi32, #tpu.memory_space<vmem>>
    %dma_wait3A_1264 = tpu.memref_slice %arg5[%add3A_587] : memref<327680xi32, #tpu.memory_space<hbm>> -> memref<512xi32, #tpu.memory_space<hbm>>
    tpu.wait_dma2 semaphore(%arg23 : memref<!tpu.dma_semaphore, #tpu.memory_space<semaphore_mem>>) src(%dma_wait3A_1264 : memref<512xi32, #tpu.memory_space<hbm>>) dst(%dma_wait3A_1263 : memref<512xi32, #tpu.memory_space<vmem>>)
    %dma_wait3A_1265 = arith.constant 7168 : i32
    %dma_wait3A_1266 = tpu.memref_slice %arg12[%dma_wait3A_1265] : memref<10240xi32, #tpu.memory_space<vmem>> -> memref<512xi32, #tpu.memory_space<vmem>>
    %dma_wait3A_1267 = tpu.memref_slice %arg5[%add3A_595] : memref<327680xi32, #tpu.memory_space<hbm>> -> memref<512xi32, #tpu.memory_space<hbm>>
    %dma_wait3A_1268 = arith.constant 7168 : i32
    %dma_wait3A_1269 = tpu.memref_slice %arg12[%dma_wait3A_1268] : memref<10240xi32, #tpu.memory_space<vmem>> -> memref<512xi32, #tpu.memory_space<vmem>>
    %dma_wait3A_1270 = tpu.memref_slice %arg5[%add3A_595] : memref<327680xi32, #tpu.memory_space<hbm>> -> memref<512xi32, #tpu.memory_space<hbm>>
    tpu.wait_dma2 semaphore(%arg23 : memref<!tpu.dma_semaphore, #tpu.memory_space<semaphore_mem>>) src(%dma_wait3A_1270 : memref<512xi32, #tpu.memory_space<hbm>>) dst(%dma_wait3A_1269 : memref<512xi32, #tpu.memory_space<vmem>>)
    %dma_wait3A_1271 = arith.constant 7680 : i32
    %dma_wait3A_1272 = tpu.memref_slice %arg12[%dma_wait3A_1271] : memref<10240xi32, #tpu.memory_space<vmem>> -> memref<512xi32, #tpu.memory_space<vmem>>
    %dma_wait3A_1273 = tpu.memref_slice %arg5[%add3A_603] : memref<327680xi32, #tpu.memory_space<hbm>> -> memref<512xi32, #tpu.memory_space<hbm>>
    %dma_wait3A_1274 = arith.constant 7680 : i32
    %dma_wait3A_1275 = tpu.memref_slice %arg12[%dma_wait3A_1274] : memref<10240xi32, #tpu.memory_space<vmem>> -> memref<512xi32, #tpu.memory_space<vmem>>
    %dma_wait3A_1276 = tpu.memref_slice %arg5[%add3A_603] : memref<327680xi32, #tpu.memory_space<hbm>> -> memref<512xi32, #tpu.memory_space<hbm>>
    tpu.wait_dma2 semaphore(%arg23 : memref<!tpu.dma_semaphore, #tpu.memory_space<semaphore_mem>>) src(%dma_wait3A_1276 : memref<512xi32, #tpu.memory_space<hbm>>) dst(%dma_wait3A_1275 : memref<512xi32, #tpu.memory_space<vmem>>)
    %dma_wait3A_1277 = arith.constant 8192 : i32
    %dma_wait3A_1278 = tpu.memref_slice %arg12[%dma_wait3A_1277] : memref<10240xi32, #tpu.memory_space<vmem>> -> memref<512xi32, #tpu.memory_space<vmem>>
    %dma_wait3A_1279 = tpu.memref_slice %arg5[%add3A_611] : memref<327680xi32, #tpu.memory_space<hbm>> -> memref<512xi32, #tpu.memory_space<hbm>>
    %dma_wait3A_1280 = arith.constant 8192 : i32
    %dma_wait3A_1281 = tpu.memref_slice %arg12[%dma_wait3A_1280] : memref<10240xi32, #tpu.memory_space<vmem>> -> memref<512xi32, #tpu.memory_space<vmem>>
    %dma_wait3A_1282 = tpu.memref_slice %arg5[%add3A_611] : memref<327680xi32, #tpu.memory_space<hbm>> -> memref<512xi32, #tpu.memory_space<hbm>>
    tpu.wait_dma2 semaphore(%arg23 : memref<!tpu.dma_semaphore, #tpu.memory_space<semaphore_mem>>) src(%dma_wait3A_1282 : memref<512xi32, #tpu.memory_space<hbm>>) dst(%dma_wait3A_1281 : memref<512xi32, #tpu.memory_space<vmem>>)
    %dma_wait3A_1283 = arith.constant 8704 : i32
    %dma_wait3A_1284 = tpu.memref_slice %arg12[%dma_wait3A_1283] : memref<10240xi32, #tpu.memory_space<vmem>> -> memref<512xi32, #tpu.memory_space<vmem>>
    %dma_wait3A_1285 = tpu.memref_slice %arg5[%add3A_619] : memref<327680xi32, #tpu.memory_space<hbm>> -> memref<512xi32, #tpu.memory_space<hbm>>
    %dma_wait3A_1286 = arith.constant 8704 : i32
    %dma_wait3A_1287 = tpu.memref_slice %arg12[%dma_wait3A_1286] : memref<10240xi32, #tpu.memory_space<vmem>> -> memref<512xi32, #tpu.memory_space<vmem>>
    %dma_wait3A_1288 = tpu.memref_slice %arg5[%add3A_619] : memref<327680xi32, #tpu.memory_space<hbm>> -> memref<512xi32, #tpu.memory_space<hbm>>
    tpu.wait_dma2 semaphore(%arg23 : memref<!tpu.dma_semaphore, #tpu.memory_space<semaphore_mem>>) src(%dma_wait3A_1288 : memref<512xi32, #tpu.memory_space<hbm>>) dst(%dma_wait3A_1287 : memref<512xi32, #tpu.memory_space<vmem>>)
    %dma_wait3A_1289 = arith.constant 9216 : i32
    %dma_wait3A_1290 = tpu.memref_slice %arg12[%dma_wait3A_1289] : memref<10240xi32, #tpu.memory_space<vmem>> -> memref<512xi32, #tpu.memory_space<vmem>>
    %dma_wait3A_1291 = tpu.memref_slice %arg5[%add3A_627] : memref<327680xi32, #tpu.memory_space<hbm>> -> memref<512xi32, #tpu.memory_space<hbm>>
    %dma_wait3A_1292 = arith.constant 9216 : i32
    %dma_wait3A_1293 = tpu.memref_slice %arg12[%dma_wait3A_1292] : memref<10240xi32, #tpu.memory_space<vmem>> -> memref<512xi32, #tpu.memory_space<vmem>>
    %dma_wait3A_1294 = tpu.memref_slice %arg5[%add3A_627] : memref<327680xi32, #tpu.memory_space<hbm>> -> memref<512xi32, #tpu.memory_space<hbm>>
    tpu.wait_dma2 semaphore(%arg23 : memref<!tpu.dma_semaphore, #tpu.memory_space<semaphore_mem>>) src(%dma_wait3A_1294 : memref<512xi32, #tpu.memory_space<hbm>>) dst(%dma_wait3A_1293 : memref<512xi32, #tpu.memory_space<vmem>>)
    %dma_wait3A_1295 = arith.constant 9728 : i32
    %dma_wait3A_1296 = tpu.memref_slice %arg12[%dma_wait3A_1295] : memref<10240xi32, #tpu.memory_space<vmem>> -> memref<512xi32, #tpu.memory_space<vmem>>
    %dma_wait3A_1297 = tpu.memref_slice %arg5[%add3A_635] : memref<327680xi32, #tpu.memory_space<hbm>> -> memref<512xi32, #tpu.memory_space<hbm>>
    %dma_wait3A_1298 = arith.constant 9728 : i32
    %dma_wait3A_1299 = tpu.memref_slice %arg12[%dma_wait3A_1298] : memref<10240xi32, #tpu.memory_space<vmem>> -> memref<512xi32, #tpu.memory_space<vmem>>
    %dma_wait3A_1300 = tpu.memref_slice %arg5[%add3A_635] : memref<327680xi32, #tpu.memory_space<hbm>> -> memref<512xi32, #tpu.memory_space<hbm>>
    tpu.wait_dma2 semaphore(%arg23 : memref<!tpu.dma_semaphore, #tpu.memory_space<semaphore_mem>>) src(%dma_wait3A_1300 : memref<512xi32, #tpu.memory_space<hbm>>) dst(%dma_wait3A_1299 : memref<512xi32, #tpu.memory_space<vmem>>)
    %dma_wait3A_1301 = arith.constant 0 : i32
    %dma_wait3A_1302 = tpu.memref_slice %arg13[%dma_wait3A_1301] : memref<10240xi32, #tpu.memory_space<vmem>> -> memref<512xi32, #tpu.memory_space<vmem>>
    %dma_wait3A_1303 = tpu.memref_slice %arg6[%add3A_643] : memref<327680xi32, #tpu.memory_space<hbm>> -> memref<512xi32, #tpu.memory_space<hbm>>
    %dma_wait3A_1304 = arith.constant 0 : i32
    %dma_wait3A_1305 = tpu.memref_slice %arg13[%dma_wait3A_1304] : memref<10240xi32, #tpu.memory_space<vmem>> -> memref<512xi32, #tpu.memory_space<vmem>>
    %dma_wait3A_1306 = tpu.memref_slice %arg6[%add3A_643] : memref<327680xi32, #tpu.memory_space<hbm>> -> memref<512xi32, #tpu.memory_space<hbm>>
    tpu.wait_dma2 semaphore(%arg24 : memref<!tpu.dma_semaphore, #tpu.memory_space<semaphore_mem>>) src(%dma_wait3A_1306 : memref<512xi32, #tpu.memory_space<hbm>>) dst(%dma_wait3A_1305 : memref<512xi32, #tpu.memory_space<vmem>>)
    %dma_wait3A_1307 = arith.constant 512 : i32
    %dma_wait3A_1308 = tpu.memref_slice %arg13[%dma_wait3A_1307] : memref<10240xi32, #tpu.memory_space<vmem>> -> memref<512xi32, #tpu.memory_space<vmem>>
    %dma_wait3A_1309 = tpu.memref_slice %arg6[%add3A_651] : memref<327680xi32, #tpu.memory_space<hbm>> -> memref<512xi32, #tpu.memory_space<hbm>>
    %dma_wait3A_1310 = arith.constant 512 : i32
    %dma_wait3A_1311 = tpu.memref_slice %arg13[%dma_wait3A_1310] : memref<10240xi32, #tpu.memory_space<vmem>> -> memref<512xi32, #tpu.memory_space<vmem>>
    %dma_wait3A_1312 = tpu.memref_slice %arg6[%add3A_651] : memref<327680xi32, #tpu.memory_space<hbm>> -> memref<512xi32, #tpu.memory_space<hbm>>
    tpu.wait_dma2 semaphore(%arg24 : memref<!tpu.dma_semaphore, #tpu.memory_space<semaphore_mem>>) src(%dma_wait3A_1312 : memref<512xi32, #tpu.memory_space<hbm>>) dst(%dma_wait3A_1311 : memref<512xi32, #tpu.memory_space<vmem>>)
    %dma_wait3A_1313 = arith.constant 1024 : i32
    %dma_wait3A_1314 = tpu.memref_slice %arg13[%dma_wait3A_1313] : memref<10240xi32, #tpu.memory_space<vmem>> -> memref<512xi32, #tpu.memory_space<vmem>>
    %dma_wait3A_1315 = tpu.memref_slice %arg6[%add3A_659] : memref<327680xi32, #tpu.memory_space<hbm>> -> memref<512xi32, #tpu.memory_space<hbm>>
    %dma_wait3A_1316 = arith.constant 1024 : i32
    %dma_wait3A_1317 = tpu.memref_slice %arg13[%dma_wait3A_1316] : memref<10240xi32, #tpu.memory_space<vmem>> -> memref<512xi32, #tpu.memory_space<vmem>>
    %dma_wait3A_1318 = tpu.memref_slice %arg6[%add3A_659] : memref<327680xi32, #tpu.memory_space<hbm>> -> memref<512xi32, #tpu.memory_space<hbm>>
    tpu.wait_dma2 semaphore(%arg24 : memref<!tpu.dma_semaphore, #tpu.memory_space<semaphore_mem>>) src(%dma_wait3A_1318 : memref<512xi32, #tpu.memory_space<hbm>>) dst(%dma_wait3A_1317 : memref<512xi32, #tpu.memory_space<vmem>>)
    %dma_wait3A_1319 = arith.constant 1536 : i32
    %dma_wait3A_1320 = tpu.memref_slice %arg13[%dma_wait3A_1319] : memref<10240xi32, #tpu.memory_space<vmem>> -> memref<512xi32, #tpu.memory_space<vmem>>
    %dma_wait3A_1321 = tpu.memref_slice %arg6[%add3A_667] : memref<327680xi32, #tpu.memory_space<hbm>> -> memref<512xi32, #tpu.memory_space<hbm>>
    %dma_wait3A_1322 = arith.constant 1536 : i32
    %dma_wait3A_1323 = tpu.memref_slice %arg13[%dma_wait3A_1322] : memref<10240xi32, #tpu.memory_space<vmem>> -> memref<512xi32, #tpu.memory_space<vmem>>
    %dma_wait3A_1324 = tpu.memref_slice %arg6[%add3A_667] : memref<327680xi32, #tpu.memory_space<hbm>> -> memref<512xi32, #tpu.memory_space<hbm>>
    tpu.wait_dma2 semaphore(%arg24 : memref<!tpu.dma_semaphore, #tpu.memory_space<semaphore_mem>>) src(%dma_wait3A_1324 : memref<512xi32, #tpu.memory_space<hbm>>) dst(%dma_wait3A_1323 : memref<512xi32, #tpu.memory_space<vmem>>)
    %dma_wait3A_1325 = arith.constant 2048 : i32
    %dma_wait3A_1326 = tpu.memref_slice %arg13[%dma_wait3A_1325] : memref<10240xi32, #tpu.memory_space<vmem>> -> memref<512xi32, #tpu.memory_space<vmem>>
    %dma_wait3A_1327 = tpu.memref_slice %arg6[%add3A_675] : memref<327680xi32, #tpu.memory_space<hbm>> -> memref<512xi32, #tpu.memory_space<hbm>>
    %dma_wait3A_1328 = arith.constant 2048 : i32
    %dma_wait3A_1329 = tpu.memref_slice %arg13[%dma_wait3A_1328] : memref<10240xi32, #tpu.memory_space<vmem>> -> memref<512xi32, #tpu.memory_space<vmem>>
    %dma_wait3A_1330 = tpu.memref_slice %arg6[%add3A_675] : memref<327680xi32, #tpu.memory_space<hbm>> -> memref<512xi32, #tpu.memory_space<hbm>>
    tpu.wait_dma2 semaphore(%arg24 : memref<!tpu.dma_semaphore, #tpu.memory_space<semaphore_mem>>) src(%dma_wait3A_1330 : memref<512xi32, #tpu.memory_space<hbm>>) dst(%dma_wait3A_1329 : memref<512xi32, #tpu.memory_space<vmem>>)
    %dma_wait3A_1331 = arith.constant 2560 : i32
    %dma_wait3A_1332 = tpu.memref_slice %arg13[%dma_wait3A_1331] : memref<10240xi32, #tpu.memory_space<vmem>> -> memref<512xi32, #tpu.memory_space<vmem>>
    %dma_wait3A_1333 = tpu.memref_slice %arg6[%add3A_683] : memref<327680xi32, #tpu.memory_space<hbm>> -> memref<512xi32, #tpu.memory_space<hbm>>
    %dma_wait3A_1334 = arith.constant 2560 : i32
    %dma_wait3A_1335 = tpu.memref_slice %arg13[%dma_wait3A_1334] : memref<10240xi32, #tpu.memory_space<vmem>> -> memref<512xi32, #tpu.memory_space<vmem>>
    %dma_wait3A_1336 = tpu.memref_slice %arg6[%add3A_683] : memref<327680xi32, #tpu.memory_space<hbm>> -> memref<512xi32, #tpu.memory_space<hbm>>
    tpu.wait_dma2 semaphore(%arg24 : memref<!tpu.dma_semaphore, #tpu.memory_space<semaphore_mem>>) src(%dma_wait3A_1336 : memref<512xi32, #tpu.memory_space<hbm>>) dst(%dma_wait3A_1335 : memref<512xi32, #tpu.memory_space<vmem>>)
    %dma_wait3A_1337 = arith.constant 3072 : i32
    %dma_wait3A_1338 = tpu.memref_slice %arg13[%dma_wait3A_1337] : memref<10240xi32, #tpu.memory_space<vmem>> -> memref<512xi32, #tpu.memory_space<vmem>>
    %dma_wait3A_1339 = tpu.memref_slice %arg6[%add3A_691] : memref<327680xi32, #tpu.memory_space<hbm>> -> memref<512xi32, #tpu.memory_space<hbm>>
    %dma_wait3A_1340 = arith.constant 3072 : i32
    %dma_wait3A_1341 = tpu.memref_slice %arg13[%dma_wait3A_1340] : memref<10240xi32, #tpu.memory_space<vmem>> -> memref<512xi32, #tpu.memory_space<vmem>>
    %dma_wait3A_1342 = tpu.memref_slice %arg6[%add3A_691] : memref<327680xi32, #tpu.memory_space<hbm>> -> memref<512xi32, #tpu.memory_space<hbm>>
    tpu.wait_dma2 semaphore(%arg24 : memref<!tpu.dma_semaphore, #tpu.memory_space<semaphore_mem>>) src(%dma_wait3A_1342 : memref<512xi32, #tpu.memory_space<hbm>>) dst(%dma_wait3A_1341 : memref<512xi32, #tpu.memory_space<vmem>>)
    %dma_wait3A_1343 = arith.constant 3584 : i32
    %dma_wait3A_1344 = tpu.memref_slice %arg13[%dma_wait3A_1343] : memref<10240xi32, #tpu.memory_space<vmem>> -> memref<512xi32, #tpu.memory_space<vmem>>
    %dma_wait3A_1345 = tpu.memref_slice %arg6[%add3A_699] : memref<327680xi32, #tpu.memory_space<hbm>> -> memref<512xi32, #tpu.memory_space<hbm>>
    %dma_wait3A_1346 = arith.constant 3584 : i32
    %dma_wait3A_1347 = tpu.memref_slice %arg13[%dma_wait3A_1346] : memref<10240xi32, #tpu.memory_space<vmem>> -> memref<512xi32, #tpu.memory_space<vmem>>
    %dma_wait3A_1348 = tpu.memref_slice %arg6[%add3A_699] : memref<327680xi32, #tpu.memory_space<hbm>> -> memref<512xi32, #tpu.memory_space<hbm>>
    tpu.wait_dma2 semaphore(%arg24 : memref<!tpu.dma_semaphore, #tpu.memory_space<semaphore_mem>>) src(%dma_wait3A_1348 : memref<512xi32, #tpu.memory_space<hbm>>) dst(%dma_wait3A_1347 : memref<512xi32, #tpu.memory_space<vmem>>)
    %dma_wait3A_1349 = arith.constant 4096 : i32
    %dma_wait3A_1350 = tpu.memref_slice %arg13[%dma_wait3A_1349] : memref<10240xi32, #tpu.memory_space<vmem>> -> memref<512xi32, #tpu.memory_space<vmem>>
    %dma_wait3A_1351 = tpu.memref_slice %arg6[%add3A_707] : memref<327680xi32, #tpu.memory_space<hbm>> -> memref<512xi32, #tpu.memory_space<hbm>>
    %dma_wait3A_1352 = arith.constant 4096 : i32
    %dma_wait3A_1353 = tpu.memref_slice %arg13[%dma_wait3A_1352] : memref<10240xi32, #tpu.memory_space<vmem>> -> memref<512xi32, #tpu.memory_space<vmem>>
    %dma_wait3A_1354 = tpu.memref_slice %arg6[%add3A_707] : memref<327680xi32, #tpu.memory_space<hbm>> -> memref<512xi32, #tpu.memory_space<hbm>>
    tpu.wait_dma2 semaphore(%arg24 : memref<!tpu.dma_semaphore, #tpu.memory_space<semaphore_mem>>) src(%dma_wait3A_1354 : memref<512xi32, #tpu.memory_space<hbm>>) dst(%dma_wait3A_1353 : memref<512xi32, #tpu.memory_space<vmem>>)
    %dma_wait3A_1355 = arith.constant 4608 : i32
    %dma_wait3A_1356 = tpu.memref_slice %arg13[%dma_wait3A_1355] : memref<10240xi32, #tpu.memory_space<vmem>> -> memref<512xi32, #tpu.memory_space<vmem>>
    %dma_wait3A_1357 = tpu.memref_slice %arg6[%add3A_715] : memref<327680xi32, #tpu.memory_space<hbm>> -> memref<512xi32, #tpu.memory_space<hbm>>
    %dma_wait3A_1358 = arith.constant 4608 : i32
    %dma_wait3A_1359 = tpu.memref_slice %arg13[%dma_wait3A_1358] : memref<10240xi32, #tpu.memory_space<vmem>> -> memref<512xi32, #tpu.memory_space<vmem>>
    %dma_wait3A_1360 = tpu.memref_slice %arg6[%add3A_715] : memref<327680xi32, #tpu.memory_space<hbm>> -> memref<512xi32, #tpu.memory_space<hbm>>
    tpu.wait_dma2 semaphore(%arg24 : memref<!tpu.dma_semaphore, #tpu.memory_space<semaphore_mem>>) src(%dma_wait3A_1360 : memref<512xi32, #tpu.memory_space<hbm>>) dst(%dma_wait3A_1359 : memref<512xi32, #tpu.memory_space<vmem>>)
    %dma_wait3A_1361 = arith.constant 5120 : i32
    %dma_wait3A_1362 = tpu.memref_slice %arg13[%dma_wait3A_1361] : memref<10240xi32, #tpu.memory_space<vmem>> -> memref<512xi32, #tpu.memory_space<vmem>>
    %dma_wait3A_1363 = tpu.memref_slice %arg6[%add3A_723] : memref<327680xi32, #tpu.memory_space<hbm>> -> memref<512xi32, #tpu.memory_space<hbm>>
    %dma_wait3A_1364 = arith.constant 5120 : i32
    %dma_wait3A_1365 = tpu.memref_slice %arg13[%dma_wait3A_1364] : memref<10240xi32, #tpu.memory_space<vmem>> -> memref<512xi32, #tpu.memory_space<vmem>>
    %dma_wait3A_1366 = tpu.memref_slice %arg6[%add3A_723] : memref<327680xi32, #tpu.memory_space<hbm>> -> memref<512xi32, #tpu.memory_space<hbm>>
    tpu.wait_dma2 semaphore(%arg24 : memref<!tpu.dma_semaphore, #tpu.memory_space<semaphore_mem>>) src(%dma_wait3A_1366 : memref<512xi32, #tpu.memory_space<hbm>>) dst(%dma_wait3A_1365 : memref<512xi32, #tpu.memory_space<vmem>>)
    %dma_wait3A_1367 = arith.constant 5632 : i32
    %dma_wait3A_1368 = tpu.memref_slice %arg13[%dma_wait3A_1367] : memref<10240xi32, #tpu.memory_space<vmem>> -> memref<512xi32, #tpu.memory_space<vmem>>
    %dma_wait3A_1369 = tpu.memref_slice %arg6[%add3A_731] : memref<327680xi32, #tpu.memory_space<hbm>> -> memref<512xi32, #tpu.memory_space<hbm>>
    %dma_wait3A_1370 = arith.constant 5632 : i32
    %dma_wait3A_1371 = tpu.memref_slice %arg13[%dma_wait3A_1370] : memref<10240xi32, #tpu.memory_space<vmem>> -> memref<512xi32, #tpu.memory_space<vmem>>
    %dma_wait3A_1372 = tpu.memref_slice %arg6[%add3A_731] : memref<327680xi32, #tpu.memory_space<hbm>> -> memref<512xi32, #tpu.memory_space<hbm>>
    tpu.wait_dma2 semaphore(%arg24 : memref<!tpu.dma_semaphore, #tpu.memory_space<semaphore_mem>>) src(%dma_wait3A_1372 : memref<512xi32, #tpu.memory_space<hbm>>) dst(%dma_wait3A_1371 : memref<512xi32, #tpu.memory_space<vmem>>)
    %dma_wait3A_1373 = arith.constant 6144 : i32
    %dma_wait3A_1374 = tpu.memref_slice %arg13[%dma_wait3A_1373] : memref<10240xi32, #tpu.memory_space<vmem>> -> memref<512xi32, #tpu.memory_space<vmem>>
    %dma_wait3A_1375 = tpu.memref_slice %arg6[%add3A_739] : memref<327680xi32, #tpu.memory_space<hbm>> -> memref<512xi32, #tpu.memory_space<hbm>>
    %dma_wait3A_1376 = arith.constant 6144 : i32
    %dma_wait3A_1377 = tpu.memref_slice %arg13[%dma_wait3A_1376] : memref<10240xi32, #tpu.memory_space<vmem>> -> memref<512xi32, #tpu.memory_space<vmem>>
    %dma_wait3A_1378 = tpu.memref_slice %arg6[%add3A_739] : memref<327680xi32, #tpu.memory_space<hbm>> -> memref<512xi32, #tpu.memory_space<hbm>>
    tpu.wait_dma2 semaphore(%arg24 : memref<!tpu.dma_semaphore, #tpu.memory_space<semaphore_mem>>) src(%dma_wait3A_1378 : memref<512xi32, #tpu.memory_space<hbm>>) dst(%dma_wait3A_1377 : memref<512xi32, #tpu.memory_space<vmem>>)
    %dma_wait3A_1379 = arith.constant 6656 : i32
    %dma_wait3A_1380 = tpu.memref_slice %arg13[%dma_wait3A_1379] : memref<10240xi32, #tpu.memory_space<vmem>> -> memref<512xi32, #tpu.memory_space<vmem>>
    %dma_wait3A_1381 = tpu.memref_slice %arg6[%add3A_747] : memref<327680xi32, #tpu.memory_space<hbm>> -> memref<512xi32, #tpu.memory_space<hbm>>
    %dma_wait3A_1382 = arith.constant 6656 : i32
    %dma_wait3A_1383 = tpu.memref_slice %arg13[%dma_wait3A_1382] : memref<10240xi32, #tpu.memory_space<vmem>> -> memref<512xi32, #tpu.memory_space<vmem>>
    %dma_wait3A_1384 = tpu.memref_slice %arg6[%add3A_747] : memref<327680xi32, #tpu.memory_space<hbm>> -> memref<512xi32, #tpu.memory_space<hbm>>
    tpu.wait_dma2 semaphore(%arg24 : memref<!tpu.dma_semaphore, #tpu.memory_space<semaphore_mem>>) src(%dma_wait3A_1384 : memref<512xi32, #tpu.memory_space<hbm>>) dst(%dma_wait3A_1383 : memref<512xi32, #tpu.memory_space<vmem>>)
    %dma_wait3A_1385 = arith.constant 7168 : i32
    %dma_wait3A_1386 = tpu.memref_slice %arg13[%dma_wait3A_1385] : memref<10240xi32, #tpu.memory_space<vmem>> -> memref<512xi32, #tpu.memory_space<vmem>>
    %dma_wait3A_1387 = tpu.memref_slice %arg6[%add3A_755] : memref<327680xi32, #tpu.memory_space<hbm>> -> memref<512xi32, #tpu.memory_space<hbm>>
    %dma_wait3A_1388 = arith.constant 7168 : i32
    %dma_wait3A_1389 = tpu.memref_slice %arg13[%dma_wait3A_1388] : memref<10240xi32, #tpu.memory_space<vmem>> -> memref<512xi32, #tpu.memory_space<vmem>>
    %dma_wait3A_1390 = tpu.memref_slice %arg6[%add3A_755] : memref<327680xi32, #tpu.memory_space<hbm>> -> memref<512xi32, #tpu.memory_space<hbm>>
    tpu.wait_dma2 semaphore(%arg24 : memref<!tpu.dma_semaphore, #tpu.memory_space<semaphore_mem>>) src(%dma_wait3A_1390 : memref<512xi32, #tpu.memory_space<hbm>>) dst(%dma_wait3A_1389 : memref<512xi32, #tpu.memory_space<vmem>>)
    %dma_wait3A_1391 = arith.constant 7680 : i32
    %dma_wait3A_1392 = tpu.memref_slice %arg13[%dma_wait3A_1391] : memref<10240xi32, #tpu.memory_space<vmem>> -> memref<512xi32, #tpu.memory_space<vmem>>
    %dma_wait3A_1393 = tpu.memref_slice %arg6[%add3A_763] : memref<327680xi32, #tpu.memory_space<hbm>> -> memref<512xi32, #tpu.memory_space<hbm>>
    %dma_wait3A_1394 = arith.constant 7680 : i32
    %dma_wait3A_1395 = tpu.memref_slice %arg13[%dma_wait3A_1394] : memref<10240xi32, #tpu.memory_space<vmem>> -> memref<512xi32, #tpu.memory_space<vmem>>
    %dma_wait3A_1396 = tpu.memref_slice %arg6[%add3A_763] : memref<327680xi32, #tpu.memory_space<hbm>> -> memref<512xi32, #tpu.memory_space<hbm>>
    tpu.wait_dma2 semaphore(%arg24 : memref<!tpu.dma_semaphore, #tpu.memory_space<semaphore_mem>>) src(%dma_wait3A_1396 : memref<512xi32, #tpu.memory_space<hbm>>) dst(%dma_wait3A_1395 : memref<512xi32, #tpu.memory_space<vmem>>)
    %dma_wait3A_1397 = arith.constant 8192 : i32
    %dma_wait3A_1398 = tpu.memref_slice %arg13[%dma_wait3A_1397] : memref<10240xi32, #tpu.memory_space<vmem>> -> memref<512xi32, #tpu.memory_space<vmem>>
    %dma_wait3A_1399 = tpu.memref_slice %arg6[%add3A_771] : memref<327680xi32, #tpu.memory_space<hbm>> -> memref<512xi32, #tpu.memory_space<hbm>>
    %dma_wait3A_1400 = arith.constant 8192 : i32
    %dma_wait3A_1401 = tpu.memref_slice %arg13[%dma_wait3A_1400] : memref<10240xi32, #tpu.memory_space<vmem>> -> memref<512xi32, #tpu.memory_space<vmem>>
    %dma_wait3A_1402 = tpu.memref_slice %arg6[%add3A_771] : memref<327680xi32, #tpu.memory_space<hbm>> -> memref<512xi32, #tpu.memory_space<hbm>>
    tpu.wait_dma2 semaphore(%arg24 : memref<!tpu.dma_semaphore, #tpu.memory_space<semaphore_mem>>) src(%dma_wait3A_1402 : memref<512xi32, #tpu.memory_space<hbm>>) dst(%dma_wait3A_1401 : memref<512xi32, #tpu.memory_space<vmem>>)
    %dma_wait3A_1403 = arith.constant 8704 : i32
    %dma_wait3A_1404 = tpu.memref_slice %arg13[%dma_wait3A_1403] : memref<10240xi32, #tpu.memory_space<vmem>> -> memref<512xi32, #tpu.memory_space<vmem>>
    %dma_wait3A_1405 = tpu.memref_slice %arg6[%add3A_779] : memref<327680xi32, #tpu.memory_space<hbm>> -> memref<512xi32, #tpu.memory_space<hbm>>
    %dma_wait3A_1406 = arith.constant 8704 : i32
    %dma_wait3A_1407 = tpu.memref_slice %arg13[%dma_wait3A_1406] : memref<10240xi32, #tpu.memory_space<vmem>> -> memref<512xi32, #tpu.memory_space<vmem>>
    %dma_wait3A_1408 = tpu.memref_slice %arg6[%add3A_779] : memref<327680xi32, #tpu.memory_space<hbm>> -> memref<512xi32, #tpu.memory_space<hbm>>
    tpu.wait_dma2 semaphore(%arg24 : memref<!tpu.dma_semaphore, #tpu.memory_space<semaphore_mem>>) src(%dma_wait3A_1408 : memref<512xi32, #tpu.memory_space<hbm>>) dst(%dma_wait3A_1407 : memref<512xi32, #tpu.memory_space<vmem>>)
    %dma_wait3A_1409 = arith.constant 9216 : i32
    %dma_wait3A_1410 = tpu.memref_slice %arg13[%dma_wait3A_1409] : memref<10240xi32, #tpu.memory_space<vmem>> -> memref<512xi32, #tpu.memory_space<vmem>>
    %dma_wait3A_1411 = tpu.memref_slice %arg6[%add3A_787] : memref<327680xi32, #tpu.memory_space<hbm>> -> memref<512xi32, #tpu.memory_space<hbm>>
    %dma_wait3A_1412 = arith.constant 9216 : i32
    %dma_wait3A_1413 = tpu.memref_slice %arg13[%dma_wait3A_1412] : memref<10240xi32, #tpu.memory_space<vmem>> -> memref<512xi32, #tpu.memory_space<vmem>>
    %dma_wait3A_1414 = tpu.memref_slice %arg6[%add3A_787] : memref<327680xi32, #tpu.memory_space<hbm>> -> memref<512xi32, #tpu.memory_space<hbm>>
    tpu.wait_dma2 semaphore(%arg24 : memref<!tpu.dma_semaphore, #tpu.memory_space<semaphore_mem>>) src(%dma_wait3A_1414 : memref<512xi32, #tpu.memory_space<hbm>>) dst(%dma_wait3A_1413 : memref<512xi32, #tpu.memory_space<vmem>>)
    %dma_wait3A_1415 = arith.constant 9728 : i32
    %dma_wait3A_1416 = tpu.memref_slice %arg13[%dma_wait3A_1415] : memref<10240xi32, #tpu.memory_space<vmem>> -> memref<512xi32, #tpu.memory_space<vmem>>
    %dma_wait3A_1417 = tpu.memref_slice %arg6[%add3A_795] : memref<327680xi32, #tpu.memory_space<hbm>> -> memref<512xi32, #tpu.memory_space<hbm>>
    %dma_wait3A_1418 = arith.constant 9728 : i32
    %dma_wait3A_1419 = tpu.memref_slice %arg13[%dma_wait3A_1418] : memref<10240xi32, #tpu.memory_space<vmem>> -> memref<512xi32, #tpu.memory_space<vmem>>
    %dma_wait3A_1420 = tpu.memref_slice %arg6[%add3A_795] : memref<327680xi32, #tpu.memory_space<hbm>> -> memref<512xi32, #tpu.memory_space<hbm>>
    tpu.wait_dma2 semaphore(%arg24 : memref<!tpu.dma_semaphore, #tpu.memory_space<semaphore_mem>>) src(%dma_wait3A_1420 : memref<512xi32, #tpu.memory_space<hbm>>) dst(%dma_wait3A_1419 : memref<512xi32, #tpu.memory_space<vmem>>)
    %dma_wait3A_1421 = arith.constant 0 : i32
    %dma_wait3A_1422 = tpu.memref_slice %arg7[%dma_wait3A_1421] : memref<6016xf32, #tpu.memory_space<hbm>> -> memref<8xf32, #tpu.memory_space<hbm>>
    %dma_wait3A_1423 = arith.constant 0 : i32
    %dma_wait3A_1424 = tpu.memref_slice %arg7[%dma_wait3A_1423] : memref<6016xf32, #tpu.memory_space<hbm>> -> memref<8xf32, #tpu.memory_space<hbm>>
    tpu.wait_dma2 semaphore(%arg20 : memref<!tpu.dma_semaphore, #tpu.memory_space<semaphore_mem>>) src(%dma_wait3A_1424 : memref<8xf32, #tpu.memory_space<hbm>>) dst(%arg14 : memref<8xf32, #tpu.memory_space<vmem>>)
    %dma_wait3A_1425 = arith.constant 8 : i32
    %dma_wait3A_1426 = tpu.memref_slice %arg7[%dma_wait3A_1425] : memref<6016xf32, #tpu.memory_space<hbm>> -> memref<3000xf32, #tpu.memory_space<hbm>>
    %dma_wait3A_1427 = arith.constant 8 : i32
    %dma_wait3A_1428 = tpu.memref_slice %arg7[%dma_wait3A_1427] : memref<6016xf32, #tpu.memory_space<hbm>> -> memref<3000xf32, #tpu.memory_space<hbm>>
    tpu.wait_dma2 semaphore(%arg21 : memref<!tpu.dma_semaphore, #tpu.memory_space<semaphore_mem>>) src(%dma_wait3A_1428 : memref<3000xf32, #tpu.memory_space<hbm>>) dst(%arg15 : memref<3000xf32, #tpu.memory_space<vmem>>)
    %dma_wait3A_1429 = arith.constant 3008 : i32
    %dma_wait3A_1430 = tpu.memref_slice %arg7[%dma_wait3A_1429] : memref<6016xf32, #tpu.memory_space<hbm>> -> memref<1000xf32, #tpu.memory_space<hbm>>
    %dma_wait3A_1431 = arith.constant 3008 : i32
    %dma_wait3A_1432 = tpu.memref_slice %arg7[%dma_wait3A_1431] : memref<6016xf32, #tpu.memory_space<hbm>> -> memref<1000xf32, #tpu.memory_space<hbm>>
    tpu.wait_dma2 semaphore(%arg22 : memref<!tpu.dma_semaphore, #tpu.memory_space<semaphore_mem>>) src(%dma_wait3A_1432 : memref<1000xf32, #tpu.memory_space<hbm>>) dst(%arg16 : memref<1000xf32, #tpu.memory_space<vmem>>)
    %dma_wait3A_1433 = arith.constant 4008 : i32
    %dma_wait3A_1434 = tpu.memref_slice %arg7[%dma_wait3A_1433] : memref<6016xf32, #tpu.memory_space<hbm>> -> memref<1000xf32, #tpu.memory_space<hbm>>
    %dma_wait3A_1435 = arith.constant 4008 : i32
    %dma_wait3A_1436 = tpu.memref_slice %arg7[%dma_wait3A_1435] : memref<6016xf32, #tpu.memory_space<hbm>> -> memref<1000xf32, #tpu.memory_space<hbm>>
    tpu.wait_dma2 semaphore(%arg23 : memref<!tpu.dma_semaphore, #tpu.memory_space<semaphore_mem>>) src(%dma_wait3A_1436 : memref<1000xf32, #tpu.memory_space<hbm>>) dst(%arg17 : memref<1000xf32, #tpu.memory_space<vmem>>)
    %dma_wait3A_1437 = arith.constant 5008 : i32
    %dma_wait3A_1438 = tpu.memref_slice %arg7[%dma_wait3A_1437] : memref<6016xf32, #tpu.memory_space<hbm>> -> memref<1000xf32, #tpu.memory_space<hbm>>
    %dma_wait3A_1439 = arith.constant 5008 : i32
    %dma_wait3A_1440 = tpu.memref_slice %arg7[%dma_wait3A_1439] : memref<6016xf32, #tpu.memory_space<hbm>> -> memref<1000xf32, #tpu.memory_space<hbm>>
    tpu.wait_dma2 semaphore(%arg24 : memref<!tpu.dma_semaphore, #tpu.memory_space<semaphore_mem>>) src(%dma_wait3A_1440 : memref<1000xf32, #tpu.memory_space<hbm>>) dst(%arg18 : memref<1000xf32, #tpu.memory_space<vmem>>)
    %scan3A = arith.constant 0 : i32
    %scan3A_1441 = arith.constant 0 : i32
    %scan3A_1442 = arith.constant 32 : i32
    %scan3A_1443 = arith.addi %scan3A_1441, %scan3A_1442 : i32
    %scan3A_1444 = arith.constant 1 : i32
    scf.for %scan3A_1446 = %scan3A_1441 to %scan3A_1443 step %scan3A_1444  : i32 {
      %broadcast_in_dim3A = arith.constant 0.000000e+00 : f32
      %broadcast_in_dim3A_1447 = vector.broadcast %broadcast_in_dim3A : f32 to vector<16xf32>
      %mul3A_1448 = arith.constant 16 : i32
      %mul3A_1449 = arith.muli %scan3A_1446, %mul3A_1448 : i32
      %add3A_1450 = arith.constant 0 : i32
      %add3A_1451 = arith.addi %add3A_1450, %mul3A_1449 : i32
      %get3A = arith.index_cast %add3A_1451 : i32 to index
      %get3A_1452 = tpu.vector_load %arg9[%get3A] {strides = array<i32>} : memref<10240xi32, #tpu.memory_space<vmem>>, vector<16xi32>,
      %gather3A = tpu.vector_load_idx %arg14[%get3A_1452] : memref<8xf32, #tpu.memory_space<vmem>>[vector<16xi32>], vector<16xf32>,
      %add3A_1453 = arith.addf %broadcast_in_dim3A_1447, %gather3A : vector<16xf32>
      %get3A_1454 = arith.index_cast %add3A_1451 : i32 to index
      %get3A_1455 = tpu.vector_load %arg10[%get3A_1454] {strides = array<i32>} : memref<10240xi32, #tpu.memory_space<vmem>>, vector<16xi32>,
      %gather3A_1456 = tpu.vector_load_idx %arg15[%get3A_1455] : memref<3000xf32, #tpu.memory_space<vmem>>[vector<16xi32>], vector<16xf32>,
      %add3A_1457 = arith.addf %add3A_1453, %gather3A_1456 : vector<16xf32>
      %get3A_1458 = arith.index_cast %add3A_1451 : i32 to index
      %get3A_1459 = tpu.vector_load %arg11[%get3A_1458] {strides = array<i32>} : memref<10240xi32, #tpu.memory_space<vmem>>, vector<16xi32>,
      %gather3A_1460 = tpu.vector_load_idx %arg16[%get3A_1459] : memref<1000xf32, #tpu.memory_space<vmem>>[vector<16xi32>], vector<16xf32>,
      %add3A_1461 = arith.addf %add3A_1457, %gather3A_1460 : vector<16xf32>
      %get3A_1462 = arith.index_cast %add3A_1451 : i32 to index
      %get3A_1463 = tpu.vector_load %arg12[%get3A_1462] {strides = array<i32>} : memref<10240xi32, #tpu.memory_space<vmem>>, vector<16xi32>,
      %gather3A_1464 = tpu.vector_load_idx %arg17[%get3A_1463] : memref<1000xf32, #tpu.memory_space<vmem>>[vector<16xi32>], vector<16xf32>,
      %add3A_1465 = arith.addf %add3A_1461, %gather3A_1464 : vector<16xf32>
      %get3A_1466 = arith.index_cast %add3A_1451 : i32 to index
      %get3A_1467 = tpu.vector_load %arg13[%get3A_1466] {strides = array<i32>} : memref<10240xi32, #tpu.memory_space<vmem>>, vector<16xi32>,
      %gather3A_1468 = tpu.vector_load_idx %arg18[%get3A_1467] : memref<1000xf32, #tpu.memory_space<vmem>>[vector<16xi32>], vector<16xf32>,
      %add3A_1469 = arith.addf %add3A_1465, %gather3A_1468 : vector<16xf32>
      %mul3A_1470 = arith.constant 16 : i32
      %mul3A_1471 = arith.muli %scan3A_1446, %mul3A_1470 : i32
      %add3A_1472 = arith.constant 512 : i32
      %add3A_1473 = arith.addi %add3A_1472, %mul3A_1471 : i32
      %get3A_1474 = arith.index_cast %add3A_1473 : i32 to index
      %get3A_1475 = tpu.vector_load %arg9[%get3A_1474] {strides = array<i32>} : memref<10240xi32, #tpu.memory_space<vmem>>, vector<16xi32>,
      %gather3A_1476 = tpu.vector_load_idx %arg14[%get3A_1475] : memref<8xf32, #tpu.memory_space<vmem>>[vector<16xi32>], vector<16xf32>,
      %add3A_1477 = arith.addf %add3A_1469, %gather3A_1476 : vector<16xf32>
      %get3A_1478 = arith.index_cast %add3A_1473 : i32 to index
      %get3A_1479 = tpu.vector_load %arg10[%get3A_1478] {strides = array<i32>} : memref<10240xi32, #tpu.memory_space<vmem>>, vector<16xi32>,
      %gather3A_1480 = tpu.vector_load_idx %arg15[%get3A_1479] : memref<3000xf32, #tpu.memory_space<vmem>>[vector<16xi32>], vector<16xf32>,
      %add3A_1481 = arith.addf %add3A_1477, %gather3A_1480 : vector<16xf32>
      %get3A_1482 = arith.index_cast %add3A_1473 : i32 to index
      %get3A_1483 = tpu.vector_load %arg11[%get3A_1482] {strides = array<i32>} : memref<10240xi32, #tpu.memory_space<vmem>>, vector<16xi32>,
      %gather3A_1484 = tpu.vector_load_idx %arg16[%get3A_1483] : memref<1000xf32, #tpu.memory_space<vmem>>[vector<16xi32>], vector<16xf32>,
      %add3A_1485 = arith.addf %add3A_1481, %gather3A_1484 : vector<16xf32>
      %get3A_1486 = arith.index_cast %add3A_1473 : i32 to index
      %get3A_1487 = tpu.vector_load %arg12[%get3A_1486] {strides = array<i32>} : memref<10240xi32, #tpu.memory_space<vmem>>, vector<16xi32>,
      %gather3A_1488 = tpu.vector_load_idx %arg17[%get3A_1487] : memref<1000xf32, #tpu.memory_space<vmem>>[vector<16xi32>], vector<16xf32>,
      %add3A_1489 = arith.addf %add3A_1485, %gather3A_1488 : vector<16xf32>
      %get3A_1490 = arith.index_cast %add3A_1473 : i32 to index
      %get3A_1491 = tpu.vector_load %arg13[%get3A_1490] {strides = array<i32>} : memref<10240xi32, #tpu.memory_space<vmem>>, vector<16xi32>,
      %gather3A_1492 = tpu.vector_load_idx %arg18[%get3A_1491] : memref<1000xf32, #tpu.memory_space<vmem>>[vector<16xi32>], vector<16xf32>,
      %add3A_1493 = arith.addf %add3A_1489, %gather3A_1492 : vector<16xf32>
      %mul3A_1494 = arith.constant 16 : i32
      %mul3A_1495 = arith.muli %scan3A_1446, %mul3A_1494 : i32
      %add3A_1496 = arith.constant 1024 : i32
      %add3A_1497 = arith.addi %add3A_1496, %mul3A_1495 : i32
      %get3A_1498 = arith.index_cast %add3A_1497 : i32 to index
      %get3A_1499 = tpu.vector_load %arg9[%get3A_1498] {strides = array<i32>} : memref<10240xi32, #tpu.memory_space<vmem>>, vector<16xi32>,
      %gather3A_1500 = tpu.vector_load_idx %arg14[%get3A_1499] : memref<8xf32, #tpu.memory_space<vmem>>[vector<16xi32>], vector<16xf32>,
      %add3A_1501 = arith.addf %add3A_1493, %gather3A_1500 : vector<16xf32>
      %get3A_1502 = arith.index_cast %add3A_1497 : i32 to index
      %get3A_1503 = tpu.vector_load %arg10[%get3A_1502] {strides = array<i32>} : memref<10240xi32, #tpu.memory_space<vmem>>, vector<16xi32>,
      %gather3A_1504 = tpu.vector_load_idx %arg15[%get3A_1503] : memref<3000xf32, #tpu.memory_space<vmem>>[vector<16xi32>], vector<16xf32>,
      %add3A_1505 = arith.addf %add3A_1501, %gather3A_1504 : vector<16xf32>
      %get3A_1506 = arith.index_cast %add3A_1497 : i32 to index
      %get3A_1507 = tpu.vector_load %arg11[%get3A_1506] {strides = array<i32>} : memref<10240xi32, #tpu.memory_space<vmem>>, vector<16xi32>,
      %gather3A_1508 = tpu.vector_load_idx %arg16[%get3A_1507] : memref<1000xf32, #tpu.memory_space<vmem>>[vector<16xi32>], vector<16xf32>,
      %add3A_1509 = arith.addf %add3A_1505, %gather3A_1508 : vector<16xf32>
      %get3A_1510 = arith.index_cast %add3A_1497 : i32 to index
      %get3A_1511 = tpu.vector_load %arg12[%get3A_1510] {strides = array<i32>} : memref<10240xi32, #tpu.memory_space<vmem>>, vector<16xi32>,
      %gather3A_1512 = tpu.vector_load_idx %arg17[%get3A_1511] : memref<1000xf32, #tpu.memory_space<vmem>>[vector<16xi32>], vector<16xf32>,
      %add3A_1513 = arith.addf %add3A_1509, %gather3A_1512 : vector<16xf32>
      %get3A_1514 = arith.index_cast %add3A_1497 : i32 to index
      %get3A_1515 = tpu.vector_load %arg13[%get3A_1514] {strides = array<i32>} : memref<10240xi32, #tpu.memory_space<vmem>>, vector<16xi32>,
      %gather3A_1516 = tpu.vector_load_idx %arg18[%get3A_1515] : memref<1000xf32, #tpu.memory_space<vmem>>[vector<16xi32>], vector<16xf32>,
      %add3A_1517 = arith.addf %add3A_1513, %gather3A_1516 : vector<16xf32>
      %mul3A_1518 = arith.constant 16 : i32
      %mul3A_1519 = arith.muli %scan3A_1446, %mul3A_1518 : i32
      %add3A_1520 = arith.constant 1536 : i32
      %add3A_1521 = arith.addi %add3A_1520, %mul3A_1519 : i32
      %get3A_1522 = arith.index_cast %add3A_1521 : i32 to index
      %get3A_1523 = tpu.vector_load %arg9[%get3A_1522] {strides = array<i32>} : memref<10240xi32, #tpu.memory_space<vmem>>, vector<16xi32>,
      %gather3A_1524 = tpu.vector_load_idx %arg14[%get3A_1523] : memref<8xf32, #tpu.memory_space<vmem>>[vector<16xi32>], vector<16xf32>,
      %add3A_1525 = arith.addf %add3A_1517, %gather3A_1524 : vector<16xf32>
      %get3A_1526 = arith.index_cast %add3A_1521 : i32 to index
      %get3A_1527 = tpu.vector_load %arg10[%get3A_1526] {strides = array<i32>} : memref<10240xi32, #tpu.memory_space<vmem>>, vector<16xi32>,
      %gather3A_1528 = tpu.vector_load_idx %arg15[%get3A_1527] : memref<3000xf32, #tpu.memory_space<vmem>>[vector<16xi32>], vector<16xf32>,
      %add3A_1529 = arith.addf %add3A_1525, %gather3A_1528 : vector<16xf32>
      %get3A_1530 = arith.index_cast %add3A_1521 : i32 to index
      %get3A_1531 = tpu.vector_load %arg11[%get3A_1530] {strides = array<i32>} : memref<10240xi32, #tpu.memory_space<vmem>>, vector<16xi32>,
      %gather3A_1532 = tpu.vector_load_idx %arg16[%get3A_1531] : memref<1000xf32, #tpu.memory_space<vmem>>[vector<16xi32>], vector<16xf32>,
      %add3A_1533 = arith.addf %add3A_1529, %gather3A_1532 : vector<16xf32>
      %get3A_1534 = arith.index_cast %add3A_1521 : i32 to index
      %get3A_1535 = tpu.vector_load %arg12[%get3A_1534] {strides = array<i32>} : memref<10240xi32, #tpu.memory_space<vmem>>, vector<16xi32>,
      %gather3A_1536 = tpu.vector_load_idx %arg17[%get3A_1535] : memref<1000xf32, #tpu.memory_space<vmem>>[vector<16xi32>], vector<16xf32>,
      %add3A_1537 = arith.addf %add3A_1533, %gather3A_1536 : vector<16xf32>
      %get3A_1538 = arith.index_cast %add3A_1521 : i32 to index
      %get3A_1539 = tpu.vector_load %arg13[%get3A_1538] {strides = array<i32>} : memref<10240xi32, #tpu.memory_space<vmem>>, vector<16xi32>,
      %gather3A_1540 = tpu.vector_load_idx %arg18[%get3A_1539] : memref<1000xf32, #tpu.memory_space<vmem>>[vector<16xi32>], vector<16xf32>,
      %add3A_1541 = arith.addf %add3A_1537, %gather3A_1540 : vector<16xf32>
      %mul3A_1542 = arith.constant 16 : i32
      %mul3A_1543 = arith.muli %scan3A_1446, %mul3A_1542 : i32
      %add3A_1544 = arith.constant 2048 : i32
      %add3A_1545 = arith.addi %add3A_1544, %mul3A_1543 : i32
      %get3A_1546 = arith.index_cast %add3A_1545 : i32 to index
      %get3A_1547 = tpu.vector_load %arg9[%get3A_1546] {strides = array<i32>} : memref<10240xi32, #tpu.memory_space<vmem>>, vector<16xi32>,
      %gather3A_1548 = tpu.vector_load_idx %arg14[%get3A_1547] : memref<8xf32, #tpu.memory_space<vmem>>[vector<16xi32>], vector<16xf32>,
      %add3A_1549 = arith.addf %add3A_1541, %gather3A_1548 : vector<16xf32>
      %get3A_1550 = arith.index_cast %add3A_1545 : i32 to index
      %get3A_1551 = tpu.vector_load %arg10[%get3A_1550] {strides = array<i32>} : memref<10240xi32, #tpu.memory_space<vmem>>, vector<16xi32>,
      %gather3A_1552 = tpu.vector_load_idx %arg15[%get3A_1551] : memref<3000xf32, #tpu.memory_space<vmem>>[vector<16xi32>], vector<16xf32>,
      %add3A_1553 = arith.addf %add3A_1549, %gather3A_1552 : vector<16xf32>
      %get3A_1554 = arith.index_cast %add3A_1545 : i32 to index
      %get3A_1555 = tpu.vector_load %arg11[%get3A_1554] {strides = array<i32>} : memref<10240xi32, #tpu.memory_space<vmem>>, vector<16xi32>,
      %gather3A_1556 = tpu.vector_load_idx %arg16[%get3A_1555] : memref<1000xf32, #tpu.memory_space<vmem>>[vector<16xi32>], vector<16xf32>,
      %add3A_1557 = arith.addf %add3A_1553, %gather3A_1556 : vector<16xf32>
      %get3A_1558 = arith.index_cast %add3A_1545 : i32 to index
      %get3A_1559 = tpu.vector_load %arg12[%get3A_1558] {strides = array<i32>} : memref<10240xi32, #tpu.memory_space<vmem>>, vector<16xi32>,
      %gather3A_1560 = tpu.vector_load_idx %arg17[%get3A_1559] : memref<1000xf32, #tpu.memory_space<vmem>>[vector<16xi32>], vector<16xf32>,
      %add3A_1561 = arith.addf %add3A_1557, %gather3A_1560 : vector<16xf32>
      %get3A_1562 = arith.index_cast %add3A_1545 : i32 to index
      %get3A_1563 = tpu.vector_load %arg13[%get3A_1562] {strides = array<i32>} : memref<10240xi32, #tpu.memory_space<vmem>>, vector<16xi32>,
      %gather3A_1564 = tpu.vector_load_idx %arg18[%get3A_1563] : memref<1000xf32, #tpu.memory_space<vmem>>[vector<16xi32>], vector<16xf32>,
      %add3A_1565 = arith.addf %add3A_1561, %gather3A_1564 : vector<16xf32>
      %mul3A_1566 = arith.constant 16 : i32
      %mul3A_1567 = arith.muli %scan3A_1446, %mul3A_1566 : i32
      %add3A_1568 = arith.constant 2560 : i32
      %add3A_1569 = arith.addi %add3A_1568, %mul3A_1567 : i32
      %get3A_1570 = arith.index_cast %add3A_1569 : i32 to index
      %get3A_1571 = tpu.vector_load %arg9[%get3A_1570] {strides = array<i32>} : memref<10240xi32, #tpu.memory_space<vmem>>, vector<16xi32>,
      %gather3A_1572 = tpu.vector_load_idx %arg14[%get3A_1571] : memref<8xf32, #tpu.memory_space<vmem>>[vector<16xi32>], vector<16xf32>,
      %add3A_1573 = arith.addf %add3A_1565, %gather3A_1572 : vector<16xf32>
      %get3A_1574 = arith.index_cast %add3A_1569 : i32 to index
      %get3A_1575 = tpu.vector_load %arg10[%get3A_1574] {strides = array<i32>} : memref<10240xi32, #tpu.memory_space<vmem>>, vector<16xi32>,
      %gather3A_1576 = tpu.vector_load_idx %arg15[%get3A_1575] : memref<3000xf32, #tpu.memory_space<vmem>>[vector<16xi32>], vector<16xf32>,
      %add3A_1577 = arith.addf %add3A_1573, %gather3A_1576 : vector<16xf32>
      %get3A_1578 = arith.index_cast %add3A_1569 : i32 to index
      %get3A_1579 = tpu.vector_load %arg11[%get3A_1578] {strides = array<i32>} : memref<10240xi32, #tpu.memory_space<vmem>>, vector<16xi32>,
      %gather3A_1580 = tpu.vector_load_idx %arg16[%get3A_1579] : memref<1000xf32, #tpu.memory_space<vmem>>[vector<16xi32>], vector<16xf32>,
      %add3A_1581 = arith.addf %add3A_1577, %gather3A_1580 : vector<16xf32>
      %get3A_1582 = arith.index_cast %add3A_1569 : i32 to index
      %get3A_1583 = tpu.vector_load %arg12[%get3A_1582] {strides = array<i32>} : memref<10240xi32, #tpu.memory_space<vmem>>, vector<16xi32>,
      %gather3A_1584 = tpu.vector_load_idx %arg17[%get3A_1583] : memref<1000xf32, #tpu.memory_space<vmem>>[vector<16xi32>], vector<16xf32>,
      %add3A_1585 = arith.addf %add3A_1581, %gather3A_1584 : vector<16xf32>
      %get3A_1586 = arith.index_cast %add3A_1569 : i32 to index
      %get3A_1587 = tpu.vector_load %arg13[%get3A_1586] {strides = array<i32>} : memref<10240xi32, #tpu.memory_space<vmem>>, vector<16xi32>,
      %gather3A_1588 = tpu.vector_load_idx %arg18[%get3A_1587] : memref<1000xf32, #tpu.memory_space<vmem>>[vector<16xi32>], vector<16xf32>,
      %add3A_1589 = arith.addf %add3A_1585, %gather3A_1588 : vector<16xf32>
      %mul3A_1590 = arith.constant 16 : i32
      %mul3A_1591 = arith.muli %scan3A_1446, %mul3A_1590 : i32
      %add3A_1592 = arith.constant 3072 : i32
      %add3A_1593 = arith.addi %add3A_1592, %mul3A_1591 : i32
      %get3A_1594 = arith.index_cast %add3A_1593 : i32 to index
      %get3A_1595 = tpu.vector_load %arg9[%get3A_1594] {strides = array<i32>} : memref<10240xi32, #tpu.memory_space<vmem>>, vector<16xi32>,
      %gather3A_1596 = tpu.vector_load_idx %arg14[%get3A_1595] : memref<8xf32, #tpu.memory_space<vmem>>[vector<16xi32>], vector<16xf32>,
      %add3A_1597 = arith.addf %add3A_1589, %gather3A_1596 : vector<16xf32>
      %get3A_1598 = arith.index_cast %add3A_1593 : i32 to index
      %get3A_1599 = tpu.vector_load %arg10[%get3A_1598] {strides = array<i32>} : memref<10240xi32, #tpu.memory_space<vmem>>, vector<16xi32>,
      %gather3A_1600 = tpu.vector_load_idx %arg15[%get3A_1599] : memref<3000xf32, #tpu.memory_space<vmem>>[vector<16xi32>], vector<16xf32>,
      %add3A_1601 = arith.addf %add3A_1597, %gather3A_1600 : vector<16xf32>
      %get3A_1602 = arith.index_cast %add3A_1593 : i32 to index
      %get3A_1603 = tpu.vector_load %arg11[%get3A_1602] {strides = array<i32>} : memref<10240xi32, #tpu.memory_space<vmem>>, vector<16xi32>,
      %gather3A_1604 = tpu.vector_load_idx %arg16[%get3A_1603] : memref<1000xf32, #tpu.memory_space<vmem>>[vector<16xi32>], vector<16xf32>,
      %add3A_1605 = arith.addf %add3A_1601, %gather3A_1604 : vector<16xf32>
      %get3A_1606 = arith.index_cast %add3A_1593 : i32 to index
      %get3A_1607 = tpu.vector_load %arg12[%get3A_1606] {strides = array<i32>} : memref<10240xi32, #tpu.memory_space<vmem>>, vector<16xi32>,
      %gather3A_1608 = tpu.vector_load_idx %arg17[%get3A_1607] : memref<1000xf32, #tpu.memory_space<vmem>>[vector<16xi32>], vector<16xf32>,
      %add3A_1609 = arith.addf %add3A_1605, %gather3A_1608 : vector<16xf32>
      %get3A_1610 = arith.index_cast %add3A_1593 : i32 to index
      %get3A_1611 = tpu.vector_load %arg13[%get3A_1610] {strides = array<i32>} : memref<10240xi32, #tpu.memory_space<vmem>>, vector<16xi32>,
      %gather3A_1612 = tpu.vector_load_idx %arg18[%get3A_1611] : memref<1000xf32, #tpu.memory_space<vmem>>[vector<16xi32>], vector<16xf32>,
      %add3A_1613 = arith.addf %add3A_1609, %gather3A_1612 : vector<16xf32>
      %mul3A_1614 = arith.constant 16 : i32
      %mul3A_1615 = arith.muli %scan3A_1446, %mul3A_1614 : i32
      %add3A_1616 = arith.constant 3584 : i32
      %add3A_1617 = arith.addi %add3A_1616, %mul3A_1615 : i32
      %get3A_1618 = arith.index_cast %add3A_1617 : i32 to index
      %get3A_1619 = tpu.vector_load %arg9[%get3A_1618] {strides = array<i32>} : memref<10240xi32, #tpu.memory_space<vmem>>, vector<16xi32>,
      %gather3A_1620 = tpu.vector_load_idx %arg14[%get3A_1619] : memref<8xf32, #tpu.memory_space<vmem>>[vector<16xi32>], vector<16xf32>,
      %add3A_1621 = arith.addf %add3A_1613, %gather3A_1620 : vector<16xf32>
      %get3A_1622 = arith.index_cast %add3A_1617 : i32 to index
      %get3A_1623 = tpu.vector_load %arg10[%get3A_1622] {strides = array<i32>} : memref<10240xi32, #tpu.memory_space<vmem>>, vector<16xi32>,
      %gather3A_1624 = tpu.vector_load_idx %arg15[%get3A_1623] : memref<3000xf32, #tpu.memory_space<vmem>>[vector<16xi32>], vector<16xf32>,
      %add3A_1625 = arith.addf %add3A_1621, %gather3A_1624 : vector<16xf32>
      %get3A_1626 = arith.index_cast %add3A_1617 : i32 to index
      %get3A_1627 = tpu.vector_load %arg11[%get3A_1626] {strides = array<i32>} : memref<10240xi32, #tpu.memory_space<vmem>>, vector<16xi32>,
      %gather3A_1628 = tpu.vector_load_idx %arg16[%get3A_1627] : memref<1000xf32, #tpu.memory_space<vmem>>[vector<16xi32>], vector<16xf32>,
      %add3A_1629 = arith.addf %add3A_1625, %gather3A_1628 : vector<16xf32>
      %get3A_1630 = arith.index_cast %add3A_1617 : i32 to index
      %get3A_1631 = tpu.vector_load %arg12[%get3A_1630] {strides = array<i32>} : memref<10240xi32, #tpu.memory_space<vmem>>, vector<16xi32>,
      %gather3A_1632 = tpu.vector_load_idx %arg17[%get3A_1631] : memref<1000xf32, #tpu.memory_space<vmem>>[vector<16xi32>], vector<16xf32>,
      %add3A_1633 = arith.addf %add3A_1629, %gather3A_1632 : vector<16xf32>
      %get3A_1634 = arith.index_cast %add3A_1617 : i32 to index
      %get3A_1635 = tpu.vector_load %arg13[%get3A_1634] {strides = array<i32>} : memref<10240xi32, #tpu.memory_space<vmem>>, vector<16xi32>,
      %gather3A_1636 = tpu.vector_load_idx %arg18[%get3A_1635] : memref<1000xf32, #tpu.memory_space<vmem>>[vector<16xi32>], vector<16xf32>,
      %add3A_1637 = arith.addf %add3A_1633, %gather3A_1636 : vector<16xf32>
      %mul3A_1638 = arith.constant 16 : i32
      %mul3A_1639 = arith.muli %scan3A_1446, %mul3A_1638 : i32
      %add3A_1640 = arith.constant 4096 : i32
      %add3A_1641 = arith.addi %add3A_1640, %mul3A_1639 : i32
      %get3A_1642 = arith.index_cast %add3A_1641 : i32 to index
      %get3A_1643 = tpu.vector_load %arg9[%get3A_1642] {strides = array<i32>} : memref<10240xi32, #tpu.memory_space<vmem>>, vector<16xi32>,
      %gather3A_1644 = tpu.vector_load_idx %arg14[%get3A_1643] : memref<8xf32, #tpu.memory_space<vmem>>[vector<16xi32>], vector<16xf32>,
      %add3A_1645 = arith.addf %add3A_1637, %gather3A_1644 : vector<16xf32>
      %get3A_1646 = arith.index_cast %add3A_1641 : i32 to index
      %get3A_1647 = tpu.vector_load %arg10[%get3A_1646] {strides = array<i32>} : memref<10240xi32, #tpu.memory_space<vmem>>, vector<16xi32>,
      %gather3A_1648 = tpu.vector_load_idx %arg15[%get3A_1647] : memref<3000xf32, #tpu.memory_space<vmem>>[vector<16xi32>], vector<16xf32>,
      %add3A_1649 = arith.addf %add3A_1645, %gather3A_1648 : vector<16xf32>
      %get3A_1650 = arith.index_cast %add3A_1641 : i32 to index
      %get3A_1651 = tpu.vector_load %arg11[%get3A_1650] {strides = array<i32>} : memref<10240xi32, #tpu.memory_space<vmem>>, vector<16xi32>,
      %gather3A_1652 = tpu.vector_load_idx %arg16[%get3A_1651] : memref<1000xf32, #tpu.memory_space<vmem>>[vector<16xi32>], vector<16xf32>,
      %add3A_1653 = arith.addf %add3A_1649, %gather3A_1652 : vector<16xf32>
      %get3A_1654 = arith.index_cast %add3A_1641 : i32 to index
      %get3A_1655 = tpu.vector_load %arg12[%get3A_1654] {strides = array<i32>} : memref<10240xi32, #tpu.memory_space<vmem>>, vector<16xi32>,
      %gather3A_1656 = tpu.vector_load_idx %arg17[%get3A_1655] : memref<1000xf32, #tpu.memory_space<vmem>>[vector<16xi32>], vector<16xf32>,
      %add3A_1657 = arith.addf %add3A_1653, %gather3A_1656 : vector<16xf32>
      %get3A_1658 = arith.index_cast %add3A_1641 : i32 to index
      %get3A_1659 = tpu.vector_load %arg13[%get3A_1658] {strides = array<i32>} : memref<10240xi32, #tpu.memory_space<vmem>>, vector<16xi32>,
      %gather3A_1660 = tpu.vector_load_idx %arg18[%get3A_1659] : memref<1000xf32, #tpu.memory_space<vmem>>[vector<16xi32>], vector<16xf32>,
      %add3A_1661 = arith.addf %add3A_1657, %gather3A_1660 : vector<16xf32>
      %mul3A_1662 = arith.constant 16 : i32
      %mul3A_1663 = arith.muli %scan3A_1446, %mul3A_1662 : i32
      %add3A_1664 = arith.constant 4608 : i32
      %add3A_1665 = arith.addi %add3A_1664, %mul3A_1663 : i32
      %get3A_1666 = arith.index_cast %add3A_1665 : i32 to index
      %get3A_1667 = tpu.vector_load %arg9[%get3A_1666] {strides = array<i32>} : memref<10240xi32, #tpu.memory_space<vmem>>, vector<16xi32>,
      %gather3A_1668 = tpu.vector_load_idx %arg14[%get3A_1667] : memref<8xf32, #tpu.memory_space<vmem>>[vector<16xi32>], vector<16xf32>,
      %add3A_1669 = arith.addf %add3A_1661, %gather3A_1668 : vector<16xf32>
      %get3A_1670 = arith.index_cast %add3A_1665 : i32 to index
      %get3A_1671 = tpu.vector_load %arg10[%get3A_1670] {strides = array<i32>} : memref<10240xi32, #tpu.memory_space<vmem>>, vector<16xi32>,
      %gather3A_1672 = tpu.vector_load_idx %arg15[%get3A_1671] : memref<3000xf32, #tpu.memory_space<vmem>>[vector<16xi32>], vector<16xf32>,
      %add3A_1673 = arith.addf %add3A_1669, %gather3A_1672 : vector<16xf32>
      %get3A_1674 = arith.index_cast %add3A_1665 : i32 to index
      %get3A_1675 = tpu.vector_load %arg11[%get3A_1674] {strides = array<i32>} : memref<10240xi32, #tpu.memory_space<vmem>>, vector<16xi32>,
      %gather3A_1676 = tpu.vector_load_idx %arg16[%get3A_1675] : memref<1000xf32, #tpu.memory_space<vmem>>[vector<16xi32>], vector<16xf32>,
      %add3A_1677 = arith.addf %add3A_1673, %gather3A_1676 : vector<16xf32>
      %get3A_1678 = arith.index_cast %add3A_1665 : i32 to index
      %get3A_1679 = tpu.vector_load %arg12[%get3A_1678] {strides = array<i32>} : memref<10240xi32, #tpu.memory_space<vmem>>, vector<16xi32>,
      %gather3A_1680 = tpu.vector_load_idx %arg17[%get3A_1679] : memref<1000xf32, #tpu.memory_space<vmem>>[vector<16xi32>], vector<16xf32>,
      %add3A_1681 = arith.addf %add3A_1677, %gather3A_1680 : vector<16xf32>
      %get3A_1682 = arith.index_cast %add3A_1665 : i32 to index
      %get3A_1683 = tpu.vector_load %arg13[%get3A_1682] {strides = array<i32>} : memref<10240xi32, #tpu.memory_space<vmem>>, vector<16xi32>,
      %gather3A_1684 = tpu.vector_load_idx %arg18[%get3A_1683] : memref<1000xf32, #tpu.memory_space<vmem>>[vector<16xi32>], vector<16xf32>,
      %add3A_1685 = arith.addf %add3A_1681, %gather3A_1684 : vector<16xf32>
      %mul3A_1686 = arith.constant 16 : i32
      %mul3A_1687 = arith.muli %scan3A_1446, %mul3A_1686 : i32
      %add3A_1688 = arith.constant 5120 : i32
      %add3A_1689 = arith.addi %add3A_1688, %mul3A_1687 : i32
      %get3A_1690 = arith.index_cast %add3A_1689 : i32 to index
      %get3A_1691 = tpu.vector_load %arg9[%get3A_1690] {strides = array<i32>} : memref<10240xi32, #tpu.memory_space<vmem>>, vector<16xi32>,
      %gather3A_1692 = tpu.vector_load_idx %arg14[%get3A_1691] : memref<8xf32, #tpu.memory_space<vmem>>[vector<16xi32>], vector<16xf32>,
      %add3A_1693 = arith.addf %add3A_1685, %gather3A_1692 : vector<16xf32>
      %get3A_1694 = arith.index_cast %add3A_1689 : i32 to index
      %get3A_1695 = tpu.vector_load %arg10[%get3A_1694] {strides = array<i32>} : memref<10240xi32, #tpu.memory_space<vmem>>, vector<16xi32>,
      %gather3A_1696 = tpu.vector_load_idx %arg15[%get3A_1695] : memref<3000xf32, #tpu.memory_space<vmem>>[vector<16xi32>], vector<16xf32>,
      %add3A_1697 = arith.addf %add3A_1693, %gather3A_1696 : vector<16xf32>
      %get3A_1698 = arith.index_cast %add3A_1689 : i32 to index
      %get3A_1699 = tpu.vector_load %arg11[%get3A_1698] {strides = array<i32>} : memref<10240xi32, #tpu.memory_space<vmem>>, vector<16xi32>,
      %gather3A_1700 = tpu.vector_load_idx %arg16[%get3A_1699] : memref<1000xf32, #tpu.memory_space<vmem>>[vector<16xi32>], vector<16xf32>,
      %add3A_1701 = arith.addf %add3A_1697, %gather3A_1700 : vector<16xf32>
      %get3A_1702 = arith.index_cast %add3A_1689 : i32 to index
      %get3A_1703 = tpu.vector_load %arg12[%get3A_1702] {strides = array<i32>} : memref<10240xi32, #tpu.memory_space<vmem>>, vector<16xi32>,
      %gather3A_1704 = tpu.vector_load_idx %arg17[%get3A_1703] : memref<1000xf32, #tpu.memory_space<vmem>>[vector<16xi32>], vector<16xf32>,
      %add3A_1705 = arith.addf %add3A_1701, %gather3A_1704 : vector<16xf32>
      %get3A_1706 = arith.index_cast %add3A_1689 : i32 to index
      %get3A_1707 = tpu.vector_load %arg13[%get3A_1706] {strides = array<i32>} : memref<10240xi32, #tpu.memory_space<vmem>>, vector<16xi32>,
      %gather3A_1708 = tpu.vector_load_idx %arg18[%get3A_1707] : memref<1000xf32, #tpu.memory_space<vmem>>[vector<16xi32>], vector<16xf32>,
      %add3A_1709 = arith.addf %add3A_1705, %gather3A_1708 : vector<16xf32>
      %mul3A_1710 = arith.constant 16 : i32
      %mul3A_1711 = arith.muli %scan3A_1446, %mul3A_1710 : i32
      %add3A_1712 = arith.constant 5632 : i32
      %add3A_1713 = arith.addi %add3A_1712, %mul3A_1711 : i32
      %get3A_1714 = arith.index_cast %add3A_1713 : i32 to index
      %get3A_1715 = tpu.vector_load %arg9[%get3A_1714] {strides = array<i32>} : memref<10240xi32, #tpu.memory_space<vmem>>, vector<16xi32>,
      %gather3A_1716 = tpu.vector_load_idx %arg14[%get3A_1715] : memref<8xf32, #tpu.memory_space<vmem>>[vector<16xi32>], vector<16xf32>,
      %add3A_1717 = arith.addf %add3A_1709, %gather3A_1716 : vector<16xf32>
      %get3A_1718 = arith.index_cast %add3A_1713 : i32 to index
      %get3A_1719 = tpu.vector_load %arg10[%get3A_1718] {strides = array<i32>} : memref<10240xi32, #tpu.memory_space<vmem>>, vector<16xi32>,
      %gather3A_1720 = tpu.vector_load_idx %arg15[%get3A_1719] : memref<3000xf32, #tpu.memory_space<vmem>>[vector<16xi32>], vector<16xf32>,
      %add3A_1721 = arith.addf %add3A_1717, %gather3A_1720 : vector<16xf32>
      %get3A_1722 = arith.index_cast %add3A_1713 : i32 to index
      %get3A_1723 = tpu.vector_load %arg11[%get3A_1722] {strides = array<i32>} : memref<10240xi32, #tpu.memory_space<vmem>>, vector<16xi32>,
      %gather3A_1724 = tpu.vector_load_idx %arg16[%get3A_1723] : memref<1000xf32, #tpu.memory_space<vmem>>[vector<16xi32>], vector<16xf32>,
      %add3A_1725 = arith.addf %add3A_1721, %gather3A_1724 : vector<16xf32>
      %get3A_1726 = arith.index_cast %add3A_1713 : i32 to index
      %get3A_1727 = tpu.vector_load %arg12[%get3A_1726] {strides = array<i32>} : memref<10240xi32, #tpu.memory_space<vmem>>, vector<16xi32>,
      %gather3A_1728 = tpu.vector_load_idx %arg17[%get3A_1727] : memref<1000xf32, #tpu.memory_space<vmem>>[vector<16xi32>], vector<16xf32>,
      %add3A_1729 = arith.addf %add3A_1725, %gather3A_1728 : vector<16xf32>
      %get3A_1730 = arith.index_cast %add3A_1713 : i32 to index
      %get3A_1731 = tpu.vector_load %arg13[%get3A_1730] {strides = array<i32>} : memref<10240xi32, #tpu.memory_space<vmem>>, vector<16xi32>,
      %gather3A_1732 = tpu.vector_load_idx %arg18[%get3A_1731] : memref<1000xf32, #tpu.memory_space<vmem>>[vector<16xi32>], vector<16xf32>,
      %add3A_1733 = arith.addf %add3A_1729, %gather3A_1732 : vector<16xf32>
      %mul3A_1734 = arith.constant 16 : i32
      %mul3A_1735 = arith.muli %scan3A_1446, %mul3A_1734 : i32
      %add3A_1736 = arith.constant 6144 : i32
      %add3A_1737 = arith.addi %add3A_1736, %mul3A_1735 : i32
      %get3A_1738 = arith.index_cast %add3A_1737 : i32 to index
      %get3A_1739 = tpu.vector_load %arg9[%get3A_1738] {strides = array<i32>} : memref<10240xi32, #tpu.memory_space<vmem>>, vector<16xi32>,
      %gather3A_1740 = tpu.vector_load_idx %arg14[%get3A_1739] : memref<8xf32, #tpu.memory_space<vmem>>[vector<16xi32>], vector<16xf32>,
      %add3A_1741 = arith.addf %add3A_1733, %gather3A_1740 : vector<16xf32>
      %get3A_1742 = arith.index_cast %add3A_1737 : i32 to index
      %get3A_1743 = tpu.vector_load %arg10[%get3A_1742] {strides = array<i32>} : memref<10240xi32, #tpu.memory_space<vmem>>, vector<16xi32>,
      %gather3A_1744 = tpu.vector_load_idx %arg15[%get3A_1743] : memref<3000xf32, #tpu.memory_space<vmem>>[vector<16xi32>], vector<16xf32>,
      %add3A_1745 = arith.addf %add3A_1741, %gather3A_1744 : vector<16xf32>
      %get3A_1746 = arith.index_cast %add3A_1737 : i32 to index
      %get3A_1747 = tpu.vector_load %arg11[%get3A_1746] {strides = array<i32>} : memref<10240xi32, #tpu.memory_space<vmem>>, vector<16xi32>,
      %gather3A_1748 = tpu.vector_load_idx %arg16[%get3A_1747] : memref<1000xf32, #tpu.memory_space<vmem>>[vector<16xi32>], vector<16xf32>,
      %add3A_1749 = arith.addf %add3A_1745, %gather3A_1748 : vector<16xf32>
      %get3A_1750 = arith.index_cast %add3A_1737 : i32 to index
      %get3A_1751 = tpu.vector_load %arg12[%get3A_1750] {strides = array<i32>} : memref<10240xi32, #tpu.memory_space<vmem>>, vector<16xi32>,
      %gather3A_1752 = tpu.vector_load_idx %arg17[%get3A_1751] : memref<1000xf32, #tpu.memory_space<vmem>>[vector<16xi32>], vector<16xf32>,
      %add3A_1753 = arith.addf %add3A_1749, %gather3A_1752 : vector<16xf32>
      %get3A_1754 = arith.index_cast %add3A_1737 : i32 to index
      %get3A_1755 = tpu.vector_load %arg13[%get3A_1754] {strides = array<i32>} : memref<10240xi32, #tpu.memory_space<vmem>>, vector<16xi32>,
      %gather3A_1756 = tpu.vector_load_idx %arg18[%get3A_1755] : memref<1000xf32, #tpu.memory_space<vmem>>[vector<16xi32>], vector<16xf32>,
      %add3A_1757 = arith.addf %add3A_1753, %gather3A_1756 : vector<16xf32>
      %mul3A_1758 = arith.constant 16 : i32
      %mul3A_1759 = arith.muli %scan3A_1446, %mul3A_1758 : i32
      %add3A_1760 = arith.constant 6656 : i32
      %add3A_1761 = arith.addi %add3A_1760, %mul3A_1759 : i32
      %get3A_1762 = arith.index_cast %add3A_1761 : i32 to index
      %get3A_1763 = tpu.vector_load %arg9[%get3A_1762] {strides = array<i32>} : memref<10240xi32, #tpu.memory_space<vmem>>, vector<16xi32>,
      %gather3A_1764 = tpu.vector_load_idx %arg14[%get3A_1763] : memref<8xf32, #tpu.memory_space<vmem>>[vector<16xi32>], vector<16xf32>,
      %add3A_1765 = arith.addf %add3A_1757, %gather3A_1764 : vector<16xf32>
      %get3A_1766 = arith.index_cast %add3A_1761 : i32 to index
      %get3A_1767 = tpu.vector_load %arg10[%get3A_1766] {strides = array<i32>} : memref<10240xi32, #tpu.memory_space<vmem>>, vector<16xi32>,
      %gather3A_1768 = tpu.vector_load_idx %arg15[%get3A_1767] : memref<3000xf32, #tpu.memory_space<vmem>>[vector<16xi32>], vector<16xf32>,
      %add3A_1769 = arith.addf %add3A_1765, %gather3A_1768 : vector<16xf32>
      %get3A_1770 = arith.index_cast %add3A_1761 : i32 to index
      %get3A_1771 = tpu.vector_load %arg11[%get3A_1770] {strides = array<i32>} : memref<10240xi32, #tpu.memory_space<vmem>>, vector<16xi32>,
      %gather3A_1772 = tpu.vector_load_idx %arg16[%get3A_1771] : memref<1000xf32, #tpu.memory_space<vmem>>[vector<16xi32>], vector<16xf32>,
      %add3A_1773 = arith.addf %add3A_1769, %gather3A_1772 : vector<16xf32>
      %get3A_1774 = arith.index_cast %add3A_1761 : i32 to index
      %get3A_1775 = tpu.vector_load %arg12[%get3A_1774] {strides = array<i32>} : memref<10240xi32, #tpu.memory_space<vmem>>, vector<16xi32>,
      %gather3A_1776 = tpu.vector_load_idx %arg17[%get3A_1775] : memref<1000xf32, #tpu.memory_space<vmem>>[vector<16xi32>], vector<16xf32>,
      %add3A_1777 = arith.addf %add3A_1773, %gather3A_1776 : vector<16xf32>
      %get3A_1778 = arith.index_cast %add3A_1761 : i32 to index
      %get3A_1779 = tpu.vector_load %arg13[%get3A_1778] {strides = array<i32>} : memref<10240xi32, #tpu.memory_space<vmem>>, vector<16xi32>,
      %gather3A_1780 = tpu.vector_load_idx %arg18[%get3A_1779] : memref<1000xf32, #tpu.memory_space<vmem>>[vector<16xi32>], vector<16xf32>,
      %add3A_1781 = arith.addf %add3A_1777, %gather3A_1780 : vector<16xf32>
      %mul3A_1782 = arith.constant 16 : i32
      %mul3A_1783 = arith.muli %scan3A_1446, %mul3A_1782 : i32
      %add3A_1784 = arith.constant 7168 : i32
      %add3A_1785 = arith.addi %add3A_1784, %mul3A_1783 : i32
      %get3A_1786 = arith.index_cast %add3A_1785 : i32 to index
      %get3A_1787 = tpu.vector_load %arg9[%get3A_1786] {strides = array<i32>} : memref<10240xi32, #tpu.memory_space<vmem>>, vector<16xi32>,
      %gather3A_1788 = tpu.vector_load_idx %arg14[%get3A_1787] : memref<8xf32, #tpu.memory_space<vmem>>[vector<16xi32>], vector<16xf32>,
      %add3A_1789 = arith.addf %add3A_1781, %gather3A_1788 : vector<16xf32>
      %get3A_1790 = arith.index_cast %add3A_1785 : i32 to index
      %get3A_1791 = tpu.vector_load %arg10[%get3A_1790] {strides = array<i32>} : memref<10240xi32, #tpu.memory_space<vmem>>, vector<16xi32>,
      %gather3A_1792 = tpu.vector_load_idx %arg15[%get3A_1791] : memref<3000xf32, #tpu.memory_space<vmem>>[vector<16xi32>], vector<16xf32>,
      %add3A_1793 = arith.addf %add3A_1789, %gather3A_1792 : vector<16xf32>
      %get3A_1794 = arith.index_cast %add3A_1785 : i32 to index
      %get3A_1795 = tpu.vector_load %arg11[%get3A_1794] {strides = array<i32>} : memref<10240xi32, #tpu.memory_space<vmem>>, vector<16xi32>,
      %gather3A_1796 = tpu.vector_load_idx %arg16[%get3A_1795] : memref<1000xf32, #tpu.memory_space<vmem>>[vector<16xi32>], vector<16xf32>,
      %add3A_1797 = arith.addf %add3A_1793, %gather3A_1796 : vector<16xf32>
      %get3A_1798 = arith.index_cast %add3A_1785 : i32 to index
      %get3A_1799 = tpu.vector_load %arg12[%get3A_1798] {strides = array<i32>} : memref<10240xi32, #tpu.memory_space<vmem>>, vector<16xi32>,
      %gather3A_1800 = tpu.vector_load_idx %arg17[%get3A_1799] : memref<1000xf32, #tpu.memory_space<vmem>>[vector<16xi32>], vector<16xf32>,
      %add3A_1801 = arith.addf %add3A_1797, %gather3A_1800 : vector<16xf32>
      %get3A_1802 = arith.index_cast %add3A_1785 : i32 to index
      %get3A_1803 = tpu.vector_load %arg13[%get3A_1802] {strides = array<i32>} : memref<10240xi32, #tpu.memory_space<vmem>>, vector<16xi32>,
      %gather3A_1804 = tpu.vector_load_idx %arg18[%get3A_1803] : memref<1000xf32, #tpu.memory_space<vmem>>[vector<16xi32>], vector<16xf32>,
      %add3A_1805 = arith.addf %add3A_1801, %gather3A_1804 : vector<16xf32>
      %mul3A_1806 = arith.constant 16 : i32
      %mul3A_1807 = arith.muli %scan3A_1446, %mul3A_1806 : i32
      %add3A_1808 = arith.constant 7680 : i32
      %add3A_1809 = arith.addi %add3A_1808, %mul3A_1807 : i32
      %get3A_1810 = arith.index_cast %add3A_1809 : i32 to index
      %get3A_1811 = tpu.vector_load %arg9[%get3A_1810] {strides = array<i32>} : memref<10240xi32, #tpu.memory_space<vmem>>, vector<16xi32>,
      %gather3A_1812 = tpu.vector_load_idx %arg14[%get3A_1811] : memref<8xf32, #tpu.memory_space<vmem>>[vector<16xi32>], vector<16xf32>,
      %add3A_1813 = arith.addf %add3A_1805, %gather3A_1812 : vector<16xf32>
      %get3A_1814 = arith.index_cast %add3A_1809 : i32 to index
      %get3A_1815 = tpu.vector_load %arg10[%get3A_1814] {strides = array<i32>} : memref<10240xi32, #tpu.memory_space<vmem>>, vector<16xi32>,
      %gather3A_1816 = tpu.vector_load_idx %arg15[%get3A_1815] : memref<3000xf32, #tpu.memory_space<vmem>>[vector<16xi32>], vector<16xf32>,
      %add3A_1817 = arith.addf %add3A_1813, %gather3A_1816 : vector<16xf32>
      %get3A_1818 = arith.index_cast %add3A_1809 : i32 to index
      %get3A_1819 = tpu.vector_load %arg11[%get3A_1818] {strides = array<i32>} : memref<10240xi32, #tpu.memory_space<vmem>>, vector<16xi32>,
      %gather3A_1820 = tpu.vector_load_idx %arg16[%get3A_1819] : memref<1000xf32, #tpu.memory_space<vmem>>[vector<16xi32>], vector<16xf32>,
      %add3A_1821 = arith.addf %add3A_1817, %gather3A_1820 : vector<16xf32>
      %get3A_1822 = arith.index_cast %add3A_1809 : i32 to index
      %get3A_1823 = tpu.vector_load %arg12[%get3A_1822] {strides = array<i32>} : memref<10240xi32, #tpu.memory_space<vmem>>, vector<16xi32>,
      %gather3A_1824 = tpu.vector_load_idx %arg17[%get3A_1823] : memref<1000xf32, #tpu.memory_space<vmem>>[vector<16xi32>], vector<16xf32>,
      %add3A_1825 = arith.addf %add3A_1821, %gather3A_1824 : vector<16xf32>
      %get3A_1826 = arith.index_cast %add3A_1809 : i32 to index
      %get3A_1827 = tpu.vector_load %arg13[%get3A_1826] {strides = array<i32>} : memref<10240xi32, #tpu.memory_space<vmem>>, vector<16xi32>,
      %gather3A_1828 = tpu.vector_load_idx %arg18[%get3A_1827] : memref<1000xf32, #tpu.memory_space<vmem>>[vector<16xi32>], vector<16xf32>,
      %add3A_1829 = arith.addf %add3A_1825, %gather3A_1828 : vector<16xf32>
      %mul3A_1830 = arith.constant 16 : i32
      %mul3A_1831 = arith.muli %scan3A_1446, %mul3A_1830 : i32
      %add3A_1832 = arith.constant 8192 : i32
      %add3A_1833 = arith.addi %add3A_1832, %mul3A_1831 : i32
      %get3A_1834 = arith.index_cast %add3A_1833 : i32 to index
      %get3A_1835 = tpu.vector_load %arg9[%get3A_1834] {strides = array<i32>} : memref<10240xi32, #tpu.memory_space<vmem>>, vector<16xi32>,
      %gather3A_1836 = tpu.vector_load_idx %arg14[%get3A_1835] : memref<8xf32, #tpu.memory_space<vmem>>[vector<16xi32>], vector<16xf32>,
      %add3A_1837 = arith.addf %add3A_1829, %gather3A_1836 : vector<16xf32>
      %get3A_1838 = arith.index_cast %add3A_1833 : i32 to index
      %get3A_1839 = tpu.vector_load %arg10[%get3A_1838] {strides = array<i32>} : memref<10240xi32, #tpu.memory_space<vmem>>, vector<16xi32>,
      %gather3A_1840 = tpu.vector_load_idx %arg15[%get3A_1839] : memref<3000xf32, #tpu.memory_space<vmem>>[vector<16xi32>], vector<16xf32>,
      %add3A_1841 = arith.addf %add3A_1837, %gather3A_1840 : vector<16xf32>
      %get3A_1842 = arith.index_cast %add3A_1833 : i32 to index
      %get3A_1843 = tpu.vector_load %arg11[%get3A_1842] {strides = array<i32>} : memref<10240xi32, #tpu.memory_space<vmem>>, vector<16xi32>,
      %gather3A_1844 = tpu.vector_load_idx %arg16[%get3A_1843] : memref<1000xf32, #tpu.memory_space<vmem>>[vector<16xi32>], vector<16xf32>,
      %add3A_1845 = arith.addf %add3A_1841, %gather3A_1844 : vector<16xf32>
      %get3A_1846 = arith.index_cast %add3A_1833 : i32 to index
      %get3A_1847 = tpu.vector_load %arg12[%get3A_1846] {strides = array<i32>} : memref<10240xi32, #tpu.memory_space<vmem>>, vector<16xi32>,
      %gather3A_1848 = tpu.vector_load_idx %arg17[%get3A_1847] : memref<1000xf32, #tpu.memory_space<vmem>>[vector<16xi32>], vector<16xf32>,
      %add3A_1849 = arith.addf %add3A_1845, %gather3A_1848 : vector<16xf32>
      %get3A_1850 = arith.index_cast %add3A_1833 : i32 to index
      %get3A_1851 = tpu.vector_load %arg13[%get3A_1850] {strides = array<i32>} : memref<10240xi32, #tpu.memory_space<vmem>>, vector<16xi32>,
      %gather3A_1852 = tpu.vector_load_idx %arg18[%get3A_1851] : memref<1000xf32, #tpu.memory_space<vmem>>[vector<16xi32>], vector<16xf32>,
      %add3A_1853 = arith.addf %add3A_1849, %gather3A_1852 : vector<16xf32>
      %mul3A_1854 = arith.constant 16 : i32
      %mul3A_1855 = arith.muli %scan3A_1446, %mul3A_1854 : i32
      %add3A_1856 = arith.constant 8704 : i32
      %add3A_1857 = arith.addi %add3A_1856, %mul3A_1855 : i32
      %get3A_1858 = arith.index_cast %add3A_1857 : i32 to index
      %get3A_1859 = tpu.vector_load %arg9[%get3A_1858] {strides = array<i32>} : memref<10240xi32, #tpu.memory_space<vmem>>, vector<16xi32>,
      %gather3A_1860 = tpu.vector_load_idx %arg14[%get3A_1859] : memref<8xf32, #tpu.memory_space<vmem>>[vector<16xi32>], vector<16xf32>,
      %add3A_1861 = arith.addf %add3A_1853, %gather3A_1860 : vector<16xf32>
      %get3A_1862 = arith.index_cast %add3A_1857 : i32 to index
      %get3A_1863 = tpu.vector_load %arg10[%get3A_1862] {strides = array<i32>} : memref<10240xi32, #tpu.memory_space<vmem>>, vector<16xi32>,
      %gather3A_1864 = tpu.vector_load_idx %arg15[%get3A_1863] : memref<3000xf32, #tpu.memory_space<vmem>>[vector<16xi32>], vector<16xf32>,
      %add3A_1865 = arith.addf %add3A_1861, %gather3A_1864 : vector<16xf32>
      %get3A_1866 = arith.index_cast %add3A_1857 : i32 to index
      %get3A_1867 = tpu.vector_load %arg11[%get3A_1866] {strides = array<i32>} : memref<10240xi32, #tpu.memory_space<vmem>>, vector<16xi32>,
      %gather3A_1868 = tpu.vector_load_idx %arg16[%get3A_1867] : memref<1000xf32, #tpu.memory_space<vmem>>[vector<16xi32>], vector<16xf32>,
      %add3A_1869 = arith.addf %add3A_1865, %gather3A_1868 : vector<16xf32>
      %get3A_1870 = arith.index_cast %add3A_1857 : i32 to index
      %get3A_1871 = tpu.vector_load %arg12[%get3A_1870] {strides = array<i32>} : memref<10240xi32, #tpu.memory_space<vmem>>, vector<16xi32>,
      %gather3A_1872 = tpu.vector_load_idx %arg17[%get3A_1871] : memref<1000xf32, #tpu.memory_space<vmem>>[vector<16xi32>], vector<16xf32>,
      %add3A_1873 = arith.addf %add3A_1869, %gather3A_1872 : vector<16xf32>
      %get3A_1874 = arith.index_cast %add3A_1857 : i32 to index
      %get3A_1875 = tpu.vector_load %arg13[%get3A_1874] {strides = array<i32>} : memref<10240xi32, #tpu.memory_space<vmem>>, vector<16xi32>,
      %gather3A_1876 = tpu.vector_load_idx %arg18[%get3A_1875] : memref<1000xf32, #tpu.memory_space<vmem>>[vector<16xi32>], vector<16xf32>,
      %add3A_1877 = arith.addf %add3A_1873, %gather3A_1876 : vector<16xf32>
      %mul3A_1878 = arith.constant 16 : i32
      %mul3A_1879 = arith.muli %scan3A_1446, %mul3A_1878 : i32
      %add3A_1880 = arith.constant 9216 : i32
      %add3A_1881 = arith.addi %add3A_1880, %mul3A_1879 : i32
      %get3A_1882 = arith.index_cast %add3A_1881 : i32 to index
      %get3A_1883 = tpu.vector_load %arg9[%get3A_1882] {strides = array<i32>} : memref<10240xi32, #tpu.memory_space<vmem>>, vector<16xi32>,
      %gather3A_1884 = tpu.vector_load_idx %arg14[%get3A_1883] : memref<8xf32, #tpu.memory_space<vmem>>[vector<16xi32>], vector<16xf32>,
      %add3A_1885 = arith.addf %add3A_1877, %gather3A_1884 : vector<16xf32>
      %get3A_1886 = arith.index_cast %add3A_1881 : i32 to index
      %get3A_1887 = tpu.vector_load %arg10[%get3A_1886] {strides = array<i32>} : memref<10240xi32, #tpu.memory_space<vmem>>, vector<16xi32>,
      %gather3A_1888 = tpu.vector_load_idx %arg15[%get3A_1887] : memref<3000xf32, #tpu.memory_space<vmem>>[vector<16xi32>], vector<16xf32>,
      %add3A_1889 = arith.addf %add3A_1885, %gather3A_1888 : vector<16xf32>
      %get3A_1890 = arith.index_cast %add3A_1881 : i32 to index
      %get3A_1891 = tpu.vector_load %arg11[%get3A_1890] {strides = array<i32>} : memref<10240xi32, #tpu.memory_space<vmem>>, vector<16xi32>,
      %gather3A_1892 = tpu.vector_load_idx %arg16[%get3A_1891] : memref<1000xf32, #tpu.memory_space<vmem>>[vector<16xi32>], vector<16xf32>,
      %add3A_1893 = arith.addf %add3A_1889, %gather3A_1892 : vector<16xf32>
      %get3A_1894 = arith.index_cast %add3A_1881 : i32 to index
      %get3A_1895 = tpu.vector_load %arg12[%get3A_1894] {strides = array<i32>} : memref<10240xi32, #tpu.memory_space<vmem>>, vector<16xi32>,
      %gather3A_1896 = tpu.vector_load_idx %arg17[%get3A_1895] : memref<1000xf32, #tpu.memory_space<vmem>>[vector<16xi32>], vector<16xf32>,
      %add3A_1897 = arith.addf %add3A_1893, %gather3A_1896 : vector<16xf32>
      %get3A_1898 = arith.index_cast %add3A_1881 : i32 to index
      %get3A_1899 = tpu.vector_load %arg13[%get3A_1898] {strides = array<i32>} : memref<10240xi32, #tpu.memory_space<vmem>>, vector<16xi32>,
      %gather3A_1900 = tpu.vector_load_idx %arg18[%get3A_1899] : memref<1000xf32, #tpu.memory_space<vmem>>[vector<16xi32>], vector<16xf32>,
      %add3A_1901 = arith.addf %add3A_1897, %gather3A_1900 : vector<16xf32>
      %mul3A_1902 = arith.constant 16 : i32
      %mul3A_1903 = arith.muli %scan3A_1446, %mul3A_1902 : i32
      %add3A_1904 = arith.constant 9728 : i32
      %add3A_1905 = arith.addi %add3A_1904, %mul3A_1903 : i32
      %get3A_1906 = arith.index_cast %add3A_1905 : i32 to index
      %get3A_1907 = tpu.vector_load %arg9[%get3A_1906] {strides = array<i32>} : memref<10240xi32, #tpu.memory_space<vmem>>, vector<16xi32>,
      %gather3A_1908 = tpu.vector_load_idx %arg14[%get3A_1907] : memref<8xf32, #tpu.memory_space<vmem>>[vector<16xi32>], vector<16xf32>,
      %add3A_1909 = arith.addf %add3A_1901, %gather3A_1908 : vector<16xf32>
      %get3A_1910 = arith.index_cast %add3A_1905 : i32 to index
      %get3A_1911 = tpu.vector_load %arg10[%get3A_1910] {strides = array<i32>} : memref<10240xi32, #tpu.memory_space<vmem>>, vector<16xi32>,
      %gather3A_1912 = tpu.vector_load_idx %arg15[%get3A_1911] : memref<3000xf32, #tpu.memory_space<vmem>>[vector<16xi32>], vector<16xf32>,
      %add3A_1913 = arith.addf %add3A_1909, %gather3A_1912 : vector<16xf32>
      %get3A_1914 = arith.index_cast %add3A_1905 : i32 to index
      %get3A_1915 = tpu.vector_load %arg11[%get3A_1914] {strides = array<i32>} : memref<10240xi32, #tpu.memory_space<vmem>>, vector<16xi32>,
      %gather3A_1916 = tpu.vector_load_idx %arg16[%get3A_1915] : memref<1000xf32, #tpu.memory_space<vmem>>[vector<16xi32>], vector<16xf32>,
      %add3A_1917 = arith.addf %add3A_1913, %gather3A_1916 : vector<16xf32>
      %get3A_1918 = arith.index_cast %add3A_1905 : i32 to index
      %get3A_1919 = tpu.vector_load %arg12[%get3A_1918] {strides = array<i32>} : memref<10240xi32, #tpu.memory_space<vmem>>, vector<16xi32>,
      %gather3A_1920 = tpu.vector_load_idx %arg17[%get3A_1919] : memref<1000xf32, #tpu.memory_space<vmem>>[vector<16xi32>], vector<16xf32>,
      %add3A_1921 = arith.addf %add3A_1917, %gather3A_1920 : vector<16xf32>
      %get3A_1922 = arith.index_cast %add3A_1905 : i32 to index
      %get3A_1923 = tpu.vector_load %arg13[%get3A_1922] {strides = array<i32>} : memref<10240xi32, #tpu.memory_space<vmem>>, vector<16xi32>,
      %gather3A_1924 = tpu.vector_load_idx %arg18[%get3A_1923] : memref<1000xf32, #tpu.memory_space<vmem>>[vector<16xi32>], vector<16xf32>,
      %add3A_1925 = arith.addf %add3A_1921, %gather3A_1924 : vector<16xf32>
      %mul3A_1926 = arith.constant 16 : i32
      %mul3A_1927 = arith.muli %scan3A_1446, %mul3A_1926 : i32
      %swap3A = arith.index_cast %mul3A_1927 : i32 to index
      %swap3A_1928 = tpu.vector_load %arg19[%swap3A] {strides = array<i32>} : memref<512xf32, #tpu.memory_space<vmem>>, vector<16xf32>,
      tpu.vector_store %arg19[%swap3A], %add3A_1925 {strides = array<i32>} : memref<512xf32, #tpu.memory_space<vmem>>, vector<16xf32>,
    }
    %scan3A_1445 = arith.constant 32 : i32
    "tpu.region"() ({
      %run_scoped3A = tpu.sem_alloc : memref<!tpu.dma_semaphore, #tpu.memory_space<semaphore_mem>>
      %dma_start3A_1446 = tpu.memref_slice %arg8[%mul3A_2] : memref<16384xf32, #tpu.memory_space<hbm>> -> memref<512xf32, #tpu.memory_space<hbm>>
      %dma_start3A_1447 = tpu.memref_slice %arg8[%mul3A_2] : memref<16384xf32, #tpu.memory_space<hbm>> -> memref<512xf32, #tpu.memory_space<hbm>>
      tpu.enqueue_dma source(%arg19 : memref<512xf32, #tpu.memory_space<vmem>>) target(%dma_start3A_1447 : memref<512xf32, #tpu.memory_space<hbm>>) target_semaphore(%run_scoped3A : memref<!tpu.dma_semaphore, #tpu.memory_space<semaphore_mem>>)
      %dma_wait3A_1448 = tpu.memref_slice %arg8[%mul3A_2] : memref<16384xf32, #tpu.memory_space<hbm>> -> memref<512xf32, #tpu.memory_space<hbm>>
      %dma_wait3A_1449 = tpu.memref_slice %arg8[%mul3A_2] : memref<16384xf32, #tpu.memory_space<hbm>> -> memref<512xf32, #tpu.memory_space<hbm>>
      tpu.wait_dma2 semaphore(%run_scoped3A : memref<!tpu.dma_semaphore, #tpu.memory_space<semaphore_mem>>) src(%arg19 : memref<512xf32, #tpu.memory_space<vmem>>) dst(%dma_wait3A_1449 : memref<512xf32, #tpu.memory_space<hbm>>)
      tpu.yield
    }) : () -> ()
    return
  }
}

module attributes {stable_mosaic.version = 14 : i64} {
  func.func @_tc_tables(%arg0: memref<5x128xf32, #tpu.memory_space<vmem>>, %arg1: memref<3000x128xf32, #tpu.memory_space<vmem>>, %arg2: memref<1000x128xf32, #tpu.memory_space<vmem>>, %arg3: memref<128x768xf32, #tpu.memory_space<vmem>>, %arg4: memref<1x128xf32, #tpu.memory_space<vmem>>, %arg5: memref<6016xf32, #tpu.memory_space<vmem>>) attributes {dimension_semantics = [], scalar_prefetch = 0 : i64, scratch_operands = 0 : i64, tpu.core_type = #tpu.core_type<tc>} {
    %get3A = arith.constant 0 : index
    %get3A_0 = arith.constant 0 : index
    %get3A_1 = vector.load %arg4[%get3A, %get3A_0] : memref<1x128xf32, #tpu.memory_space<vmem>>, vector<1x128xf32>
    %get3A_2 = arith.constant 0 : index
    %get3A_3 = arith.constant 0 : index
    %get3A_4 = vector.load %arg3[%get3A_2, %get3A_3] : memref<128x768xf32, #tpu.memory_space<vmem>>, vector<128x768xf32>
    %dot_general3A = arith.constant dense<0.000000e+00> : vector<1x768xf32>
    %dot_general3A_5 = tpu.matmul %get3A_1, %get3A_4, %dot_general3A {dimension_numbers = #tpu.dot_dimension_numbers<[1], [0], [0], [1], [0, 0, 1, 1], [], []>, transpose_lhs_hint = false} : vector<1x128xf32>, vector<128x768xf32>, vector<1x768xf32> -> vector<1x768xf32>
    %get3A_6 = arith.constant 0 : index
    %get3A_7 = arith.constant 0 : index
    %get3A_8 = vector.load %arg0[%get3A_6, %get3A_7] : memref<5x128xf32, #tpu.memory_space<vmem>>, vector<5x128xf32>
    %slice3A = vector.extract_strided_slice %dot_general3A_5 {offsets = [0, 128], sizes = [1, 128], strides = [1, 1]} : vector<1x768xf32> to vector<1x128xf32>
    %dot_general3A_9 = arith.constant dense<0.000000e+00> : vector<1x5xf32>
    %dot_general3A_10 = tpu.matmul %slice3A, %get3A_8, %dot_general3A_9 {dimension_numbers = #tpu.dot_dimension_numbers<[1], [1], [0], [0], [0, 0, 1, 0], [], []>, transpose_lhs_hint = false} : vector<1x128xf32>, vector<5x128xf32>, vector<1x5xf32> -> vector<1x5xf32>
    %squeeze3A = vector.shape_cast %dot_general3A_10 : vector<1x5xf32> to vector<5xf32>
    %swap3A = arith.constant 0 : index
    %swap3A_11 = vector.load %arg5[%swap3A] : memref<6016xf32, #tpu.memory_space<vmem>>, vector<5xf32>
    tpu.vector_store %arg5[%swap3A], %squeeze3A {strides = array<i32>} : memref<6016xf32, #tpu.memory_space<vmem>>, vector<5xf32>,
    %get3A_12 = arith.constant 0 : index
    %get3A_13 = arith.constant 0 : index
    %get3A_14 = vector.load %arg1[%get3A_12, %get3A_13] : memref<3000x128xf32, #tpu.memory_space<vmem>>, vector<3000x128xf32>
    %slice3A_15 = vector.extract_strided_slice %dot_general3A_5 {offsets = [0, 256], sizes = [1, 128], strides = [1, 1]} : vector<1x768xf32> to vector<1x128xf32>
    %dot_general3A_16 = arith.constant dense<0.000000e+00> : vector<1x3000xf32>
    %dot_general3A_17 = tpu.matmul %slice3A_15, %get3A_14, %dot_general3A_16 {dimension_numbers = #tpu.dot_dimension_numbers<[1], [1], [0], [0], [0, 0, 1, 0], [], []>, transpose_lhs_hint = false} : vector<1x128xf32>, vector<3000x128xf32>, vector<1x3000xf32> -> vector<1x3000xf32>
    %squeeze3A_18 = vector.shape_cast %dot_general3A_17 : vector<1x3000xf32> to vector<3000xf32>
    %swap3A_19 = arith.constant 8 : index
    %swap3A_20 = vector.load %arg5[%swap3A_19] : memref<6016xf32, #tpu.memory_space<vmem>>, vector<3000xf32>
    tpu.vector_store %arg5[%swap3A_19], %squeeze3A_18 {strides = array<i32>} : memref<6016xf32, #tpu.memory_space<vmem>>, vector<3000xf32>,
    %get3A_21 = arith.constant 0 : index
    %get3A_22 = arith.constant 0 : index
    %get3A_23 = vector.load %arg2[%get3A_21, %get3A_22] : memref<1000x128xf32, #tpu.memory_space<vmem>>, vector<1000x128xf32>
    %slice3A_24 = vector.extract_strided_slice %dot_general3A_5 {offsets = [0, 384], sizes = [1, 128], strides = [1, 1]} : vector<1x768xf32> to vector<1x128xf32>
    %dot_general3A_25 = arith.constant dense<0.000000e+00> : vector<1x1000xf32>
    %dot_general3A_26 = tpu.matmul %slice3A_24, %get3A_23, %dot_general3A_25 {dimension_numbers = #tpu.dot_dimension_numbers<[1], [1], [0], [0], [0, 0, 1, 0], [], []>, transpose_lhs_hint = false} : vector<1x128xf32>, vector<1000x128xf32>, vector<1x1000xf32> -> vector<1x1000xf32>
    %squeeze3A_27 = vector.shape_cast %dot_general3A_26 : vector<1x1000xf32> to vector<1000xf32>
    %swap3A_28 = arith.constant 3008 : index
    %swap3A_29 = vector.load %arg5[%swap3A_28] : memref<6016xf32, #tpu.memory_space<vmem>>, vector<1000xf32>
    tpu.vector_store %arg5[%swap3A_28], %squeeze3A_27 {strides = array<i32>} : memref<6016xf32, #tpu.memory_space<vmem>>, vector<1000xf32>,
    %get3A_30 = arith.constant 0 : index
    %get3A_31 = arith.constant 0 : index
    %get3A_32 = vector.load %arg2[%get3A_30, %get3A_31] : memref<1000x128xf32, #tpu.memory_space<vmem>>, vector<1000x128xf32>
    %slice3A_33 = vector.extract_strided_slice %dot_general3A_5 {offsets = [0, 512], sizes = [1, 128], strides = [1, 1]} : vector<1x768xf32> to vector<1x128xf32>
    %dot_general3A_34 = arith.constant dense<0.000000e+00> : vector<1x1000xf32>
    %dot_general3A_35 = tpu.matmul %slice3A_33, %get3A_32, %dot_general3A_34 {dimension_numbers = #tpu.dot_dimension_numbers<[1], [1], [0], [0], [0, 0, 1, 0], [], []>, transpose_lhs_hint = false} : vector<1x128xf32>, vector<1000x128xf32>, vector<1x1000xf32> -> vector<1x1000xf32>
    %squeeze3A_36 = vector.shape_cast %dot_general3A_35 : vector<1x1000xf32> to vector<1000xf32>
    %swap3A_37 = arith.constant 4008 : index
    %swap3A_38 = vector.load %arg5[%swap3A_37] : memref<6016xf32, #tpu.memory_space<vmem>>, vector<1000xf32>
    tpu.vector_store %arg5[%swap3A_37], %squeeze3A_36 {strides = array<i32>} : memref<6016xf32, #tpu.memory_space<vmem>>, vector<1000xf32>,
    %get3A_39 = arith.constant 0 : index
    %get3A_40 = arith.constant 0 : index
    %get3A_41 = vector.load %arg2[%get3A_39, %get3A_40] : memref<1000x128xf32, #tpu.memory_space<vmem>>, vector<1000x128xf32>
    %slice3A_42 = vector.extract_strided_slice %dot_general3A_5 {offsets = [0, 640], sizes = [1, 128], strides = [1, 1]} : vector<1x768xf32> to vector<1x128xf32>
    %dot_general3A_43 = arith.constant dense<0.000000e+00> : vector<1x1000xf32>
    %dot_general3A_44 = tpu.matmul %slice3A_42, %get3A_41, %dot_general3A_43 {dimension_numbers = #tpu.dot_dimension_numbers<[1], [1], [0], [0], [0, 0, 1, 0], [], []>, transpose_lhs_hint = false} : vector<1x128xf32>, vector<1000x128xf32>, vector<1x1000xf32> -> vector<1x1000xf32>
    %squeeze3A_45 = vector.shape_cast %dot_general3A_44 : vector<1x1000xf32> to vector<1000xf32>
    %swap3A_46 = arith.constant 5008 : index
    %swap3A_47 = vector.load %arg5[%swap3A_46] : memref<6016xf32, #tpu.memory_space<vmem>>, vector<1000xf32>
    tpu.vector_store %arg5[%swap3A_46], %squeeze3A_45 {strides = array<i32>} : memref<6016xf32, #tpu.memory_space<vmem>>, vector<1000xf32>,
    return
  }
}

module attributes {stable_mosaic.version = 14 : i64} {
  func.func @_tc_states(%arg0: memref<16384x128xf32, #tpu.memory_space<vmem>>, %arg1: memref<128x768xf32, #tpu.memory_space<vmem>>, %arg2: memref<128xf32, #tpu.memory_space<vmem>>, %arg3: memref<1x128xf32, #tpu.memory_space<vmem>>, %arg4: memref<1xf32, #tpu.memory_space<vmem>>, %arg5: memref<16384xf32, #tpu.memory_space<vmem>>) attributes {dimension_semantics = [], scalar_prefetch = 0 : i64, scratch_operands = 0 : i64, tpu.core_type = #tpu.core_type<tc>} {
    %get3A = arith.constant 0 : index
    %get3A_0 = arith.constant 0 : index
    %get3A_1 = vector.load %arg3[%get3A, %get3A_0] : memref<1x128xf32, #tpu.memory_space<vmem>>, vector<1x128xf32>
    %get3A_2 = arith.constant 0 : index
    %get3A_3 = arith.constant 0 : index
    %get3A_4 = vector.load %arg1[%get3A_2, %get3A_3] : memref<128x768xf32, #tpu.memory_space<vmem>>, vector<128x768xf32>
    %dot_general3A = arith.constant dense<0.000000e+00> : vector<1x768xf32>
    %dot_general3A_5 = tpu.matmul %get3A_1, %get3A_4, %dot_general3A {dimension_numbers = #tpu.dot_dimension_numbers<[1], [0], [0], [1], [0, 0, 1, 1], [], []>, transpose_lhs_hint = false} : vector<1x128xf32>, vector<128x768xf32>, vector<1x768xf32> -> vector<1x768xf32>
    %get3A_6 = arith.constant 0 : index
    %get3A_7 = arith.constant 0 : index
    %get3A_8 = vector.load %arg3[%get3A_6, %get3A_7] : memref<1x128xf32, #tpu.memory_space<vmem>>, vector<1x128xf32>
    %get3A_9 = arith.constant 0 : index
    %get3A_10 = vector.load %arg2[%get3A_9] : memref<128xf32, #tpu.memory_space<vmem>>, vector<128xf32>
    %broadcast_in_dim3A = vector.shape_cast %get3A_10 : vector<128xf32> to vector<1x128xf32>
    %mul3A = arith.mulf %get3A_8, %broadcast_in_dim3A : vector<1x128xf32>
    %reduce_sum3A = vector.shape_cast %mul3A : vector<1x128xf32> to vector<1x1x128xf32>
    %reduce_sum3A_11 = arith.constant dense<0.000000e+00> : vector<1xf32>
    %reduce_sum3A_12 = vector.multi_reduction <add>, %reduce_sum3A, %reduce_sum3A_11 [1, 2] : vector<1x1x128xf32> to vector<1xf32>
    %reduce_sum3A_13 = vector.shape_cast %reduce_sum3A_12 : vector<1xf32> to vector<1x1x1xf32>
    %reduce_sum3A_14 = vector.extract %reduce_sum3A_13[0, 0, 0] : f32 from vector<1x1x1xf32>
    %get3A_15 = arith.constant 0 : index
    %get3A_16 = vector.load %arg4[%get3A_15] : memref<1xf32, #tpu.memory_space<vmem>>, vector<1xf32>
    %get3A_17 = vector.extract %get3A_16[0] : f32 from vector<1xf32>
    %add3A = arith.addf %reduce_sum3A_14, %get3A_17 : f32
    %get3A_18 = arith.constant 0 : index
    %get3A_19 = arith.constant 0 : index
    %get3A_20 = vector.load %arg0[%get3A_18, %get3A_19] : memref<16384x128xf32, #tpu.memory_space<vmem>>, vector<16384x128xf32>
    %slice3A = vector.extract_strided_slice %dot_general3A_5 {offsets = [0, 0], sizes = [1, 128], strides = [1, 1]} : vector<1x768xf32> to vector<1x128xf32>
    %mul3A_21 = vector.broadcast %slice3A : vector<1x128xf32> to vector<16384x128xf32>
    %mul3A_22 = arith.mulf %get3A_20, %mul3A_21 : vector<16384x128xf32>
    %reduce_sum3A_23 = arith.constant dense<0.000000e+00> : vector<16384xf32>
    %reduce_sum3A_24 = vector.multi_reduction <add>, %mul3A_22, %reduce_sum3A_23 [1] : vector<16384x128xf32> to vector<16384xf32>
    %add3A_25 = vector.broadcast %add3A : f32 to vector<16384xf32>
    %add3A_26 = arith.addf %reduce_sum3A_24, %add3A_25 : vector<16384xf32>
    %swap3A = arith.constant 0 : index
    %swap3A_27 = vector.load %arg5[%swap3A] : memref<16384xf32, #tpu.memory_space<vmem>>, vector<16384xf32>
    tpu.vector_store %arg5[%swap3A], %add3A_26 {strides = array<i32>} : memref<16384xf32, #tpu.memory_space<vmem>>, vector<16384xf32>,
    return
  }
}

</mosaic_0001>

<sc_bundles>
// kernel: kernel.5.cloned.1.call-start
scs
__scs_entry_jumppad:
0x0: {  	(pc) =	sbr.rel $0x88, $3  }
0x1: {  	(tag) =	ssettag $0x0;
	lr =	simm.s32 $0x1  }
0x2: {  	[smem:$0x3F94] =	sst lr;
	_ =	strace $0xD0000000  }
0x3: {  	_ = 	snop  }
0x4: {  	_ = 	snop  }
0x5: {  	_ = 	snop  }
0x6: {  	_ = 	snop  }
0x7: {  	_ = 	snop  }
__scs_overlays_trampoline_lowered:
0x8: {  	[smem:$0x3FA3] =	sst s0  }
0x9: {  	[smem:$0x3FA4] =	sst s1  }
0xa: {  	[smem:$0x3FA5] =	sst s2  }
0xb: {  	[smem:$0x3FA6] =	sst s3  }
0xc: {  	[smem:$0x3FA7] =	sst s4  }
0xd: {  	[smem:$0x3FA8] =	sst s5  }
0xe: {  	[smem:$0x3FA9] =	sst s6  }
0xf: {  	[smem:$0x3FAA] =	sst s7  }
0x10: {  	[smem:$0x3FAB] =	sst s8  }
0x11: {  	[smem:$0x3FAC] =	sst s9;
	s0 =	simm.s32 @!p0 $0x0  }
0x12: {  	s1 =	sld [smem:$0x3F92];
	s0 =	simm.s32 @p0 $0x1  }
0x13: {  	[smem:$0x3FAD] =	sst s0;
	s0 =	simm.s32 @!p1 $0x0  }
0x14: {  	s2 =	sld [smem:$0x3F91];
	s0 =	simm.s32 @p1 $0x1  }
0x15: {  	[smem:$0x3FAE] =	sst s0;
	s0 =	simm.s32 @!p2 $0x0  }
0x16: {  	s3 =	sld [smem:$0x3FDB];
	s0 =	simm.s32 @p2 $0x1  }
0x17: {  	s4 =	simm.s32 $0x1BF5;
	[smem:$0x3FB0] =	sst s0  }
0x18: {  	s0 =	sld [smem:$0x3F93];
	_ =	swait.ge [sflag:s4], $0x0  }
0x19: {  	s7 =	sld [smem:$0x3F94]  }
0x1a: {  	s8 =	sadd.s32 $0xFFFFE003, lr  }
0x1b: {  	s9 =	sadd.s32 $0xFFFFFEF7, lr;
	s5 =	simm.s32 $0xFFFFFFFF;
	p2 =	slt.u32 s8, $0xFFFFF086  }
0x1c: {  	p1 =	slt.u32 s9, $0xF7A;
	s5 =	simm.s32 @!p2 $0x0  }
0x1d: {  	s5 =	simm.s32 @p1 $0x1;
	p0 =	seq.s32 s7, s2  }
0x1e: {  	s7 =	smul.u32 @!p0 $0xF7A, s2;
	p2 =	seq.s32 @!p0 s5, $0x0  }
0x1f: {  	s9 =	smul.u32 $0xF7A, s1;
	s8 =	simm.s32 @!p0 $0x1BF5;
	p2 =	por !p2, p0  }
0x20: {  	[sflag:s8] =	ssyncset.s32 @!p0 $0xFFFFF086;
	s6 =	sadd.s32 @!p0 s3, s7;
	s7 =	simm.s32 @!p0 $0x108  }
0x21: {  	s3 =	sadd.s32 s3, s9;
	s6 =	sadd.s32 @!p0 $0x88, s6;
	s7 =	simm.s32 @p2 $0x1082  }
0x22: {  	[simem:s7], [sflag:s8] =	dma.local @!p0 [hbm:s6], $0xF7A  }
0x23: {  	s9 =	sor.u32 $0xD0000000, s2;
	s6 =	simm.s32 $0x108;
	_ =	swait.ge @!p0 [sflag:s8], $0x0  }
0x24: {  	s3 =	sadd.s32 $0x88, s3;
	s6 =	simm.s32 @!p1 $0x1082;
	[sflag:s4] =	ssyncset.s32 $0xFFFFF086  }
0x25: {  	[simem:s6], [sflag:s4] =	dma.local [hbm:s3], $0xF7A  }
0x26: {  	[smem:$0x3F94] =	sst s1;
	(tag) =	ssettag s2;
	_ =	strace s9  }
0x27: {  	s1 =	sld [smem:$0x3FA4]  }
0x28: {  	s2 =	sld [smem:$0x3FA5]  }
0x29: {  	s4 =	sld [smem:$0x3FA7]  }
0x2a: {  	p0 =	seq.s32 s5, $0x0;
	s5 =	sld [smem:$0x3FA8]  }
0x2b: {  	s6 =	sld [smem:$0x3FA9]  }
0x2c: {  	s7 =	sld [smem:$0x3FAA]  }
0x2d: {  	s3 =	simm.s32 $0x108;
	s8 =	sld [smem:$0x3FAB]  }
0x2e: {  	s3 =	simm.s32 @!p0 $0x1082;
	s9 =	sld [smem:$0x3FAC]  }
0x2f: {  	lr =	sadd.s32 s0, s3;
	s0 =	sld [smem:$0x3FA3]  }
0x30: {  	s3 =	sld [smem:$0x3FA6]  }
0x31: {  	[smem:$0x3FAF] =	sst s10  }
0x32: {  	s10 =	sld [smem:$0x3FAD];
	_ =	sdelay $0x3  }
0x33: {  	p0 =	seq.s32 s10, $0x1;
	s10 =	sld [smem:$0x3FAF];
	_ =	sdelay $0x3  }
0x34: {  	[smem:$0x3FAF] =	sst s10  }
0x35: {  	s10 =	sld [smem:$0x3FAE];
	_ =	sdelay $0x3  }
0x36: {  	p1 =	seq.s32 s10, $0x1;
	s10 =	sld [smem:$0x3FAF];
	_ =	sdelay $0x3  }
0x37: {  	[smem:$0x3FAF] =	sst s10  }
0x38: {  	s10 =	sld [smem:$0x3FB0]  }
0x39: {  	_ = 	snop;
	(pc) =	sbr.ind lr, $3  }
0x3a: {  	_ = 	snop  }
0x3b: {  	_ = 	snop  }
0x3c: {  	p2 =	seq.s32 s10, $0x1;
	s10 =	sld [smem:$0x3FAF]  }
0x3d: {  	_ =	shalt  }
0x3e: {  	_ =	shalt  }
0x3f: {  	_ =	shalt  }
0x40: {  	_ =	shalt  }
0x41: {  	_ =	shalt  }
0x42: {  	_ =	shalt  }
0x43: {  	_ =	shalt  }
0x44: {  	_ =	shalt  }
0x45: {  	_ =	shalt  }
0x46: {  	_ =	shalt  }
0x47: {  	_ =	shalt  }
0x48: {  	_ =	shalt  }
0x49: {  	_ =	shalt  }
0x4a: {  	_ =	shalt  }
0x4b: {  	_ =	shalt  }
0x4c: {  	_ =	shalt  }
0x4d: {  	_ =	shalt  }
0x4e: {  	_ =	shalt  }
0x4f: {  	_ =	shalt  }
0x50: {  	_ =	shalt  }
0x51: {  	_ =	shalt  }
0x52: {  	_ =	shalt  }
0x53: {  	_ =	shalt  }
0x54: {  	_ =	shalt  }
0x55: {  	_ =	shalt  }
0x56: {  	_ =	shalt  }
0x57: {  	_ =	shalt  }
0x58: {  	_ =	shalt  }
0x59: {  	_ =	shalt  }
0x5a: {  	_ =	shalt  }
0x5b: {  	_ =	shalt  }
0x5c: {  	_ =	shalt  }
0x5d: {  	_ =	shalt  }
0x5e: {  	_ =	shalt  }
0x5f: {  	_ =	shalt  }
0x60: {  	_ =	shalt  }
0x61: {  	_ =	shalt  }
0x62: {  	_ =	shalt  }
0x63: {  	_ =	shalt  }
0x64: {  	_ =	shalt  }
0x65: {  	_ =	shalt  }
0x66: {  	_ =	shalt  }
0x67: {  	_ =	shalt  }
0x68: {  	_ =	shalt  }
0x69: {  	_ =	shalt  }
0x6a: {  	_ =	shalt  }
0x6b: {  	_ =	shalt  }
0x6c: {  	_ =	shalt  }
0x6d: {  	_ =	shalt  }
0x6e: {  	_ =	shalt  }
0x6f: {  	_ =	shalt  }
0x70: {  	_ =	shalt  }
0x71: {  	_ =	shalt  }
0x72: {  	_ =	shalt  }
0x73: {  	_ =	shalt  }
0x74: {  	_ =	shalt  }
0x75: {  	_ =	shalt  }
0x76: {  	_ =	shalt  }
0x77: {  	_ =	shalt  }
0x78: {  	_ =	shalt  }
0x79: {  	_ =	shalt  }
0x7a: {  	_ =	shalt  }
0x7b: {  	_ =	shalt  }
0x7c: {  	_ =	shalt  }
0x7d: {  	_ =	shalt  }
0x7e: {  	_ =	shalt  }
0x7f: {  	_ =	shalt  }
0x80: {  	_ =	shalt  }
0x81: {  	_ =	shalt  }
0x82: {  	_ =	shalt  }
0x83: {  	_ =	shalt  }
0x84: {  	_ =	shalt  }
0x85: {  	_ =	shalt  }
0x86: {  	_ =	shalt  }
0x87: {  	_ =	shalt  }
.Lfunc_end0:
.L_simem_size_0:
called_computation_lowered:
.L_overlay_start_0:
0x88: {  	s2 =	sld [smem:$0x3FD9]  }
0x89: {  	s3 =	sld [smem:$0x3FFE];
	_ =	sdelay $0x1  }
0x8a: {  	s1 =	srdreg.scid  }
0x8b: {  	s0 =	sand.u32 $0x1, s1  }
0x8c: {  	s17 =	sshll.u32 s0, $0xA;
	s2 =	sadd.s32 s3, s2  }
0x8d: {  	s2 =	sadd.s32 s2, s17  }
0x8e: {  	[smem:$0x3FBB] =	sst s2  }
0x8f: {  	_ = 	snop  }
0x90: {  	s2 =	sld [smem:$0x3FD0];
	(tm) =	ssettm $0x1  }
0x91: {  	s18 =	sld [smem:$0x3FFB];
	_ =	sdelay $0x3  }
0x92: {  	_ =	strace s18  }
0x93: {  	s3 =	sld [smem:$0x3FFC];
	_ =	sdelay $0x3  }
0x94: {  	_ =	strace s3  }
0x95: {  	s3 =	sld [smem:$0x3FFD];
	_ =	sdelay $0x3  }
0x96: {  	_ =	strace s3  }
0x97: {  	_ =	strace $0x8FFFFFFF  }
0x98: {  	s19 =	sld [smem:$0x3FDB];
	_ =	sdelay $0x1  }
0x99: {  	s4 =	simm.s32 $_scs_section_size  }
0x9a: {  	s5 =	simm.s32 $_size__tile_overlayer_lowered;
	s6 =	simm.s32 $_tile_overlayer_lowered  }
0x9b: {  	s22 =	simm.s32 $0x1BFF;
	s21 =	sshll.u32 s6, $0x1;
	s3 =	sadd.s32 s4, s19  }
0x9c: {  	s7 =	simm.s32 $0x0;
	s20 =	sshll.u32 s5, $0x1;
	s5 =	sadd.s32 s21, s3  }
0x9d: {  	[timem:s7], [sflag:s22] =	dma.local [hbm:s5], s20  }
0x9e: {  	_ =	swait.ge [sflag:s22], s20  }
0x9f: {  	s4 =	ssub.s32 $0x0, s20;
	[sflag:s22] =	ssyncset.done $0x0  }
0xa0: {  	[sflag:s22] =	ssyncadd.s32 s4;
	_ =	sdelay $0x1  }
0xa1: {  	s23 =	simm.s32 $0x1B8B  }
0xa2: {  	_ =	swait.ge [sflag:s23], $0x1  }
0xa3: {  	[sflag:s23] =	ssyncset.done $0x0  }
0xa4: {  	s25 =	simm.s32 $0x1B8E;
	s24 =	sld [smem:$0x3FFE];
	[sflag:s23] =	ssyncadd.s32 $0xFFFFFFFF  }
0xa5: {  	s26 =	simm.s32 $execute0_lowered;
	[smem:$0x3FD2] =	sst s25  }
0xa6: {  	s5 =	sshll.u32 s26, $0x1;
	_ =	strace $0x80000046;
	[dreg:$0x1] =	wrdreg $0xFFFFFFFF  }
0xa7: {  	s28 =	simm.s32 $_size_execute0_lowered;
	s3 =	sadd.s32 s3, s5;
	[dreg:$0x0] =	wrdreg $0x0  }
0xa8: {  	s5 =	sshll.u32 s28, $0x1;
	[dreg:$0x2] =	wrdreg s3  }
0xa9: {  	[dreg:$0x3] =	wrdreg s5  }
0xaa: {  	[dreg:$0x4] =	wrdreg $0xC0  }
0xab: {  	_ =	task [dreg:s7], $0x5FFFF  }
0xac: {  	[dreg:$0x1] =	wrdreg $0xFFFFFFFF  }
0xad: {  	[dreg:$0x0] =	wrdreg $0x60  }
0xae: {  	[dreg:$0x2] =	wrdreg s24  }
0xaf: {  	[dreg:$0x3] =	wrdreg s2  }
0xb0: {  	[dreg:$0x4] =	wrdreg $0x9  }
0xb1: {  	_ =	task.clear_ibuf [dreg:s7], $0x5FFFF;
	_ =	strace $0x90000046  }
0xb2: {  	s29 =	simm.s32 $0x9;
	_ =	strace $0x80000048  }
0xb3: {  	_ =	swait.ge [sflag:s29], $0x1  }
0xb4: {  	[sflag:s29] =	ssyncadd.s32 $0xFFFFFFFF  }
0xb5: {  	_ =	strace $0x90000048  }
0xb6: {  	_ =	sfence  }
0xb7: {  	s30 =	sld [smem:$0x0];
	_ =	sdelay $0x2  }
0xb8: {  	s31 =	sshll.u32 s1, $0xD;
	s1 =	sshrl.u32 s1, $0x2  }
0xb9: {  	s3 =	sand.u32 $0x4000, s31;
	s1 =	sadd.s32 s1, s30  }
0xba: {  	s0 =	sor.u32 s3, s0;
	s1 =	sshll.u32 s1, $0x11  }
0xbb: {  	s0 =	sor.u32 s1, s0  }
0xbc: {  	s0 =	sadd.s32 $0x8F2B, s0  }
0xbd: {  	[sflag:s0] =	ssyncadd.remote.s32 $0x1  }
0xbe: {  	_ =	sfence.sel $0xFFFF  }
0xbf: {  	[dreg:$0x0] =	wrdreg $0xFFFFFFFF;
	(pc) =	sbr.abs _section_cstart, $3  }
0xc0: {  	[dreg:$0x1] =	wrdreg $0xFFFFFFFF  }
0xc1: {  	_ =	task.clear_ibuf [dreg:s7], $0x2FFFF;
	_ =	strace $0x9FFFFFFF  }
0xc2: {  	(tm) =	ssettm $0x7FFFFFFF  }
0xc3: {  	_ =	shalt  }
tec
execute0_lowered:
.L_overlay_start_1:
0x0: {  	(tag) =	ssettag $0x1  }
0x1: {  	s2 =	srdreg.scid  }
0x2: {  	s3 =	stileid.u32;
	s2 =	sand.u32 $0x1, s2  }
0x3: {  	s3 =	sshll.u32 s3, $0x7;
	s4 =	ssub.s32 $0x2, s2;
	s2 =	sshll.u32 s2, $0x6  }
0x4: {  	s0 =	rddreg [dreg:$0x0];
	s5 =	sshrl.u32 s4, $0x1;
	s3 =	sor.u32 s2, s3  }
0x5: {  	s23 =	sadd.s32 $0xC200, s0;
	s2 =	ssub.s32 s4, s5;
	s5 =	sor.u32 $0x1000, s3  }
0x6: {  	s7 =	sadd.s32 s23, s5  }
0x7: {  	[dreg:$0x5] =	wrdreg s7;
	s7 =	sor.u32 $0x2000, s3  }
0x8: {  	s8 =	sadd.s32 s23, s7  }
0x9: {  	[dreg:$0x7] =	wrdreg s8;
	s8 =	sor.u32 $0x2800, s3  }
0xa: {  	s10 =	sadd.s32 s23, s8  }
0xb: {  	s1 =	simm.s32 $0x0;
	[dreg:$0x8] =	wrdreg s10;
	s10 =	sor.u32 $0x3800, s3  }
0xc: {  	[smem:$0x7FF] =	sst s1;
	s11 =	sadd.s32 s23, s10  }
0xd: {  	s17 =	sadd.s32 s23, s3;
	[dreg:$0xa] =	wrdreg s11;
	s11 =	sor.u32 $0x4000, s3  }
0xe: {  	s4 =	sor.u32 $0x800, s3;
	[dreg:$0x3] =	wrdreg s17;
	s13 =	sadd.s32 s23, s11  }
0xf: {  	s18 =	sadd.s32 s23, s4;
	[dreg:$0xb] =	wrdreg s13;
	s13 =	sor.u32 $0x5000, s3  }
0x10: {  	s6 =	sor.u32 $0x1800, s3;
	[dreg:$0x4] =	wrdreg s18;
	s14 =	sadd.s32 s23, s13  }
0x11: {  	s19 =	sadd.s32 s23, s6;
	[dreg:$0xd] =	wrdreg s14;
	s14 =	sor.u32 $0x5800, s3  }
0x12: {  	s9 =	sor.u32 $0x3000, s3;
	[dreg:$0x6] =	wrdreg s19;
	s16 =	sadd.s32 s23, s14  }
0x13: {  	s20 =	sadd.s32 s23, s9;
	[dreg:$0xe] =	wrdreg s16;
	s16 =	sor.u32 $0x6800, s3  }
0x14: {  	s12 =	sor.u32 $0x4800, s3;
	[dreg:$0x9] =	wrdreg s20;
	s17 =	sadd.s32 s23, s16  }
0x15: {  	s21 =	sadd.s32 s23, s12;
	[dreg:$0x10] =	wrdreg s17;
	s17 =	sor.u32 $0x7000, s3  }
0x16: {  	s15 =	sor.u32 $0x6000, s3;
	[dreg:$0xc] =	wrdreg s21;
	s19 =	sadd.s32 s23, s17  }
0x17: {  	s22 =	sadd.s32 s23, s15;
	[dreg:$0x11] =	wrdreg s19;
	s19 =	sor.u32 $0x8000, s3  }
0x18: {  	[dreg:$0xf] =	wrdreg s22;
	s20 =	sadd.s32 s23, s19  }
0x19: {  	[dreg:$0x13] =	wrdreg s20;
	s20 =	sor.u32 $0x8800, s3  }
0x1a: {  	s18 =	sor.u32 $0x7800, s3;
	s21 =	sor.u32 $0x9000, s3;
	s22 =	sadd.s32 s23, s20  }
0x1b: {  	s24 =	sadd.s32 s23, s18;
	[dreg:$0x14] =	wrdreg s22;
	s22 =	sor.u32 $0x9800, s3  }
0x1c: {  	s25 =	sadd.s32 s23, s21;
	[dreg:$0x12] =	wrdreg s24;
	s23 =	sadd.s32 s23, s22  }
0x1d: {  	[dreg:$0x16] =	wrdreg s23;
	s23 =	sadd.s32 $0x16200, s0  }
0x1e: {  	[dreg:$0x15] =	wrdreg s25;
	s25 =	sadd.s32 s23, s3  }
0x1f: {  	s26 =	sadd.s32 s23, s4;
	[dreg:$0x17] =	wrdreg s25  }
0x20: {  	s24 =	sadd.s32 $0x20200, s0;
	[dreg:$0x18] =	wrdreg s26;
	s26 =	sadd.s32 s23, s5  }
0x21: {  	s25 =	sadd.s32 s24, s4;
	[dreg:$0x19] =	wrdreg s26  }
0x22: {  	s26 =	sadd.s32 s23, s6;
	[smem:$0x7CB] =	sst s25  }
0x23: {  	s25 =	sadd.s32 s24, s6;
	[dreg:$0x1a] =	wrdreg s26  }
0x24: {  	s26 =	sadd.s32 s23, s7;
	[smem:$0x7CD] =	sst s25  }
0x25: {  	s25 =	sadd.s32 s24, s8;
	[dreg:$0x1b] =	wrdreg s26  }
0x26: {  	s26 =	sadd.s32 s23, s8;
	[smem:$0x7CF] =	sst s25  }
0x27: {  	s25 =	sadd.s32 s24, s10;
	[dreg:$0x1c] =	wrdreg s26  }
0x28: {  	s26 =	sadd.s32 s23, s9;
	[smem:$0x7D1] =	sst s25  }
0x29: {  	s25 =	sadd.s32 s24, s12;
	[dreg:$0x1d] =	wrdreg s26  }
0x2a: {  	s26 =	sadd.s32 s23, s10;
	[smem:$0x7D3] =	sst s25  }
0x2b: {  	s25 =	sadd.s32 s24, s14;
	[dreg:$0x1e] =	wrdreg s26  }
0x2c: {  	s26 =	sadd.s32 s23, s11;
	[smem:$0x7D5] =	sst s25  }
0x2d: {  	s25 =	sadd.s32 s24, s16;
	[dreg:$0x1f] =	wrdreg s26  }
0x2e: {  	s26 =	sadd.s32 s23, s12;
	[smem:$0x7D7] =	sst s25  }
0x2f: {  	s25 =	sadd.s32 s24, s18;
	[smem:$0x7BF] =	sst s26  }
0x30: {  	s26 =	sadd.s32 s23, s13;
	[smem:$0x7D9] =	sst s25  }
0x31: {  	s25 =	sadd.s32 s24, s20;
	[smem:$0x7C0] =	sst s26  }
0x32: {  	s26 =	sadd.s32 s23, s14;
	[smem:$0x7DB] =	sst s25  }
0x33: {  	s25 =	sadd.s32 s24, s22;
	[smem:$0x7C1] =	sst s26  }
0x34: {  	s26 =	sadd.s32 s23, s15;
	[smem:$0x7DD] =	sst s25  }
0x35: {  	[smem:$0x7C2] =	sst s26;
	s26 =	sadd.s32 s23, s16  }
0x36: {  	[smem:$0x7C3] =	sst s26;
	s26 =	sadd.s32 s23, s17  }
0x37: {  	[smem:$0x7C4] =	sst s26;
	s26 =	sadd.s32 s23, s18  }
0x38: {  	[smem:$0x7C5] =	sst s26;
	s26 =	sadd.s32 s23, s19  }
0x39: {  	[smem:$0x7C6] =	sst s26;
	s26 =	sadd.s32 s23, s20  }
0x3a: {  	[smem:$0x7C7] =	sst s26;
	s26 =	sadd.s32 s23, s21  }
0x3b: {  	s23 =	sadd.s32 s23, s22;
	[smem:$0x7C8] =	sst s26  }
0x3c: {  	[smem:$0x7C9] =	sst s23;
	s26 =	sadd.s32 s24, s3  }
0x3d: {  	[smem:$0x7CA] =	sst s26;
	s26 =	sadd.s32 s24, s5  }
0x3e: {  	[smem:$0x7CC] =	sst s26;
	s26 =	sadd.s32 s24, s7  }
0x3f: {  	[smem:$0x7CE] =	sst s26;
	s26 =	sadd.s32 s24, s9  }
0x40: {  	[smem:$0x7D0] =	sst s26;
	s26 =	sadd.s32 s24, s11  }
0x41: {  	[smem:$0x7D2] =	sst s26;
	s26 =	sadd.s32 s24, s13  }
0x42: {  	[smem:$0x7D4] =	sst s26;
	s26 =	sadd.s32 s24, s15  }
0x43: {  	[smem:$0x7D6] =	sst s26;
	s26 =	sadd.s32 s24, s17  }
0x44: {  	[smem:$0x7D8] =	sst s26;
	s26 =	sadd.s32 s24, s19  }
0x45: {  	s23 =	sadd.s32 $0x2A200, s0;
	[smem:$0x7DA] =	sst s26;
	s26 =	sadd.s32 s24, s21  }
0x46: {  	s24 =	sadd.s32 $0x2200, s0;
	[smem:$0x7DC] =	sst s26;
	s26 =	sadd.s32 s23, s3  }
0x47: {  	s25 =	sadd.s32 s24, s15;
	[smem:$0x7DE] =	sst s26  }
0x48: {  	s26 =	sadd.s32 s23, s4;
	[smem:$0x7FD] =	sst s25  }
0x49: {  	s4 =	sadd.s32 s24, s4;
	[smem:$0x7DF] =	sst s26  }
0x4a: {  	s26 =	sadd.s32 s23, s5;
	[smem:$0x7F2] =	sst s4  }
0x4b: {  	s5 =	sadd.s32 s24, s5;
	[smem:$0x7E0] =	sst s26  }
0x4c: {  	s26 =	sadd.s32 s23, s6;
	[smem:$0x7F3] =	sst s5  }
0x4d: {  	s6 =	sadd.s32 s24, s6;
	[smem:$0x7E1] =	sst s26  }
0x4e: {  	s26 =	sadd.s32 s23, s7;
	[smem:$0x7F4] =	sst s6  }
0x4f: {  	s7 =	sadd.s32 s24, s7;
	[smem:$0x7E2] =	sst s26  }
0x50: {  	s26 =	sadd.s32 s23, s8;
	[smem:$0x7F5] =	sst s7  }
0x51: {  	s28 =	simm.s32 $0x4;
	s8 =	sadd.s32 s24, s8;
	[smem:$0x7E3] =	sst s26  }
0x52: {  	s29 =	simm.s32 $0x5;
	s26 =	sadd.s32 s23, s9;
	[smem:$0x7F6] =	sst s8  }
0x53: {  	s30 =	simm.s32 $0x6;
	s9 =	sadd.s32 s24, s9;
	[smem:$0x7E4] =	sst s26  }
0x54: {  	s31 =	simm.s32 $0x0;
	s26 =	sadd.s32 s23, s10;
	[smem:$0x7F7] =	sst s9  }
0x55: {  	s25 =	simm.s32 $0x2;
	s10 =	sadd.s32 s24, s10;
	[smem:$0x7E5] =	sst s26  }
0x56: {  	s4 =	sadd.s32 s24, s16;
	s26 =	sadd.s32 s23, s11;
	[smem:$0x7F8] =	sst s10  }
0x57: {  	s5 =	sadd.s32 s24, s17;
	s11 =	sadd.s32 s24, s11;
	[smem:$0x7E6] =	sst s26  }
0x58: {  	s6 =	sadd.s32 s24, s18;
	s26 =	sadd.s32 s23, s12;
	[smem:$0x7F9] =	sst s11  }
0x59: {  	s7 =	sadd.s32 s24, s19;
	s12 =	sadd.s32 s24, s12;
	[smem:$0x7E7] =	sst s26  }
0x5a: {  	s8 =	sadd.s32 s24, s20;
	s26 =	sadd.s32 s23, s13;
	[smem:$0x7FA] =	sst s12  }
0x5b: {  	s9 =	sadd.s32 s24, s21;
	s13 =	sadd.s32 s24, s13;
	[smem:$0x7E8] =	sst s26  }
0x5c: {  	s10 =	sadd.s32 s24, s22;
	s26 =	sadd.s32 s23, s14;
	[smem:$0x7FB] =	sst s13  }
0x5d: {  	s11 =	sadd.s32 s24, s3;
	[smem:$0x7E9] =	sst s26;
	s26 =	sadd.s32 s23, s15  }
0x5e: {  	s13 =	sadd.s32 $0x34200, s0;
	[smem:$0x7EA] =	sst s26;
	s26 =	sadd.s32 s23, s16  }
0x5f: {  	s15 =	sadd.s32 $0x34378, s0;
	[smem:$0x7EB] =	sst s26;
	s26 =	sadd.s32 s23, s17  }
0x60: {  	s16 =	sadd.s32 $0x343F5, s0;
	[smem:$0x7EC] =	sst s26;
	s26 =	sadd.s32 s23, s18  }
0x61: {  	s17 =	sadd.s32 $0x34472, s0;
	[smem:$0x7ED] =	sst s26;
	s26 =	sadd.s32 s23, s19  }
0x62: {  	s18 =	smax.u32 s2, $0x1;
	[smem:$0x7EE] =	sst s26;
	s26 =	sadd.s32 s23, s20  }
0x63: {  	s19 =	simm.s32 $0xC800;
	[smem:$0x7EF] =	sst s26;
	s26 =	sadd.s32 s23, s21  }
0x64: {  	s20 =	simm.s32 $0xC880;
	s23 =	sadd.s32 s23, s22;
	[smem:$0x7F0] =	sst s26  }
0x65: {  	s21 =	simm.s32 $0xD480;
	s22 =	simm.s32 $0xD880;
	[smem:$0x7F1] =	sst s23  }
0x66: {  	s23 =	sadd.s32 s24, s14;
	s26 =	rddreg [dreg:$0x1];
	s14 =	sadd.s32 $0x34201, s0  }
0x67: {  	s24 =	simm.s32 $0x1;
	[smem:$0x7FC] =	sst s23;
	s12 =	sadd.s32 s26, s3  }
0x68: {  	s23 =	simm.s32 $0xDC80;
	s26 =	simm.s32 $0x3;
	_ =	strace $0x80000047  }
.LBB2_1:
0x69: {  	s0 =	rddreg [dreg:$0x3]  }
0x6a: {  	[tilespmem:s1], [sflag:$0x1] =	stream.linear.gather [hbm4b:s0+s1], $0x200, $0x38;
	[tilespmem:$0xE280] =	vst v63  }
0x6b: {  	s3 =	rddreg [dreg:$0x4];
	s2 =	simm.s32 $0x200  }
0x6c: {  	[tilespmem:s2], [sflag:$0x1] =	stream.linear.gather [hbm4b:s3+s1], $0x200, $0x38;
	[tilespmem:$0xE280] =	vst v63  }
0x6d: {  	s2 =	rddreg [dreg:$0x5];
	s3 =	simm.s32 $0x400  }
0x6e: {  	[tilespmem:s3], [sflag:$0x1] =	stream.linear.gather [hbm4b:s2+s1], $0x200, $0x38;
	[tilespmem:$0xE280] =	vst v63  }
0x6f: {  	s2 =	rddreg [dreg:$0x6];
	s3 =	simm.s32 $0x600  }
0x70: {  	[tilespmem:s3], [sflag:$0x1] =	stream.linear.gather [hbm4b:s2+s1], $0x200, $0x38;
	[tilespmem:$0xE280] =	vst v63  }
0x71: {  	s2 =	rddreg [dreg:$0x7];
	s3 =	simm.s32 $0x800  }
0x72: {  	[tilespmem:s3], [sflag:$0x1] =	stream.linear.gather [hbm4b:s2+s1], $0x200, $0x38;
	[tilespmem:$0xE280] =	vst v63  }
0x73: {  	s2 =	rddreg [dreg:$0x8];
	s3 =	simm.s32 $0xA00  }
0x74: {  	[tilespmem:s3], [sflag:$0x1] =	stream.linear.gather [hbm4b:s2+s1], $0x200, $0x38;
	[tilespmem:$0xE280] =	vst v63  }
0x75: {  	s2 =	rddreg [dreg:$0x9];
	s3 =	simm.s32 $0xC00  }
0x76: {  	[tilespmem:s3], [sflag:$0x1] =	stream.linear.gather [hbm4b:s2+s1], $0x200, $0x38;
	[tilespmem:$0xE280] =	vst v63  }
0x77: {  	s2 =	rddreg [dreg:$0xa];
	s3 =	simm.s32 $0xE00  }
0x78: {  	[tilespmem:s3], [sflag:$0x1] =	stream.linear.gather [hbm4b:s2+s1], $0x200, $0x38;
	[tilespmem:$0xE280] =	vst v63  }
0x79: {  	s2 =	rddreg [dreg:$0xb];
	s3 =	simm.s32 $0x1000  }
0x7a: {  	[tilespmem:s3], [sflag:$0x1] =	stream.linear.gather [hbm4b:s2+s1], $0x200, $0x38;
	[tilespmem:$0xE280] =	vst v63  }
0x7b: {  	s2 =	rddreg [dreg:$0xc];
	s3 =	simm.s32 $0x1200  }
0x7c: {  	[tilespmem:s3], [sflag:$0x1] =	stream.linear.gather [hbm4b:s2+s1], $0x200, $0x38;
	[tilespmem:$0xE280] =	vst v63  }
0x7d: {  	s2 =	rddreg [dreg:$0xd];
	s3 =	simm.s32 $0x1400  }
0x7e: {  	[tilespmem:s3], [sflag:$0x1] =	stream.linear.gather [hbm4b:s2+s1], $0x200, $0x38;
	[tilespmem:$0xE280] =	vst v63  }
0x7f: {  	s2 =	rddreg [dreg:$0xe];
	s3 =	simm.s32 $0x1600  }
0x80: {  	[tilespmem:s3], [sflag:$0x1] =	stream.linear.gather [hbm4b:s2+s1], $0x200, $0x38;
	[tilespmem:$0xE280] =	vst v63  }
0x81: {  	s2 =	rddreg [dreg:$0xf];
	s3 =	simm.s32 $0x1800  }
0x82: {  	[tilespmem:s3], [sflag:$0x1] =	stream.linear.gather [hbm4b:s2+s1], $0x200, $0x38;
	[tilespmem:$0xE280] =	vst v63  }
0x83: {  	s2 =	rddreg [dreg:$0x10];
	s3 =	simm.s32 $0x1A00  }
0x84: {  	[tilespmem:s3], [sflag:$0x1] =	stream.linear.gather [hbm4b:s2+s1], $0x200, $0x38;
	[tilespmem:$0xE280] =	vst v63  }
0x85: {  	s2 =	rddreg [dreg:$0x11];
	s3 =	simm.s32 $0x1C00  }
0x86: {  	[tilespmem:s3], [sflag:$0x1] =	stream.linear.gather [hbm4b:s2+s1], $0x200, $0x38;
	[tilespmem:$0xE280] =	vst v63  }
0x87: {  	s2 =	rddreg [dreg:$0x12];
	s3 =	simm.s32 $0x1E00  }
0x88: {  	[tilespmem:s3], [sflag:$0x1] =	stream.linear.gather [hbm4b:s2+s1], $0x200, $0x38;
	[tilespmem:$0xE280] =	vst v63  }
0x89: {  	s2 =	rddreg [dreg:$0x13];
	s3 =	simm.s32 $0x2000  }
0x8a: {  	[tilespmem:s3], [sflag:$0x1] =	stream.linear.gather [hbm4b:s2+s1], $0x200, $0x38;
	[tilespmem:$0xE280] =	vst v63  }
0x8b: {  	s2 =	rddreg [dreg:$0x14];
	s3 =	simm.s32 $0x2200  }
0x8c: {  	[tilespmem:s3], [sflag:$0x1] =	stream.linear.gather [hbm4b:s2+s1], $0x200, $0x38;
	[tilespmem:$0xE280] =	vst v63  }
0x8d: {  	s2 =	rddreg [dreg:$0x15];
	s3 =	simm.s32 $0x2400  }
0x8e: {  	[tilespmem:s3], [sflag:$0x1] =	stream.linear.gather [hbm4b:s2+s1], $0x200, $0x38;
	[tilespmem:$0xE280] =	vst v63  }
0x8f: {  	s2 =	rddreg [dreg:$0x16];
	s3 =	simm.s32 $0x2600  }
0x90: {  	[tilespmem:s3], [sflag:$0x1] =	stream.linear.gather [hbm4b:s2+s1], $0x200, $0x38;
	[tilespmem:$0xE280] =	vst v63  }
0x91: {  	s2 =	rddreg [dreg:$0x17];
	s3 =	simm.s32 $0x2800  }
0x92: {  	[tilespmem:s3], [sflag:$0x2] =	stream.linear.gather [hbm4b:s2+s1], $0x200, $0x38;
	[tilespmem:$0xE280] =	vst v63  }
0x93: {  	s2 =	rddreg [dreg:$0x18];
	s3 =	simm.s32 $0x2A00  }
0x94: {  	[tilespmem:s3], [sflag:$0x2] =	stream.linear.gather [hbm4b:s2+s1], $0x200, $0x38;
	[tilespmem:$0xE280] =	vst v63  }
0x95: {  	s2 =	rddreg [dreg:$0x19];
	s3 =	simm.s32 $0x2C00  }
0x96: {  	[tilespmem:s3], [sflag:$0x2] =	stream.linear.gather [hbm4b:s2+s1], $0x200, $0x38;
	[tilespmem:$0xE280] =	vst v63  }
0x97: {  	s2 =	rddreg [dreg:$0x1a];
	s3 =	simm.s32 $0x2E00  }
0x98: {  	[tilespmem:s3], [sflag:$0x2] =	stream.linear.gather [hbm4b:s2+s1], $0x200, $0x38;
	[tilespmem:$0xE280] =	vst v63  }
0x99: {  	s2 =	rddreg [dreg:$0x1b];
	s3 =	simm.s32 $0x3000  }
0x9a: {  	[tilespmem:s3], [sflag:$0x2] =	stream.linear.gather [hbm4b:s2+s1], $0x200, $0x38;
	[tilespmem:$0xE280] =	vst v63  }
0x9b: {  	s2 =	rddreg [dreg:$0x1c];
	s3 =	simm.s32 $0x3200  }
0x9c: {  	[tilespmem:s3], [sflag:$0x2] =	stream.linear.gather [hbm4b:s2+s1], $0x200, $0x38;
	[tilespmem:$0xE280] =	vst v63  }
0x9d: {  	s2 =	rddreg [dreg:$0x1d];
	s3 =	simm.s32 $0x3400  }
0x9e: {  	[tilespmem:s3], [sflag:$0x2] =	stream.linear.gather [hbm4b:s2+s1], $0x200, $0x38;
	[tilespmem:$0xE280] =	vst v63  }
0x9f: {  	s2 =	rddreg [dreg:$0x1e];
	s3 =	simm.s32 $0x3600  }
0xa0: {  	[tilespmem:s3], [sflag:$0x2] =	stream.linear.gather [hbm4b:s2+s1], $0x200, $0x38;
	[tilespmem:$0xE280] =	vst v63  }
0xa1: {  	s2 =	rddreg [dreg:$0x1f];
	s3 =	simm.s32 $0x3800  }
0xa2: {  	[tilespmem:s3], [sflag:$0x2] =	stream.linear.gather [hbm4b:s2+s1], $0x200, $0x38;
	[tilespmem:$0xE280] =	vst v63  }
0xa3: {  	s2 =	sld [smem:$0x7BF];
	_ =	sdelay $0x1  }
0xa4: {  	s3 =	simm.s32 $0x3A00  }
0xa5: {  	[tilespmem:s3], [sflag:$0x2] =	stream.linear.gather [hbm4b:s2+s1], $0x200, $0x38;
	[tilespmem:$0xE280] =	vst v63  }
0xa6: {  	s2 =	sld [smem:$0x7C0];
	_ =	sdelay $0x1  }
0xa7: {  	s3 =	simm.s32 $0x3C00  }
0xa8: {  	[tilespmem:s3], [sflag:$0x2] =	stream.linear.gather [hbm4b:s2+s1], $0x200, $0x38;
	[tilespmem:$0xE280] =	vst v63  }
0xa9: {  	s2 =	sld [smem:$0x7C1];
	_ =	sdelay $0x1  }
0xaa: {  	s3 =	simm.s32 $0x3E00  }
0xab: {  	[tilespmem:s3], [sflag:$0x2] =	stream.linear.gather [hbm4b:s2+s1], $0x200, $0x38;
	[tilespmem:$0xE280] =	vst v63  }
0xac: {  	s2 =	sld [smem:$0x7C2];
	_ =	sdelay $0x1  }
0xad: {  	s3 =	simm.s32 $0x4000  }
0xae: {  	[tilespmem:s3], [sflag:$0x2] =	stream.linear.gather [hbm4b:s2+s1], $0x200, $0x38;
	[tilespmem:$0xE280] =	vst v63  }
0xaf: {  	s2 =	sld [smem:$0x7C3];
	_ =	sdelay $0x1  }
0xb0: {  	s3 =	simm.s32 $0x4200  }
0xb1: {  	[tilespmem:s3], [sflag:$0x2] =	stream.linear.gather [hbm4b:s2+s1], $0x200, $0x38;
	[tilespmem:$0xE280] =	vst v63  }
0xb2: {  	s2 =	sld [smem:$0x7C4];
	_ =	sdelay $0x1  }
0xb3: {  	s3 =	simm.s32 $0x4400  }
0xb4: {  	[tilespmem:s3], [sflag:$0x2] =	stream.linear.gather [hbm4b:s2+s1], $0x200, $0x38;
	[tilespmem:$0xE280] =	vst v63  }
0xb5: {  	s2 =	sld [smem:$0x7C5];
	_ =	sdelay $0x1  }
0xb6: {  	s3 =	simm.s32 $0x4600  }
0xb7: {  	[tilespmem:s3], [sflag:$0x2] =	stream.linear.gather [hbm4b:s2+s1], $0x200, $0x38;
	[tilespmem:$0xE280] =	vst v63  }
0xb8: {  	s2 =	sld [smem:$0x7C6];
	_ =	sdelay $0x1  }
0xb9: {  	s3 =	simm.s32 $0x4800  }
0xba: {  	[tilespmem:s3], [sflag:$0x2] =	stream.linear.gather [hbm4b:s2+s1], $0x200, $0x38;
	[tilespmem:$0xE280] =	vst v63  }
0xbb: {  	s2 =	sld [smem:$0x7C7];
	_ =	sdelay $0x1  }
0xbc: {  	s3 =	simm.s32 $0x4A00  }
0xbd: {  	[tilespmem:s3], [sflag:$0x2] =	stream.linear.gather [hbm4b:s2+s1], $0x200, $0x38;
	[tilespmem:$0xE280] =	vst v63  }
0xbe: {  	s2 =	sld [smem:$0x7C8];
	_ =	sdelay $0x1  }
0xbf: {  	s3 =	simm.s32 $0x4C00  }
0xc0: {  	[tilespmem:s3], [sflag:$0x2] =	stream.linear.gather [hbm4b:s2+s1], $0x200, $0x38;
	[tilespmem:$0xE280] =	vst v63  }
0xc1: {  	s2 =	sld [smem:$0x7C9];
	_ =	sdelay $0x1  }
0xc2: {  	s3 =	simm.s32 $0x4E00  }
0xc3: {  	[tilespmem:s3], [sflag:$0x2] =	stream.linear.gather [hbm4b:s2+s1], $0x200, $0x38;
	[tilespmem:$0xE280] =	vst v63  }
0xc4: {  	s2 =	sld [smem:$0x7CA];
	_ =	sdelay $0x1  }
0xc5: {  	s3 =	simm.s32 $0x5000  }
0xc6: {  	[tilespmem:s3], [sflag:$0x3] =	stream.linear.gather [hbm4b:s2+s1], $0x200, $0x38;
	[tilespmem:$0xE280] =	vst v63  }
0xc7: {  	s2 =	sld [smem:$0x7CB];
	_ =	sdelay $0x1  }
0xc8: {  	s3 =	simm.s32 $0x5200  }
0xc9: {  	[tilespmem:s3], [sflag:$0x3] =	stream.linear.gather [hbm4b:s2+s1], $0x200, $0x38;
	[tilespmem:$0xE280] =	vst v63  }
0xca: {  	s2 =	sld [smem:$0x7CC];
	_ =	sdelay $0x1  }
0xcb: {  	s3 =	simm.s32 $0x5400  }
0xcc: {  	[tilespmem:s3], [sflag:$0x3] =	stream.linear.gather [hbm4b:s2+s1], $0x200, $0x38;
	[tilespmem:$0xE280] =	vst v63  }
0xcd: {  	s2 =	sld [smem:$0x7CD];
	_ =	sdelay $0x1  }
0xce: {  	s3 =	simm.s32 $0x5600  }
0xcf: {  	[tilespmem:s3], [sflag:$0x3] =	stream.linear.gather [hbm4b:s2+s1], $0x200, $0x38;
	[tilespmem:$0xE280] =	vst v63  }
0xd0: {  	s2 =	sld [smem:$0x7CE];
	_ =	sdelay $0x1  }
0xd1: {  	s3 =	simm.s32 $0x5800  }
0xd2: {  	[tilespmem:s3], [sflag:$0x3] =	stream.linear.gather [hbm4b:s2+s1], $0x200, $0x38;
	[tilespmem:$0xE280] =	vst v63  }
0xd3: {  	s2 =	sld [smem:$0x7CF];
	_ =	sdelay $0x1  }
0xd4: {  	s3 =	simm.s32 $0x5A00  }
0xd5: {  	[tilespmem:s3], [sflag:$0x3] =	stream.linear.gather [hbm4b:s2+s1], $0x200, $0x38;
	[tilespmem:$0xE280] =	vst v63  }
0xd6: {  	s2 =	sld [smem:$0x7D0];
	_ =	sdelay $0x1  }
0xd7: {  	s3 =	simm.s32 $0x5C00  }
0xd8: {  	[tilespmem:s3], [sflag:$0x3] =	stream.linear.gather [hbm4b:s2+s1], $0x200, $0x38;
	[tilespmem:$0xE280] =	vst v63  }
0xd9: {  	s2 =	sld [smem:$0x7D1];
	_ =	sdelay $0x1  }
0xda: {  	s3 =	simm.s32 $0x5E00  }
0xdb: {  	[tilespmem:s3], [sflag:$0x3] =	stream.linear.gather [hbm4b:s2+s1], $0x200, $0x38;
	[tilespmem:$0xE280] =	vst v63  }
0xdc: {  	s2 =	sld [smem:$0x7D2];
	_ =	sdelay $0x1  }
0xdd: {  	s3 =	simm.s32 $0x6000  }
0xde: {  	[tilespmem:s3], [sflag:$0x3] =	stream.linear.gather [hbm4b:s2+s1], $0x200, $0x38;
	[tilespmem:$0xE280] =	vst v63  }
0xdf: {  	s2 =	sld [smem:$0x7D3];
	_ =	sdelay $0x1  }
0xe0: {  	s3 =	simm.s32 $0x6200  }
0xe1: {  	[tilespmem:s3], [sflag:$0x3] =	stream.linear.gather [hbm4b:s2+s1], $0x200, $0x38;
	[tilespmem:$0xE280] =	vst v63  }
0xe2: {  	s2 =	sld [smem:$0x7D4];
	_ =	sdelay $0x1  }
0xe3: {  	s3 =	simm.s32 $0x6400  }
0xe4: {  	[tilespmem:s3], [sflag:$0x3] =	stream.linear.gather [hbm4b:s2+s1], $0x200, $0x38;
	[tilespmem:$0xE280] =	vst v63  }
0xe5: {  	s2 =	sld [smem:$0x7D5];
	_ =	sdelay $0x1  }
0xe6: {  	s3 =	simm.s32 $0x6600  }
0xe7: {  	[tilespmem:s3], [sflag:$0x3] =	stream.linear.gather [hbm4b:s2+s1], $0x200, $0x38;
	[tilespmem:$0xE280] =	vst v63  }
0xe8: {  	s2 =	sld [smem:$0x7D6];
	_ =	sdelay $0x1  }
0xe9: {  	s3 =	simm.s32 $0x6800  }
0xea: {  	[tilespmem:s3], [sflag:$0x3] =	stream.linear.gather [hbm4b:s2+s1], $0x200, $0x38;
	[tilespmem:$0xE280] =	vst v63  }
0xeb: {  	s2 =	sld [smem:$0x7D7];
	_ =	sdelay $0x1  }
0xec: {  	s3 =	simm.s32 $0x6A00  }
0xed: {  	[tilespmem:s3], [sflag:$0x3] =	stream.linear.gather [hbm4b:s2+s1], $0x200, $0x38;
	[tilespmem:$0xE280] =	vst v63  }
0xee: {  	s0 =	sld [smem:$0x7D8];
	_ =	sdelay $0x1  }
0xef: {  	s3 =	simm.s32 $0x6C00;
	s2 =	sld [smem:$0x7D9]  }
0xf0: {  	[tilespmem:s3], [sflag:$0x3] =	stream.linear.gather [hbm4b:s0+s1], $0x200, $0x38;
	[tilespmem:$0xE280] =	vst v63  }
0xf1: {  	s3 =	simm.s32 $0x6E00  }
0xf2: {  	[tilespmem:s3], [sflag:$0x3] =	stream.linear.gather [hbm4b:s2+s1], $0x200, $0x38;
	[tilespmem:$0xE280] =	vst v63  }
0xf3: {  	s2 =	sld [smem:$0x7DA];
	_ =	sdelay $0x1  }
0xf4: {  	s3 =	simm.s32 $0x7000  }
0xf5: {  	[tilespmem:s3], [sflag:$0x3] =	stream.linear.gather [hbm4b:s2+s1], $0x200, $0x38;
	[tilespmem:$0xE280] =	vst v63  }
0xf6: {  	s2 =	sld [smem:$0x7DB];
	_ =	sdelay $0x1  }
0xf7: {  	s3 =	simm.s32 $0x7200  }
0xf8: {  	[tilespmem:s3], [sflag:$0x3] =	stream.linear.gather [hbm4b:s2+s1], $0x200, $0x38;
	[tilespmem:$0xE280] =	vst v63  }
0xf9: {  	s2 =	sld [smem:$0x7DC];
	_ =	sdelay $0x1  }
0xfa: {  	s3 =	simm.s32 $0x7400  }
0xfb: {  	[tilespmem:s3], [sflag:$0x3] =	stream.linear.gather [hbm4b:s2+s1], $0x200, $0x38;
	[tilespmem:$0xE280] =	vst v63  }
0xfc: {  	s2 =	sld [smem:$0x7DD];
	_ =	sdelay $0x1  }
0xfd: {  	s3 =	simm.s32 $0x7600  }
0xfe: {  	[tilespmem:s3], [sflag:$0x3] =	stream.linear.gather [hbm4b:s2+s1], $0x200, $0x38;
	[tilespmem:$0xE280] =	vst v63  }
0xff: {  	s2 =	sld [smem:$0x7DE];
	_ =	sdelay $0x1  }
0x100: {  	s3 =	simm.s32 $0x7800  }
0x101: {  	[tilespmem:s3], [sflag:$0x4] =	stream.linear.gather [hbm4b:s2+s1], $0x200, $0x38;
	[tilespmem:$0xE280] =	vst v63  }
0x102: {  	s2 =	sld [smem:$0x7DF];
	_ =	sdelay $0x1  }
0x103: {  	s3 =	simm.s32 $0x7A00  }
0x104: {  	[tilespmem:s3], [sflag:$0x4] =	stream.linear.gather [hbm4b:s2+s1], $0x200, $0x38;
	[tilespmem:$0xE280] =	vst v63  }
0x105: {  	s2 =	sld [smem:$0x7E0];
	_ =	sdelay $0x1  }
0x106: {  	s3 =	simm.s32 $0x7C00  }
0x107: {  	[tilespmem:s3], [sflag:$0x4] =	stream.linear.gather [hbm4b:s2+s1], $0x200, $0x38;
	[tilespmem:$0xE280] =	vst v63  }
0x108: {  	s2 =	sld [smem:$0x7E1];
	_ =	sdelay $0x1  }
0x109: {  	s3 =	simm.s32 $0x7E00  }
0x10a: {  	[tilespmem:s3], [sflag:$0x4] =	stream.linear.gather [hbm4b:s2+s1], $0x200, $0x38;
	[tilespmem:$0xE280] =	vst v63  }
0x10b: {  	s2 =	sld [smem:$0x7E2];
	_ =	sdelay $0x1  }
0x10c: {  	s3 =	simm.s32 $0x8000  }
0x10d: {  	[tilespmem:s3], [sflag:$0x4] =	stream.linear.gather [hbm4b:s2+s1], $0x200, $0x38;
	[tilespmem:$0xE280] =	vst v63  }
0x10e: {  	s2 =	sld [smem:$0x7E3];
	_ =	sdelay $0x1  }
0x10f: {  	s3 =	simm.s32 $0x8200  }
0x110: {  	[tilespmem:s3], [sflag:$0x4] =	stream.linear.gather [hbm4b:s2+s1], $0x200, $0x38;
	[tilespmem:$0xE280] =	vst v63  }
0x111: {  	s2 =	sld [smem:$0x7E4];
	_ =	sdelay $0x1  }
0x112: {  	s3 =	simm.s32 $0x8400  }
0x113: {  	[tilespmem:s3], [sflag:$0x4] =	stream.linear.gather [hbm4b:s2+s1], $0x200, $0x38;
	[tilespmem:$0xE280] =	vst v63  }
0x114: {  	s2 =	sld [smem:$0x7E5];
	_ =	sdelay $0x1  }
0x115: {  	s3 =	simm.s32 $0x8600  }
0x116: {  	[tilespmem:s3], [sflag:$0x4] =	stream.linear.gather [hbm4b:s2+s1], $0x200, $0x38;
	[tilespmem:$0xE280] =	vst v63  }
0x117: {  	s2 =	sld [smem:$0x7E6];
	_ =	sdelay $0x1  }
0x118: {  	s3 =	simm.s32 $0x8800  }
0x119: {  	[tilespmem:s3], [sflag:$0x4] =	stream.linear.gather [hbm4b:s2+s1], $0x200, $0x38;
	[tilespmem:$0xE280] =	vst v63  }
0x11a: {  	s2 =	sld [smem:$0x7E7];
	_ =	sdelay $0x1  }
0x11b: {  	s3 =	simm.s32 $0x8A00  }
0x11c: {  	[tilespmem:s3], [sflag:$0x4] =	stream.linear.gather [hbm4b:s2+s1], $0x200, $0x38;
	[tilespmem:$0xE280] =	vst v63  }
0x11d: {  	s2 =	sld [smem:$0x7E8];
	_ =	sdelay $0x1  }
0x11e: {  	s3 =	simm.s32 $0x8C00  }
0x11f: {  	[tilespmem:s3], [sflag:$0x4] =	stream.linear.gather [hbm4b:s2+s1], $0x200, $0x38;
	[tilespmem:$0xE280] =	vst v63  }
0x120: {  	s2 =	sld [smem:$0x7E9];
	_ =	sdelay $0x1  }
0x121: {  	s3 =	simm.s32 $0x8E00  }
0x122: {  	[tilespmem:s3], [sflag:$0x4] =	stream.linear.gather [hbm4b:s2+s1], $0x200, $0x38;
	[tilespmem:$0xE280] =	vst v63  }
0x123: {  	s2 =	sld [smem:$0x7EA];
	_ =	sdelay $0x1  }
0x124: {  	s3 =	simm.s32 $0x9000  }
0x125: {  	[tilespmem:s3], [sflag:$0x4] =	stream.linear.gather [hbm4b:s2+s1], $0x200, $0x38;
	[tilespmem:$0xE280] =	vst v63  }
0x126: {  	s2 =	sld [smem:$0x7EB];
	_ =	sdelay $0x1  }
0x127: {  	s3 =	simm.s32 $0x9200  }
0x128: {  	[tilespmem:s3], [sflag:$0x4] =	stream.linear.gather [hbm4b:s2+s1], $0x200, $0x38;
	[tilespmem:$0xE280] =	vst v63  }
0x129: {  	s2 =	sld [smem:$0x7EC];
	_ =	sdelay $0x1  }
0x12a: {  	s3 =	simm.s32 $0x9400  }
0x12b: {  	[tilespmem:s3], [sflag:$0x4] =	stream.linear.gather [hbm4b:s2+s1], $0x200, $0x38;
	[tilespmem:$0xE280] =	vst v63  }
0x12c: {  	s2 =	sld [smem:$0x7ED];
	_ =	sdelay $0x1  }
0x12d: {  	s3 =	simm.s32 $0x9600  }
0x12e: {  	[tilespmem:s3], [sflag:$0x4] =	stream.linear.gather [hbm4b:s2+s1], $0x200, $0x38;
	[tilespmem:$0xE280] =	vst v63  }
0x12f: {  	s2 =	sld [smem:$0x7EE];
	_ =	sdelay $0x1  }
0x130: {  	s3 =	simm.s32 $0x9800  }
0x131: {  	[tilespmem:s3], [sflag:$0x4] =	stream.linear.gather [hbm4b:s2+s1], $0x200, $0x38;
	[tilespmem:$0xE280] =	vst v63  }
0x132: {  	s2 =	sld [smem:$0x7EF];
	_ =	sdelay $0x1  }
0x133: {  	s3 =	simm.s32 $0x9A00  }
0x134: {  	[tilespmem:s3], [sflag:$0x4] =	stream.linear.gather [hbm4b:s2+s1], $0x200, $0x38;
	[tilespmem:$0xE280] =	vst v63  }
0x135: {  	s2 =	sld [smem:$0x7F0];
	_ =	sdelay $0x1  }
0x136: {  	s3 =	simm.s32 $0x9C00  }
0x137: {  	[tilespmem:s3], [sflag:$0x4] =	stream.linear.gather [hbm4b:s2+s1], $0x200, $0x38;
	[tilespmem:$0xE280] =	vst v63  }
0x138: {  	s2 =	sld [smem:$0x7F1];
	_ =	sdelay $0x1  }
0x139: {  	s3 =	simm.s32 $0x9E00  }
0x13a: {  	[tilespmem:s3], [sflag:$0x4] =	stream.linear.gather [hbm4b:s2+s1], $0x200, $0x38;
	[tilespmem:$0xE280] =	vst v63  }
0x13b: {  	s3 =	simm.s32 $0xA000;
	s2 =	sld [smem:$0x7F2]  }
0x13c: {  	[tilespmem:s3], [sflag:$0x5] =	stream.linear.gather [hbm4b:s11+s1], $0x200, $0x38;
	[tilespmem:$0xE280] =	vst v63  }
0x13d: {  	s3 =	simm.s32 $0xA200  }
0x13e: {  	[tilespmem:s3], [sflag:$0x5] =	stream.linear.gather [hbm4b:s2+s1], $0x200, $0x38;
	[tilespmem:$0xE280] =	vst v63  }
0x13f: {  	s2 =	sld [smem:$0x7F3];
	_ =	sdelay $0x1  }
0x140: {  	s3 =	simm.s32 $0xA400  }
0x141: {  	[tilespmem:s3], [sflag:$0x5] =	stream.linear.gather [hbm4b:s2+s1], $0x200, $0x38;
	[tilespmem:$0xE280] =	vst v63  }
0x142: {  	s2 =	sld [smem:$0x7F4];
	_ =	sdelay $0x1  }
0x143: {  	s3 =	simm.s32 $0xA600  }
0x144: {  	[tilespmem:s3], [sflag:$0x5] =	stream.linear.gather [hbm4b:s2+s1], $0x200, $0x38;
	[tilespmem:$0xE280] =	vst v63  }
0x145: {  	s2 =	sld [smem:$0x7F5];
	_ =	sdelay $0x1  }
0x146: {  	s3 =	simm.s32 $0xA800  }
0x147: {  	[tilespmem:s3], [sflag:$0x5] =	stream.linear.gather [hbm4b:s2+s1], $0x200, $0x38;
	[tilespmem:$0xE280] =	vst v63  }
0x148: {  	s2 =	sld [smem:$0x7F6];
	_ =	sdelay $0x1  }
0x149: {  	s3 =	simm.s32 $0xAA00  }
0x14a: {  	[tilespmem:s3], [sflag:$0x5] =	stream.linear.gather [hbm4b:s2+s1], $0x200, $0x38;
	[tilespmem:$0xE280] =	vst v63  }
0x14b: {  	s2 =	sld [smem:$0x7F7];
	_ =	sdelay $0x1  }
0x14c: {  	s3 =	simm.s32 $0xAC00  }
0x14d: {  	[tilespmem:s3], [sflag:$0x5] =	stream.linear.gather [hbm4b:s2+s1], $0x200, $0x38;
	[tilespmem:$0xE280] =	vst v63  }
0x14e: {  	s2 =	sld [smem:$0x7F8];
	_ =	sdelay $0x1  }
0x14f: {  	s3 =	simm.s32 $0xAE00  }
0x150: {  	[tilespmem:s3], [sflag:$0x5] =	stream.linear.gather [hbm4b:s2+s1], $0x200, $0x38;
	[tilespmem:$0xE280] =	vst v63  }
0x151: {  	s2 =	sld [smem:$0x7F9];
	_ =	sdelay $0x1  }
0x152: {  	s3 =	simm.s32 $0xB000  }
0x153: {  	[tilespmem:s3], [sflag:$0x5] =	stream.linear.gather [hbm4b:s2+s1], $0x200, $0x38;
	[tilespmem:$0xE280] =	vst v63  }
0x154: {  	s2 =	sld [smem:$0x7FA];
	_ =	sdelay $0x1  }
0x155: {  	s3 =	simm.s32 $0xB200  }
0x156: {  	[tilespmem:s3], [sflag:$0x5] =	stream.linear.gather [hbm4b:s2+s1], $0x200, $0x38;
	[tilespmem:$0xE280] =	vst v63  }
0x157: {  	s2 =	sld [smem:$0x7FB];
	_ =	sdelay $0x1  }
0x158: {  	s3 =	simm.s32 $0xB400  }
0x159: {  	[tilespmem:s3], [sflag:$0x5] =	stream.linear.gather [hbm4b:s2+s1], $0x200, $0x38;
	[tilespmem:$0xE280] =	vst v63  }
0x15a: {  	s2 =	sld [smem:$0x7FC];
	_ =	sdelay $0x1  }
0x15b: {  	s3 =	simm.s32 $0xB600  }
0x15c: {  	[tilespmem:s3], [sflag:$0x5] =	stream.linear.gather [hbm4b:s2+s1], $0x200, $0x38;
	[tilespmem:$0xE280] =	vst v63  }
0x15d: {  	s2 =	sld [smem:$0x7FD];
	_ =	sdelay $0x1  }
0x15e: {  	s3 =	simm.s32 $0xB800  }
0x15f: {  	[tilespmem:s3], [sflag:$0x5] =	stream.linear.gather [hbm4b:s2+s1], $0x200, $0x38;
	[tilespmem:$0xE280] =	vst v63  }
0x160: {  	s3 =	simm.s32 $0xBA00  }
0x161: {  	[tilespmem:s3], [sflag:$0x5] =	stream.linear.gather [hbm4b:s4+s1], $0x200, $0x38;
	[tilespmem:$0xE280] =	vst v63  }
0x162: {  	s2 =	simm.s32 $0xBC00  }
0x163: {  	[tilespmem:s2], [sflag:$0x5] =	stream.linear.gather [hbm4b:s5+s1], $0x200, $0x38;
	[tilespmem:$0xE280] =	vst v63  }
0x164: {  	s3 =	simm.s32 $0xBE00  }
0x165: {  	[tilespmem:s3], [sflag:$0x5] =	stream.linear.gather [hbm4b:s6+s1], $0x200, $0x38;
	[tilespmem:$0xE280] =	vst v63  }
0x166: {  	s2 =	simm.s32 $0xC000  }
0x167: {  	[tilespmem:s2], [sflag:$0x5] =	stream.linear.gather [hbm4b:s7+s1], $0x200, $0x38;
	[tilespmem:$0xE280] =	vst v63  }
0x168: {  	s3 =	simm.s32 $0xC200  }
0x169: {  	[tilespmem:s3], [sflag:$0x5] =	stream.linear.gather [hbm4b:s8+s1], $0x200, $0x38;
	[tilespmem:$0xE280] =	vst v63  }
0x16a: {  	s2 =	simm.s32 $0xC400  }
0x16b: {  	[tilespmem:s2], [sflag:$0x5] =	stream.linear.gather [hbm4b:s9+s1], $0x200, $0x38;
	[tilespmem:$0xE280] =	vst v63  }
0x16c: {  	s3 =	simm.s32 $0xC600  }
0x16d: {  	[tilespmem:s3], [sflag:$0x5] =	stream.linear.gather [hbm4b:s10+s1], $0x200, $0x38;
	[tilespmem:$0xE280] =	vst v63  }
0x16e: {  	_ = 	snop  }
0x16f: {  	[tilespmem:s19], [sflag:$0x1] =	stream.linear.gather [hbm4b:s13+s1], $0x8, $0x38;
	[tilespmem:$0xE280] =	vst v63  }
0x170: {  	_ = 	snop  }
0x171: {  	[tilespmem:s20], [sflag:$0x2] =	stream.linear.gather [hbm4b:s14+s1], $0xBB8, $0x38;
	[tilespmem:$0xE280] =	vst v63  }
0x172: {  	_ = 	snop  }
0x173: {  	[tilespmem:s21], [sflag:$0x3] =	stream.linear.gather [hbm4b:s15+s1], $0x3E8, $0x38;
	[tilespmem:$0xE280] =	vst v63  }
0x174: {  	_ = 	snop  }
0x175: {  	[tilespmem:s22], [sflag:$0x4] =	stream.linear.gather [hbm4b:s16+s1], $0x3E8, $0x38;
	[tilespmem:$0xE280] =	vst v63  }
0x176: {  	_ = 	snop  }
0x177: {  	[tilespmem:s23], [sflag:$0x5] =	stream.linear.gather [hbm4b:s17+s1], $0x3E8, $0x38;
	[tilespmem:$0xE280] =	vst v63  }
0x178: {  	_ =	swait.ge [sflag:s24], $0x200  }
0x179: {  	[sflag:s24] =	ssyncset.done $0x0  }
0x17a: {  	[sflag:s24] =	ssyncadd.s32 $0xFFFFFE00  }
0x17b: {  	_ =	swait.ge [sflag:s24], $0x200  }
0x17c: {  	[sflag:s24] =	ssyncset.done $0x0  }
0x17d: {  	[sflag:s24] =	ssyncadd.s32 $0xFFFFFE00  }
0x17e: {  	_ =	swait.ge [sflag:s24], $0x200  }
0x17f: {  	[sflag:s24] =	ssyncset.done $0x0  }
0x180: {  	[sflag:s24] =	ssyncadd.s32 $0xFFFFFE00  }
0x181: {  	_ =	swait.ge [sflag:s24], $0x200  }
0x182: {  	[sflag:s24] =	ssyncset.done $0x0  }
0x183: {  	[sflag:s24] =	ssyncadd.s32 $0xFFFFFE00  }
0x184: {  	_ =	swait.ge [sflag:s24], $0x200  }
0x185: {  	[sflag:s24] =	ssyncset.done $0x0  }
0x186: {  	[sflag:s24] =	ssyncadd.s32 $0xFFFFFE00  }
0x187: {  	_ =	swait.ge [sflag:s24], $0x200  }
0x188: {  	[sflag:s24] =	ssyncset.done $0x0  }
0x189: {  	[sflag:s24] =	ssyncadd.s32 $0xFFFFFE00  }
0x18a: {  	_ =	swait.ge [sflag:s24], $0x200  }
0x18b: {  	[sflag:s24] =	ssyncset.done $0x0  }
0x18c: {  	[sflag:s24] =	ssyncadd.s32 $0xFFFFFE00  }
0x18d: {  	_ =	swait.ge [sflag:s24], $0x200  }
0x18e: {  	[sflag:s24] =	ssyncset.done $0x0  }
0x18f: {  	[sflag:s24] =	ssyncadd.s32 $0xFFFFFE00  }
0x190: {  	_ =	swait.ge [sflag:s24], $0x200  }
0x191: {  	[sflag:s24] =	ssyncset.done $0x0  }
0x192: {  	[sflag:s24] =	ssyncadd.s32 $0xFFFFFE00  }
0x193: {  	_ =	swait.ge [sflag:s24], $0x200  }
0x194: {  	[sflag:s24] =	ssyncset.done $0x0  }
0x195: {  	[sflag:s24] =	ssyncadd.s32 $0xFFFFFE00  }
0x196: {  	_ =	swait.ge [sflag:s24], $0x200  }
0x197: {  	[sflag:s24] =	ssyncset.done $0x0  }
0x198: {  	[sflag:s24] =	ssyncadd.s32 $0xFFFFFE00  }
0x199: {  	_ =	swait.ge [sflag:s24], $0x200  }
0x19a: {  	[sflag:s24] =	ssyncset.done $0x0  }
0x19b: {  	[sflag:s24] =	ssyncadd.s32 $0xFFFFFE00  }
0x19c: {  	_ =	swait.ge [sflag:s24], $0x200  }
0x19d: {  	[sflag:s24] =	ssyncset.done $0x0  }
0x19e: {  	[sflag:s24] =	ssyncadd.s32 $0xFFFFFE00  }
0x19f: {  	_ =	swait.ge [sflag:s24], $0x200  }
0x1a0: {  	[sflag:s24] =	ssyncset.done $0x0  }
0x1a1: {  	[sflag:s24] =	ssyncadd.s32 $0xFFFFFE00  }
0x1a2: {  	_ =	swait.ge [sflag:s24], $0x200  }
0x1a3: {  	[sflag:s24] =	ssyncset.done $0x0  }
0x1a4: {  	[sflag:s24] =	ssyncadd.s32 $0xFFFFFE00  }
0x1a5: {  	_ =	swait.ge [sflag:s24], $0x200  }
0x1a6: {  	[sflag:s24] =	ssyncset.done $0x0  }
0x1a7: {  	[sflag:s24] =	ssyncadd.s32 $0xFFFFFE00  }
0x1a8: {  	_ =	swait.ge [sflag:s24], $0x200  }
0x1a9: {  	[sflag:s24] =	ssyncset.done $0x0  }
0x1aa: {  	[sflag:s24] =	ssyncadd.s32 $0xFFFFFE00  }
0x1ab: {  	_ =	swait.ge [sflag:s24], $0x200  }
0x1ac: {  	[sflag:s24] =	ssyncset.done $0x0  }
0x1ad: {  	[sflag:s24] =	ssyncadd.s32 $0xFFFFFE00  }
0x1ae: {  	_ =	swait.ge [sflag:s24], $0x200  }
0x1af: {  	[sflag:s24] =	ssyncset.done $0x0  }
0x1b0: {  	[sflag:s24] =	ssyncadd.s32 $0xFFFFFE00  }
0x1b1: {  	_ =	swait.ge [sflag:s24], $0x200  }
0x1b2: {  	[sflag:s24] =	ssyncset.done $0x0  }
0x1b3: {  	[sflag:s24] =	ssyncadd.s32 $0xFFFFFE00  }
0x1b4: {  	_ =	swait.ge [sflag:s25], $0x200  }
0x1b5: {  	[sflag:s25] =	ssyncset.done $0x0  }
0x1b6: {  	[sflag:s25] =	ssyncadd.s32 $0xFFFFFE00  }
0x1b7: {  	_ =	swait.ge [sflag:s25], $0x200  }
0x1b8: {  	[sflag:s25] =	ssyncset.done $0x0  }
0x1b9: {  	[sflag:s25] =	ssyncadd.s32 $0xFFFFFE00  }
0x1ba: {  	_ =	swait.ge [sflag:s25], $0x200  }
0x1bb: {  	[sflag:s25] =	ssyncset.done $0x0  }
0x1bc: {  	[sflag:s25] =	ssyncadd.s32 $0xFFFFFE00  }
0x1bd: {  	_ =	swait.ge [sflag:s25], $0x200  }
0x1be: {  	[sflag:s25] =	ssyncset.done $0x0  }
0x1bf: {  	[sflag:s25] =	ssyncadd.s32 $0xFFFFFE00  }
0x1c0: {  	_ =	swait.ge [sflag:s25], $0x200  }
0x1c1: {  	[sflag:s25] =	ssyncset.done $0x0  }
0x1c2: {  	[sflag:s25] =	ssyncadd.s32 $0xFFFFFE00  }
0x1c3: {  	_ =	swait.ge [sflag:s25], $0x200  }
0x1c4: {  	[sflag:s25] =	ssyncset.done $0x0  }
0x1c5: {  	[sflag:s25] =	ssyncadd.s32 $0xFFFFFE00  }
0x1c6: {  	_ =	swait.ge [sflag:s25], $0x200  }
0x1c7: {  	[sflag:s25] =	ssyncset.done $0x0  }
0x1c8: {  	[sflag:s25] =	ssyncadd.s32 $0xFFFFFE00  }
0x1c9: {  	_ =	swait.ge [sflag:s25], $0x200  }
0x1ca: {  	[sflag:s25] =	ssyncset.done $0x0  }
0x1cb: {  	[sflag:s25] =	ssyncadd.s32 $0xFFFFFE00  }
0x1cc: {  	_ =	swait.ge [sflag:s25], $0x200  }
0x1cd: {  	[sflag:s25] =	ssyncset.done $0x0  }
0x1ce: {  	[sflag:s25] =	ssyncadd.s32 $0xFFFFFE00  }
0x1cf: {  	_ =	swait.ge [sflag:s25], $0x200  }
0x1d0: {  	[sflag:s25] =	ssyncset.done $0x0  }
0x1d1: {  	[sflag:s25] =	ssyncadd.s32 $0xFFFFFE00  }
0x1d2: {  	_ =	swait.ge [sflag:s25], $0x200  }
0x1d3: {  	[sflag:s25] =	ssyncset.done $0x0  }
0x1d4: {  	[sflag:s25] =	ssyncadd.s32 $0xFFFFFE00  }
0x1d5: {  	_ =	swait.ge [sflag:s25], $0x200  }
0x1d6: {  	[sflag:s25] =	ssyncset.done $0x0  }
0x1d7: {  	[sflag:s25] =	ssyncadd.s32 $0xFFFFFE00  }
0x1d8: {  	_ =	swait.ge [sflag:s25], $0x200  }
0x1d9: {  	[sflag:s25] =	ssyncset.done $0x0  }
0x1da: {  	[sflag:s25] =	ssyncadd.s32 $0xFFFFFE00  }
0x1db: {  	_ =	swait.ge [sflag:s25], $0x200  }
0x1dc: {  	[sflag:s25] =	ssyncset.done $0x0  }
0x1dd: {  	[sflag:s25] =	ssyncadd.s32 $0xFFFFFE00  }
0x1de: {  	_ =	swait.ge [sflag:s25], $0x200  }
0x1df: {  	[sflag:s25] =	ssyncset.done $0x0  }
0x1e0: {  	[sflag:s25] =	ssyncadd.s32 $0xFFFFFE00  }
0x1e1: {  	_ =	swait.ge [sflag:s25], $0x200  }
0x1e2: {  	[sflag:s25] =	ssyncset.done $0x0  }
0x1e3: {  	[sflag:s25] =	ssyncadd.s32 $0xFFFFFE00  }
0x1e4: {  	_ =	swait.ge [sflag:s25], $0x200  }
0x1e5: {  	[sflag:s25] =	ssyncset.done $0x0  }
0x1e6: {  	[sflag:s25] =	ssyncadd.s32 $0xFFFFFE00  }
0x1e7: {  	_ =	swait.ge [sflag:s25], $0x200  }
0x1e8: {  	[sflag:s25] =	ssyncset.done $0x0  }
0x1e9: {  	[sflag:s25] =	ssyncadd.s32 $0xFFFFFE00  }
0x1ea: {  	_ =	swait.ge [sflag:s25], $0x200  }
0x1eb: {  	[sflag:s25] =	ssyncset.done $0x0  }
0x1ec: {  	[sflag:s25] =	ssyncadd.s32 $0xFFFFFE00  }
0x1ed: {  	_ =	swait.ge [sflag:s25], $0x200  }
0x1ee: {  	[sflag:s25] =	ssyncset.done $0x0  }
0x1ef: {  	[sflag:s25] =	ssyncadd.s32 $0xFFFFFE00  }
0x1f0: {  	_ =	swait.ge [sflag:s26], $0x200  }
0x1f1: {  	[sflag:s26] =	ssyncset.done $0x0  }
0x1f2: {  	[sflag:s26] =	ssyncadd.s32 $0xFFFFFE00  }
0x1f3: {  	_ =	swait.ge [sflag:s26], $0x200  }
0x1f4: {  	[sflag:s26] =	ssyncset.done $0x0  }
0x1f5: {  	[sflag:s26] =	ssyncadd.s32 $0xFFFFFE00  }
0x1f6: {  	_ =	swait.ge [sflag:s26], $0x200  }
0x1f7: {  	[sflag:s26] =	ssyncset.done $0x0  }
0x1f8: {  	[sflag:s26] =	ssyncadd.s32 $0xFFFFFE00  }
0x1f9: {  	_ =	swait.ge [sflag:s26], $0x200  }
0x1fa: {  	[sflag:s26] =	ssyncset.done $0x0  }
0x1fb: {  	[sflag:s26] =	ssyncadd.s32 $0xFFFFFE00  }
0x1fc: {  	_ =	swait.ge [sflag:s26], $0x200  }
0x1fd: {  	[sflag:s26] =	ssyncset.done $0x0  }
0x1fe: {  	[sflag:s26] =	ssyncadd.s32 $0xFFFFFE00  }
0x1ff: {  	_ =	swait.ge [sflag:s26], $0x200  }
0x200: {  	[sflag:s26] =	ssyncset.done $0x0  }
0x201: {  	[sflag:s26] =	ssyncadd.s32 $0xFFFFFE00  }
0x202: {  	_ =	swait.ge [sflag:s26], $0x200  }
0x203: {  	[sflag:s26] =	ssyncset.done $0x0  }
0x204: {  	[sflag:s26] =	ssyncadd.s32 $0xFFFFFE00  }
0x205: {  	_ =	swait.ge [sflag:s26], $0x200  }
0x206: {  	[sflag:s26] =	ssyncset.done $0x0  }
0x207: {  	[sflag:s26] =	ssyncadd.s32 $0xFFFFFE00  }
0x208: {  	_ =	swait.ge [sflag:s26], $0x200  }
0x209: {  	[sflag:s26] =	ssyncset.done $0x0  }
0x20a: {  	[sflag:s26] =	ssyncadd.s32 $0xFFFFFE00  }
0x20b: {  	_ =	swait.ge [sflag:s26], $0x200  }
0x20c: {  	[sflag:s26] =	ssyncset.done $0x0  }
0x20d: {  	[sflag:s26] =	ssyncadd.s32 $0xFFFFFE00  }
0x20e: {  	_ =	swait.ge [sflag:s26], $0x200  }
0x20f: {  	[sflag:s26] =	ssyncset.done $0x0  }
0x210: {  	[sflag:s26] =	ssyncadd.s32 $0xFFFFFE00  }
0x211: {  	_ =	swait.ge [sflag:s26], $0x200  }
0x212: {  	[sflag:s26] =	ssyncset.done $0x0  }
0x213: {  	[sflag:s26] =	ssyncadd.s32 $0xFFFFFE00  }
0x214: {  	_ =	swait.ge [sflag:s26], $0x200  }
0x215: {  	[sflag:s26] =	ssyncset.done $0x0  }
0x216: {  	[sflag:s26] =	ssyncadd.s32 $0xFFFFFE00  }
0x217: {  	_ =	swait.ge [sflag:s26], $0x200  }
0x218: {  	[sflag:s26] =	ssyncset.done $0x0  }
0x219: {  	[sflag:s26] =	ssyncadd.s32 $0xFFFFFE00  }
0x21a: {  	_ =	swait.ge [sflag:s26], $0x200  }
0x21b: {  	[sflag:s26] =	ssyncset.done $0x0  }
0x21c: {  	[sflag:s26] =	ssyncadd.s32 $0xFFFFFE00  }
0x21d: {  	_ =	swait.ge [sflag:s26], $0x200  }
0x21e: {  	[sflag:s26] =	ssyncset.done $0x0  }
0x21f: {  	[sflag:s26] =	ssyncadd.s32 $0xFFFFFE00  }
0x220: {  	_ =	swait.ge [sflag:s26], $0x200  }
0x221: {  	[sflag:s26] =	ssyncset.done $0x0  }
0x222: {  	[sflag:s26] =	ssyncadd.s32 $0xFFFFFE00  }
0x223: {  	_ =	swait.ge [sflag:s26], $0x200  }
0x224: {  	[sflag:s26] =	ssyncset.done $0x0  }
0x225: {  	[sflag:s26] =	ssyncadd.s32 $0xFFFFFE00  }
0x226: {  	_ =	swait.ge [sflag:s26], $0x200  }
0x227: {  	[sflag:s26] =	ssyncset.done $0x0  }
0x228: {  	[sflag:s26] =	ssyncadd.s32 $0xFFFFFE00  }
0x229: {  	_ =	swait.ge [sflag:s26], $0x200  }
0x22a: {  	[sflag:s26] =	ssyncset.done $0x0  }
0x22b: {  	[sflag:s26] =	ssyncadd.s32 $0xFFFFFE00  }
0x22c: {  	_ =	swait.ge [sflag:s28], $0x200  }
0x22d: {  	[sflag:s28] =	ssyncset.done $0x0  }
0x22e: {  	[sflag:s28] =	ssyncadd.s32 $0xFFFFFE00  }
0x22f: {  	_ =	swait.ge [sflag:s28], $0x200  }
0x230: {  	[sflag:s28] =	ssyncset.done $0x0  }
0x231: {  	[sflag:s28] =	ssyncadd.s32 $0xFFFFFE00  }
0x232: {  	_ =	swait.ge [sflag:s28], $0x200  }
0x233: {  	[sflag:s28] =	ssyncset.done $0x0  }
0x234: {  	[sflag:s28] =	ssyncadd.s32 $0xFFFFFE00  }
0x235: {  	_ =	swait.ge [sflag:s28], $0x200  }
0x236: {  	[sflag:s28] =	ssyncset.done $0x0  }
0x237: {  	[sflag:s28] =	ssyncadd.s32 $0xFFFFFE00  }
0x238: {  	_ =	swait.ge [sflag:s28], $0x200  }
0x239: {  	[sflag:s28] =	ssyncset.done $0x0  }
0x23a: {  	[sflag:s28] =	ssyncadd.s32 $0xFFFFFE00  }
0x23b: {  	_ =	swait.ge [sflag:s28], $0x200  }
0x23c: {  	[sflag:s28] =	ssyncset.done $0x0  }
0x23d: {  	[sflag:s28] =	ssyncadd.s32 $0xFFFFFE00  }
0x23e: {  	_ =	swait.ge [sflag:s28], $0x200  }
0x23f: {  	[sflag:s28] =	ssyncset.done $0x0  }
0x240: {  	[sflag:s28] =	ssyncadd.s32 $0xFFFFFE00  }
0x241: {  	_ =	swait.ge [sflag:s28], $0x200  }
0x242: {  	[sflag:s28] =	ssyncset.done $0x0  }
0x243: {  	[sflag:s28] =	ssyncadd.s32 $0xFFFFFE00  }
0x244: {  	_ =	swait.ge [sflag:s28], $0x200  }
0x245: {  	[sflag:s28] =	ssyncset.done $0x0  }
0x246: {  	[sflag:s28] =	ssyncadd.s32 $0xFFFFFE00  }
0x247: {  	_ =	swait.ge [sflag:s28], $0x200  }
0x248: {  	[sflag:s28] =	ssyncset.done $0x0  }
0x249: {  	[sflag:s28] =	ssyncadd.s32 $0xFFFFFE00  }
0x24a: {  	_ =	swait.ge [sflag:s28], $0x200  }
0x24b: {  	[sflag:s28] =	ssyncset.done $0x0  }
0x24c: {  	[sflag:s28] =	ssyncadd.s32 $0xFFFFFE00  }
0x24d: {  	_ =	swait.ge [sflag:s28], $0x200  }
0x24e: {  	[sflag:s28] =	ssyncset.done $0x0  }
0x24f: {  	[sflag:s28] =	ssyncadd.s32 $0xFFFFFE00  }
0x250: {  	_ =	swait.ge [sflag:s28], $0x200  }
0x251: {  	[sflag:s28] =	ssyncset.done $0x0  }
0x252: {  	[sflag:s28] =	ssyncadd.s32 $0xFFFFFE00  }
0x253: {  	_ =	swait.ge [sflag:s28], $0x200  }
0x254: {  	[sflag:s28] =	ssyncset.done $0x0  }
0x255: {  	[sflag:s28] =	ssyncadd.s32 $0xFFFFFE00  }
0x256: {  	_ =	swait.ge [sflag:s28], $0x200  }
0x257: {  	[sflag:s28] =	ssyncset.done $0x0  }
0x258: {  	[sflag:s28] =	ssyncadd.s32 $0xFFFFFE00  }
0x259: {  	_ =	swait.ge [sflag:s28], $0x200  }
0x25a: {  	[sflag:s28] =	ssyncset.done $0x0  }
0x25b: {  	[sflag:s28] =	ssyncadd.s32 $0xFFFFFE00  }
0x25c: {  	_ =	swait.ge [sflag:s28], $0x200  }
0x25d: {  	[sflag:s28] =	ssyncset.done $0x0  }
0x25e: {  	[sflag:s28] =	ssyncadd.s32 $0xFFFFFE00  }
0x25f: {  	_ =	swait.ge [sflag:s28], $0x200  }
0x260: {  	[sflag:s28] =	ssyncset.done $0x0  }
0x261: {  	[sflag:s28] =	ssyncadd.s32 $0xFFFFFE00  }
0x262: {  	_ =	swait.ge [sflag:s28], $0x200  }
0x263: {  	[sflag:s28] =	ssyncset.done $0x0  }
0x264: {  	[sflag:s28] =	ssyncadd.s32 $0xFFFFFE00  }
0x265: {  	_ =	swait.ge [sflag:s28], $0x200  }
0x266: {  	[sflag:s28] =	ssyncset.done $0x0  }
0x267: {  	[sflag:s28] =	ssyncadd.s32 $0xFFFFFE00  }
0x268: {  	_ =	swait.ge [sflag:s29], $0x200  }
0x269: {  	[sflag:s29] =	ssyncset.done $0x0  }
0x26a: {  	[sflag:s29] =	ssyncadd.s32 $0xFFFFFE00  }
0x26b: {  	_ =	swait.ge [sflag:s29], $0x200  }
0x26c: {  	[sflag:s29] =	ssyncset.done $0x0  }
0x26d: {  	[sflag:s29] =	ssyncadd.s32 $0xFFFFFE00  }
0x26e: {  	_ =	swait.ge [sflag:s29], $0x200  }
0x26f: {  	[sflag:s29] =	ssyncset.done $0x0  }
0x270: {  	[sflag:s29] =	ssyncadd.s32 $0xFFFFFE00  }
0x271: {  	_ =	swait.ge [sflag:s29], $0x200  }
0x272: {  	[sflag:s29] =	ssyncset.done $0x0  }
0x273: {  	[sflag:s29] =	ssyncadd.s32 $0xFFFFFE00  }
0x274: {  	_ =	swait.ge [sflag:s29], $0x200  }
0x275: {  	[sflag:s29] =	ssyncset.done $0x0  }
0x276: {  	[sflag:s29] =	ssyncadd.s32 $0xFFFFFE00  }
0x277: {  	_ =	swait.ge [sflag:s29], $0x200  }
0x278: {  	[sflag:s29] =	ssyncset.done $0x0  }
0x279: {  	[sflag:s29] =	ssyncadd.s32 $0xFFFFFE00  }
0x27a: {  	_ =	swait.ge [sflag:s29], $0x200  }
0x27b: {  	[sflag:s29] =	ssyncset.done $0x0  }
0x27c: {  	[sflag:s29] =	ssyncadd.s32 $0xFFFFFE00  }
0x27d: {  	_ =	swait.ge [sflag:s29], $0x200  }
0x27e: {  	[sflag:s29] =	ssyncset.done $0x0  }
0x27f: {  	[sflag:s29] =	ssyncadd.s32 $0xFFFFFE00  }
0x280: {  	_ =	swait.ge [sflag:s29], $0x200  }
0x281: {  	[sflag:s29] =	ssyncset.done $0x0  }
0x282: {  	[sflag:s29] =	ssyncadd.s32 $0xFFFFFE00  }
0x283: {  	_ =	swait.ge [sflag:s29], $0x200  }
0x284: {  	[sflag:s29] =	ssyncset.done $0x0  }
0x285: {  	[sflag:s29] =	ssyncadd.s32 $0xFFFFFE00  }
0x286: {  	_ =	swait.ge [sflag:s29], $0x200  }
0x287: {  	[sflag:s29] =	ssyncset.done $0x0  }
0x288: {  	[sflag:s29] =	ssyncadd.s32 $0xFFFFFE00  }
0x289: {  	_ =	swait.ge [sflag:s29], $0x200  }
0x28a: {  	[sflag:s29] =	ssyncset.done $0x0  }
0x28b: {  	[sflag:s29] =	ssyncadd.s32 $0xFFFFFE00  }
0x28c: {  	_ =	swait.ge [sflag:s29], $0x200  }
0x28d: {  	[sflag:s29] =	ssyncset.done $0x0  }
0x28e: {  	[sflag:s29] =	ssyncadd.s32 $0xFFFFFE00  }
0x28f: {  	_ =	swait.ge [sflag:s29], $0x200  }
0x290: {  	[sflag:s29] =	ssyncset.done $0x0  }
0x291: {  	[sflag:s29] =	ssyncadd.s32 $0xFFFFFE00  }
0x292: {  	_ =	swait.ge [sflag:s29], $0x200  }
0x293: {  	[sflag:s29] =	ssyncset.done $0x0  }
0x294: {  	[sflag:s29] =	ssyncadd.s32 $0xFFFFFE00  }
0x295: {  	_ =	swait.ge [sflag:s29], $0x200  }
0x296: {  	[sflag:s29] =	ssyncset.done $0x0  }
0x297: {  	[sflag:s29] =	ssyncadd.s32 $0xFFFFFE00  }
0x298: {  	_ =	swait.ge [sflag:s29], $0x200  }
0x299: {  	[sflag:s29] =	ssyncset.done $0x0  }
0x29a: {  	[sflag:s29] =	ssyncadd.s32 $0xFFFFFE00  }
0x29b: {  	_ =	swait.ge [sflag:s29], $0x200  }
0x29c: {  	[sflag:s29] =	ssyncset.done $0x0  }
0x29d: {  	[sflag:s29] =	ssyncadd.s32 $0xFFFFFE00  }
0x29e: {  	_ =	swait.ge [sflag:s29], $0x200  }
0x29f: {  	[sflag:s29] =	ssyncset.done $0x0  }
0x2a0: {  	[sflag:s29] =	ssyncadd.s32 $0xFFFFFE00  }
0x2a1: {  	_ =	swait.ge [sflag:s29], $0x200  }
0x2a2: {  	[sflag:s29] =	ssyncset.done $0x0  }
0x2a3: {  	[sflag:s29] =	ssyncadd.s32 $0xFFFFFE00  }
0x2a4: {  	_ =	swait.ge [sflag:s24], $0x8  }
0x2a5: {  	[sflag:s24] =	ssyncset.done $0x0  }
0x2a6: {  	[sflag:s24] =	ssyncadd.s32 $0xFFFFFFF8  }
0x2a7: {  	_ =	swait.ge [sflag:s25], $0xBB8  }
0x2a8: {  	[sflag:s25] =	ssyncset.done $0x0  }
0x2a9: {  	[sflag:s25] =	ssyncadd.s32 $0xFFFFF448  }
0x2aa: {  	_ =	swait.ge [sflag:s26], $0x3E8  }
0x2ab: {  	[sflag:s26] =	ssyncset.done $0x0  }
0x2ac: {  	[sflag:s26] =	ssyncadd.s32 $0xFFFFFC18  }
0x2ad: {  	_ =	swait.ge [sflag:s28], $0x3E8  }
0x2ae: {  	[sflag:s28] =	ssyncset.done $0x0  }
0x2af: {  	[sflag:s28] =	ssyncadd.s32 $0xFFFFFC18  }
0x2b0: {  	_ =	swait.ge [sflag:s29], $0x3E8  }
0x2b1: {  	[sflag:s29] =	ssyncset.done $0x0  }
0x2b2: {  	s0 =	simm.s32 $0x0;
	[sflag:s29] =	ssyncadd.s32 $0xFFFFFC18  }
0x2b3: {  	v0 =	vld [tilespmem:s0+$0x0];
	_ =	sdelay $0x1  }
0x2b4: {  	v1 =	vld [tilespmem:s0+$0x2800];
	_ =	sdelay $0x1  }
0x2b5: {  	v2 =	vld [tilespmem:s0+$0x5000];
	_ =	sdelay $0x1  }
0x2b6: {  	v3 =	vld [tilespmem:s0+$0x7800]  }
0x2b7: {  	v4 =	vld [tilespmem:s0+$0xA000]  }
0x2b8: {  	v0 =	vld.idx.msk [tilespmem:v0+s19+$0x0], $0xffff  }
0x2b9: {  	v5 =	vld [tilespmem:s0+$0x200]  }
0x2ba: {  	v1 =	vld.idx.msk [tilespmem:v1+s20+$0x0], $0xffff  }
0x2bb: {  	v6 =	vld [tilespmem:s0+$0x2A00]  }
0x2bc: {  	v2 =	vld.idx.msk [tilespmem:v2+s21+$0x0], $0xffff  }
0x2bd: {  	v7 =	vld [tilespmem:s0+$0x5200];
	v0 =	vadd.f32 $0.0e+00, v0  }
0x2be: {  	v3 =	vld.idx.msk [tilespmem:v3+s22+$0x0], $0xffff  }
0x2bf: {  	v8 =	vld [tilespmem:s0+$0x7A00];
	v0 =	vadd.f32 v1, v0  }
0x2c0: {  	v1 =	vld.idx.msk [tilespmem:v4+s23+$0x0], $0xffff  }
0x2c1: {  	v4 =	vld [tilespmem:s0+$0xA200];
	v0 =	vadd.f32 v2, v0  }
0x2c2: {  	v2 =	vld.idx.msk [tilespmem:v5+s19+$0x0], $0xffff  }
0x2c3: {  	v5 =	vld [tilespmem:s0+$0x400];
	v0 =	vadd.f32 v3, v0  }
0x2c4: {  	v3 =	vld.idx.msk [tilespmem:v6+s20+$0x0], $0xffff  }
0x2c5: {  	v62 =	vld [tilespmem:s0+$0x2C00];
	v0 =	vadd.f32 v1, v0  }
0x2c6: {  	v1 =	vld.idx.msk [tilespmem:v7+s21+$0x0], $0xffff  }
0x2c7: {  	v63 =	vld [tilespmem:s0+$0x5400];
	v0 =	vadd.f32 v2, v0  }
0x2c8: {  	v2 =	vld.idx.msk [tilespmem:v8+s22+$0x0], $0xffff  }
0x2c9: {  	v12 =	vld [tilespmem:s0+$0x7C00];
	v0 =	vadd.f32 v3, v0  }
0x2ca: {  	v3 =	vld.idx.msk [tilespmem:v4+s23+$0x0], $0xffff  }
0x2cb: {  	v4 =	vld [tilespmem:s0+$0xA400];
	v0 =	vadd.f32 v1, v0  }
0x2cc: {  	v1 =	vld.idx.msk [tilespmem:v5+s19+$0x0], $0xffff  }
0x2cd: {  	v5 =	vld [tilespmem:s0+$0x600];
	v0 =	vadd.f32 v2, v0  }
0x2ce: {  	v2 =	vld.idx.msk [tilespmem:v62+s20+$0x0], $0xffff  }
0x2cf: {  	v13 =	vld [tilespmem:s0+$0x2E00];
	v0 =	vadd.f32 v3, v0  }
0x2d0: {  	v3 =	vld.idx.msk [tilespmem:v63+s21+$0x0], $0xffff  }
0x2d1: {  	v14 =	vld [tilespmem:s0+$0x5600];
	v0 =	vadd.f32 v1, v0  }
0x2d2: {  	v1 =	vld.idx.msk [tilespmem:v12+s22+$0x0], $0xffff  }
0x2d3: {  	v15 =	vld [tilespmem:s0+$0x7E00];
	v0 =	vadd.f32 v2, v0  }
0x2d4: {  	v2 =	vld.idx.msk [tilespmem:v4+s23+$0x0], $0xffff  }
0x2d5: {  	v4 =	vld [tilespmem:s0+$0xA600];
	v0 =	vadd.f32 v3, v0  }
0x2d6: {  	v3 =	vld.idx.msk [tilespmem:v5+s19+$0x0], $0xffff  }
0x2d7: {  	v5 =	vld [tilespmem:s0+$0x800];
	v0 =	vadd.f32 v1, v0  }
0x2d8: {  	v1 =	vld.idx.msk [tilespmem:v13+s20+$0x0], $0xffff  }
0x2d9: {  	v16 =	vld [tilespmem:s0+$0x3000];
	v0 =	vadd.f32 v2, v0  }
0x2da: {  	v2 =	vld.idx.msk [tilespmem:v14+s21+$0x0], $0xffff  }
0x2db: {  	v17 =	vld [tilespmem:s0+$0x5800];
	v0 =	vadd.f32 v3, v0  }
0x2dc: {  	v3 =	vld.idx.msk [tilespmem:v15+s22+$0x0], $0xffff  }
0x2dd: {  	v18 =	vld [tilespmem:s0+$0x8000];
	v0 =	vadd.f32 v1, v0  }
0x2de: {  	v1 =	vld.idx.msk [tilespmem:v4+s23+$0x0], $0xffff  }
0x2df: {  	v4 =	vld [tilespmem:s0+$0xA800];
	v0 =	vadd.f32 v2, v0  }
0x2e0: {  	v2 =	vld.idx.msk [tilespmem:v5+s19+$0x0], $0xffff  }
0x2e1: {  	v5 =	vld [tilespmem:s0+$0xA00];
	v0 =	vadd.f32 v3, v0  }
0x2e2: {  	v3 =	vld.idx.msk [tilespmem:v16+s20+$0x0], $0xffff  }
0x2e3: {  	v19 =	vld [tilespmem:s0+$0x3200];
	v0 =	vadd.f32 v1, v0  }
0x2e4: {  	v1 =	vld.idx.msk [tilespmem:v17+s21+$0x0], $0xffff  }
0x2e5: {  	v20 =	vld [tilespmem:s0+$0x5A00];
	v0 =	vadd.f32 v2, v0  }
0x2e6: {  	v2 =	vld.idx.msk [tilespmem:v18+s22+$0x0], $0xffff  }
0x2e7: {  	v21 =	vld [tilespmem:s0+$0x8200];
	v0 =	vadd.f32 v3, v0  }
0x2e8: {  	v3 =	vld.idx.msk [tilespmem:v4+s23+$0x0], $0xffff  }
0x2e9: {  	v4 =	vld [tilespmem:s0+$0xAA00];
	v0 =	vadd.f32 v1, v0  }
0x2ea: {  	v1 =	vld.idx.msk [tilespmem:v5+s19+$0x0], $0xffff  }
0x2eb: {  	v5 =	vld [tilespmem:s0+$0xC00];
	v0 =	vadd.f32 v2, v0  }
0x2ec: {  	v2 =	vld.idx.msk [tilespmem:v19+s20+$0x0], $0xffff  }
0x2ed: {  	v22 =	vld [tilespmem:s0+$0x3400];
	v0 =	vadd.f32 v3, v0  }
0x2ee: {  	v3 =	vld.idx.msk [tilespmem:v20+s21+$0x0], $0xffff  }
0x2ef: {  	v23 =	vld [tilespmem:s0+$0x5C00];
	v0 =	vadd.f32 v1, v0  }
0x2f0: {  	v1 =	vld.idx.msk [tilespmem:v21+s22+$0x0], $0xffff  }
0x2f1: {  	v24 =	vld [tilespmem:s0+$0x8400];
	v0 =	vadd.f32 v2, v0  }
0x2f2: {  	v2 =	vld.idx.msk [tilespmem:v4+s23+$0x0], $0xffff  }
0x2f3: {  	v4 =	vld [tilespmem:s0+$0xAC00];
	v0 =	vadd.f32 v3, v0  }
0x2f4: {  	v3 =	vld.idx.msk [tilespmem:v5+s19+$0x0], $0xffff  }
0x2f5: {  	v5 =	vld [tilespmem:s0+$0xE00];
	v0 =	vadd.f32 v1, v0  }
0x2f6: {  	v1 =	vld.idx.msk [tilespmem:v22+s20+$0x0], $0xffff  }
0x2f7: {  	v25 =	vld [tilespmem:s0+$0x3600];
	v0 =	vadd.f32 v2, v0  }
0x2f8: {  	v2 =	vld.idx.msk [tilespmem:v23+s21+$0x0], $0xffff  }
0x2f9: {  	v26 =	vld [tilespmem:s0+$0x5E00];
	v0 =	vadd.f32 v3, v0  }
0x2fa: {  	v3 =	vld.idx.msk [tilespmem:v24+s22+$0x0], $0xffff  }
0x2fb: {  	v27 =	vld [tilespmem:s0+$0x8600];
	v0 =	vadd.f32 v1, v0  }
0x2fc: {  	v1 =	vld.idx.msk [tilespmem:v4+s23+$0x0], $0xffff  }
0x2fd: {  	v4 =	vld [tilespmem:s0+$0xAE00];
	v0 =	vadd.f32 v2, v0  }
0x2fe: {  	v2 =	vld.idx.msk [tilespmem:v5+s19+$0x0], $0xffff  }
0x2ff: {  	v5 =	vld [tilespmem:s0+$0x1000];
	v0 =	vadd.f32 v3, v0  }
0x300: {  	v3 =	vld.idx.msk [tilespmem:v25+s20+$0x0], $0xffff  }
0x301: {  	v28 =	vld [tilespmem:s0+$0x3800];
	v0 =	vadd.f32 v1, v0  }
0x302: {  	v1 =	vld.idx.msk [tilespmem:v26+s21+$0x0], $0xffff  }
0x303: {  	v29 =	vld [tilespmem:s0+$0x6000];
	v0 =	vadd.f32 v2, v0  }
0x304: {  	v2 =	vld.idx.msk [tilespmem:v27+s22+$0x0], $0xffff  }
0x305: {  	v30 =	vld [tilespmem:s0+$0x8800];
	v0 =	vadd.f32 v3, v0  }
0x306: {  	v3 =	vld.idx.msk [tilespmem:v4+s23+$0x0], $0xffff  }
0x307: {  	v4 =	vld [tilespmem:s0+$0xB000];
	v0 =	vadd.f32 v1, v0  }
0x308: {  	v1 =	vld.idx.msk [tilespmem:v5+s19+$0x0], $0xffff  }
0x309: {  	v5 =	vld [tilespmem:s0+$0x1200];
	v0 =	vadd.f32 v2, v0  }
0x30a: {  	v2 =	vld.idx.msk [tilespmem:v28+s20+$0x0], $0xffff  }
0x30b: {  	v31 =	vld [tilespmem:s0+$0x3A00];
	v0 =	vadd.f32 v3, v0  }
0x30c: {  	v3 =	vld.idx.msk [tilespmem:v29+s21+$0x0], $0xffff  }
0x30d: {  	v32 =	vld [tilespmem:s0+$0x6200];
	v0 =	vadd.f32 v1, v0  }
0x30e: {  	v1 =	vld.idx.msk [tilespmem:v30+s22+$0x0], $0xffff  }
0x30f: {  	v33 =	vld [tilespmem:s0+$0x8A00];
	v0 =	vadd.f32 v2, v0  }
0x310: {  	v2 =	vld.idx.msk [tilespmem:v4+s23+$0x0], $0xffff  }
0x311: {  	v4 =	vld [tilespmem:s0+$0xB200];
	v0 =	vadd.f32 v3, v0  }
0x312: {  	v3 =	vld.idx.msk [tilespmem:v5+s19+$0x0], $0xffff  }
0x313: {  	v5 =	vld [tilespmem:s0+$0x1400];
	v0 =	vadd.f32 v1, v0  }
0x314: {  	v1 =	vld.idx.msk [tilespmem:v31+s20+$0x0], $0xffff  }
0x315: {  	v34 =	vld [tilespmem:s0+$0x3C00];
	v0 =	vadd.f32 v2, v0  }
0x316: {  	v2 =	vld.idx.msk [tilespmem:v32+s21+$0x0], $0xffff  }
0x317: {  	v35 =	vld [tilespmem:s0+$0x6400];
	v0 =	vadd.f32 v3, v0  }
0x318: {  	v3 =	vld.idx.msk [tilespmem:v33+s22+$0x0], $0xffff  }
0x319: {  	v36 =	vld [tilespmem:s0+$0x8C00];
	v0 =	vadd.f32 v1, v0  }
0x31a: {  	v1 =	vld.idx.msk [tilespmem:v4+s23+$0x0], $0xffff  }
0x31b: {  	v4 =	vld [tilespmem:s0+$0xB400];
	v0 =	vadd.f32 v2, v0  }
0x31c: {  	v2 =	vld.idx.msk [tilespmem:v5+s19+$0x0], $0xffff  }
0x31d: {  	v5 =	vld [tilespmem:s0+$0x1600];
	v0 =	vadd.f32 v3, v0  }
0x31e: {  	v3 =	vld.idx.msk [tilespmem:v34+s20+$0x0], $0xffff  }
0x31f: {  	v37 =	vld [tilespmem:s0+$0x3E00];
	v0 =	vadd.f32 v1, v0  }
0x320: {  	v1 =	vld.idx.msk [tilespmem:v35+s21+$0x0], $0xffff  }
0x321: {  	v38 =	vld [tilespmem:s0+$0x6600];
	v0 =	vadd.f32 v2, v0  }
0x322: {  	v2 =	vld.idx.msk [tilespmem:v36+s22+$0x0], $0xffff  }
0x323: {  	v39 =	vld [tilespmem:s0+$0x8E00];
	v0 =	vadd.f32 v3, v0  }
0x324: {  	v3 =	vld.idx.msk [tilespmem:v4+s23+$0x0], $0xffff  }
0x325: {  	v4 =	vld [tilespmem:s0+$0xB600];
	v0 =	vadd.f32 v1, v0  }
0x326: {  	v1 =	vld.idx.msk [tilespmem:v5+s19+$0x0], $0xffff  }
0x327: {  	v5 =	vld [tilespmem:s0+$0x1800];
	v0 =	vadd.f32 v2, v0  }
0x328: {  	v2 =	vld.idx.msk [tilespmem:v37+s20+$0x0], $0xffff  }
0x329: {  	v40 =	vld [tilespmem:s0+$0x4000];
	v0 =	vadd.f32 v3, v0  }
0x32a: {  	v3 =	vld.idx.msk [tilespmem:v38+s21+$0x0], $0xffff  }
0x32b: {  	v41 =	vld [tilespmem:s0+$0x6800];
	v0 =	vadd.f32 v1, v0  }
0x32c: {  	v1 =	vld.idx.msk [tilespmem:v39+s22+$0x0], $0xffff  }
0x32d: {  	v42 =	vld [tilespmem:s0+$0x9000];
	v0 =	vadd.f32 v2, v0  }
0x32e: {  	v2 =	vld.idx.msk [tilespmem:v4+s23+$0x0], $0xffff  }
0x32f: {  	v4 =	vld [tilespmem:s0+$0xB800];
	v0 =	vadd.f32 v3, v0  }
0x330: {  	v3 =	vld.idx.msk [tilespmem:v5+s19+$0x0], $0xffff  }
0x331: {  	v5 =	vld [tilespmem:s0+$0x1A00];
	v0 =	vadd.f32 v1, v0  }
0x332: {  	v1 =	vld.idx.msk [tilespmem:v40+s20+$0x0], $0xffff  }
0x333: {  	v43 =	vld [tilespmem:s0+$0x4200];
	v0 =	vadd.f32 v2, v0  }
0x334: {  	v2 =	vld.idx.msk [tilespmem:v41+s21+$0x0], $0xffff  }
0x335: {  	v44 =	vld [tilespmem:s0+$0x6A00];
	v0 =	vadd.f32 v3, v0  }
0x336: {  	v3 =	vld.idx.msk [tilespmem:v42+s22+$0x0], $0xffff  }
0x337: {  	v45 =	vld [tilespmem:s0+$0x9200];
	v0 =	vadd.f32 v1, v0  }
0x338: {  	v1 =	vld.idx.msk [tilespmem:v4+s23+$0x0], $0xffff  }
0x339: {  	v4 =	vld [tilespmem:s0+$0xBA00];
	v0 =	vadd.f32 v2, v0  }
0x33a: {  	v2 =	vld.idx.msk [tilespmem:v5+s19+$0x0], $0xffff  }
0x33b: {  	v5 =	vld [tilespmem:s0+$0x1C00];
	v0 =	vadd.f32 v3, v0  }
0x33c: {  	v3 =	vld.idx.msk [tilespmem:v43+s20+$0x0], $0xffff  }
0x33d: {  	v46 =	vld [tilespmem:s0+$0x4400];
	v0 =	vadd.f32 v1, v0  }
0x33e: {  	v1 =	vld.idx.msk [tilespmem:v44+s21+$0x0], $0xffff  }
0x33f: {  	v47 =	vld [tilespmem:s0+$0x6C00];
	v0 =	vadd.f32 v2, v0  }
0x340: {  	v2 =	vld.idx.msk [tilespmem:v45+s22+$0x0], $0xffff  }
0x341: {  	v48 =	vld [tilespmem:s0+$0x9400];
	v0 =	vadd.f32 v3, v0  }
0x342: {  	v3 =	vld.idx.msk [tilespmem:v4+s23+$0x0], $0xffff  }
0x343: {  	v4 =	vld [tilespmem:s0+$0xBC00];
	v0 =	vadd.f32 v1, v0  }
0x344: {  	v1 =	vld.idx.msk [tilespmem:v5+s19+$0x0], $0xffff  }
0x345: {  	v5 =	vld [tilespmem:s0+$0x1E00];
	v0 =	vadd.f32 v2, v0  }
0x346: {  	v2 =	vld.idx.msk [tilespmem:v46+s20+$0x0], $0xffff  }
0x347: {  	v49 =	vld [tilespmem:s0+$0x4600];
	v0 =	vadd.f32 v3, v0  }
0x348: {  	v3 =	vld.idx.msk [tilespmem:v47+s21+$0x0], $0xffff  }
0x349: {  	v50 =	vld [tilespmem:s0+$0x6E00];
	v0 =	vadd.f32 v1, v0  }
0x34a: {  	v1 =	vld.idx.msk [tilespmem:v48+s22+$0x0], $0xffff  }
0x34b: {  	v51 =	vld [tilespmem:s0+$0x9600];
	v0 =	vadd.f32 v2, v0  }
0x34c: {  	v2 =	vld.idx.msk [tilespmem:v4+s23+$0x0], $0xffff  }
0x34d: {  	v4 =	vld [tilespmem:s0+$0xBE00];
	v0 =	vadd.f32 v3, v0  }
0x34e: {  	v3 =	vld.idx.msk [tilespmem:v5+s19+$0x0], $0xffff  }
0x34f: {  	v5 =	vld [tilespmem:s0+$0x2000];
	v0 =	vadd.f32 v1, v0  }
0x350: {  	v1 =	vld.idx.msk [tilespmem:v49+s20+$0x0], $0xffff  }
0x351: {  	v52 =	vld [tilespmem:s0+$0x4800];
	v0 =	vadd.f32 v2, v0  }
0x352: {  	v2 =	vld.idx.msk [tilespmem:v50+s21+$0x0], $0xffff  }
0x353: {  	v53 =	vld [tilespmem:s0+$0x7000];
	v0 =	vadd.f32 v3, v0  }
0x354: {  	v3 =	vld.idx.msk [tilespmem:v51+s22+$0x0], $0xffff  }
0x355: {  	v54 =	vld [tilespmem:s0+$0x9800];
	v0 =	vadd.f32 v1, v0  }
0x356: {  	v1 =	vld.idx.msk [tilespmem:v4+s23+$0x0], $0xffff  }
0x357: {  	v4 =	vld [tilespmem:s0+$0xC000];
	v0 =	vadd.f32 v2, v0  }
0x358: {  	v2 =	vld.idx.msk [tilespmem:v5+s19+$0x0], $0xffff  }
0x359: {  	v5 =	vld [tilespmem:s0+$0x2200];
	v0 =	vadd.f32 v3, v0  }
0x35a: {  	v3 =	vld.idx.msk [tilespmem:v52+s20+$0x0], $0xffff  }
0x35b: {  	v55 =	vld [tilespmem:s0+$0x4A00];
	v0 =	vadd.f32 v1, v0  }
0x35c: {  	v1 =	vld.idx.msk [tilespmem:v53+s21+$0x0], $0xffff  }
0x35d: {  	v56 =	vld [tilespmem:s0+$0x7200];
	v0 =	vadd.f32 v2, v0  }
0x35e: {  	v2 =	vld.idx.msk [tilespmem:v54+s22+$0x0], $0xffff  }
0x35f: {  	v57 =	vld [tilespmem:s0+$0x9A00];
	v0 =	vadd.f32 v3, v0  }
0x360: {  	v3 =	vld.idx.msk [tilespmem:v4+s23+$0x0], $0xffff  }
0x361: {  	v4 =	vld [tilespmem:s0+$0xC200];
	v0 =	vadd.f32 v1, v0  }
0x362: {  	v1 =	vld.idx.msk [tilespmem:v5+s19+$0x0], $0xffff  }
0x363: {  	v5 =	vld [tilespmem:s0+$0x2400];
	v0 =	vadd.f32 v2, v0  }
0x364: {  	v2 =	vld.idx.msk [tilespmem:v55+s20+$0x0], $0xffff  }
0x365: {  	v58 =	vld [tilespmem:s0+$0x4C00];
	v0 =	vadd.f32 v3, v0  }
0x366: {  	v3 =	vld.idx.msk [tilespmem:v56+s21+$0x0], $0xffff  }
0x367: {  	v59 =	vld [tilespmem:s0+$0x7400];
	v0 =	vadd.f32 v1, v0  }
0x368: {  	v1 =	vld.idx.msk [tilespmem:v57+s22+$0x0], $0xffff  }
0x369: {  	v60 =	vld [tilespmem:s0+$0x9C00];
	v0 =	vadd.f32 v2, v0  }
0x36a: {  	v2 =	vld.idx.msk [tilespmem:v4+s23+$0x0], $0xffff  }
0x36b: {  	v4 =	vld [tilespmem:s0+$0xC400];
	v0 =	vadd.f32 v3, v0  }
0x36c: {  	v3 =	vld.idx.msk [tilespmem:v5+s19+$0x0], $0xffff  }
0x36d: {  	v5 =	vld [tilespmem:s0+$0x2600];
	v0 =	vadd.f32 v1, v0  }
0x36e: {  	v1 =	vld.idx.msk [tilespmem:v58+s20+$0x0], $0xffff  }
0x36f: {  	v61 =	vld [tilespmem:s0+$0x4E00];
	v0 =	vadd.f32 v2, v0  }
0x370: {  	v2 =	vld.idx.msk [tilespmem:v59+s21+$0x0], $0xffff  }
0x371: {  	v62 =	vld [tilespmem:s0+$0x7600];
	v0 =	vadd.f32 v3, v0  }
0x372: {  	v3 =	vld.idx.msk [tilespmem:v60+s22+$0x0], $0xffff  }
0x373: {  	v63 =	vld [tilespmem:s0+$0x9E00];
	v0 =	vadd.f32 v1, v0  }
0x374: {  	v1 =	vld.idx.msk [tilespmem:v4+s23+$0x0], $0xffff  }
0x375: {  	v4 =	vld [tilespmem:s0+$0xC600];
	v0 =	vadd.f32 v2, v0  }
0x376: {  	v2 =	vld.idx.msk [tilespmem:v5+s19+$0x0], $0xffff  }
0x377: {  	v0 =	vadd.f32 v3, v0  }
0x378: {  	v3 =	vld.idx.msk [tilespmem:v61+s20+$0x0], $0xffff  }
0x379: {  	v1 =	vadd.f32 v1, v0  }
0x37a: {  	v0 =	vld.idx.msk [tilespmem:v62+s21+$0x0], $0xffff  }
0x37b: {  	v2 =	vadd.f32 v2, v1  }
0x37c: {  	v1 =	vld.idx.msk [tilespmem:v63+s22+$0x0], $0xffff  }
0x37d: {  	s2 =	simm.s32 $0x80;
	s3 =	simm.s32 $0x10;
	v3 =	vadd.f32 v3, v2;
	v2 =	vld.idx.msk [tilespmem:v4+s23+$0x0], $0xffff  }
.LBB2_2:
0x37e: {  	p0 =	sne.s32 s2, $0x7C0;
	v4 =	vld [tilespmem:s3+$0x0]  }
0x37f: {  	v0 =	vadd.f32 v0, v3  }
0x380: {  	v3 =	vld [tilespmem:s3+$0x2800]  }
0x381: {  	v0 =	vadd.f32 v1, v0  }
0x382: {  	v1 =	vld [tilespmem:s3+$0x5000]  }
0x383: {  	v0 =	vadd.f32 v2, v0  }
0x384: {  	v2 =	vld [tilespmem:s3+$0x7800]  }
0x385: {  	v5 =	vld [tilespmem:s3+$0xA000];
	[tilespmem:s0+$0xE080] =	vst v0;
	s0 =	smov.u32 s3  }
0x386: {  	v0 =	vld.idx.msk [tilespmem:v4+s19+$0x0], $0xffff  }
0x387: {  	v4 =	vld [tilespmem:s0+$0x200]  }
0x388: {  	v3 =	vld.idx.msk [tilespmem:v3+s20+$0x0], $0xffff  }
0x389: {  	v6 =	vld [tilespmem:s0+$0x2A00]  }
0x38a: {  	v1 =	vld.idx.msk [tilespmem:v1+s21+$0x0], $0xffff  }
0x38b: {  	v7 =	vld [tilespmem:s0+$0x5200]  }
0x38c: {  	v0 =	vadd.f32 $0.0e+00, v0;
	v2 =	vld.idx.msk [tilespmem:v2+s22+$0x0], $0xffff  }
0x38d: {  	v8 =	vld [tilespmem:s0+$0x7A00]  }
0x38e: {  	v0 =	vadd.f32 v3, v0;
	v3 =	vld.idx.msk [tilespmem:v5+s23+$0x0], $0xffff  }
0x38f: {  	v5 =	vld [tilespmem:s0+$0xA200]  }
0x390: {  	v0 =	vadd.f32 v1, v0;
	v1 =	vld.idx.msk [tilespmem:v4+s19+$0x0], $0xffff  }
0x391: {  	v4 =	vld [tilespmem:s0+$0x400]  }
0x392: {  	v0 =	vadd.f32 v2, v0;
	v2 =	vld.idx.msk [tilespmem:v6+s20+$0x0], $0xffff  }
0x393: {  	v6 =	vld [tilespmem:s0+$0x2C00]  }
0x394: {  	v0 =	vadd.f32 v3, v0;
	v3 =	vld.idx.msk [tilespmem:v7+s21+$0x0], $0xffff  }
0x395: {  	v7 =	vld [tilespmem:s0+$0x5400]  }
0x396: {  	v0 =	vadd.f32 v1, v0;
	v1 =	vld.idx.msk [tilespmem:v8+s22+$0x0], $0xffff  }
0x397: {  	v8 =	vld [tilespmem:s0+$0x7C00]  }
0x398: {  	v0 =	vadd.f32 v2, v0;
	v2 =	vld.idx.msk [tilespmem:v5+s23+$0x0], $0xffff  }
0x399: {  	v5 =	vld [tilespmem:s0+$0xA400]  }
0x39a: {  	v0 =	vadd.f32 v3, v0;
	v3 =	vld.idx.msk [tilespmem:v4+s19+$0x0], $0xffff  }
0x39b: {  	v4 =	vld [tilespmem:s0+$0x600]  }
0x39c: {  	v0 =	vadd.f32 v1, v0;
	v1 =	vld.idx.msk [tilespmem:v6+s20+$0x0], $0xffff  }
0x39d: {  	v6 =	vld [tilespmem:s0+$0x2E00]  }
0x39e: {  	v0 =	vadd.f32 v2, v0;
	v2 =	vld.idx.msk [tilespmem:v7+s21+$0x0], $0xffff  }
0x39f: {  	v7 =	vld [tilespmem:s0+$0x5600]  }
0x3a0: {  	v0 =	vadd.f32 v3, v0;
	v3 =	vld.idx.msk [tilespmem:v8+s22+$0x0], $0xffff  }
0x3a1: {  	v8 =	vld [tilespmem:s0+$0x7E00]  }
0x3a2: {  	v0 =	vadd.f32 v1, v0;
	v1 =	vld.idx.msk [tilespmem:v5+s23+$0x0], $0xffff  }
0x3a3: {  	v5 =	vld [tilespmem:s0+$0xA600]  }
0x3a4: {  	v0 =	vadd.f32 v2, v0;
	v2 =	vld.idx.msk [tilespmem:v4+s19+$0x0], $0xffff  }
0x3a5: {  	v4 =	vld [tilespmem:s0+$0x800]  }
0x3a6: {  	v0 =	vadd.f32 v3, v0;
	v3 =	vld.idx.msk [tilespmem:v6+s20+$0x0], $0xffff  }
0x3a7: {  	v6 =	vld [tilespmem:s0+$0x3000]  }
0x3a8: {  	v0 =	vadd.f32 v1, v0;
	v1 =	vld.idx.msk [tilespmem:v7+s21+$0x0], $0xffff  }
0x3a9: {  	v7 =	vld [tilespmem:s0+$0x5800]  }
0x3aa: {  	v0 =	vadd.f32 v2, v0;
	v2 =	vld.idx.msk [tilespmem:v8+s22+$0x0], $0xffff  }
0x3ab: {  	v8 =	vld [tilespmem:s0+$0x8000]  }
0x3ac: {  	v0 =	vadd.f32 v3, v0;
	v3 =	vld.idx.msk [tilespmem:v5+s23+$0x0], $0xffff  }
0x3ad: {  	v5 =	vld [tilespmem:s0+$0xA800]  }
0x3ae: {  	v0 =	vadd.f32 v1, v0;
	v1 =	vld.idx.msk [tilespmem:v4+s19+$0x0], $0xffff  }
0x3af: {  	v4 =	vld [tilespmem:s0+$0xA00]  }
0x3b0: {  	v0 =	vadd.f32 v2, v0;
	v2 =	vld.idx.msk [tilespmem:v6+s20+$0x0], $0xffff  }
0x3b1: {  	v6 =	vld [tilespmem:s0+$0x3200]  }
0x3b2: {  	v0 =	vadd.f32 v3, v0;
	v3 =	vld.idx.msk [tilespmem:v7+s21+$0x0], $0xffff  }
0x3b3: {  	v7 =	vld [tilespmem:s0+$0x5A00]  }
0x3b4: {  	v0 =	vadd.f32 v1, v0;
	v1 =	vld.idx.msk [tilespmem:v8+s22+$0x0], $0xffff  }
0x3b5: {  	v8 =	vld [tilespmem:s0+$0x8200]  }
0x3b6: {  	v0 =	vadd.f32 v2, v0;
	v2 =	vld.idx.msk [tilespmem:v5+s23+$0x0], $0xffff  }
0x3b7: {  	v5 =	vld [tilespmem:s0+$0xAA00]  }
0x3b8: {  	v0 =	vadd.f32 v3, v0;
	v3 =	vld.idx.msk [tilespmem:v4+s19+$0x0], $0xffff  }
0x3b9: {  	v4 =	vld [tilespmem:s0+$0xC00]  }
0x3ba: {  	v0 =	vadd.f32 v1, v0;
	v1 =	vld.idx.msk [tilespmem:v6+s20+$0x0], $0xffff  }
0x3bb: {  	v6 =	vld [tilespmem:s0+$0x3400]  }
0x3bc: {  	v0 =	vadd.f32 v2, v0;
	v2 =	vld.idx.msk [tilespmem:v7+s21+$0x0], $0xffff  }
0x3bd: {  	v7 =	vld [tilespmem:s0+$0x5C00]  }
0x3be: {  	v0 =	vadd.f32 v3, v0;
	v3 =	vld.idx.msk [tilespmem:v8+s22+$0x0], $0xffff  }
0x3bf: {  	v8 =	vld [tilespmem:s0+$0x8400]  }
0x3c0: {  	v0 =	vadd.f32 v1, v0;
	v1 =	vld.idx.msk [tilespmem:v5+s23+$0x0], $0xffff  }
0x3c1: {  	v5 =	vld [tilespmem:s0+$0xAC00]  }
0x3c2: {  	v0 =	vadd.f32 v2, v0;
	v2 =	vld.idx.msk [tilespmem:v4+s19+$0x0], $0xffff  }
0x3c3: {  	v4 =	vld [tilespmem:s0+$0xE00]  }
0x3c4: {  	v0 =	vadd.f32 v3, v0;
	v3 =	vld.idx.msk [tilespmem:v6+s20+$0x0], $0xffff  }
0x3c5: {  	v6 =	vld [tilespmem:s0+$0x3600]  }
0x3c6: {  	v0 =	vadd.f32 v1, v0;
	v1 =	vld.idx.msk [tilespmem:v7+s21+$0x0], $0xffff  }
0x3c7: {  	v7 =	vld [tilespmem:s0+$0x5E00]  }
0x3c8: {  	v0 =	vadd.f32 v2, v0;
	v2 =	vld.idx.msk [tilespmem:v8+s22+$0x0], $0xffff  }
0x3c9: {  	v8 =	vld [tilespmem:s0+$0x8600]  }
0x3ca: {  	v0 =	vadd.f32 v3, v0;
	v3 =	vld.idx.msk [tilespmem:v5+s23+$0x0], $0xffff  }
0x3cb: {  	v5 =	vld [tilespmem:s0+$0xAE00]  }
0x3cc: {  	v0 =	vadd.f32 v1, v0;
	v1 =	vld.idx.msk [tilespmem:v4+s19+$0x0], $0xffff  }
0x3cd: {  	v4 =	vld [tilespmem:s0+$0x1000]  }
0x3ce: {  	v0 =	vadd.f32 v2, v0;
	v2 =	vld.idx.msk [tilespmem:v6+s20+$0x0], $0xffff  }
0x3cf: {  	v6 =	vld [tilespmem:s0+$0x3800]  }
0x3d0: {  	v0 =	vadd.f32 v3, v0;
	v3 =	vld.idx.msk [tilespmem:v7+s21+$0x0], $0xffff  }
0x3d1: {  	v7 =	vld [tilespmem:s0+$0x6000]  }
0x3d2: {  	v0 =	vadd.f32 v1, v0;
	v1 =	vld.idx.msk [tilespmem:v8+s22+$0x0], $0xffff  }
0x3d3: {  	v8 =	vld [tilespmem:s0+$0x8800]  }
0x3d4: {  	v0 =	vadd.f32 v2, v0;
	v2 =	vld.idx.msk [tilespmem:v5+s23+$0x0], $0xffff  }
0x3d5: {  	v5 =	vld [tilespmem:s0+$0xB000]  }
0x3d6: {  	v0 =	vadd.f32 v3, v0;
	v3 =	vld.idx.msk [tilespmem:v4+s19+$0x0], $0xffff  }
0x3d7: {  	v4 =	vld [tilespmem:s0+$0x1200]  }
0x3d8: {  	v0 =	vadd.f32 v1, v0;
	v1 =	vld.idx.msk [tilespmem:v6+s20+$0x0], $0xffff  }
0x3d9: {  	v6 =	vld [tilespmem:s0+$0x3A00]  }
0x3da: {  	v0 =	vadd.f32 v2, v0;
	v2 =	vld.idx.msk [tilespmem:v7+s21+$0x0], $0xffff  }
0x3db: {  	v7 =	vld [tilespmem:s0+$0x6200]  }
0x3dc: {  	v0 =	vadd.f32 v3, v0;
	v3 =	vld.idx.msk [tilespmem:v8+s22+$0x0], $0xffff  }
0x3dd: {  	v8 =	vld [tilespmem:s0+$0x8A00]  }
0x3de: {  	v0 =	vadd.f32 v1, v0;
	v1 =	vld.idx.msk [tilespmem:v5+s23+$0x0], $0xffff  }
0x3df: {  	v5 =	vld [tilespmem:s0+$0xB200]  }
0x3e0: {  	v0 =	vadd.f32 v2, v0;
	v2 =	vld.idx.msk [tilespmem:v4+s19+$0x0], $0xffff  }
0x3e1: {  	v4 =	vld [tilespmem:s0+$0x1400]  }
0x3e2: {  	v0 =	vadd.f32 v3, v0;
	v3 =	vld.idx.msk [tilespmem:v6+s20+$0x0], $0xffff  }
0x3e3: {  	v6 =	vld [tilespmem:s0+$0x3C00]  }
0x3e4: {  	v0 =	vadd.f32 v1, v0;
	v1 =	vld.idx.msk [tilespmem:v7+s21+$0x0], $0xffff  }
0x3e5: {  	v7 =	vld [tilespmem:s0+$0x6400]  }
0x3e6: {  	v0 =	vadd.f32 v2, v0;
	v2 =	vld.idx.msk [tilespmem:v8+s22+$0x0], $0xffff  }
0x3e7: {  	v8 =	vld [tilespmem:s0+$0x8C00]  }
0x3e8: {  	v0 =	vadd.f32 v3, v0;
	v3 =	vld.idx.msk [tilespmem:v5+s23+$0x0], $0xffff  }
0x3e9: {  	v5 =	vld [tilespmem:s0+$0xB400]  }
0x3ea: {  	v0 =	vadd.f32 v1, v0;
	v1 =	vld.idx.msk [tilespmem:v4+s19+$0x0], $0xffff  }
0x3eb: {  	v4 =	vld [tilespmem:s0+$0x1600]  }
0x3ec: {  	v0 =	vadd.f32 v2, v0;
	v2 =	vld.idx.msk [tilespmem:v6+s20+$0x0], $0xffff  }
0x3ed: {  	v6 =	vld [tilespmem:s0+$0x3E00]  }
0x3ee: {  	v0 =	vadd.f32 v3, v0;
	v3 =	vld.idx.msk [tilespmem:v7+s21+$0x0], $0xffff  }
0x3ef: {  	v7 =	vld [tilespmem:s0+$0x6600]  }
0x3f0: {  	v0 =	vadd.f32 v1, v0;
	v1 =	vld.idx.msk [tilespmem:v8+s22+$0x0], $0xffff  }
0x3f1: {  	v8 =	vld [tilespmem:s0+$0x8E00]  }
0x3f2: {  	v0 =	vadd.f32 v2, v0;
	v2 =	vld.idx.msk [tilespmem:v5+s23+$0x0], $0xffff  }
0x3f3: {  	v5 =	vld [tilespmem:s0+$0xB600]  }
0x3f4: {  	v0 =	vadd.f32 v3, v0;
	v3 =	vld.idx.msk [tilespmem:v4+s19+$0x0], $0xffff  }
0x3f5: {  	v4 =	vld [tilespmem:s0+$0x1800]  }
0x3f6: {  	v0 =	vadd.f32 v1, v0;
	v1 =	vld.idx.msk [tilespmem:v6+s20+$0x0], $0xffff  }
0x3f7: {  	v6 =	vld [tilespmem:s0+$0x4000]  }
0x3f8: {  	v0 =	vadd.f32 v2, v0;
	v2 =	vld.idx.msk [tilespmem:v7+s21+$0x0], $0xffff  }
0x3f9: {  	v7 =	vld [tilespmem:s0+$0x6800]  }
0x3fa: {  	v0 =	vadd.f32 v3, v0;
	v3 =	vld.idx.msk [tilespmem:v8+s22+$0x0], $0xffff  }
0x3fb: {  	v8 =	vld [tilespmem:s0+$0x9000]  }
0x3fc: {  	v0 =	vadd.f32 v1, v0;
	v1 =	vld.idx.msk [tilespmem:v5+s23+$0x0], $0xffff  }
0x3fd: {  	v5 =	vld [tilespmem:s0+$0xB800]  }
0x3fe: {  	v0 =	vadd.f32 v2, v0;
	v2 =	vld.idx.msk [tilespmem:v4+s19+$0x0], $0xffff  }
0x3ff: {  	v4 =	vld [tilespmem:s0+$0x1A00]  }
0x400: {  	v0 =	vadd.f32 v3, v0;
	v3 =	vld.idx.msk [tilespmem:v6+s20+$0x0], $0xffff  }
0x401: {  	v6 =	vld [tilespmem:s0+$0x4200]  }
0x402: {  	v0 =	vadd.f32 v1, v0;
	v1 =	vld.idx.msk [tilespmem:v7+s21+$0x0], $0xffff  }
0x403: {  	v7 =	vld [tilespmem:s0+$0x6A00]  }
0x404: {  	v0 =	vadd.f32 v2, v0;
	v2 =	vld.idx.msk [tilespmem:v8+s22+$0x0], $0xffff  }
0x405: {  	v8 =	vld [tilespmem:s0+$0x9200]  }
0x406: {  	v0 =	vadd.f32 v3, v0;
	v3 =	vld.idx.msk [tilespmem:v5+s23+$0x0], $0xffff  }
0x407: {  	v5 =	vld [tilespmem:s0+$0xBA00]  }
0x408: {  	v0 =	vadd.f32 v1, v0;
	v1 =	vld.idx.msk [tilespmem:v4+s19+$0x0], $0xffff  }
0x409: {  	v4 =	vld [tilespmem:s0+$0x1C00]  }
0x40a: {  	v0 =	vadd.f32 v2, v0;
	v2 =	vld.idx.msk [tilespmem:v6+s20+$0x0], $0xffff  }
0x40b: {  	v6 =	vld [tilespmem:s0+$0x4400]  }
0x40c: {  	v0 =	vadd.f32 v3, v0;
	v3 =	vld.idx.msk [tilespmem:v7+s21+$0x0], $0xffff  }
0x40d: {  	v7 =	vld [tilespmem:s0+$0x6C00]  }
0x40e: {  	v0 =	vadd.f32 v1, v0;
	v1 =	vld.idx.msk [tilespmem:v8+s22+$0x0], $0xffff  }
0x40f: {  	v8 =	vld [tilespmem:s0+$0x9400]  }
0x410: {  	v0 =	vadd.f32 v2, v0;
	v2 =	vld.idx.msk [tilespmem:v5+s23+$0x0], $0xffff  }
0x411: {  	v5 =	vld [tilespmem:s0+$0xBC00]  }
0x412: {  	v0 =	vadd.f32 v3, v0;
	v3 =	vld.idx.msk [tilespmem:v4+s19+$0x0], $0xffff  }
0x413: {  	v4 =	vld [tilespmem:s0+$0x1E00]  }
0x414: {  	v0 =	vadd.f32 v1, v0;
	v1 =	vld.idx.msk [tilespmem:v6+s20+$0x0], $0xffff  }
0x415: {  	v6 =	vld [tilespmem:s0+$0x4600]  }
0x416: {  	v0 =	vadd.f32 v2, v0;
	v2 =	vld.idx.msk [tilespmem:v7+s21+$0x0], $0xffff  }
0x417: {  	v7 =	vld [tilespmem:s0+$0x6E00]  }
0x418: {  	v0 =	vadd.f32 v3, v0;
	v3 =	vld.idx.msk [tilespmem:v8+s22+$0x0], $0xffff  }
0x419: {  	v8 =	vld [tilespmem:s0+$0x9600]  }
0x41a: {  	v0 =	vadd.f32 v1, v0;
	v1 =	vld.idx.msk [tilespmem:v5+s23+$0x0], $0xffff  }
0x41b: {  	v5 =	vld [tilespmem:s0+$0xBE00]  }
0x41c: {  	v0 =	vadd.f32 v2, v0;
	v2 =	vld.idx.msk [tilespmem:v4+s19+$0x0], $0xffff  }
0x41d: {  	v4 =	vld [tilespmem:s0+$0x2000]  }
0x41e: {  	v0 =	vadd.f32 v3, v0;
	v3 =	vld.idx.msk [tilespmem:v6+s20+$0x0], $0xffff  }
0x41f: {  	v6 =	vld [tilespmem:s0+$0x4800]  }
0x420: {  	v0 =	vadd.f32 v1, v0;
	v1 =	vld.idx.msk [tilespmem:v7+s21+$0x0], $0xffff  }
0x421: {  	v7 =	vld [tilespmem:s0+$0x7000]  }
0x422: {  	v0 =	vadd.f32 v2, v0;
	v2 =	vld.idx.msk [tilespmem:v8+s22+$0x0], $0xffff  }
0x423: {  	v8 =	vld [tilespmem:s0+$0x9800]  }
0x424: {  	v0 =	vadd.f32 v3, v0;
	v3 =	vld.idx.msk [tilespmem:v5+s23+$0x0], $0xffff  }
0x425: {  	v5 =	vld [tilespmem:s0+$0xC000]  }
0x426: {  	v0 =	vadd.f32 v1, v0;
	v1 =	vld.idx.msk [tilespmem:v4+s19+$0x0], $0xffff  }
0x427: {  	v4 =	vld [tilespmem:s0+$0x2200]  }
0x428: {  	v0 =	vadd.f32 v2, v0;
	v2 =	vld.idx.msk [tilespmem:v6+s20+$0x0], $0xffff  }
0x429: {  	v6 =	vld [tilespmem:s0+$0x4A00]  }
0x42a: {  	v0 =	vadd.f32 v3, v0;
	v3 =	vld.idx.msk [tilespmem:v7+s21+$0x0], $0xffff  }
0x42b: {  	v7 =	vld [tilespmem:s0+$0x7200]  }
0x42c: {  	v0 =	vadd.f32 v1, v0;
	v1 =	vld.idx.msk [tilespmem:v8+s22+$0x0], $0xffff  }
0x42d: {  	v8 =	vld [tilespmem:s0+$0x9A00]  }
0x42e: {  	v0 =	vadd.f32 v2, v0;
	v2 =	vld.idx.msk [tilespmem:v5+s23+$0x0], $0xffff  }
0x42f: {  	v5 =	vld [tilespmem:s0+$0xC200]  }
0x430: {  	v0 =	vadd.f32 v3, v0;
	v3 =	vld.idx.msk [tilespmem:v4+s19+$0x0], $0xffff  }
0x431: {  	v4 =	vld [tilespmem:s0+$0x2400]  }
0x432: {  	v0 =	vadd.f32 v1, v0;
	v1 =	vld.idx.msk [tilespmem:v6+s20+$0x0], $0xffff  }
0x433: {  	v6 =	vld [tilespmem:s0+$0x4C00]  }
0x434: {  	v0 =	vadd.f32 v2, v0;
	v2 =	vld.idx.msk [tilespmem:v7+s21+$0x0], $0xffff  }
0x435: {  	v7 =	vld [tilespmem:s0+$0x7400]  }
0x436: {  	v0 =	vadd.f32 v3, v0;
	v3 =	vld.idx.msk [tilespmem:v8+s22+$0x0], $0xffff  }
0x437: {  	v8 =	vld [tilespmem:s0+$0x9C00]  }
0x438: {  	v0 =	vadd.f32 v1, v0;
	v1 =	vld.idx.msk [tilespmem:v5+s23+$0x0], $0xffff  }
0x439: {  	v5 =	vld [tilespmem:s0+$0xC400]  }
0x43a: {  	v0 =	vadd.f32 v2, v0;
	v2 =	vld.idx.msk [tilespmem:v4+s19+$0x0], $0xffff  }
0x43b: {  	v4 =	vld [tilespmem:s0+$0x2600]  }
0x43c: {  	v0 =	vadd.f32 v3, v0;
	v3 =	vld.idx.msk [tilespmem:v6+s20+$0x0], $0xffff  }
0x43d: {  	v6 =	vld [tilespmem:s0+$0x4E00]  }
0x43e: {  	v0 =	vadd.f32 v1, v0;
	v1 =	vld.idx.msk [tilespmem:v7+s21+$0x0], $0xffff  }
0x43f: {  	v7 =	vld [tilespmem:s0+$0x7600]  }
0x440: {  	v0 =	vadd.f32 v2, v0;
	v2 =	vld.idx.msk [tilespmem:v8+s22+$0x0], $0xffff  }
0x441: {  	v8 =	vld [tilespmem:s0+$0x9E00]  }
0x442: {  	v0 =	vadd.f32 v3, v0;
	v3 =	vld.idx.msk [tilespmem:v5+s23+$0x0], $0xffff  }
0x443: {  	v5 =	vld [tilespmem:s0+$0xC600]  }
0x444: {  	v0 =	vadd.f32 v1, v0;
	v1 =	vld.idx.msk [tilespmem:v4+s19+$0x0], $0xffff;
	_ =	sdelay $0x1  }
0x445: {  	v0 =	vadd.f32 v2, v0;
	v2 =	vld.idx.msk [tilespmem:v6+s20+$0x0], $0xffff;
	_ =	sdelay $0x1  }
.Ltmp0:
0x446: {  	v3 =	vadd.f32 v3, v0;
	v0 =	vld.idx.msk [tilespmem:v7+s21+$0x0], $0xffff;
	(pc) =	sbr.rel @p0 .LBB2_2-.Ltmp0, $3  }
0x447: {  	_ = 	snop  }
0x448: {  	v3 =	vadd.f32 v1, v3;
	v1 =	vld.idx.msk [tilespmem:v8+s22+$0x0], $0xffff;
	_ =	sdelay $0x1  }
0x449: {  	s3 =	sshra.s32 s2, $0x2;
	s2 =	sadd.s32 $0x40, s2;
	v3 =	vadd.f32 v2, v3;
	v2 =	vld.idx.msk [tilespmem:v5+s23+$0x0], $0xffff  }
0x44a: {  	v4 =	vld [tilespmem:s3+$0x0]  }
0x44b: {  	v0 =	vadd.f32 v0, v3  }
0x44c: {  	v30 =	vld [tilespmem:s3+$0x2800]  }
0x44d: {  	v0 =	vadd.f32 v1, v0  }
0x44e: {  	v31 =	vld [tilespmem:s3+$0x5000]  }
0x44f: {  	v0 =	vadd.f32 v2, v0  }
0x450: {  	v32 =	vld [tilespmem:s3+$0x7800]  }
0x451: {  	v5 =	vld [tilespmem:s3+$0xA000];
	[tilespmem:s0+$0xE080] =	vst v0  }
0x452: {  	v0 =	vld.idx.msk [tilespmem:v4+s19+$0x0], $0xffff  }
0x453: {  	v33 =	vld [tilespmem:s3+$0x200]  }
0x454: {  	v3 =	vld.idx.msk [tilespmem:v30+s20+$0x0], $0xffff  }
0x455: {  	v6 =	vld [tilespmem:s3+$0x2A00]  }
0x456: {  	v1 =	vld.idx.msk [tilespmem:v31+s21+$0x0], $0xffff  }
0x457: {  	v7 =	vld [tilespmem:s3+$0x5200];
	v0 =	vadd.f32 $0.0e+00, v0  }
0x458: {  	v2 =	vld.idx.msk [tilespmem:v32+s22+$0x0], $0xffff  }
0x459: {  	v8 =	vld [tilespmem:s3+$0x7A00];
	v0 =	vadd.f32 v3, v0  }
0x45a: {  	v34 =	vld.idx.msk [tilespmem:v5+s23+$0x0], $0xffff  }
0x45b: {  	v35 =	vld [tilespmem:s3+$0xA200];
	v0 =	vadd.f32 v1, v0  }
0x45c: {  	v36 =	vld.idx.msk [tilespmem:v33+s19+$0x0], $0xffff  }
0x45d: {  	v37 =	vld [tilespmem:s3+$0x400];
	v0 =	vadd.f32 v2, v0  }
0x45e: {  	v38 =	vld.idx.msk [tilespmem:v6+s20+$0x0], $0xffff  }
0x45f: {  	v39 =	vld [tilespmem:s3+$0x2C00];
	v0 =	vadd.f32 v34, v0  }
0x460: {  	v40 =	vld.idx.msk [tilespmem:v7+s21+$0x0], $0xffff  }
0x461: {  	v41 =	vld [tilespmem:s3+$0x5400];
	v0 =	vadd.f32 v36, v0  }
0x462: {  	v42 =	vld.idx.msk [tilespmem:v8+s22+$0x0], $0xffff  }
0x463: {  	v43 =	vld [tilespmem:s3+$0x7C00];
	v0 =	vadd.f32 v38, v0  }
0x464: {  	v44 =	vld.idx.msk [tilespmem:v35+s23+$0x0], $0xffff  }
0x465: {  	v45 =	vld [tilespmem:s3+$0xA400];
	v0 =	vadd.f32 v40, v0  }
0x466: {  	v46 =	vld.idx.msk [tilespmem:v37+s19+$0x0], $0xffff  }
0x467: {  	v47 =	vld [tilespmem:s3+$0x600];
	v0 =	vadd.f32 v42, v0  }
0x468: {  	v48 =	vld.idx.msk [tilespmem:v39+s20+$0x0], $0xffff  }
0x469: {  	v49 =	vld [tilespmem:s3+$0x2E00];
	v0 =	vadd.f32 v44, v0  }
0x46a: {  	v50 =	vld.idx.msk [tilespmem:v41+s21+$0x0], $0xffff  }
0x46b: {  	v51 =	vld [tilespmem:s3+$0x5600];
	v0 =	vadd.f32 v46, v0  }
0x46c: {  	v52 =	vld.idx.msk [tilespmem:v43+s22+$0x0], $0xffff  }
0x46d: {  	v53 =	vld [tilespmem:s3+$0x7E00];
	v0 =	vadd.f32 v48, v0  }
0x46e: {  	v54 =	vld.idx.msk [tilespmem:v45+s23+$0x0], $0xffff  }
0x46f: {  	v55 =	vld [tilespmem:s3+$0xA600];
	v0 =	vadd.f32 v50, v0  }
0x470: {  	v56 =	vld.idx.msk [tilespmem:v47+s19+$0x0], $0xffff  }
0x471: {  	v57 =	vld [tilespmem:s3+$0x800];
	v0 =	vadd.f32 v52, v0  }
0x472: {  	v58 =	vld.idx.msk [tilespmem:v49+s20+$0x0], $0xffff  }
0x473: {  	v59 =	vld [tilespmem:s3+$0x3000];
	v0 =	vadd.f32 v54, v0  }
0x474: {  	v60 =	vld.idx.msk [tilespmem:v51+s21+$0x0], $0xffff  }
0x475: {  	v61 =	vld [tilespmem:s3+$0x5800];
	v0 =	vadd.f32 v56, v0  }
0x476: {  	v62 =	vld.idx.msk [tilespmem:v53+s22+$0x0], $0xffff  }
0x477: {  	v63 =	vld [tilespmem:s3+$0x8000];
	v0 =	vadd.f32 v58, v0  }
0x478: {  	v12 =	vld.idx.msk [tilespmem:v55+s23+$0x0], $0xffff  }
0x479: {  	v13 =	vld [tilespmem:s3+$0xA800];
	v0 =	vadd.f32 v60, v0  }
0x47a: {  	v14 =	vld.idx.msk [tilespmem:v57+s19+$0x0], $0xffff  }
0x47b: {  	v15 =	vld [tilespmem:s3+$0xA00];
	v0 =	vadd.f32 v62, v0  }
0x47c: {  	v16 =	vld.idx.msk [tilespmem:v59+s20+$0x0], $0xffff  }
0x47d: {  	v17 =	vld [tilespmem:s3+$0x3200];
	v0 =	vadd.f32 v12, v0  }
0x47e: {  	v18 =	vld.idx.msk [tilespmem:v61+s21+$0x0], $0xffff  }
0x47f: {  	v19 =	vld [tilespmem:s3+$0x5A00];
	v0 =	vadd.f32 v14, v0  }
0x480: {  	v20 =	vld.idx.msk [tilespmem:v63+s22+$0x0], $0xffff  }
0x481: {  	v21 =	vld [tilespmem:s3+$0x8200];
	v0 =	vadd.f32 v16, v0  }
0x482: {  	v22 =	vld.idx.msk [tilespmem:v13+s23+$0x0], $0xffff  }
0x483: {  	v23 =	vld [tilespmem:s3+$0xAA00];
	v0 =	vadd.f32 v18, v0  }
0x484: {  	v24 =	vld.idx.msk [tilespmem:v15+s19+$0x0], $0xffff  }
0x485: {  	v25 =	vld [tilespmem:s3+$0xC00];
	v0 =	vadd.f32 v20, v0  }
0x486: {  	v26 =	vld.idx.msk [tilespmem:v17+s20+$0x0], $0xffff  }
0x487: {  	v27 =	vld [tilespmem:s3+$0x3400];
	v0 =	vadd.f32 v22, v0  }
0x488: {  	v28 =	vld.idx.msk [tilespmem:v19+s21+$0x0], $0xffff  }
0x489: {  	v29 =	vld [tilespmem:s3+$0x5C00];
	v0 =	vadd.f32 v24, v0  }
0x48a: {  	v30 =	vld.idx.msk [tilespmem:v21+s22+$0x0], $0xffff  }
0x48b: {  	v31 =	vld [tilespmem:s3+$0x8400];
	v0 =	vadd.f32 v26, v0  }
0x48c: {  	v32 =	vld.idx.msk [tilespmem:v23+s23+$0x0], $0xffff  }
0x48d: {  	v33 =	vld [tilespmem:s3+$0xAC00];
	v0 =	vadd.f32 v28, v0  }
0x48e: {  	v34 =	vld.idx.msk [tilespmem:v25+s19+$0x0], $0xffff  }
0x48f: {  	v35 =	vld [tilespmem:s3+$0xE00];
	v0 =	vadd.f32 v30, v0  }
0x490: {  	v36 =	vld.idx.msk [tilespmem:v27+s20+$0x0], $0xffff  }
0x491: {  	v37 =	vld [tilespmem:s3+$0x3600];
	v0 =	vadd.f32 v32, v0  }
0x492: {  	v38 =	vld.idx.msk [tilespmem:v29+s21+$0x0], $0xffff  }
0x493: {  	v39 =	vld [tilespmem:s3+$0x5E00];
	v0 =	vadd.f32 v34, v0  }
0x494: {  	v40 =	vld.idx.msk [tilespmem:v31+s22+$0x0], $0xffff  }
0x495: {  	v41 =	vld [tilespmem:s3+$0x8600];
	v0 =	vadd.f32 v36, v0  }
0x496: {  	v42 =	vld.idx.msk [tilespmem:v33+s23+$0x0], $0xffff  }
0x497: {  	v43 =	vld [tilespmem:s3+$0xAE00];
	v0 =	vadd.f32 v38, v0  }
0x498: {  	v44 =	vld.idx.msk [tilespmem:v35+s19+$0x0], $0xffff  }
0x499: {  	v45 =	vld [tilespmem:s3+$0x1000];
	v0 =	vadd.f32 v40, v0  }
0x49a: {  	v46 =	vld.idx.msk [tilespmem:v37+s20+$0x0], $0xffff  }
0x49b: {  	v47 =	vld [tilespmem:s3+$0x3800];
	v0 =	vadd.f32 v42, v0  }
0x49c: {  	v48 =	vld.idx.msk [tilespmem:v39+s21+$0x0], $0xffff  }
0x49d: {  	v49 =	vld [tilespmem:s3+$0x6000];
	v0 =	vadd.f32 v44, v0  }
0x49e: {  	v50 =	vld.idx.msk [tilespmem:v41+s22+$0x0], $0xffff  }
0x49f: {  	v51 =	vld [tilespmem:s3+$0x8800];
	v0 =	vadd.f32 v46, v0  }
0x4a0: {  	v52 =	vld.idx.msk [tilespmem:v43+s23+$0x0], $0xffff  }
0x4a1: {  	v53 =	vld [tilespmem:s3+$0xB000];
	v0 =	vadd.f32 v48, v0  }
0x4a2: {  	v54 =	vld.idx.msk [tilespmem:v45+s19+$0x0], $0xffff  }
0x4a3: {  	v55 =	vld [tilespmem:s3+$0x1200];
	v0 =	vadd.f32 v50, v0  }
0x4a4: {  	v56 =	vld.idx.msk [tilespmem:v47+s20+$0x0], $0xffff  }
0x4a5: {  	v57 =	vld [tilespmem:s3+$0x3A00];
	v0 =	vadd.f32 v52, v0  }
0x4a6: {  	v58 =	vld.idx.msk [tilespmem:v49+s21+$0x0], $0xffff  }
0x4a7: {  	v59 =	vld [tilespmem:s3+$0x6200];
	v0 =	vadd.f32 v54, v0  }
0x4a8: {  	v60 =	vld.idx.msk [tilespmem:v51+s22+$0x0], $0xffff  }
0x4a9: {  	v61 =	vld [tilespmem:s3+$0x8A00];
	v0 =	vadd.f32 v56, v0  }
0x4aa: {  	v62 =	vld.idx.msk [tilespmem:v53+s23+$0x0], $0xffff  }
0x4ab: {  	v63 =	vld [tilespmem:s3+$0xB200];
	v0 =	vadd.f32 v58, v0  }
0x4ac: {  	v11 =	vld.idx.msk [tilespmem:v55+s19+$0x0], $0xffff  }
0x4ad: {  	v13 =	vld.idx.msk [tilespmem:v57+s20+$0x0], $0xffff;
	v0 =	vadd.f32 v60, v0  }
0x4ae: {  	v12 =	vld [tilespmem:s3+$0x1400]  }
0x4af: {  	v15 =	vld.idx.msk [tilespmem:v59+s21+$0x0], $0xffff;
	v0 =	vadd.f32 v62, v0  }
0x4b0: {  	v14 =	vld [tilespmem:s3+$0x3C00]  }
0x4b1: {  	v17 =	vld.idx.msk [tilespmem:v61+s22+$0x0], $0xffff;
	v0 =	vadd.f32 v11, v0  }
0x4b2: {  	v16 =	vld [tilespmem:s3+$0x6400]  }
0x4b3: {  	v19 =	vld.idx.msk [tilespmem:v63+s23+$0x0], $0xffff;
	v0 =	vadd.f32 v13, v0  }
0x4b4: {  	v18 =	vld [tilespmem:s3+$0x8C00]  }
0x4b5: {  	v20 =	vld [tilespmem:s3+$0xB400];
	v0 =	vadd.f32 v15, v0  }
0x4b6: {  	v21 =	vld.idx.msk [tilespmem:v12+s19+$0x0], $0xffff  }
0x4b7: {  	v22 =	vld [tilespmem:s3+$0x1600];
	v0 =	vadd.f32 v17, v0  }
0x4b8: {  	v23 =	vld.idx.msk [tilespmem:v14+s20+$0x0], $0xffff  }
0x4b9: {  	v24 =	vld [tilespmem:s3+$0x3E00];
	v0 =	vadd.f32 v19, v0  }
0x4ba: {  	v25 =	vld.idx.msk [tilespmem:v16+s21+$0x0], $0xffff  }
0x4bb: {  	v26 =	vld [tilespmem:s3+$0x6600];
	v0 =	vadd.f32 v21, v0  }
0x4bc: {  	v27 =	vld.idx.msk [tilespmem:v18+s22+$0x0], $0xffff  }
0x4bd: {  	v28 =	vld [tilespmem:s3+$0x8E00];
	v0 =	vadd.f32 v23, v0  }
0x4be: {  	v29 =	vld.idx.msk [tilespmem:v20+s23+$0x0], $0xffff  }
0x4bf: {  	v30 =	vld [tilespmem:s3+$0xB600];
	v0 =	vadd.f32 v25, v0  }
0x4c0: {  	v31 =	vld.idx.msk [tilespmem:v22+s19+$0x0], $0xffff  }
0x4c1: {  	v32 =	vld [tilespmem:s3+$0x1800];
	v0 =	vadd.f32 v27, v0  }
0x4c2: {  	v33 =	vld.idx.msk [tilespmem:v24+s20+$0x0], $0xffff  }
0x4c3: {  	v34 =	vld [tilespmem:s3+$0x4000];
	v0 =	vadd.f32 v29, v0  }
0x4c4: {  	v35 =	vld.idx.msk [tilespmem:v26+s21+$0x0], $0xffff  }
0x4c5: {  	v36 =	vld [tilespmem:s3+$0x6800];
	v0 =	vadd.f32 v31, v0  }
0x4c6: {  	v37 =	vld.idx.msk [tilespmem:v28+s22+$0x0], $0xffff  }
0x4c7: {  	v38 =	vld [tilespmem:s3+$0x9000];
	v0 =	vadd.f32 v33, v0  }
0x4c8: {  	v39 =	vld.idx.msk [tilespmem:v30+s23+$0x0], $0xffff  }
0x4c9: {  	v40 =	vld [tilespmem:s3+$0xB800];
	v0 =	vadd.f32 v35, v0  }
0x4ca: {  	v41 =	vld.idx.msk [tilespmem:v32+s19+$0x0], $0xffff  }
0x4cb: {  	v42 =	vld [tilespmem:s3+$0x1A00];
	v0 =	vadd.f32 v37, v0  }
0x4cc: {  	v43 =	vld.idx.msk [tilespmem:v34+s20+$0x0], $0xffff  }
0x4cd: {  	v44 =	vld [tilespmem:s3+$0x4200];
	v0 =	vadd.f32 v39, v0  }
0x4ce: {  	v45 =	vld.idx.msk [tilespmem:v36+s21+$0x0], $0xffff  }
0x4cf: {  	v46 =	vld [tilespmem:s3+$0x6A00];
	v0 =	vadd.f32 v41, v0  }
0x4d0: {  	v47 =	vld.idx.msk [tilespmem:v38+s22+$0x0], $0xffff  }
0x4d1: {  	v48 =	vld [tilespmem:s3+$0x9200];
	v0 =	vadd.f32 v43, v0  }
0x4d2: {  	v49 =	vld.idx.msk [tilespmem:v40+s23+$0x0], $0xffff  }
0x4d3: {  	v50 =	vld [tilespmem:s3+$0xBA00];
	v0 =	vadd.f32 v45, v0  }
0x4d4: {  	v51 =	vld.idx.msk [tilespmem:v42+s19+$0x0], $0xffff  }
0x4d5: {  	v52 =	vld [tilespmem:s3+$0x1C00];
	v0 =	vadd.f32 v47, v0  }
0x4d6: {  	v53 =	vld.idx.msk [tilespmem:v44+s20+$0x0], $0xffff  }
0x4d7: {  	v54 =	vld [tilespmem:s3+$0x4400];
	v0 =	vadd.f32 v49, v0  }
0x4d8: {  	v55 =	vld.idx.msk [tilespmem:v46+s21+$0x0], $0xffff  }
0x4d9: {  	v56 =	vld [tilespmem:s3+$0x6C00];
	v0 =	vadd.f32 v51, v0  }
0x4da: {  	v57 =	vld.idx.msk [tilespmem:v48+s22+$0x0], $0xffff  }
0x4db: {  	v58 =	vld [tilespmem:s3+$0x9400];
	v0 =	vadd.f32 v53, v0  }
0x4dc: {  	v59 =	vld.idx.msk [tilespmem:v50+s23+$0x0], $0xffff  }
0x4dd: {  	v60 =	vld [tilespmem:s3+$0xBC00];
	v0 =	vadd.f32 v55, v0  }
0x4de: {  	v61 =	vld.idx.msk [tilespmem:v52+s19+$0x0], $0xffff  }
0x4df: {  	v62 =	vld [tilespmem:s3+$0x1E00];
	v0 =	vadd.f32 v57, v0  }
0x4e0: {  	v63 =	vld.idx.msk [tilespmem:v54+s20+$0x0], $0xffff  }
0x4e1: {  	v12 =	vld [tilespmem:s3+$0x4600];
	v0 =	vadd.f32 v59, v0  }
0x4e2: {  	v13 =	vld.idx.msk [tilespmem:v56+s21+$0x0], $0xffff  }
0x4e3: {  	v14 =	vld [tilespmem:s3+$0x6E00];
	v0 =	vadd.f32 v61, v0  }
0x4e4: {  	v15 =	vld.idx.msk [tilespmem:v58+s22+$0x0], $0xffff  }
0x4e5: {  	v16 =	vld [tilespmem:s3+$0x9600];
	v0 =	vadd.f32 v63, v0  }
0x4e6: {  	v17 =	vld.idx.msk [tilespmem:v60+s23+$0x0], $0xffff  }
0x4e7: {  	v18 =	vld [tilespmem:s3+$0xBE00];
	v0 =	vadd.f32 v13, v0  }
0x4e8: {  	v19 =	vld.idx.msk [tilespmem:v62+s19+$0x0], $0xffff  }
0x4e9: {  	v20 =	vld [tilespmem:s3+$0x2000];
	v0 =	vadd.f32 v15, v0  }
0x4ea: {  	v21 =	vld.idx.msk [tilespmem:v12+s20+$0x0], $0xffff  }
0x4eb: {  	v22 =	vld [tilespmem:s3+$0x4800];
	v0 =	vadd.f32 v17, v0  }
0x4ec: {  	v23 =	vld.idx.msk [tilespmem:v14+s21+$0x0], $0xffff  }
0x4ed: {  	v24 =	vld [tilespmem:s3+$0x7000];
	v0 =	vadd.f32 v19, v0  }
0x4ee: {  	v25 =	vld.idx.msk [tilespmem:v16+s22+$0x0], $0xffff  }
0x4ef: {  	v26 =	vld [tilespmem:s3+$0x9800];
	v0 =	vadd.f32 v21, v0  }
0x4f0: {  	v27 =	vld.idx.msk [tilespmem:v18+s23+$0x0], $0xffff  }
0x4f1: {  	v28 =	vld [tilespmem:s3+$0xC000];
	v0 =	vadd.f32 v23, v0  }
0x4f2: {  	v29 =	vld.idx.msk [tilespmem:v20+s19+$0x0], $0xffff  }
0x4f3: {  	v30 =	vld [tilespmem:s3+$0x2200];
	v0 =	vadd.f32 v25, v0  }
0x4f4: {  	v31 =	vld.idx.msk [tilespmem:v22+s20+$0x0], $0xffff  }
0x4f5: {  	v32 =	vld [tilespmem:s3+$0x4A00];
	v0 =	vadd.f32 v27, v0  }
0x4f6: {  	v33 =	vld.idx.msk [tilespmem:v24+s21+$0x0], $0xffff  }
0x4f7: {  	v34 =	vld [tilespmem:s3+$0x7200];
	v0 =	vadd.f32 v29, v0  }
0x4f8: {  	v35 =	vld.idx.msk [tilespmem:v26+s22+$0x0], $0xffff  }
0x4f9: {  	v36 =	vld [tilespmem:s3+$0x9A00];
	v0 =	vadd.f32 v31, v0  }
0x4fa: {  	v37 =	vld.idx.msk [tilespmem:v28+s23+$0x0], $0xffff  }
0x4fb: {  	v38 =	vld [tilespmem:s3+$0xC200];
	v0 =	vadd.f32 v33, v0  }
0x4fc: {  	v39 =	vld.idx.msk [tilespmem:v30+s19+$0x0], $0xffff  }
0x4fd: {  	v40 =	vld [tilespmem:s3+$0x2400];
	v0 =	vadd.f32 v35, v0  }
0x4fe: {  	v41 =	vld.idx.msk [tilespmem:v32+s20+$0x0], $0xffff  }
0x4ff: {  	v42 =	vld [tilespmem:s3+$0x4C00];
	v0 =	vadd.f32 v37, v0  }
0x500: {  	v43 =	vld.idx.msk [tilespmem:v34+s21+$0x0], $0xffff  }
0x501: {  	v44 =	vld [tilespmem:s3+$0x7400];
	v0 =	vadd.f32 v39, v0  }
0x502: {  	v45 =	vld.idx.msk [tilespmem:v36+s22+$0x0], $0xffff  }
0x503: {  	v46 =	vld [tilespmem:s3+$0x9C00];
	v0 =	vadd.f32 v41, v0  }
0x504: {  	v47 =	vld.idx.msk [tilespmem:v38+s23+$0x0], $0xffff  }
0x505: {  	v48 =	vld [tilespmem:s3+$0xC400];
	v0 =	vadd.f32 v43, v0  }
0x506: {  	v49 =	vld.idx.msk [tilespmem:v40+s19+$0x0], $0xffff  }
0x507: {  	v50 =	vld [tilespmem:s3+$0x2600];
	v0 =	vadd.f32 v45, v0  }
0x508: {  	v51 =	vld.idx.msk [tilespmem:v42+s20+$0x0], $0xffff  }
0x509: {  	v52 =	vld [tilespmem:s3+$0x4E00];
	v0 =	vadd.f32 v47, v0  }
0x50a: {  	v53 =	vld.idx.msk [tilespmem:v44+s21+$0x0], $0xffff  }
0x50b: {  	v54 =	vld [tilespmem:s3+$0x7600];
	v0 =	vadd.f32 v49, v0  }
0x50c: {  	v55 =	vld.idx.msk [tilespmem:v46+s22+$0x0], $0xffff  }
0x50d: {  	v56 =	vld [tilespmem:s3+$0x9E00];
	v0 =	vadd.f32 v51, v0  }
0x50e: {  	v57 =	vld.idx.msk [tilespmem:v48+s23+$0x0], $0xffff  }
0x50f: {  	v58 =	vld [tilespmem:s3+$0xC600];
	v0 =	vadd.f32 v53, v0  }
0x510: {  	v59 =	vld.idx.msk [tilespmem:v50+s19+$0x0], $0xffff  }
0x511: {  	v0 =	vadd.f32 v55, v0  }
0x512: {  	v60 =	vld.idx.msk [tilespmem:v52+s20+$0x0], $0xffff  }
0x513: {  	v0 =	vadd.f32 v57, v0  }
0x514: {  	v61 =	vld.idx.msk [tilespmem:v54+s21+$0x0], $0xffff  }
0x515: {  	v0 =	vadd.f32 v59, v0  }
0x516: {  	v62 =	vld.idx.msk [tilespmem:v56+s22+$0x0], $0xffff  }
0x517: {  	v0 =	vadd.f32 v60, v0  }
0x518: {  	v63 =	vld.idx.msk [tilespmem:v58+s23+$0x0], $0xffff  }
0x519: {  	v0 =	vadd.f32 v61, v0;
	_ =	sdelay $0x1  }
0x51a: {  	v0 =	vadd.f32 v62, v0;
	_ =	sdelay $0x1  }
0x51b: {  	s31 =	sadd.s32 $0x1, s31;
	v0 =	vadd.f32 v63, v0  }
0x51c: {  	p0 =	sne.s32 s31, s18  }
.Ltmp1:
0x51d: {  	[tilespmem:s3+$0xE080] =	vst v0;
	s3 =	simm.s32 $0xE080;
	(pc) =	sbr.rel @p0 .LBB2_1-.Ltmp1, $4  }
0x51e: {  	[hbm4b:s12+s1] =	stream.linear.scatter [tilespmem:s3], [sflag:$0x6], $0x200, $0x38;
	[tilespmem:$0xE280] =	vst v63  }
0x51f: {  	_ =	swait.ge [sflag:s30], $0x200  }
0x520: {  	[sflag:s30] =	ssyncset.done $0x0  }
0x521: {  	[sflag:s30] =	ssyncadd.s32 $0xFFFFFE00  }
0x522: {  	_ =	sfence.sel $0x180000  }
0x523: {  	[bflag:$0x0] =	sbarrier.arrive $0xFFFF  }
0x524: {  	_ =	strace $0x90000047  }
0x525: {  	s0 =	stileid.u32;
	[bflag:$0x2] =	sbarrier.arrive $0xFFFF  }
0x526: {  	p0 =	sne.s32 s0, $0x0;
	s0 =	rddreg [dreg:$0x2]  }
0x527: {  	s0 =	sadd.s32 @!p0 $0x100000, s0  }
0x528: {  	[sflag:s0] =	ssyncadd.tile.s32 @!p0 $0x1;
	_ =	shalt  }
.Lfunc_end2:
_tile_overlayer_lowered:
.L_overlay_start_2:
0x529: {  	(tag) =	ssettag $0x2  }
0x52a: {  	s0 =	rddreg [dreg:$0x0];
	s2 =	stileid.u32  }
0x52b: {  	s1 =	rddreg [dreg:$0x1];
	p0 =	sne.s32 s2, $0x0  }
0x52c: {  	s3 =	rddreg [dreg:$0x2];
	[bflag:$0x3] =	sbarrier.arrive $0xFFFF;
	s2 =	simm.s32 @!p0 $0x1C06  }
0x52d: {  	[timem:s3], [sflag:s2] =	dma.local @!p0 [hbm:s0], s1  }
0x52e: {  	s0 =	simm.s32 @!p0 $0x6  }
0x52f: {  	_ =	swait.ge @!p0 [sflag:s0], s1  }
0x530: {  	s1 =	ssub.s32 @!p0 $0x0, s1;
	[sflag:s0] =	ssyncset.done @!p0 $0x0  }
0x531: {  	[sflag:s0] =	ssyncadd.s32 @!p0 s1  }
0x532: {  	[bflag:$0x3] =	sbarrier.arrive $0xFFFF  }
0x533: {  	_ =	shalt  }

</sc_bundles>
